<compile_context>
chip_gen: v7x
topology: tpu7x:2x2x1
jax: 0.10.2.dev20260603
libtpu: 0.0.44.dev20260713+nightly
codegen_flags: <defaults>
</compile_context>

<pallas_src>
import functools

import jax
import jax.numpy as jnp
from jax import lax
from jax.experimental import pallas as pl
from jax.experimental.pallas import tpu as pltpu
from jax.experimental.pallas import tpu_sc as plsc

_B = 64
_N_IN = 512
_N_OUT = 1024

_NC = 2
_NS = 16
_NW = _NC * _NS
_BPW = _B // _NW

_ZTOP = 32
_ZLEFT = 32
_QR = 64


def _fill_zeros(ref, nrows, ncols):
    z = jnp.zeros((16,), jnp.float32)

    def row(r, carry):
        for c in range(0, ncols, 16):
            ref[r, pl.ds(c, 16)] = z
        return carry

    lax.fori_loop(0, nrows, row, 0)


def _sc_insert(rho_hbm, out_hbm, zfull, zhalf, stg0, stg1,
               zsem, gsem0, gsem1, ssem0, ssem1):
    wid = lax.axis_index("s") * _NC + lax.axis_index("c")

    stg = (stg0, stg1)
    gsem = (gsem0, gsem1)
    ssem = (ssem0, ssem1)

    batches = [wid * _BPW + bi for bi in range(_BPW)]
    chunks = [(b, r) for b in batches for r in range(0, _N_IN, _QR)]
    n = len(chunks)

    gd = [None, None]
    sd = [None, None]

    def issue_gather(i):
        b, r = chunks[i]
        buf = i % 2
        if sd[buf] is not None:
            sd[buf].wait()
            sd[buf] = None
        gd[buf] = pltpu.async_copy(
            rho_hbm.at[b, pl.ds(r, _QR)], stg[buf], gsem[buf]
        )

    issue_gather(0)
    issue_gather(1)

    _fill_zeros(zfull, _ZTOP, _N_OUT)
    _fill_zeros(zhalf, _ZLEFT, _N_IN)

    zcopies = []
    for b in batches:
        for r in range(0, _N_IN, _ZTOP):
            zcopies.append(
                pltpu.async_copy(zfull, out_hbm.at[b, pl.ds(r, _ZTOP)], zsem)
            )
        for r in range(0, _N_IN, _ZLEFT):
            zcopies.append(
                pltpu.async_copy(
                    zhalf,
                    out_hbm.at[b, pl.ds(_N_IN + r, _ZLEFT), pl.ds(0, _N_IN)],
                    zsem,
                )
            )

    for i in range(n):
        buf = i % 2
        gd[buf].wait()
        b, r = chunks[i]
        sd[buf] = pltpu.async_copy(
            stg[buf],
            out_hbm.at[b, pl.ds(_N_IN + r, _QR), pl.ds(_N_IN, _N_IN)],
            ssem[buf],
        )
        if i + 2 < n:
            issue_gather(i + 2)

    for buf in (0, 1):
        if sd[buf] is not None:
            sd[buf].wait()
    for c in zcopies:
        c.wait()


def kernel(rho):
    sc_call = functools.partial(
        pl.kernel,
        out_type=jax.ShapeDtypeStruct((_B, _N_OUT, _N_OUT), jnp.float32),
        mesh=plsc.VectorSubcoreMesh(
            core_axis_name="c", subcore_axis_name="s",
            num_cores=_NC, num_subcores=_NS,
        ),
        scratch_types=[
            pltpu.VMEM((_ZTOP, _N_OUT), jnp.float32),
            pltpu.VMEM((_ZLEFT, _N_IN), jnp.float32),
            pltpu.VMEM((_QR, _N_IN), jnp.float32),
            pltpu.VMEM((_QR, _N_IN), jnp.float32),
            pltpu.SemaphoreType.DMA,
            pltpu.SemaphoreType.DMA,
            pltpu.SemaphoreType.DMA,
            pltpu.SemaphoreType.DMA,
            pltpu.SemaphoreType.DMA,
        ],
    )(_sc_insert)
    return sc_call(rho)

# --- scband reference (transcript-rebuilt; emitter-appended) ---
"""Pipeline reference for scband-insert-channels-24111946399874 (READ-ONLY COPY).

The authoritative reference and input builder live on the scoring server;
editing this copy changes nothing except your own understanding.
"""

import jax, jax.numpy as jnp
import numpy as np

DIMS = (16, 16)
C_IN = 2
C_OUT = 4


def _make_indices():
    d = DIMS[0]
    c_in = C_IN
    c_out = C_OUT
    x = jnp.arange(c_in * d ** 2)
    y = jnp.arange(c_in * d ** 2)
    f = x // d ** 2
    h = y // d ** 2
    i = (x % d ** 2) // d
    j = (x % d ** 2) % d
    l = (y % d ** 2) // d
    m = (y % d ** 2) % d
    new_f = f + (c_out - c_in)
    new_h = h + (c_out - c_in)
    new_x = i * d + j + new_f * d ** 2
    new_y = l * d + m + new_h * d ** 2
    x_coords, y_coords = jnp.meshgrid(new_x, new_y, indexing='ij')
    return x_coords.flatten(), y_coords.flatten()


def setup_inputs(seed: int = 0) -> dict:
    key = jax.random.key(seed)
    d = DIMS[0]
    rho = jax.random.normal(key, (64, C_IN * d ** 2, C_IN * d ** 2), dtype=jnp.float32)
    return {"rho": rho}


def reference(rho):
    b = rho.shape[0]
    c_out = C_OUT
    d1, d2 = (DIMS[0] ** 2, DIMS[1] ** 2)
    new_x, new_y = _make_indices()
    new_rho = jnp.zeros((b, c_out * d1, c_out * d2), dtype=rho.dtype)
    rho_flat = rho.reshape(b, -1)
    batch_indices = jnp.arange(b)[:, None]
    # scatter-add (accumulate=True in torch index_put_)
    new_rho = new_rho.at[batch_indices, new_x[None, :], new_y[None, :]].add(rho_flat)
    return new_rho

if __name__ == "__main__":
    import jax
    _d = setup_inputs()
    print(jax.jit(kernel)(*tuple(_d.values())))

</pallas_src>

<mosaic_0001>
#map = affine_map<(d0, d1) -> (0, 0, 0)>
module attributes {stable_mosaic.version = 14 : i64} {
  func.func @_sc_insert(%arg0: i32, %arg1: i32, %arg2: memref<64x512x512xf32, #tpu.memory_space<hbm>>, %arg3: memref<64x1024x1024xf32, #tpu.memory_space<hbm>>, %arg4: memref<32x1024xf32, #tpu.memory_space<vmem>>, %arg5: memref<32x512xf32, #tpu.memory_space<vmem>>, %arg6: memref<64x512xf32, #tpu.memory_space<vmem>>, %arg7: memref<64x512xf32, #tpu.memory_space<vmem>>, %arg8: memref<!tpu.dma_semaphore, #tpu.memory_space<semaphore_mem>>, %arg9: memref<!tpu.dma_semaphore, #tpu.memory_space<semaphore_mem>>, %arg10: memref<!tpu.dma_semaphore, #tpu.memory_space<semaphore_mem>>, %arg11: memref<!tpu.dma_semaphore, #tpu.memory_space<semaphore_mem>>, %arg12: memref<!tpu.dma_semaphore, #tpu.memory_space<semaphore_mem>>) attributes {dimension_semantics = [#tpu.dimension_semantics<core_parallel>, #tpu.dimension_semantics<subcore_parallel>], iteration_bounds = array<i64: 2, 16>, scalar_prefetch = 0 : i64, scratch_operands = 9 : i64, tpu.core_type = #tpu.core_type<sc_vector_subcore>, window_params = [{transform_indices = #map}, {transform_indices = #map}]} {
    %mul3A = arith.constant 2 : i32
    %mul3A_0 = arith.muli %arg1, %mul3A : i32
    %add3A = arith.addi %mul3A_0, %arg0 : i32
    %mul3A_1 = arith.constant 2 : i32
    %mul3A_2 = arith.muli %add3A, %mul3A_1 : i32
    %add3A_3 = arith.constant 0 : i32
    %add3A_4 = arith.addi %mul3A_2, %add3A_3 : i32
    %mul3A_5 = arith.constant 2 : i32
    %mul3A_6 = arith.muli %add3A, %mul3A_5 : i32
    %add3A_7 = arith.constant 1 : i32
    %add3A_8 = arith.addi %mul3A_6, %add3A_7 : i32
    %dma_start3A = arith.constant 0 : i32
    %dma_start3A_9 = arith.constant 0 : i32
    %dma_start3A_10 = tpu.memref_slice %arg2[%add3A_4, %dma_start3A, %dma_start3A_9] : memref<64x512x512xf32, #tpu.memory_space<hbm>> -> memref<1x64x512xf32, #tpu.memory_space<hbm>>
    %dma_start3A_11 = tpu.memref_squeeze %dma_start3A_10 : memref<1x64x512xf32, #tpu.memory_space<hbm>> -> memref<64x512xf32, #tpu.memory_space<hbm>>
    %dma_start3A_12 = arith.constant 0 : i32
    %dma_start3A_13 = arith.constant 0 : i32
    %dma_start3A_14 = tpu.memref_slice %arg2[%add3A_4, %dma_start3A_12, %dma_start3A_13] : memref<64x512x512xf32, #tpu.memory_space<hbm>> -> memref<1x64x512xf32, #tpu.memory_space<hbm>>
    %dma_start3A_15 = tpu.memref_squeeze %dma_start3A_14 : memref<1x64x512xf32, #tpu.memory_space<hbm>> -> memref<64x512xf32, #tpu.memory_space<hbm>>
    tpu.enqueue_dma source(%dma_start3A_15 : memref<64x512xf32, #tpu.memory_space<hbm>>) target(%arg6 : memref<64x512xf32, #tpu.memory_space<vmem>>) target_semaphore(%arg9 : memref<!tpu.dma_semaphore, #tpu.memory_space<semaphore_mem>>)
    %dma_start3A_16 = arith.constant 64 : i32
    %dma_start3A_17 = arith.constant 0 : i32
    %dma_start3A_18 = tpu.memref_slice %arg2[%add3A_4, %dma_start3A_16, %dma_start3A_17] : memref<64x512x512xf32, #tpu.memory_space<hbm>> -> memref<1x64x512xf32, #tpu.memory_space<hbm>>
    %dma_start3A_19 = tpu.memref_squeeze %dma_start3A_18 : memref<1x64x512xf32, #tpu.memory_space<hbm>> -> memref<64x512xf32, #tpu.memory_space<hbm>>
    %dma_start3A_20 = arith.constant 64 : i32
    %dma_start3A_21 = arith.constant 0 : i32
    %dma_start3A_22 = tpu.memref_slice %arg2[%add3A_4, %dma_start3A_20, %dma_start3A_21] : memref<64x512x512xf32, #tpu.memory_space<hbm>> -> memref<1x64x512xf32, #tpu.memory_space<hbm>>
    %dma_start3A_23 = tpu.memref_squeeze %dma_start3A_22 : memref<1x64x512xf32, #tpu.memory_space<hbm>> -> memref<64x512xf32, #tpu.memory_space<hbm>>
    tpu.enqueue_dma source(%dma_start3A_23 : memref<64x512xf32, #tpu.memory_space<hbm>>) target(%arg7 : memref<64x512xf32, #tpu.memory_space<vmem>>) target_semaphore(%arg10 : memref<!tpu.dma_semaphore, #tpu.memory_space<semaphore_mem>>)
    %broadcast_in_dim3A = arith.constant 0.000000e+00 : f32
    %broadcast_in_dim3A_24 = vector.broadcast %broadcast_in_dim3A : f32 to vector<16xf32>
    %scan3A = arith.constant 0 : i32
    %scan3A_25 = arith.constant 0 : i32
    %scan3A_26 = arith.constant 32 : i32
    %scan3A_27 = arith.addi %scan3A_25, %scan3A_26 : i32
    %scan3A_28 = arith.constant 1 : i32
    scf.for %scan3A_1557 = %scan3A_25 to %scan3A_27 step %scan3A_28  : i32 {
      %swap3A = arith.index_cast %scan3A_1557 : i32 to index
      %swap3A_1558 = arith.constant 0 : index
      %swap3A_1559 = tpu.vector_load %arg4[%swap3A, %swap3A_1558] {strides = array<i32>} : memref<32x1024xf32, #tpu.memory_space<vmem>>, vector<1x16xf32>,
      %swap3A_1560 = vector.shape_cast %swap3A_1559 : vector<1x16xf32> to vector<16xf32>
      %swap3A_1561 = vector.shape_cast %broadcast_in_dim3A_24 : vector<16xf32> to vector<1x16xf32>
      tpu.vector_store %arg4[%swap3A, %swap3A_1558], %swap3A_1561 {strides = array<i32>} : memref<32x1024xf32, #tpu.memory_space<vmem>>, vector<1x16xf32>,
      %swap3A_1562 = arith.index_cast %scan3A_1557 : i32 to index
      %swap3A_1563 = arith.constant 16 : index
      %swap3A_1564 = tpu.vector_load %arg4[%swap3A_1562, %swap3A_1563] {strides = array<i32>} : memref<32x1024xf32, #tpu.memory_space<vmem>>, vector<1x16xf32>,
      %swap3A_1565 = vector.shape_cast %swap3A_1564 : vector<1x16xf32> to vector<16xf32>
      %swap3A_1566 = vector.shape_cast %broadcast_in_dim3A_24 : vector<16xf32> to vector<1x16xf32>
      tpu.vector_store %arg4[%swap3A_1562, %swap3A_1563], %swap3A_1566 {strides = array<i32>} : memref<32x1024xf32, #tpu.memory_space<vmem>>, vector<1x16xf32>,
      %swap3A_1567 = arith.index_cast %scan3A_1557 : i32 to index
      %swap3A_1568 = arith.constant 32 : index
      %swap3A_1569 = tpu.vector_load %arg4[%swap3A_1567, %swap3A_1568] {strides = array<i32>} : memref<32x1024xf32, #tpu.memory_space<vmem>>, vector<1x16xf32>,
      %swap3A_1570 = vector.shape_cast %swap3A_1569 : vector<1x16xf32> to vector<16xf32>
      %swap3A_1571 = vector.shape_cast %broadcast_in_dim3A_24 : vector<16xf32> to vector<1x16xf32>
      tpu.vector_store %arg4[%swap3A_1567, %swap3A_1568], %swap3A_1571 {strides = array<i32>} : memref<32x1024xf32, #tpu.memory_space<vmem>>, vector<1x16xf32>,
      %swap3A_1572 = arith.index_cast %scan3A_1557 : i32 to index
      %swap3A_1573 = arith.constant 48 : index
      %swap3A_1574 = tpu.vector_load %arg4[%swap3A_1572, %swap3A_1573] {strides = array<i32>} : memref<32x1024xf32, #tpu.memory_space<vmem>>, vector<1x16xf32>,
      %swap3A_1575 = vector.shape_cast %swap3A_1574 : vector<1x16xf32> to vector<16xf32>
      %swap3A_1576 = vector.shape_cast %broadcast_in_dim3A_24 : vector<16xf32> to vector<1x16xf32>
      tpu.vector_store %arg4[%swap3A_1572, %swap3A_1573], %swap3A_1576 {strides = array<i32>} : memref<32x1024xf32, #tpu.memory_space<vmem>>, vector<1x16xf32>,
      %swap3A_1577 = arith.index_cast %scan3A_1557 : i32 to index
      %swap3A_1578 = arith.constant 64 : index
      %swap3A_1579 = tpu.vector_load %arg4[%swap3A_1577, %swap3A_1578] {strides = array<i32>} : memref<32x1024xf32, #tpu.memory_space<vmem>>, vector<1x16xf32>,
      %swap3A_1580 = vector.shape_cast %swap3A_1579 : vector<1x16xf32> to vector<16xf32>
      %swap3A_1581 = vector.shape_cast %broadcast_in_dim3A_24 : vector<16xf32> to vector<1x16xf32>
      tpu.vector_store %arg4[%swap3A_1577, %swap3A_1578], %swap3A_1581 {strides = array<i32>} : memref<32x1024xf32, #tpu.memory_space<vmem>>, vector<1x16xf32>,
      %swap3A_1582 = arith.index_cast %scan3A_1557 : i32 to index
      %swap3A_1583 = arith.constant 80 : index
      %swap3A_1584 = tpu.vector_load %arg4[%swap3A_1582, %swap3A_1583] {strides = array<i32>} : memref<32x1024xf32, #tpu.memory_space<vmem>>, vector<1x16xf32>,
      %swap3A_1585 = vector.shape_cast %swap3A_1584 : vector<1x16xf32> to vector<16xf32>
      %swap3A_1586 = vector.shape_cast %broadcast_in_dim3A_24 : vector<16xf32> to vector<1x16xf32>
      tpu.vector_store %arg4[%swap3A_1582, %swap3A_1583], %swap3A_1586 {strides = array<i32>} : memref<32x1024xf32, #tpu.memory_space<vmem>>, vector<1x16xf32>,
      %swap3A_1587 = arith.index_cast %scan3A_1557 : i32 to index
      %swap3A_1588 = arith.constant 96 : index
      %swap3A_1589 = tpu.vector_load %arg4[%swap3A_1587, %swap3A_1588] {strides = array<i32>} : memref<32x1024xf32, #tpu.memory_space<vmem>>, vector<1x16xf32>,
      %swap3A_1590 = vector.shape_cast %swap3A_1589 : vector<1x16xf32> to vector<16xf32>
      %swap3A_1591 = vector.shape_cast %broadcast_in_dim3A_24 : vector<16xf32> to vector<1x16xf32>
      tpu.vector_store %arg4[%swap3A_1587, %swap3A_1588], %swap3A_1591 {strides = array<i32>} : memref<32x1024xf32, #tpu.memory_space<vmem>>, vector<1x16xf32>,
      %swap3A_1592 = arith.index_cast %scan3A_1557 : i32 to index
      %swap3A_1593 = arith.constant 112 : index
      %swap3A_1594 = tpu.vector_load %arg4[%swap3A_1592, %swap3A_1593] {strides = array<i32>} : memref<32x1024xf32, #tpu.memory_space<vmem>>, vector<1x16xf32>,
      %swap3A_1595 = vector.shape_cast %swap3A_1594 : vector<1x16xf32> to vector<16xf32>
      %swap3A_1596 = vector.shape_cast %broadcast_in_dim3A_24 : vector<16xf32> to vector<1x16xf32>
      tpu.vector_store %arg4[%swap3A_1592, %swap3A_1593], %swap3A_1596 {strides = array<i32>} : memref<32x1024xf32, #tpu.memory_space<vmem>>, vector<1x16xf32>,
      %swap3A_1597 = arith.index_cast %scan3A_1557 : i32 to index
      %swap3A_1598 = arith.constant 128 : index
      %swap3A_1599 = tpu.vector_load %arg4[%swap3A_1597, %swap3A_1598] {strides = array<i32>} : memref<32x1024xf32, #tpu.memory_space<vmem>>, vector<1x16xf32>,
      %swap3A_1600 = vector.shape_cast %swap3A_1599 : vector<1x16xf32> to vector<16xf32>
      %swap3A_1601 = vector.shape_cast %broadcast_in_dim3A_24 : vector<16xf32> to vector<1x16xf32>
      tpu.vector_store %arg4[%swap3A_1597, %swap3A_1598], %swap3A_1601 {strides = array<i32>} : memref<32x1024xf32, #tpu.memory_space<vmem>>, vector<1x16xf32>,
      %swap3A_1602 = arith.index_cast %scan3A_1557 : i32 to index
      %swap3A_1603 = arith.constant 144 : index
      %swap3A_1604 = tpu.vector_load %arg4[%swap3A_1602, %swap3A_1603] {strides = array<i32>} : memref<32x1024xf32, #tpu.memory_space<vmem>>, vector<1x16xf32>,
      %swap3A_1605 = vector.shape_cast %swap3A_1604 : vector<1x16xf32> to vector<16xf32>
      %swap3A_1606 = vector.shape_cast %broadcast_in_dim3A_24 : vector<16xf32> to vector<1x16xf32>
      tpu.vector_store %arg4[%swap3A_1602, %swap3A_1603], %swap3A_1606 {strides = array<i32>} : memref<32x1024xf32, #tpu.memory_space<vmem>>, vector<1x16xf32>,
      %swap3A_1607 = arith.index_cast %scan3A_1557 : i32 to index
      %swap3A_1608 = arith.constant 160 : index
      %swap3A_1609 = tpu.vector_load %arg4[%swap3A_1607, %swap3A_1608] {strides = array<i32>} : memref<32x1024xf32, #tpu.memory_space<vmem>>, vector<1x16xf32>,
      %swap3A_1610 = vector.shape_cast %swap3A_1609 : vector<1x16xf32> to vector<16xf32>
      %swap3A_1611 = vector.shape_cast %broadcast_in_dim3A_24 : vector<16xf32> to vector<1x16xf32>
      tpu.vector_store %arg4[%swap3A_1607, %swap3A_1608], %swap3A_1611 {strides = array<i32>} : memref<32x1024xf32, #tpu.memory_space<vmem>>, vector<1x16xf32>,
      %swap3A_1612 = arith.index_cast %scan3A_1557 : i32 to index
      %swap3A_1613 = arith.constant 176 : index
      %swap3A_1614 = tpu.vector_load %arg4[%swap3A_1612, %swap3A_1613] {strides = array<i32>} : memref<32x1024xf32, #tpu.memory_space<vmem>>, vector<1x16xf32>,
      %swap3A_1615 = vector.shape_cast %swap3A_1614 : vector<1x16xf32> to vector<16xf32>
      %swap3A_1616 = vector.shape_cast %broadcast_in_dim3A_24 : vector<16xf32> to vector<1x16xf32>
      tpu.vector_store %arg4[%swap3A_1612, %swap3A_1613], %swap3A_1616 {strides = array<i32>} : memref<32x1024xf32, #tpu.memory_space<vmem>>, vector<1x16xf32>,
      %swap3A_1617 = arith.index_cast %scan3A_1557 : i32 to index
      %swap3A_1618 = arith.constant 192 : index
      %swap3A_1619 = tpu.vector_load %arg4[%swap3A_1617, %swap3A_1618] {strides = array<i32>} : memref<32x1024xf32, #tpu.memory_space<vmem>>, vector<1x16xf32>,
      %swap3A_1620 = vector.shape_cast %swap3A_1619 : vector<1x16xf32> to vector<16xf32>
      %swap3A_1621 = vector.shape_cast %broadcast_in_dim3A_24 : vector<16xf32> to vector<1x16xf32>
      tpu.vector_store %arg4[%swap3A_1617, %swap3A_1618], %swap3A_1621 {strides = array<i32>} : memref<32x1024xf32, #tpu.memory_space<vmem>>, vector<1x16xf32>,
      %swap3A_1622 = arith.index_cast %scan3A_1557 : i32 to index
      %swap3A_1623 = arith.constant 208 : index
      %swap3A_1624 = tpu.vector_load %arg4[%swap3A_1622, %swap3A_1623] {strides = array<i32>} : memref<32x1024xf32, #tpu.memory_space<vmem>>, vector<1x16xf32>,
      %swap3A_1625 = vector.shape_cast %swap3A_1624 : vector<1x16xf32> to vector<16xf32>
      %swap3A_1626 = vector.shape_cast %broadcast_in_dim3A_24 : vector<16xf32> to vector<1x16xf32>
      tpu.vector_store %arg4[%swap3A_1622, %swap3A_1623], %swap3A_1626 {strides = array<i32>} : memref<32x1024xf32, #tpu.memory_space<vmem>>, vector<1x16xf32>,
      %swap3A_1627 = arith.index_cast %scan3A_1557 : i32 to index
      %swap3A_1628 = arith.constant 224 : index
      %swap3A_1629 = tpu.vector_load %arg4[%swap3A_1627, %swap3A_1628] {strides = array<i32>} : memref<32x1024xf32, #tpu.memory_space<vmem>>, vector<1x16xf32>,
      %swap3A_1630 = vector.shape_cast %swap3A_1629 : vector<1x16xf32> to vector<16xf32>
      %swap3A_1631 = vector.shape_cast %broadcast_in_dim3A_24 : vector<16xf32> to vector<1x16xf32>
      tpu.vector_store %arg4[%swap3A_1627, %swap3A_1628], %swap3A_1631 {strides = array<i32>} : memref<32x1024xf32, #tpu.memory_space<vmem>>, vector<1x16xf32>,
      %swap3A_1632 = arith.index_cast %scan3A_1557 : i32 to index
      %swap3A_1633 = arith.constant 240 : index
      %swap3A_1634 = tpu.vector_load %arg4[%swap3A_1632, %swap3A_1633] {strides = array<i32>} : memref<32x1024xf32, #tpu.memory_space<vmem>>, vector<1x16xf32>,
      %swap3A_1635 = vector.shape_cast %swap3A_1634 : vector<1x16xf32> to vector<16xf32>
      %swap3A_1636 = vector.shape_cast %broadcast_in_dim3A_24 : vector<16xf32> to vector<1x16xf32>
      tpu.vector_store %arg4[%swap3A_1632, %swap3A_1633], %swap3A_1636 {strides = array<i32>} : memref<32x1024xf32, #tpu.memory_space<vmem>>, vector<1x16xf32>,
      %swap3A_1637 = arith.index_cast %scan3A_1557 : i32 to index
      %swap3A_1638 = arith.constant 256 : index
      %swap3A_1639 = tpu.vector_load %arg4[%swap3A_1637, %swap3A_1638] {strides = array<i32>} : memref<32x1024xf32, #tpu.memory_space<vmem>>, vector<1x16xf32>,
      %swap3A_1640 = vector.shape_cast %swap3A_1639 : vector<1x16xf32> to vector<16xf32>
      %swap3A_1641 = vector.shape_cast %broadcast_in_dim3A_24 : vector<16xf32> to vector<1x16xf32>
      tpu.vector_store %arg4[%swap3A_1637, %swap3A_1638], %swap3A_1641 {strides = array<i32>} : memref<32x1024xf32, #tpu.memory_space<vmem>>, vector<1x16xf32>,
      %swap3A_1642 = arith.index_cast %scan3A_1557 : i32 to index
      %swap3A_1643 = arith.constant 272 : index
      %swap3A_1644 = tpu.vector_load %arg4[%swap3A_1642, %swap3A_1643] {strides = array<i32>} : memref<32x1024xf32, #tpu.memory_space<vmem>>, vector<1x16xf32>,
      %swap3A_1645 = vector.shape_cast %swap3A_1644 : vector<1x16xf32> to vector<16xf32>
      %swap3A_1646 = vector.shape_cast %broadcast_in_dim3A_24 : vector<16xf32> to vector<1x16xf32>
      tpu.vector_store %arg4[%swap3A_1642, %swap3A_1643], %swap3A_1646 {strides = array<i32>} : memref<32x1024xf32, #tpu.memory_space<vmem>>, vector<1x16xf32>,
      %swap3A_1647 = arith.index_cast %scan3A_1557 : i32 to index
      %swap3A_1648 = arith.constant 288 : index
      %swap3A_1649 = tpu.vector_load %arg4[%swap3A_1647, %swap3A_1648] {strides = array<i32>} : memref<32x1024xf32, #tpu.memory_space<vmem>>, vector<1x16xf32>,
      %swap3A_1650 = vector.shape_cast %swap3A_1649 : vector<1x16xf32> to vector<16xf32>
      %swap3A_1651 = vector.shape_cast %broadcast_in_dim3A_24 : vector<16xf32> to vector<1x16xf32>
      tpu.vector_store %arg4[%swap3A_1647, %swap3A_1648], %swap3A_1651 {strides = array<i32>} : memref<32x1024xf32, #tpu.memory_space<vmem>>, vector<1x16xf32>,
      %swap3A_1652 = arith.index_cast %scan3A_1557 : i32 to index
      %swap3A_1653 = arith.constant 304 : index
      %swap3A_1654 = tpu.vector_load %arg4[%swap3A_1652, %swap3A_1653] {strides = array<i32>} : memref<32x1024xf32, #tpu.memory_space<vmem>>, vector<1x16xf32>,
      %swap3A_1655 = vector.shape_cast %swap3A_1654 : vector<1x16xf32> to vector<16xf32>
      %swap3A_1656 = vector.shape_cast %broadcast_in_dim3A_24 : vector<16xf32> to vector<1x16xf32>
      tpu.vector_store %arg4[%swap3A_1652, %swap3A_1653], %swap3A_1656 {strides = array<i32>} : memref<32x1024xf32, #tpu.memory_space<vmem>>, vector<1x16xf32>,
      %swap3A_1657 = arith.index_cast %scan3A_1557 : i32 to index
      %swap3A_1658 = arith.constant 320 : index
      %swap3A_1659 = tpu.vector_load %arg4[%swap3A_1657, %swap3A_1658] {strides = array<i32>} : memref<32x1024xf32, #tpu.memory_space<vmem>>, vector<1x16xf32>,
      %swap3A_1660 = vector.shape_cast %swap3A_1659 : vector<1x16xf32> to vector<16xf32>
      %swap3A_1661 = vector.shape_cast %broadcast_in_dim3A_24 : vector<16xf32> to vector<1x16xf32>
      tpu.vector_store %arg4[%swap3A_1657, %swap3A_1658], %swap3A_1661 {strides = array<i32>} : memref<32x1024xf32, #tpu.memory_space<vmem>>, vector<1x16xf32>,
      %swap3A_1662 = arith.index_cast %scan3A_1557 : i32 to index
      %swap3A_1663 = arith.constant 336 : index
      %swap3A_1664 = tpu.vector_load %arg4[%swap3A_1662, %swap3A_1663] {strides = array<i32>} : memref<32x1024xf32, #tpu.memory_space<vmem>>, vector<1x16xf32>,
      %swap3A_1665 = vector.shape_cast %swap3A_1664 : vector<1x16xf32> to vector<16xf32>
      %swap3A_1666 = vector.shape_cast %broadcast_in_dim3A_24 : vector<16xf32> to vector<1x16xf32>
      tpu.vector_store %arg4[%swap3A_1662, %swap3A_1663], %swap3A_1666 {strides = array<i32>} : memref<32x1024xf32, #tpu.memory_space<vmem>>, vector<1x16xf32>,
      %swap3A_1667 = arith.index_cast %scan3A_1557 : i32 to index
      %swap3A_1668 = arith.constant 352 : index
      %swap3A_1669 = tpu.vector_load %arg4[%swap3A_1667, %swap3A_1668] {strides = array<i32>} : memref<32x1024xf32, #tpu.memory_space<vmem>>, vector<1x16xf32>,
      %swap3A_1670 = vector.shape_cast %swap3A_1669 : vector<1x16xf32> to vector<16xf32>
      %swap3A_1671 = vector.shape_cast %broadcast_in_dim3A_24 : vector<16xf32> to vector<1x16xf32>
      tpu.vector_store %arg4[%swap3A_1667, %swap3A_1668], %swap3A_1671 {strides = array<i32>} : memref<32x1024xf32, #tpu.memory_space<vmem>>, vector<1x16xf32>,
      %swap3A_1672 = arith.index_cast %scan3A_1557 : i32 to index
      %swap3A_1673 = arith.constant 368 : index
      %swap3A_1674 = tpu.vector_load %arg4[%swap3A_1672, %swap3A_1673] {strides = array<i32>} : memref<32x1024xf32, #tpu.memory_space<vmem>>, vector<1x16xf32>,
      %swap3A_1675 = vector.shape_cast %swap3A_1674 : vector<1x16xf32> to vector<16xf32>
      %swap3A_1676 = vector.shape_cast %broadcast_in_dim3A_24 : vector<16xf32> to vector<1x16xf32>
      tpu.vector_store %arg4[%swap3A_1672, %swap3A_1673], %swap3A_1676 {strides = array<i32>} : memref<32x1024xf32, #tpu.memory_space<vmem>>, vector<1x16xf32>,
      %swap3A_1677 = arith.index_cast %scan3A_1557 : i32 to index
      %swap3A_1678 = arith.constant 384 : index
      %swap3A_1679 = tpu.vector_load %arg4[%swap3A_1677, %swap3A_1678] {strides = array<i32>} : memref<32x1024xf32, #tpu.memory_space<vmem>>, vector<1x16xf32>,
      %swap3A_1680 = vector.shape_cast %swap3A_1679 : vector<1x16xf32> to vector<16xf32>
      %swap3A_1681 = vector.shape_cast %broadcast_in_dim3A_24 : vector<16xf32> to vector<1x16xf32>
      tpu.vector_store %arg4[%swap3A_1677, %swap3A_1678], %swap3A_1681 {strides = array<i32>} : memref<32x1024xf32, #tpu.memory_space<vmem>>, vector<1x16xf32>,
      %swap3A_1682 = arith.index_cast %scan3A_1557 : i32 to index
      %swap3A_1683 = arith.constant 400 : index
      %swap3A_1684 = tpu.vector_load %arg4[%swap3A_1682, %swap3A_1683] {strides = array<i32>} : memref<32x1024xf32, #tpu.memory_space<vmem>>, vector<1x16xf32>,
      %swap3A_1685 = vector.shape_cast %swap3A_1684 : vector<1x16xf32> to vector<16xf32>
      %swap3A_1686 = vector.shape_cast %broadcast_in_dim3A_24 : vector<16xf32> to vector<1x16xf32>
      tpu.vector_store %arg4[%swap3A_1682, %swap3A_1683], %swap3A_1686 {strides = array<i32>} : memref<32x1024xf32, #tpu.memory_space<vmem>>, vector<1x16xf32>,
      %swap3A_1687 = arith.index_cast %scan3A_1557 : i32 to index
      %swap3A_1688 = arith.constant 416 : index
      %swap3A_1689 = tpu.vector_load %arg4[%swap3A_1687, %swap3A_1688] {strides = array<i32>} : memref<32x1024xf32, #tpu.memory_space<vmem>>, vector<1x16xf32>,
      %swap3A_1690 = vector.shape_cast %swap3A_1689 : vector<1x16xf32> to vector<16xf32>
      %swap3A_1691 = vector.shape_cast %broadcast_in_dim3A_24 : vector<16xf32> to vector<1x16xf32>
      tpu.vector_store %arg4[%swap3A_1687, %swap3A_1688], %swap3A_1691 {strides = array<i32>} : memref<32x1024xf32, #tpu.memory_space<vmem>>, vector<1x16xf32>,
      %swap3A_1692 = arith.index_cast %scan3A_1557 : i32 to index
      %swap3A_1693 = arith.constant 432 : index
      %swap3A_1694 = tpu.vector_load %arg4[%swap3A_1692, %swap3A_1693] {strides = array<i32>} : memref<32x1024xf32, #tpu.memory_space<vmem>>, vector<1x16xf32>,
      %swap3A_1695 = vector.shape_cast %swap3A_1694 : vector<1x16xf32> to vector<16xf32>
      %swap3A_1696 = vector.shape_cast %broadcast_in_dim3A_24 : vector<16xf32> to vector<1x16xf32>
      tpu.vector_store %arg4[%swap3A_1692, %swap3A_1693], %swap3A_1696 {strides = array<i32>} : memref<32x1024xf32, #tpu.memory_space<vmem>>, vector<1x16xf32>,
      %swap3A_1697 = arith.index_cast %scan3A_1557 : i32 to index
      %swap3A_1698 = arith.constant 448 : index
      %swap3A_1699 = tpu.vector_load %arg4[%swap3A_1697, %swap3A_1698] {strides = array<i32>} : memref<32x1024xf32, #tpu.memory_space<vmem>>, vector<1x16xf32>,
      %swap3A_1700 = vector.shape_cast %swap3A_1699 : vector<1x16xf32> to vector<16xf32>
      %swap3A_1701 = vector.shape_cast %broadcast_in_dim3A_24 : vector<16xf32> to vector<1x16xf32>
      tpu.vector_store %arg4[%swap3A_1697, %swap3A_1698], %swap3A_1701 {strides = array<i32>} : memref<32x1024xf32, #tpu.memory_space<vmem>>, vector<1x16xf32>,
      %swap3A_1702 = arith.index_cast %scan3A_1557 : i32 to index
      %swap3A_1703 = arith.constant 464 : index
      %swap3A_1704 = tpu.vector_load %arg4[%swap3A_1702, %swap3A_1703] {strides = array<i32>} : memref<32x1024xf32, #tpu.memory_space<vmem>>, vector<1x16xf32>,
      %swap3A_1705 = vector.shape_cast %swap3A_1704 : vector<1x16xf32> to vector<16xf32>
      %swap3A_1706 = vector.shape_cast %broadcast_in_dim3A_24 : vector<16xf32> to vector<1x16xf32>
      tpu.vector_store %arg4[%swap3A_1702, %swap3A_1703], %swap3A_1706 {strides = array<i32>} : memref<32x1024xf32, #tpu.memory_space<vmem>>, vector<1x16xf32>,
      %swap3A_1707 = arith.index_cast %scan3A_1557 : i32 to index
      %swap3A_1708 = arith.constant 480 : index
      %swap3A_1709 = tpu.vector_load %arg4[%swap3A_1707, %swap3A_1708] {strides = array<i32>} : memref<32x1024xf32, #tpu.memory_space<vmem>>, vector<1x16xf32>,
      %swap3A_1710 = vector.shape_cast %swap3A_1709 : vector<1x16xf32> to vector<16xf32>
      %swap3A_1711 = vector.shape_cast %broadcast_in_dim3A_24 : vector<16xf32> to vector<1x16xf32>
      tpu.vector_store %arg4[%swap3A_1707, %swap3A_1708], %swap3A_1711 {strides = array<i32>} : memref<32x1024xf32, #tpu.memory_space<vmem>>, vector<1x16xf32>,
      %swap3A_1712 = arith.index_cast %scan3A_1557 : i32 to index
      %swap3A_1713 = arith.constant 496 : index
      %swap3A_1714 = tpu.vector_load %arg4[%swap3A_1712, %swap3A_1713] {strides = array<i32>} : memref<32x1024xf32, #tpu.memory_space<vmem>>, vector<1x16xf32>,
      %swap3A_1715 = vector.shape_cast %swap3A_1714 : vector<1x16xf32> to vector<16xf32>
      %swap3A_1716 = vector.shape_cast %broadcast_in_dim3A_24 : vector<16xf32> to vector<1x16xf32>
      tpu.vector_store %arg4[%swap3A_1712, %swap3A_1713], %swap3A_1716 {strides = array<i32>} : memref<32x1024xf32, #tpu.memory_space<vmem>>, vector<1x16xf32>,
      %swap3A_1717 = arith.index_cast %scan3A_1557 : i32 to index
      %swap3A_1718 = arith.constant 512 : index
      %swap3A_1719 = tpu.vector_load %arg4[%swap3A_1717, %swap3A_1718] {strides = array<i32>} : memref<32x1024xf32, #tpu.memory_space<vmem>>, vector<1x16xf32>,
      %swap3A_1720 = vector.shape_cast %swap3A_1719 : vector<1x16xf32> to vector<16xf32>
      %swap3A_1721 = vector.shape_cast %broadcast_in_dim3A_24 : vector<16xf32> to vector<1x16xf32>
      tpu.vector_store %arg4[%swap3A_1717, %swap3A_1718], %swap3A_1721 {strides = array<i32>} : memref<32x1024xf32, #tpu.memory_space<vmem>>, vector<1x16xf32>,
      %swap3A_1722 = arith.index_cast %scan3A_1557 : i32 to index
      %swap3A_1723 = arith.constant 528 : index
      %swap3A_1724 = tpu.vector_load %arg4[%swap3A_1722, %swap3A_1723] {strides = array<i32>} : memref<32x1024xf32, #tpu.memory_space<vmem>>, vector<1x16xf32>,
      %swap3A_1725 = vector.shape_cast %swap3A_1724 : vector<1x16xf32> to vector<16xf32>
      %swap3A_1726 = vector.shape_cast %broadcast_in_dim3A_24 : vector<16xf32> to vector<1x16xf32>
      tpu.vector_store %arg4[%swap3A_1722, %swap3A_1723], %swap3A_1726 {strides = array<i32>} : memref<32x1024xf32, #tpu.memory_space<vmem>>, vector<1x16xf32>,
      %swap3A_1727 = arith.index_cast %scan3A_1557 : i32 to index
      %swap3A_1728 = arith.constant 544 : index
      %swap3A_1729 = tpu.vector_load %arg4[%swap3A_1727, %swap3A_1728] {strides = array<i32>} : memref<32x1024xf32, #tpu.memory_space<vmem>>, vector<1x16xf32>,
      %swap3A_1730 = vector.shape_cast %swap3A_1729 : vector<1x16xf32> to vector<16xf32>
      %swap3A_1731 = vector.shape_cast %broadcast_in_dim3A_24 : vector<16xf32> to vector<1x16xf32>
      tpu.vector_store %arg4[%swap3A_1727, %swap3A_1728], %swap3A_1731 {strides = array<i32>} : memref<32x1024xf32, #tpu.memory_space<vmem>>, vector<1x16xf32>,
      %swap3A_1732 = arith.index_cast %scan3A_1557 : i32 to index
      %swap3A_1733 = arith.constant 560 : index
      %swap3A_1734 = tpu.vector_load %arg4[%swap3A_1732, %swap3A_1733] {strides = array<i32>} : memref<32x1024xf32, #tpu.memory_space<vmem>>, vector<1x16xf32>,
      %swap3A_1735 = vector.shape_cast %swap3A_1734 : vector<1x16xf32> to vector<16xf32>
      %swap3A_1736 = vector.shape_cast %broadcast_in_dim3A_24 : vector<16xf32> to vector<1x16xf32>
      tpu.vector_store %arg4[%swap3A_1732, %swap3A_1733], %swap3A_1736 {strides = array<i32>} : memref<32x1024xf32, #tpu.memory_space<vmem>>, vector<1x16xf32>,
      %swap3A_1737 = arith.index_cast %scan3A_1557 : i32 to index
      %swap3A_1738 = arith.constant 576 : index
      %swap3A_1739 = tpu.vector_load %arg4[%swap3A_1737, %swap3A_1738] {strides = array<i32>} : memref<32x1024xf32, #tpu.memory_space<vmem>>, vector<1x16xf32>,
      %swap3A_1740 = vector.shape_cast %swap3A_1739 : vector<1x16xf32> to vector<16xf32>
      %swap3A_1741 = vector.shape_cast %broadcast_in_dim3A_24 : vector<16xf32> to vector<1x16xf32>
      tpu.vector_store %arg4[%swap3A_1737, %swap3A_1738], %swap3A_1741 {strides = array<i32>} : memref<32x1024xf32, #tpu.memory_space<vmem>>, vector<1x16xf32>,
      %swap3A_1742 = arith.index_cast %scan3A_1557 : i32 to index
      %swap3A_1743 = arith.constant 592 : index
      %swap3A_1744 = tpu.vector_load %arg4[%swap3A_1742, %swap3A_1743] {strides = array<i32>} : memref<32x1024xf32, #tpu.memory_space<vmem>>, vector<1x16xf32>,
      %swap3A_1745 = vector.shape_cast %swap3A_1744 : vector<1x16xf32> to vector<16xf32>
      %swap3A_1746 = vector.shape_cast %broadcast_in_dim3A_24 : vector<16xf32> to vector<1x16xf32>
      tpu.vector_store %arg4[%swap3A_1742, %swap3A_1743], %swap3A_1746 {strides = array<i32>} : memref<32x1024xf32, #tpu.memory_space<vmem>>, vector<1x16xf32>,
      %swap3A_1747 = arith.index_cast %scan3A_1557 : i32 to index
      %swap3A_1748 = arith.constant 608 : index
      %swap3A_1749 = tpu.vector_load %arg4[%swap3A_1747, %swap3A_1748] {strides = array<i32>} : memref<32x1024xf32, #tpu.memory_space<vmem>>, vector<1x16xf32>,
      %swap3A_1750 = vector.shape_cast %swap3A_1749 : vector<1x16xf32> to vector<16xf32>
      %swap3A_1751 = vector.shape_cast %broadcast_in_dim3A_24 : vector<16xf32> to vector<1x16xf32>
      tpu.vector_store %arg4[%swap3A_1747, %swap3A_1748], %swap3A_1751 {strides = array<i32>} : memref<32x1024xf32, #tpu.memory_space<vmem>>, vector<1x16xf32>,
      %swap3A_1752 = arith.index_cast %scan3A_1557 : i32 to index
      %swap3A_1753 = arith.constant 624 : index
      %swap3A_1754 = tpu.vector_load %arg4[%swap3A_1752, %swap3A_1753] {strides = array<i32>} : memref<32x1024xf32, #tpu.memory_space<vmem>>, vector<1x16xf32>,
      %swap3A_1755 = vector.shape_cast %swap3A_1754 : vector<1x16xf32> to vector<16xf32>
      %swap3A_1756 = vector.shape_cast %broadcast_in_dim3A_24 : vector<16xf32> to vector<1x16xf32>
      tpu.vector_store %arg4[%swap3A_1752, %swap3A_1753], %swap3A_1756 {strides = array<i32>} : memref<32x1024xf32, #tpu.memory_space<vmem>>, vector<1x16xf32>,
      %swap3A_1757 = arith.index_cast %scan3A_1557 : i32 to index
      %swap3A_1758 = arith.constant 640 : index
      %swap3A_1759 = tpu.vector_load %arg4[%swap3A_1757, %swap3A_1758] {strides = array<i32>} : memref<32x1024xf32, #tpu.memory_space<vmem>>, vector<1x16xf32>,
      %swap3A_1760 = vector.shape_cast %swap3A_1759 : vector<1x16xf32> to vector<16xf32>
      %swap3A_1761 = vector.shape_cast %broadcast_in_dim3A_24 : vector<16xf32> to vector<1x16xf32>
      tpu.vector_store %arg4[%swap3A_1757, %swap3A_1758], %swap3A_1761 {strides = array<i32>} : memref<32x1024xf32, #tpu.memory_space<vmem>>, vector<1x16xf32>,
      %swap3A_1762 = arith.index_cast %scan3A_1557 : i32 to index
      %swap3A_1763 = arith.constant 656 : index
      %swap3A_1764 = tpu.vector_load %arg4[%swap3A_1762, %swap3A_1763] {strides = array<i32>} : memref<32x1024xf32, #tpu.memory_space<vmem>>, vector<1x16xf32>,
      %swap3A_1765 = vector.shape_cast %swap3A_1764 : vector<1x16xf32> to vector<16xf32>
      %swap3A_1766 = vector.shape_cast %broadcast_in_dim3A_24 : vector<16xf32> to vector<1x16xf32>
      tpu.vector_store %arg4[%swap3A_1762, %swap3A_1763], %swap3A_1766 {strides = array<i32>} : memref<32x1024xf32, #tpu.memory_space<vmem>>, vector<1x16xf32>,
      %swap3A_1767 = arith.index_cast %scan3A_1557 : i32 to index
      %swap3A_1768 = arith.constant 672 : index
      %swap3A_1769 = tpu.vector_load %arg4[%swap3A_1767, %swap3A_1768] {strides = array<i32>} : memref<32x1024xf32, #tpu.memory_space<vmem>>, vector<1x16xf32>,
      %swap3A_1770 = vector.shape_cast %swap3A_1769 : vector<1x16xf32> to vector<16xf32>
      %swap3A_1771 = vector.shape_cast %broadcast_in_dim3A_24 : vector<16xf32> to vector<1x16xf32>
      tpu.vector_store %arg4[%swap3A_1767, %swap3A_1768], %swap3A_1771 {strides = array<i32>} : memref<32x1024xf32, #tpu.memory_space<vmem>>, vector<1x16xf32>,
      %swap3A_1772 = arith.index_cast %scan3A_1557 : i32 to index
      %swap3A_1773 = arith.constant 688 : index
      %swap3A_1774 = tpu.vector_load %arg4[%swap3A_1772, %swap3A_1773] {strides = array<i32>} : memref<32x1024xf32, #tpu.memory_space<vmem>>, vector<1x16xf32>,
      %swap3A_1775 = vector.shape_cast %swap3A_1774 : vector<1x16xf32> to vector<16xf32>
      %swap3A_1776 = vector.shape_cast %broadcast_in_dim3A_24 : vector<16xf32> to vector<1x16xf32>
      tpu.vector_store %arg4[%swap3A_1772, %swap3A_1773], %swap3A_1776 {strides = array<i32>} : memref<32x1024xf32, #tpu.memory_space<vmem>>, vector<1x16xf32>,
      %swap3A_1777 = arith.index_cast %scan3A_1557 : i32 to index
      %swap3A_1778 = arith.constant 704 : index
      %swap3A_1779 = tpu.vector_load %arg4[%swap3A_1777, %swap3A_1778] {strides = array<i32>} : memref<32x1024xf32, #tpu.memory_space<vmem>>, vector<1x16xf32>,
      %swap3A_1780 = vector.shape_cast %swap3A_1779 : vector<1x16xf32> to vector<16xf32>
      %swap3A_1781 = vector.shape_cast %broadcast_in_dim3A_24 : vector<16xf32> to vector<1x16xf32>
      tpu.vector_store %arg4[%swap3A_1777, %swap3A_1778], %swap3A_1781 {strides = array<i32>} : memref<32x1024xf32, #tpu.memory_space<vmem>>, vector<1x16xf32>,
      %swap3A_1782 = arith.index_cast %scan3A_1557 : i32 to index
      %swap3A_1783 = arith.constant 720 : index
      %swap3A_1784 = tpu.vector_load %arg4[%swap3A_1782, %swap3A_1783] {strides = array<i32>} : memref<32x1024xf32, #tpu.memory_space<vmem>>, vector<1x16xf32>,
      %swap3A_1785 = vector.shape_cast %swap3A_1784 : vector<1x16xf32> to vector<16xf32>
      %swap3A_1786 = vector.shape_cast %broadcast_in_dim3A_24 : vector<16xf32> to vector<1x16xf32>
      tpu.vector_store %arg4[%swap3A_1782, %swap3A_1783], %swap3A_1786 {strides = array<i32>} : memref<32x1024xf32, #tpu.memory_space<vmem>>, vector<1x16xf32>,
      %swap3A_1787 = arith.index_cast %scan3A_1557 : i32 to index
      %swap3A_1788 = arith.constant 736 : index
      %swap3A_1789 = tpu.vector_load %arg4[%swap3A_1787, %swap3A_1788] {strides = array<i32>} : memref<32x1024xf32, #tpu.memory_space<vmem>>, vector<1x16xf32>,
      %swap3A_1790 = vector.shape_cast %swap3A_1789 : vector<1x16xf32> to vector<16xf32>
      %swap3A_1791 = vector.shape_cast %broadcast_in_dim3A_24 : vector<16xf32> to vector<1x16xf32>
      tpu.vector_store %arg4[%swap3A_1787, %swap3A_1788], %swap3A_1791 {strides = array<i32>} : memref<32x1024xf32, #tpu.memory_space<vmem>>, vector<1x16xf32>,
      %swap3A_1792 = arith.index_cast %scan3A_1557 : i32 to index
      %swap3A_1793 = arith.constant 752 : index
      %swap3A_1794 = tpu.vector_load %arg4[%swap3A_1792, %swap3A_1793] {strides = array<i32>} : memref<32x1024xf32, #tpu.memory_space<vmem>>, vector<1x16xf32>,
      %swap3A_1795 = vector.shape_cast %swap3A_1794 : vector<1x16xf32> to vector<16xf32>
      %swap3A_1796 = vector.shape_cast %broadcast_in_dim3A_24 : vector<16xf32> to vector<1x16xf32>
      tpu.vector_store %arg4[%swap3A_1792, %swap3A_1793], %swap3A_1796 {strides = array<i32>} : memref<32x1024xf32, #tpu.memory_space<vmem>>, vector<1x16xf32>,
      %swap3A_1797 = arith.index_cast %scan3A_1557 : i32 to index
      %swap3A_1798 = arith.constant 768 : index
      %swap3A_1799 = tpu.vector_load %arg4[%swap3A_1797, %swap3A_1798] {strides = array<i32>} : memref<32x1024xf32, #tpu.memory_space<vmem>>, vector<1x16xf32>,
      %swap3A_1800 = vector.shape_cast %swap3A_1799 : vector<1x16xf32> to vector<16xf32>
      %swap3A_1801 = vector.shape_cast %broadcast_in_dim3A_24 : vector<16xf32> to vector<1x16xf32>
      tpu.vector_store %arg4[%swap3A_1797, %swap3A_1798], %swap3A_1801 {strides = array<i32>} : memref<32x1024xf32, #tpu.memory_space<vmem>>, vector<1x16xf32>,
      %swap3A_1802 = arith.index_cast %scan3A_1557 : i32 to index
      %swap3A_1803 = arith.constant 784 : index
      %swap3A_1804 = tpu.vector_load %arg4[%swap3A_1802, %swap3A_1803] {strides = array<i32>} : memref<32x1024xf32, #tpu.memory_space<vmem>>, vector<1x16xf32>,
      %swap3A_1805 = vector.shape_cast %swap3A_1804 : vector<1x16xf32> to vector<16xf32>
      %swap3A_1806 = vector.shape_cast %broadcast_in_dim3A_24 : vector<16xf32> to vector<1x16xf32>
      tpu.vector_store %arg4[%swap3A_1802, %swap3A_1803], %swap3A_1806 {strides = array<i32>} : memref<32x1024xf32, #tpu.memory_space<vmem>>, vector<1x16xf32>,
      %swap3A_1807 = arith.index_cast %scan3A_1557 : i32 to index
      %swap3A_1808 = arith.constant 800 : index
      %swap3A_1809 = tpu.vector_load %arg4[%swap3A_1807, %swap3A_1808] {strides = array<i32>} : memref<32x1024xf32, #tpu.memory_space<vmem>>, vector<1x16xf32>,
      %swap3A_1810 = vector.shape_cast %swap3A_1809 : vector<1x16xf32> to vector<16xf32>
      %swap3A_1811 = vector.shape_cast %broadcast_in_dim3A_24 : vector<16xf32> to vector<1x16xf32>
      tpu.vector_store %arg4[%swap3A_1807, %swap3A_1808], %swap3A_1811 {strides = array<i32>} : memref<32x1024xf32, #tpu.memory_space<vmem>>, vector<1x16xf32>,
      %swap3A_1812 = arith.index_cast %scan3A_1557 : i32 to index
      %swap3A_1813 = arith.constant 816 : index
      %swap3A_1814 = tpu.vector_load %arg4[%swap3A_1812, %swap3A_1813] {strides = array<i32>} : memref<32x1024xf32, #tpu.memory_space<vmem>>, vector<1x16xf32>,
      %swap3A_1815 = vector.shape_cast %swap3A_1814 : vector<1x16xf32> to vector<16xf32>
      %swap3A_1816 = vector.shape_cast %broadcast_in_dim3A_24 : vector<16xf32> to vector<1x16xf32>
      tpu.vector_store %arg4[%swap3A_1812, %swap3A_1813], %swap3A_1816 {strides = array<i32>} : memref<32x1024xf32, #tpu.memory_space<vmem>>, vector<1x16xf32>,
      %swap3A_1817 = arith.index_cast %scan3A_1557 : i32 to index
      %swap3A_1818 = arith.constant 832 : index
      %swap3A_1819 = tpu.vector_load %arg4[%swap3A_1817, %swap3A_1818] {strides = array<i32>} : memref<32x1024xf32, #tpu.memory_space<vmem>>, vector<1x16xf32>,
      %swap3A_1820 = vector.shape_cast %swap3A_1819 : vector<1x16xf32> to vector<16xf32>
      %swap3A_1821 = vector.shape_cast %broadcast_in_dim3A_24 : vector<16xf32> to vector<1x16xf32>
      tpu.vector_store %arg4[%swap3A_1817, %swap3A_1818], %swap3A_1821 {strides = array<i32>} : memref<32x1024xf32, #tpu.memory_space<vmem>>, vector<1x16xf32>,
      %swap3A_1822 = arith.index_cast %scan3A_1557 : i32 to index
      %swap3A_1823 = arith.constant 848 : index
      %swap3A_1824 = tpu.vector_load %arg4[%swap3A_1822, %swap3A_1823] {strides = array<i32>} : memref<32x1024xf32, #tpu.memory_space<vmem>>, vector<1x16xf32>,
      %swap3A_1825 = vector.shape_cast %swap3A_1824 : vector<1x16xf32> to vector<16xf32>
      %swap3A_1826 = vector.shape_cast %broadcast_in_dim3A_24 : vector<16xf32> to vector<1x16xf32>
      tpu.vector_store %arg4[%swap3A_1822, %swap3A_1823], %swap3A_1826 {strides = array<i32>} : memref<32x1024xf32, #tpu.memory_space<vmem>>, vector<1x16xf32>,
      %swap3A_1827 = arith.index_cast %scan3A_1557 : i32 to index
      %swap3A_1828 = arith.constant 864 : index
      %swap3A_1829 = tpu.vector_load %arg4[%swap3A_1827, %swap3A_1828] {strides = array<i32>} : memref<32x1024xf32, #tpu.memory_space<vmem>>, vector<1x16xf32>,
      %swap3A_1830 = vector.shape_cast %swap3A_1829 : vector<1x16xf32> to vector<16xf32>
      %swap3A_1831 = vector.shape_cast %broadcast_in_dim3A_24 : vector<16xf32> to vector<1x16xf32>
      tpu.vector_store %arg4[%swap3A_1827, %swap3A_1828], %swap3A_1831 {strides = array<i32>} : memref<32x1024xf32, #tpu.memory_space<vmem>>, vector<1x16xf32>,
      %swap3A_1832 = arith.index_cast %scan3A_1557 : i32 to index
      %swap3A_1833 = arith.constant 880 : index
      %swap3A_1834 = tpu.vector_load %arg4[%swap3A_1832, %swap3A_1833] {strides = array<i32>} : memref<32x1024xf32, #tpu.memory_space<vmem>>, vector<1x16xf32>,
      %swap3A_1835 = vector.shape_cast %swap3A_1834 : vector<1x16xf32> to vector<16xf32>
      %swap3A_1836 = vector.shape_cast %broadcast_in_dim3A_24 : vector<16xf32> to vector<1x16xf32>
      tpu.vector_store %arg4[%swap3A_1832, %swap3A_1833], %swap3A_1836 {strides = array<i32>} : memref<32x1024xf32, #tpu.memory_space<vmem>>, vector<1x16xf32>,
      %swap3A_1837 = arith.index_cast %scan3A_1557 : i32 to index
      %swap3A_1838 = arith.constant 896 : index
      %swap3A_1839 = tpu.vector_load %arg4[%swap3A_1837, %swap3A_1838] {strides = array<i32>} : memref<32x1024xf32, #tpu.memory_space<vmem>>, vector<1x16xf32>,
      %swap3A_1840 = vector.shape_cast %swap3A_1839 : vector<1x16xf32> to vector<16xf32>
      %swap3A_1841 = vector.shape_cast %broadcast_in_dim3A_24 : vector<16xf32> to vector<1x16xf32>
      tpu.vector_store %arg4[%swap3A_1837, %swap3A_1838], %swap3A_1841 {strides = array<i32>} : memref<32x1024xf32, #tpu.memory_space<vmem>>, vector<1x16xf32>,
      %swap3A_1842 = arith.index_cast %scan3A_1557 : i32 to index
      %swap3A_1843 = arith.constant 912 : index
      %swap3A_1844 = tpu.vector_load %arg4[%swap3A_1842, %swap3A_1843] {strides = array<i32>} : memref<32x1024xf32, #tpu.memory_space<vmem>>, vector<1x16xf32>,
      %swap3A_1845 = vector.shape_cast %swap3A_1844 : vector<1x16xf32> to vector<16xf32>
      %swap3A_1846 = vector.shape_cast %broadcast_in_dim3A_24 : vector<16xf32> to vector<1x16xf32>
      tpu.vector_store %arg4[%swap3A_1842, %swap3A_1843], %swap3A_1846 {strides = array<i32>} : memref<32x1024xf32, #tpu.memory_space<vmem>>, vector<1x16xf32>,
      %swap3A_1847 = arith.index_cast %scan3A_1557 : i32 to index
      %swap3A_1848 = arith.constant 928 : index
      %swap3A_1849 = tpu.vector_load %arg4[%swap3A_1847, %swap3A_1848] {strides = array<i32>} : memref<32x1024xf32, #tpu.memory_space<vmem>>, vector<1x16xf32>,
      %swap3A_1850 = vector.shape_cast %swap3A_1849 : vector<1x16xf32> to vector<16xf32>
      %swap3A_1851 = vector.shape_cast %broadcast_in_dim3A_24 : vector<16xf32> to vector<1x16xf32>
      tpu.vector_store %arg4[%swap3A_1847, %swap3A_1848], %swap3A_1851 {strides = array<i32>} : memref<32x1024xf32, #tpu.memory_space<vmem>>, vector<1x16xf32>,
      %swap3A_1852 = arith.index_cast %scan3A_1557 : i32 to index
      %swap3A_1853 = arith.constant 944 : index
      %swap3A_1854 = tpu.vector_load %arg4[%swap3A_1852, %swap3A_1853] {strides = array<i32>} : memref<32x1024xf32, #tpu.memory_space<vmem>>, vector<1x16xf32>,
      %swap3A_1855 = vector.shape_cast %swap3A_1854 : vector<1x16xf32> to vector<16xf32>
      %swap3A_1856 = vector.shape_cast %broadcast_in_dim3A_24 : vector<16xf32> to vector<1x16xf32>
      tpu.vector_store %arg4[%swap3A_1852, %swap3A_1853], %swap3A_1856 {strides = array<i32>} : memref<32x1024xf32, #tpu.memory_space<vmem>>, vector<1x16xf32>,
      %swap3A_1857 = arith.index_cast %scan3A_1557 : i32 to index
      %swap3A_1858 = arith.constant 960 : index
      %swap3A_1859 = tpu.vector_load %arg4[%swap3A_1857, %swap3A_1858] {strides = array<i32>} : memref<32x1024xf32, #tpu.memory_space<vmem>>, vector<1x16xf32>,
      %swap3A_1860 = vector.shape_cast %swap3A_1859 : vector<1x16xf32> to vector<16xf32>
      %swap3A_1861 = vector.shape_cast %broadcast_in_dim3A_24 : vector<16xf32> to vector<1x16xf32>
      tpu.vector_store %arg4[%swap3A_1857, %swap3A_1858], %swap3A_1861 {strides = array<i32>} : memref<32x1024xf32, #tpu.memory_space<vmem>>, vector<1x16xf32>,
      %swap3A_1862 = arith.index_cast %scan3A_1557 : i32 to index
      %swap3A_1863 = arith.constant 976 : index
      %swap3A_1864 = tpu.vector_load %arg4[%swap3A_1862, %swap3A_1863] {strides = array<i32>} : memref<32x1024xf32, #tpu.memory_space<vmem>>, vector<1x16xf32>,
      %swap3A_1865 = vector.shape_cast %swap3A_1864 : vector<1x16xf32> to vector<16xf32>
      %swap3A_1866 = vector.shape_cast %broadcast_in_dim3A_24 : vector<16xf32> to vector<1x16xf32>
      tpu.vector_store %arg4[%swap3A_1862, %swap3A_1863], %swap3A_1866 {strides = array<i32>} : memref<32x1024xf32, #tpu.memory_space<vmem>>, vector<1x16xf32>,
      %swap3A_1867 = arith.index_cast %scan3A_1557 : i32 to index
      %swap3A_1868 = arith.constant 992 : index
      %swap3A_1869 = tpu.vector_load %arg4[%swap3A_1867, %swap3A_1868] {strides = array<i32>} : memref<32x1024xf32, #tpu.memory_space<vmem>>, vector<1x16xf32>,
      %swap3A_1870 = vector.shape_cast %swap3A_1869 : vector<1x16xf32> to vector<16xf32>
      %swap3A_1871 = vector.shape_cast %broadcast_in_dim3A_24 : vector<16xf32> to vector<1x16xf32>
      tpu.vector_store %arg4[%swap3A_1867, %swap3A_1868], %swap3A_1871 {strides = array<i32>} : memref<32x1024xf32, #tpu.memory_space<vmem>>, vector<1x16xf32>,
      %swap3A_1872 = arith.index_cast %scan3A_1557 : i32 to index
      %swap3A_1873 = arith.constant 1008 : index
      %swap3A_1874 = tpu.vector_load %arg4[%swap3A_1872, %swap3A_1873] {strides = array<i32>} : memref<32x1024xf32, #tpu.memory_space<vmem>>, vector<1x16xf32>,
      %swap3A_1875 = vector.shape_cast %swap3A_1874 : vector<1x16xf32> to vector<16xf32>
      %swap3A_1876 = vector.shape_cast %broadcast_in_dim3A_24 : vector<16xf32> to vector<1x16xf32>
      tpu.vector_store %arg4[%swap3A_1872, %swap3A_1873], %swap3A_1876 {strides = array<i32>} : memref<32x1024xf32, #tpu.memory_space<vmem>>, vector<1x16xf32>,
    }
    %scan3A_29 = arith.constant 32 : i32
    %broadcast_in_dim3A_30 = arith.constant 0.000000e+00 : f32
    %broadcast_in_dim3A_31 = vector.broadcast %broadcast_in_dim3A_30 : f32 to vector<16xf32>
    %scan3A_32 = arith.constant 0 : i32
    %scan3A_33 = arith.constant 0 : i32
    %scan3A_34 = arith.constant 32 : i32
    %scan3A_35 = arith.addi %scan3A_33, %scan3A_34 : i32
    %scan3A_36 = arith.constant 1 : i32
    scf.for %scan3A_1557 = %scan3A_33 to %scan3A_35 step %scan3A_36  : i32 {
      %swap3A = arith.index_cast %scan3A_1557 : i32 to index
      %swap3A_1558 = arith.constant 0 : index
      %swap3A_1559 = tpu.vector_load %arg5[%swap3A, %swap3A_1558] {strides = array<i32>} : memref<32x512xf32, #tpu.memory_space<vmem>>, vector<1x16xf32>,
      %swap3A_1560 = vector.shape_cast %swap3A_1559 : vector<1x16xf32> to vector<16xf32>
      %swap3A_1561 = vector.shape_cast %broadcast_in_dim3A_31 : vector<16xf32> to vector<1x16xf32>
      tpu.vector_store %arg5[%swap3A, %swap3A_1558], %swap3A_1561 {strides = array<i32>} : memref<32x512xf32, #tpu.memory_space<vmem>>, vector<1x16xf32>,
      %swap3A_1562 = arith.index_cast %scan3A_1557 : i32 to index
      %swap3A_1563 = arith.constant 16 : index
      %swap3A_1564 = tpu.vector_load %arg5[%swap3A_1562, %swap3A_1563] {strides = array<i32>} : memref<32x512xf32, #tpu.memory_space<vmem>>, vector<1x16xf32>,
      %swap3A_1565 = vector.shape_cast %swap3A_1564 : vector<1x16xf32> to vector<16xf32>
      %swap3A_1566 = vector.shape_cast %broadcast_in_dim3A_31 : vector<16xf32> to vector<1x16xf32>
      tpu.vector_store %arg5[%swap3A_1562, %swap3A_1563], %swap3A_1566 {strides = array<i32>} : memref<32x512xf32, #tpu.memory_space<vmem>>, vector<1x16xf32>,
      %swap3A_1567 = arith.index_cast %scan3A_1557 : i32 to index
      %swap3A_1568 = arith.constant 32 : index
      %swap3A_1569 = tpu.vector_load %arg5[%swap3A_1567, %swap3A_1568] {strides = array<i32>} : memref<32x512xf32, #tpu.memory_space<vmem>>, vector<1x16xf32>,
      %swap3A_1570 = vector.shape_cast %swap3A_1569 : vector<1x16xf32> to vector<16xf32>
      %swap3A_1571 = vector.shape_cast %broadcast_in_dim3A_31 : vector<16xf32> to vector<1x16xf32>
      tpu.vector_store %arg5[%swap3A_1567, %swap3A_1568], %swap3A_1571 {strides = array<i32>} : memref<32x512xf32, #tpu.memory_space<vmem>>, vector<1x16xf32>,
      %swap3A_1572 = arith.index_cast %scan3A_1557 : i32 to index
      %swap3A_1573 = arith.constant 48 : index
      %swap3A_1574 = tpu.vector_load %arg5[%swap3A_1572, %swap3A_1573] {strides = array<i32>} : memref<32x512xf32, #tpu.memory_space<vmem>>, vector<1x16xf32>,
      %swap3A_1575 = vector.shape_cast %swap3A_1574 : vector<1x16xf32> to vector<16xf32>
      %swap3A_1576 = vector.shape_cast %broadcast_in_dim3A_31 : vector<16xf32> to vector<1x16xf32>
      tpu.vector_store %arg5[%swap3A_1572, %swap3A_1573], %swap3A_1576 {strides = array<i32>} : memref<32x512xf32, #tpu.memory_space<vmem>>, vector<1x16xf32>,
      %swap3A_1577 = arith.index_cast %scan3A_1557 : i32 to index
      %swap3A_1578 = arith.constant 64 : index
      %swap3A_1579 = tpu.vector_load %arg5[%swap3A_1577, %swap3A_1578] {strides = array<i32>} : memref<32x512xf32, #tpu.memory_space<vmem>>, vector<1x16xf32>,
      %swap3A_1580 = vector.shape_cast %swap3A_1579 : vector<1x16xf32> to vector<16xf32>
      %swap3A_1581 = vector.shape_cast %broadcast_in_dim3A_31 : vector<16xf32> to vector<1x16xf32>
      tpu.vector_store %arg5[%swap3A_1577, %swap3A_1578], %swap3A_1581 {strides = array<i32>} : memref<32x512xf32, #tpu.memory_space<vmem>>, vector<1x16xf32>,
      %swap3A_1582 = arith.index_cast %scan3A_1557 : i32 to index
      %swap3A_1583 = arith.constant 80 : index
      %swap3A_1584 = tpu.vector_load %arg5[%swap3A_1582, %swap3A_1583] {strides = array<i32>} : memref<32x512xf32, #tpu.memory_space<vmem>>, vector<1x16xf32>,
      %swap3A_1585 = vector.shape_cast %swap3A_1584 : vector<1x16xf32> to vector<16xf32>
      %swap3A_1586 = vector.shape_cast %broadcast_in_dim3A_31 : vector<16xf32> to vector<1x16xf32>
      tpu.vector_store %arg5[%swap3A_1582, %swap3A_1583], %swap3A_1586 {strides = array<i32>} : memref<32x512xf32, #tpu.memory_space<vmem>>, vector<1x16xf32>,
      %swap3A_1587 = arith.index_cast %scan3A_1557 : i32 to index
      %swap3A_1588 = arith.constant 96 : index
      %swap3A_1589 = tpu.vector_load %arg5[%swap3A_1587, %swap3A_1588] {strides = array<i32>} : memref<32x512xf32, #tpu.memory_space<vmem>>, vector<1x16xf32>,
      %swap3A_1590 = vector.shape_cast %swap3A_1589 : vector<1x16xf32> to vector<16xf32>
      %swap3A_1591 = vector.shape_cast %broadcast_in_dim3A_31 : vector<16xf32> to vector<1x16xf32>
      tpu.vector_store %arg5[%swap3A_1587, %swap3A_1588], %swap3A_1591 {strides = array<i32>} : memref<32x512xf32, #tpu.memory_space<vmem>>, vector<1x16xf32>,
      %swap3A_1592 = arith.index_cast %scan3A_1557 : i32 to index
      %swap3A_1593 = arith.constant 112 : index
      %swap3A_1594 = tpu.vector_load %arg5[%swap3A_1592, %swap3A_1593] {strides = array<i32>} : memref<32x512xf32, #tpu.memory_space<vmem>>, vector<1x16xf32>,
      %swap3A_1595 = vector.shape_cast %swap3A_1594 : vector<1x16xf32> to vector<16xf32>
      %swap3A_1596 = vector.shape_cast %broadcast_in_dim3A_31 : vector<16xf32> to vector<1x16xf32>
      tpu.vector_store %arg5[%swap3A_1592, %swap3A_1593], %swap3A_1596 {strides = array<i32>} : memref<32x512xf32, #tpu.memory_space<vmem>>, vector<1x16xf32>,
      %swap3A_1597 = arith.index_cast %scan3A_1557 : i32 to index
      %swap3A_1598 = arith.constant 128 : index
      %swap3A_1599 = tpu.vector_load %arg5[%swap3A_1597, %swap3A_1598] {strides = array<i32>} : memref<32x512xf32, #tpu.memory_space<vmem>>, vector<1x16xf32>,
      %swap3A_1600 = vector.shape_cast %swap3A_1599 : vector<1x16xf32> to vector<16xf32>
      %swap3A_1601 = vector.shape_cast %broadcast_in_dim3A_31 : vector<16xf32> to vector<1x16xf32>
      tpu.vector_store %arg5[%swap3A_1597, %swap3A_1598], %swap3A_1601 {strides = array<i32>} : memref<32x512xf32, #tpu.memory_space<vmem>>, vector<1x16xf32>,
      %swap3A_1602 = arith.index_cast %scan3A_1557 : i32 to index
      %swap3A_1603 = arith.constant 144 : index
      %swap3A_1604 = tpu.vector_load %arg5[%swap3A_1602, %swap3A_1603] {strides = array<i32>} : memref<32x512xf32, #tpu.memory_space<vmem>>, vector<1x16xf32>,
      %swap3A_1605 = vector.shape_cast %swap3A_1604 : vector<1x16xf32> to vector<16xf32>
      %swap3A_1606 = vector.shape_cast %broadcast_in_dim3A_31 : vector<16xf32> to vector<1x16xf32>
      tpu.vector_store %arg5[%swap3A_1602, %swap3A_1603], %swap3A_1606 {strides = array<i32>} : memref<32x512xf32, #tpu.memory_space<vmem>>, vector<1x16xf32>,
      %swap3A_1607 = arith.index_cast %scan3A_1557 : i32 to index
      %swap3A_1608 = arith.constant 160 : index
      %swap3A_1609 = tpu.vector_load %arg5[%swap3A_1607, %swap3A_1608] {strides = array<i32>} : memref<32x512xf32, #tpu.memory_space<vmem>>, vector<1x16xf32>,
      %swap3A_1610 = vector.shape_cast %swap3A_1609 : vector<1x16xf32> to vector<16xf32>
      %swap3A_1611 = vector.shape_cast %broadcast_in_dim3A_31 : vector<16xf32> to vector<1x16xf32>
      tpu.vector_store %arg5[%swap3A_1607, %swap3A_1608], %swap3A_1611 {strides = array<i32>} : memref<32x512xf32, #tpu.memory_space<vmem>>, vector<1x16xf32>,
      %swap3A_1612 = arith.index_cast %scan3A_1557 : i32 to index
      %swap3A_1613 = arith.constant 176 : index
      %swap3A_1614 = tpu.vector_load %arg5[%swap3A_1612, %swap3A_1613] {strides = array<i32>} : memref<32x512xf32, #tpu.memory_space<vmem>>, vector<1x16xf32>,
      %swap3A_1615 = vector.shape_cast %swap3A_1614 : vector<1x16xf32> to vector<16xf32>
      %swap3A_1616 = vector.shape_cast %broadcast_in_dim3A_31 : vector<16xf32> to vector<1x16xf32>
      tpu.vector_store %arg5[%swap3A_1612, %swap3A_1613], %swap3A_1616 {strides = array<i32>} : memref<32x512xf32, #tpu.memory_space<vmem>>, vector<1x16xf32>,
      %swap3A_1617 = arith.index_cast %scan3A_1557 : i32 to index
      %swap3A_1618 = arith.constant 192 : index
      %swap3A_1619 = tpu.vector_load %arg5[%swap3A_1617, %swap3A_1618] {strides = array<i32>} : memref<32x512xf32, #tpu.memory_space<vmem>>, vector<1x16xf32>,
      %swap3A_1620 = vector.shape_cast %swap3A_1619 : vector<1x16xf32> to vector<16xf32>
      %swap3A_1621 = vector.shape_cast %broadcast_in_dim3A_31 : vector<16xf32> to vector<1x16xf32>
      tpu.vector_store %arg5[%swap3A_1617, %swap3A_1618], %swap3A_1621 {strides = array<i32>} : memref<32x512xf32, #tpu.memory_space<vmem>>, vector<1x16xf32>,
      %swap3A_1622 = arith.index_cast %scan3A_1557 : i32 to index
      %swap3A_1623 = arith.constant 208 : index
      %swap3A_1624 = tpu.vector_load %arg5[%swap3A_1622, %swap3A_1623] {strides = array<i32>} : memref<32x512xf32, #tpu.memory_space<vmem>>, vector<1x16xf32>,
      %swap3A_1625 = vector.shape_cast %swap3A_1624 : vector<1x16xf32> to vector<16xf32>
      %swap3A_1626 = vector.shape_cast %broadcast_in_dim3A_31 : vector<16xf32> to vector<1x16xf32>
      tpu.vector_store %arg5[%swap3A_1622, %swap3A_1623], %swap3A_1626 {strides = array<i32>} : memref<32x512xf32, #tpu.memory_space<vmem>>, vector<1x16xf32>,
      %swap3A_1627 = arith.index_cast %scan3A_1557 : i32 to index
      %swap3A_1628 = arith.constant 224 : index
      %swap3A_1629 = tpu.vector_load %arg5[%swap3A_1627, %swap3A_1628] {strides = array<i32>} : memref<32x512xf32, #tpu.memory_space<vmem>>, vector<1x16xf32>,
      %swap3A_1630 = vector.shape_cast %swap3A_1629 : vector<1x16xf32> to vector<16xf32>
      %swap3A_1631 = vector.shape_cast %broadcast_in_dim3A_31 : vector<16xf32> to vector<1x16xf32>
      tpu.vector_store %arg5[%swap3A_1627, %swap3A_1628], %swap3A_1631 {strides = array<i32>} : memref<32x512xf32, #tpu.memory_space<vmem>>, vector<1x16xf32>,
      %swap3A_1632 = arith.index_cast %scan3A_1557 : i32 to index
      %swap3A_1633 = arith.constant 240 : index
      %swap3A_1634 = tpu.vector_load %arg5[%swap3A_1632, %swap3A_1633] {strides = array<i32>} : memref<32x512xf32, #tpu.memory_space<vmem>>, vector<1x16xf32>,
      %swap3A_1635 = vector.shape_cast %swap3A_1634 : vector<1x16xf32> to vector<16xf32>
      %swap3A_1636 = vector.shape_cast %broadcast_in_dim3A_31 : vector<16xf32> to vector<1x16xf32>
      tpu.vector_store %arg5[%swap3A_1632, %swap3A_1633], %swap3A_1636 {strides = array<i32>} : memref<32x512xf32, #tpu.memory_space<vmem>>, vector<1x16xf32>,
      %swap3A_1637 = arith.index_cast %scan3A_1557 : i32 to index
      %swap3A_1638 = arith.constant 256 : index
      %swap3A_1639 = tpu.vector_load %arg5[%swap3A_1637, %swap3A_1638] {strides = array<i32>} : memref<32x512xf32, #tpu.memory_space<vmem>>, vector<1x16xf32>,
      %swap3A_1640 = vector.shape_cast %swap3A_1639 : vector<1x16xf32> to vector<16xf32>
      %swap3A_1641 = vector.shape_cast %broadcast_in_dim3A_31 : vector<16xf32> to vector<1x16xf32>
      tpu.vector_store %arg5[%swap3A_1637, %swap3A_1638], %swap3A_1641 {strides = array<i32>} : memref<32x512xf32, #tpu.memory_space<vmem>>, vector<1x16xf32>,
      %swap3A_1642 = arith.index_cast %scan3A_1557 : i32 to index
      %swap3A_1643 = arith.constant 272 : index
      %swap3A_1644 = tpu.vector_load %arg5[%swap3A_1642, %swap3A_1643] {strides = array<i32>} : memref<32x512xf32, #tpu.memory_space<vmem>>, vector<1x16xf32>,
      %swap3A_1645 = vector.shape_cast %swap3A_1644 : vector<1x16xf32> to vector<16xf32>
      %swap3A_1646 = vector.shape_cast %broadcast_in_dim3A_31 : vector<16xf32> to vector<1x16xf32>
      tpu.vector_store %arg5[%swap3A_1642, %swap3A_1643], %swap3A_1646 {strides = array<i32>} : memref<32x512xf32, #tpu.memory_space<vmem>>, vector<1x16xf32>,
      %swap3A_1647 = arith.index_cast %scan3A_1557 : i32 to index
      %swap3A_1648 = arith.constant 288 : index
      %swap3A_1649 = tpu.vector_load %arg5[%swap3A_1647, %swap3A_1648] {strides = array<i32>} : memref<32x512xf32, #tpu.memory_space<vmem>>, vector<1x16xf32>,
      %swap3A_1650 = vector.shape_cast %swap3A_1649 : vector<1x16xf32> to vector<16xf32>
      %swap3A_1651 = vector.shape_cast %broadcast_in_dim3A_31 : vector<16xf32> to vector<1x16xf32>
      tpu.vector_store %arg5[%swap3A_1647, %swap3A_1648], %swap3A_1651 {strides = array<i32>} : memref<32x512xf32, #tpu.memory_space<vmem>>, vector<1x16xf32>,
      %swap3A_1652 = arith.index_cast %scan3A_1557 : i32 to index
      %swap3A_1653 = arith.constant 304 : index
      %swap3A_1654 = tpu.vector_load %arg5[%swap3A_1652, %swap3A_1653] {strides = array<i32>} : memref<32x512xf32, #tpu.memory_space<vmem>>, vector<1x16xf32>,
      %swap3A_1655 = vector.shape_cast %swap3A_1654 : vector<1x16xf32> to vector<16xf32>
      %swap3A_1656 = vector.shape_cast %broadcast_in_dim3A_31 : vector<16xf32> to vector<1x16xf32>
      tpu.vector_store %arg5[%swap3A_1652, %swap3A_1653], %swap3A_1656 {strides = array<i32>} : memref<32x512xf32, #tpu.memory_space<vmem>>, vector<1x16xf32>,
      %swap3A_1657 = arith.index_cast %scan3A_1557 : i32 to index
      %swap3A_1658 = arith.constant 320 : index
      %swap3A_1659 = tpu.vector_load %arg5[%swap3A_1657, %swap3A_1658] {strides = array<i32>} : memref<32x512xf32, #tpu.memory_space<vmem>>, vector<1x16xf32>,
      %swap3A_1660 = vector.shape_cast %swap3A_1659 : vector<1x16xf32> to vector<16xf32>
      %swap3A_1661 = vector.shape_cast %broadcast_in_dim3A_31 : vector<16xf32> to vector<1x16xf32>
      tpu.vector_store %arg5[%swap3A_1657, %swap3A_1658], %swap3A_1661 {strides = array<i32>} : memref<32x512xf32, #tpu.memory_space<vmem>>, vector<1x16xf32>,
      %swap3A_1662 = arith.index_cast %scan3A_1557 : i32 to index
      %swap3A_1663 = arith.constant 336 : index
      %swap3A_1664 = tpu.vector_load %arg5[%swap3A_1662, %swap3A_1663] {strides = array<i32>} : memref<32x512xf32, #tpu.memory_space<vmem>>, vector<1x16xf32>,
      %swap3A_1665 = vector.shape_cast %swap3A_1664 : vector<1x16xf32> to vector<16xf32>
      %swap3A_1666 = vector.shape_cast %broadcast_in_dim3A_31 : vector<16xf32> to vector<1x16xf32>
      tpu.vector_store %arg5[%swap3A_1662, %swap3A_1663], %swap3A_1666 {strides = array<i32>} : memref<32x512xf32, #tpu.memory_space<vmem>>, vector<1x16xf32>,
      %swap3A_1667 = arith.index_cast %scan3A_1557 : i32 to index
      %swap3A_1668 = arith.constant 352 : index
      %swap3A_1669 = tpu.vector_load %arg5[%swap3A_1667, %swap3A_1668] {strides = array<i32>} : memref<32x512xf32, #tpu.memory_space<vmem>>, vector<1x16xf32>,
      %swap3A_1670 = vector.shape_cast %swap3A_1669 : vector<1x16xf32> to vector<16xf32>
      %swap3A_1671 = vector.shape_cast %broadcast_in_dim3A_31 : vector<16xf32> to vector<1x16xf32>
      tpu.vector_store %arg5[%swap3A_1667, %swap3A_1668], %swap3A_1671 {strides = array<i32>} : memref<32x512xf32, #tpu.memory_space<vmem>>, vector<1x16xf32>,
      %swap3A_1672 = arith.index_cast %scan3A_1557 : i32 to index
      %swap3A_1673 = arith.constant 368 : index
      %swap3A_1674 = tpu.vector_load %arg5[%swap3A_1672, %swap3A_1673] {strides = array<i32>} : memref<32x512xf32, #tpu.memory_space<vmem>>, vector<1x16xf32>,
      %swap3A_1675 = vector.shape_cast %swap3A_1674 : vector<1x16xf32> to vector<16xf32>
      %swap3A_1676 = vector.shape_cast %broadcast_in_dim3A_31 : vector<16xf32> to vector<1x16xf32>
      tpu.vector_store %arg5[%swap3A_1672, %swap3A_1673], %swap3A_1676 {strides = array<i32>} : memref<32x512xf32, #tpu.memory_space<vmem>>, vector<1x16xf32>,
      %swap3A_1677 = arith.index_cast %scan3A_1557 : i32 to index
      %swap3A_1678 = arith.constant 384 : index
      %swap3A_1679 = tpu.vector_load %arg5[%swap3A_1677, %swap3A_1678] {strides = array<i32>} : memref<32x512xf32, #tpu.memory_space<vmem>>, vector<1x16xf32>,
      %swap3A_1680 = vector.shape_cast %swap3A_1679 : vector<1x16xf32> to vector<16xf32>
      %swap3A_1681 = vector.shape_cast %broadcast_in_dim3A_31 : vector<16xf32> to vector<1x16xf32>
      tpu.vector_store %arg5[%swap3A_1677, %swap3A_1678], %swap3A_1681 {strides = array<i32>} : memref<32x512xf32, #tpu.memory_space<vmem>>, vector<1x16xf32>,
      %swap3A_1682 = arith.index_cast %scan3A_1557 : i32 to index
      %swap3A_1683 = arith.constant 400 : index
      %swap3A_1684 = tpu.vector_load %arg5[%swap3A_1682, %swap3A_1683] {strides = array<i32>} : memref<32x512xf32, #tpu.memory_space<vmem>>, vector<1x16xf32>,
      %swap3A_1685 = vector.shape_cast %swap3A_1684 : vector<1x16xf32> to vector<16xf32>
      %swap3A_1686 = vector.shape_cast %broadcast_in_dim3A_31 : vector<16xf32> to vector<1x16xf32>
      tpu.vector_store %arg5[%swap3A_1682, %swap3A_1683], %swap3A_1686 {strides = array<i32>} : memref<32x512xf32, #tpu.memory_space<vmem>>, vector<1x16xf32>,
      %swap3A_1687 = arith.index_cast %scan3A_1557 : i32 to index
      %swap3A_1688 = arith.constant 416 : index
      %swap3A_1689 = tpu.vector_load %arg5[%swap3A_1687, %swap3A_1688] {strides = array<i32>} : memref<32x512xf32, #tpu.memory_space<vmem>>, vector<1x16xf32>,
      %swap3A_1690 = vector.shape_cast %swap3A_1689 : vector<1x16xf32> to vector<16xf32>
      %swap3A_1691 = vector.shape_cast %broadcast_in_dim3A_31 : vector<16xf32> to vector<1x16xf32>
      tpu.vector_store %arg5[%swap3A_1687, %swap3A_1688], %swap3A_1691 {strides = array<i32>} : memref<32x512xf32, #tpu.memory_space<vmem>>, vector<1x16xf32>,
      %swap3A_1692 = arith.index_cast %scan3A_1557 : i32 to index
      %swap3A_1693 = arith.constant 432 : index
      %swap3A_1694 = tpu.vector_load %arg5[%swap3A_1692, %swap3A_1693] {strides = array<i32>} : memref<32x512xf32, #tpu.memory_space<vmem>>, vector<1x16xf32>,
      %swap3A_1695 = vector.shape_cast %swap3A_1694 : vector<1x16xf32> to vector<16xf32>
      %swap3A_1696 = vector.shape_cast %broadcast_in_dim3A_31 : vector<16xf32> to vector<1x16xf32>
      tpu.vector_store %arg5[%swap3A_1692, %swap3A_1693], %swap3A_1696 {strides = array<i32>} : memref<32x512xf32, #tpu.memory_space<vmem>>, vector<1x16xf32>,
      %swap3A_1697 = arith.index_cast %scan3A_1557 : i32 to index
      %swap3A_1698 = arith.constant 448 : index
      %swap3A_1699 = tpu.vector_load %arg5[%swap3A_1697, %swap3A_1698] {strides = array<i32>} : memref<32x512xf32, #tpu.memory_space<vmem>>, vector<1x16xf32>,
      %swap3A_1700 = vector.shape_cast %swap3A_1699 : vector<1x16xf32> to vector<16xf32>
      %swap3A_1701 = vector.shape_cast %broadcast_in_dim3A_31 : vector<16xf32> to vector<1x16xf32>
      tpu.vector_store %arg5[%swap3A_1697, %swap3A_1698], %swap3A_1701 {strides = array<i32>} : memref<32x512xf32, #tpu.memory_space<vmem>>, vector<1x16xf32>,
      %swap3A_1702 = arith.index_cast %scan3A_1557 : i32 to index
      %swap3A_1703 = arith.constant 464 : index
      %swap3A_1704 = tpu.vector_load %arg5[%swap3A_1702, %swap3A_1703] {strides = array<i32>} : memref<32x512xf32, #tpu.memory_space<vmem>>, vector<1x16xf32>,
      %swap3A_1705 = vector.shape_cast %swap3A_1704 : vector<1x16xf32> to vector<16xf32>
      %swap3A_1706 = vector.shape_cast %broadcast_in_dim3A_31 : vector<16xf32> to vector<1x16xf32>
      tpu.vector_store %arg5[%swap3A_1702, %swap3A_1703], %swap3A_1706 {strides = array<i32>} : memref<32x512xf32, #tpu.memory_space<vmem>>, vector<1x16xf32>,
      %swap3A_1707 = arith.index_cast %scan3A_1557 : i32 to index
      %swap3A_1708 = arith.constant 480 : index
      %swap3A_1709 = tpu.vector_load %arg5[%swap3A_1707, %swap3A_1708] {strides = array<i32>} : memref<32x512xf32, #tpu.memory_space<vmem>>, vector<1x16xf32>,
      %swap3A_1710 = vector.shape_cast %swap3A_1709 : vector<1x16xf32> to vector<16xf32>
      %swap3A_1711 = vector.shape_cast %broadcast_in_dim3A_31 : vector<16xf32> to vector<1x16xf32>
      tpu.vector_store %arg5[%swap3A_1707, %swap3A_1708], %swap3A_1711 {strides = array<i32>} : memref<32x512xf32, #tpu.memory_space<vmem>>, vector<1x16xf32>,
      %swap3A_1712 = arith.index_cast %scan3A_1557 : i32 to index
      %swap3A_1713 = arith.constant 496 : index
      %swap3A_1714 = tpu.vector_load %arg5[%swap3A_1712, %swap3A_1713] {strides = array<i32>} : memref<32x512xf32, #tpu.memory_space<vmem>>, vector<1x16xf32>,
      %swap3A_1715 = vector.shape_cast %swap3A_1714 : vector<1x16xf32> to vector<16xf32>
      %swap3A_1716 = vector.shape_cast %broadcast_in_dim3A_31 : vector<16xf32> to vector<1x16xf32>
      tpu.vector_store %arg5[%swap3A_1712, %swap3A_1713], %swap3A_1716 {strides = array<i32>} : memref<32x512xf32, #tpu.memory_space<vmem>>, vector<1x16xf32>,
    }
    %scan3A_37 = arith.constant 32 : i32
    %dma_start3A_38 = arith.constant 0 : i32
    %dma_start3A_39 = arith.constant 0 : i32
    %dma_start3A_40 = tpu.memref_slice %arg3[%add3A_4, %dma_start3A_38, %dma_start3A_39] : memref<64x1024x1024xf32, #tpu.memory_space<hbm>> -> memref<1x32x1024xf32, #tpu.memory_space<hbm>>
    %dma_start3A_41 = tpu.memref_squeeze %dma_start3A_40 : memref<1x32x1024xf32, #tpu.memory_space<hbm>> -> memref<32x1024xf32, #tpu.memory_space<hbm>>
    %dma_start3A_42 = arith.constant 0 : i32
    %dma_start3A_43 = arith.constant 0 : i32
    %dma_start3A_44 = tpu.memref_slice %arg3[%add3A_4, %dma_start3A_42, %dma_start3A_43] : memref<64x1024x1024xf32, #tpu.memory_space<hbm>> -> memref<1x32x1024xf32, #tpu.memory_space<hbm>>
    %dma_start3A_45 = tpu.memref_squeeze %dma_start3A_44 : memref<1x32x1024xf32, #tpu.memory_space<hbm>> -> memref<32x1024xf32, #tpu.memory_space<hbm>>
    tpu.enqueue_dma source(%arg4 : memref<32x1024xf32, #tpu.memory_space<vmem>>) target(%dma_start3A_45 : memref<32x1024xf32, #tpu.memory_space<hbm>>) target_semaphore(%arg8 : memref<!tpu.dma_semaphore, #tpu.memory_space<semaphore_mem>>)
    %dma_start3A_46 = arith.constant 32 : i32
    %dma_start3A_47 = arith.constant 0 : i32
    %dma_start3A_48 = tpu.memref_slice %arg3[%add3A_4, %dma_start3A_46, %dma_start3A_47] : memref<64x1024x1024xf32, #tpu.memory_space<hbm>> -> memref<1x32x1024xf32, #tpu.memory_space<hbm>>
    %dma_start3A_49 = tpu.memref_squeeze %dma_start3A_48 : memref<1x32x1024xf32, #tpu.memory_space<hbm>> -> memref<32x1024xf32, #tpu.memory_space<hbm>>
    %dma_start3A_50 = arith.constant 32 : i32
    %dma_start3A_51 = arith.constant 0 : i32
    %dma_start3A_52 = tpu.memref_slice %arg3[%add3A_4, %dma_start3A_50, %dma_start3A_51] : memref<64x1024x1024xf32, #tpu.memory_space<hbm>> -> memref<1x32x1024xf32, #tpu.memory_space<hbm>>
    %dma_start3A_53 = tpu.memref_squeeze %dma_start3A_52 : memref<1x32x1024xf32, #tpu.memory_space<hbm>> -> memref<32x1024xf32, #tpu.memory_space<hbm>>
    tpu.enqueue_dma source(%arg4 : memref<32x1024xf32, #tpu.memory_space<vmem>>) target(%dma_start3A_53 : memref<32x1024xf32, #tpu.memory_space<hbm>>) target_semaphore(%arg8 : memref<!tpu.dma_semaphore, #tpu.memory_space<semaphore_mem>>)
    %dma_start3A_54 = arith.constant 64 : i32
    %dma_start3A_55 = arith.constant 0 : i32
    %dma_start3A_56 = tpu.memref_slice %arg3[%add3A_4, %dma_start3A_54, %dma_start3A_55] : memref<64x1024x1024xf32, #tpu.memory_space<hbm>> -> memref<1x32x1024xf32, #tpu.memory_space<hbm>>
    %dma_start3A_57 = tpu.memref_squeeze %dma_start3A_56 : memref<1x32x1024xf32, #tpu.memory_space<hbm>> -> memref<32x1024xf32, #tpu.memory_space<hbm>>
    %dma_start3A_58 = arith.constant 64 : i32
    %dma_start3A_59 = arith.constant 0 : i32
    %dma_start3A_60 = tpu.memref_slice %arg3[%add3A_4, %dma_start3A_58, %dma_start3A_59] : memref<64x1024x1024xf32, #tpu.memory_space<hbm>> -> memref<1x32x1024xf32, #tpu.memory_space<hbm>>
    %dma_start3A_61 = tpu.memref_squeeze %dma_start3A_60 : memref<1x32x1024xf32, #tpu.memory_space<hbm>> -> memref<32x1024xf32, #tpu.memory_space<hbm>>
    tpu.enqueue_dma source(%arg4 : memref<32x1024xf32, #tpu.memory_space<vmem>>) target(%dma_start3A_61 : memref<32x1024xf32, #tpu.memory_space<hbm>>) target_semaphore(%arg8 : memref<!tpu.dma_semaphore, #tpu.memory_space<semaphore_mem>>)
    %dma_start3A_62 = arith.constant 96 : i32
    %dma_start3A_63 = arith.constant 0 : i32
    %dma_start3A_64 = tpu.memref_slice %arg3[%add3A_4, %dma_start3A_62, %dma_start3A_63] : memref<64x1024x1024xf32, #tpu.memory_space<hbm>> -> memref<1x32x1024xf32, #tpu.memory_space<hbm>>
    %dma_start3A_65 = tpu.memref_squeeze %dma_start3A_64 : memref<1x32x1024xf32, #tpu.memory_space<hbm>> -> memref<32x1024xf32, #tpu.memory_space<hbm>>
    %dma_start3A_66 = arith.constant 96 : i32
    %dma_start3A_67 = arith.constant 0 : i32
    %dma_start3A_68 = tpu.memref_slice %arg3[%add3A_4, %dma_start3A_66, %dma_start3A_67] : memref<64x1024x1024xf32, #tpu.memory_space<hbm>> -> memref<1x32x1024xf32, #tpu.memory_space<hbm>>
    %dma_start3A_69 = tpu.memref_squeeze %dma_start3A_68 : memref<1x32x1024xf32, #tpu.memory_space<hbm>> -> memref<32x1024xf32, #tpu.memory_space<hbm>>
    tpu.enqueue_dma source(%arg4 : memref<32x1024xf32, #tpu.memory_space<vmem>>) target(%dma_start3A_69 : memref<32x1024xf32, #tpu.memory_space<hbm>>) target_semaphore(%arg8 : memref<!tpu.dma_semaphore, #tpu.memory_space<semaphore_mem>>)
    %dma_start3A_70 = arith.constant 128 : i32
    %dma_start3A_71 = arith.constant 0 : i32
    %dma_start3A_72 = tpu.memref_slice %arg3[%add3A_4, %dma_start3A_70, %dma_start3A_71] : memref<64x1024x1024xf32, #tpu.memory_space<hbm>> -> memref<1x32x1024xf32, #tpu.memory_space<hbm>>
    %dma_start3A_73 = tpu.memref_squeeze %dma_start3A_72 : memref<1x32x1024xf32, #tpu.memory_space<hbm>> -> memref<32x1024xf32, #tpu.memory_space<hbm>>
    %dma_start3A_74 = arith.constant 128 : i32
    %dma_start3A_75 = arith.constant 0 : i32
    %dma_start3A_76 = tpu.memref_slice %arg3[%add3A_4, %dma_start3A_74, %dma_start3A_75] : memref<64x1024x1024xf32, #tpu.memory_space<hbm>> -> memref<1x32x1024xf32, #tpu.memory_space<hbm>>
    %dma_start3A_77 = tpu.memref_squeeze %dma_start3A_76 : memref<1x32x1024xf32, #tpu.memory_space<hbm>> -> memref<32x1024xf32, #tpu.memory_space<hbm>>
    tpu.enqueue_dma source(%arg4 : memref<32x1024xf32, #tpu.memory_space<vmem>>) target(%dma_start3A_77 : memref<32x1024xf32, #tpu.memory_space<hbm>>) target_semaphore(%arg8 : memref<!tpu.dma_semaphore, #tpu.memory_space<semaphore_mem>>)
    %dma_start3A_78 = arith.constant 160 : i32
    %dma_start3A_79 = arith.constant 0 : i32
    %dma_start3A_80 = tpu.memref_slice %arg3[%add3A_4, %dma_start3A_78, %dma_start3A_79] : memref<64x1024x1024xf32, #tpu.memory_space<hbm>> -> memref<1x32x1024xf32, #tpu.memory_space<hbm>>
    %dma_start3A_81 = tpu.memref_squeeze %dma_start3A_80 : memref<1x32x1024xf32, #tpu.memory_space<hbm>> -> memref<32x1024xf32, #tpu.memory_space<hbm>>
    %dma_start3A_82 = arith.constant 160 : i32
    %dma_start3A_83 = arith.constant 0 : i32
    %dma_start3A_84 = tpu.memref_slice %arg3[%add3A_4, %dma_start3A_82, %dma_start3A_83] : memref<64x1024x1024xf32, #tpu.memory_space<hbm>> -> memref<1x32x1024xf32, #tpu.memory_space<hbm>>
    %dma_start3A_85 = tpu.memref_squeeze %dma_start3A_84 : memref<1x32x1024xf32, #tpu.memory_space<hbm>> -> memref<32x1024xf32, #tpu.memory_space<hbm>>
    tpu.enqueue_dma source(%arg4 : memref<32x1024xf32, #tpu.memory_space<vmem>>) target(%dma_start3A_85 : memref<32x1024xf32, #tpu.memory_space<hbm>>) target_semaphore(%arg8 : memref<!tpu.dma_semaphore, #tpu.memory_space<semaphore_mem>>)
    %dma_start3A_86 = arith.constant 192 : i32
    %dma_start3A_87 = arith.constant 0 : i32
    %dma_start3A_88 = tpu.memref_slice %arg3[%add3A_4, %dma_start3A_86, %dma_start3A_87] : memref<64x1024x1024xf32, #tpu.memory_space<hbm>> -> memref<1x32x1024xf32, #tpu.memory_space<hbm>>
    %dma_start3A_89 = tpu.memref_squeeze %dma_start3A_88 : memref<1x32x1024xf32, #tpu.memory_space<hbm>> -> memref<32x1024xf32, #tpu.memory_space<hbm>>
    %dma_start3A_90 = arith.constant 192 : i32
    %dma_start3A_91 = arith.constant 0 : i32
    %dma_start3A_92 = tpu.memref_slice %arg3[%add3A_4, %dma_start3A_90, %dma_start3A_91] : memref<64x1024x1024xf32, #tpu.memory_space<hbm>> -> memref<1x32x1024xf32, #tpu.memory_space<hbm>>
    %dma_start3A_93 = tpu.memref_squeeze %dma_start3A_92 : memref<1x32x1024xf32, #tpu.memory_space<hbm>> -> memref<32x1024xf32, #tpu.memory_space<hbm>>
    tpu.enqueue_dma source(%arg4 : memref<32x1024xf32, #tpu.memory_space<vmem>>) target(%dma_start3A_93 : memref<32x1024xf32, #tpu.memory_space<hbm>>) target_semaphore(%arg8 : memref<!tpu.dma_semaphore, #tpu.memory_space<semaphore_mem>>)
    %dma_start3A_94 = arith.constant 224 : i32
    %dma_start3A_95 = arith.constant 0 : i32
    %dma_start3A_96 = tpu.memref_slice %arg3[%add3A_4, %dma_start3A_94, %dma_start3A_95] : memref<64x1024x1024xf32, #tpu.memory_space<hbm>> -> memref<1x32x1024xf32, #tpu.memory_space<hbm>>
    %dma_start3A_97 = tpu.memref_squeeze %dma_start3A_96 : memref<1x32x1024xf32, #tpu.memory_space<hbm>> -> memref<32x1024xf32, #tpu.memory_space<hbm>>
    %dma_start3A_98 = arith.constant 224 : i32
    %dma_start3A_99 = arith.constant 0 : i32
    %dma_start3A_100 = tpu.memref_slice %arg3[%add3A_4, %dma_start3A_98, %dma_start3A_99] : memref<64x1024x1024xf32, #tpu.memory_space<hbm>> -> memref<1x32x1024xf32, #tpu.memory_space<hbm>>
    %dma_start3A_101 = tpu.memref_squeeze %dma_start3A_100 : memref<1x32x1024xf32, #tpu.memory_space<hbm>> -> memref<32x1024xf32, #tpu.memory_space<hbm>>
    tpu.enqueue_dma source(%arg4 : memref<32x1024xf32, #tpu.memory_space<vmem>>) target(%dma_start3A_101 : memref<32x1024xf32, #tpu.memory_space<hbm>>) target_semaphore(%arg8 : memref<!tpu.dma_semaphore, #tpu.memory_space<semaphore_mem>>)
    %dma_start3A_102 = arith.constant 256 : i32
    %dma_start3A_103 = arith.constant 0 : i32
    %dma_start3A_104 = tpu.memref_slice %arg3[%add3A_4, %dma_start3A_102, %dma_start3A_103] : memref<64x1024x1024xf32, #tpu.memory_space<hbm>> -> memref<1x32x1024xf32, #tpu.memory_space<hbm>>
    %dma_start3A_105 = tpu.memref_squeeze %dma_start3A_104 : memref<1x32x1024xf32, #tpu.memory_space<hbm>> -> memref<32x1024xf32, #tpu.memory_space<hbm>>
    %dma_start3A_106 = arith.constant 256 : i32
    %dma_start3A_107 = arith.constant 0 : i32
    %dma_start3A_108 = tpu.memref_slice %arg3[%add3A_4, %dma_start3A_106, %dma_start3A_107] : memref<64x1024x1024xf32, #tpu.memory_space<hbm>> -> memref<1x32x1024xf32, #tpu.memory_space<hbm>>
    %dma_start3A_109 = tpu.memref_squeeze %dma_start3A_108 : memref<1x32x1024xf32, #tpu.memory_space<hbm>> -> memref<32x1024xf32, #tpu.memory_space<hbm>>
    tpu.enqueue_dma source(%arg4 : memref<32x1024xf32, #tpu.memory_space<vmem>>) target(%dma_start3A_109 : memref<32x1024xf32, #tpu.memory_space<hbm>>) target_semaphore(%arg8 : memref<!tpu.dma_semaphore, #tpu.memory_space<semaphore_mem>>)
    %dma_start3A_110 = arith.constant 288 : i32
    %dma_start3A_111 = arith.constant 0 : i32
    %dma_start3A_112 = tpu.memref_slice %arg3[%add3A_4, %dma_start3A_110, %dma_start3A_111] : memref<64x1024x1024xf32, #tpu.memory_space<hbm>> -> memref<1x32x1024xf32, #tpu.memory_space<hbm>>
    %dma_start3A_113 = tpu.memref_squeeze %dma_start3A_112 : memref<1x32x1024xf32, #tpu.memory_space<hbm>> -> memref<32x1024xf32, #tpu.memory_space<hbm>>
    %dma_start3A_114 = arith.constant 288 : i32
    %dma_start3A_115 = arith.constant 0 : i32
    %dma_start3A_116 = tpu.memref_slice %arg3[%add3A_4, %dma_start3A_114, %dma_start3A_115] : memref<64x1024x1024xf32, #tpu.memory_space<hbm>> -> memref<1x32x1024xf32, #tpu.memory_space<hbm>>
    %dma_start3A_117 = tpu.memref_squeeze %dma_start3A_116 : memref<1x32x1024xf32, #tpu.memory_space<hbm>> -> memref<32x1024xf32, #tpu.memory_space<hbm>>
    tpu.enqueue_dma source(%arg4 : memref<32x1024xf32, #tpu.memory_space<vmem>>) target(%dma_start3A_117 : memref<32x1024xf32, #tpu.memory_space<hbm>>) target_semaphore(%arg8 : memref<!tpu.dma_semaphore, #tpu.memory_space<semaphore_mem>>)
    %dma_start3A_118 = arith.constant 320 : i32
    %dma_start3A_119 = arith.constant 0 : i32
    %dma_start3A_120 = tpu.memref_slice %arg3[%add3A_4, %dma_start3A_118, %dma_start3A_119] : memref<64x1024x1024xf32, #tpu.memory_space<hbm>> -> memref<1x32x1024xf32, #tpu.memory_space<hbm>>
    %dma_start3A_121 = tpu.memref_squeeze %dma_start3A_120 : memref<1x32x1024xf32, #tpu.memory_space<hbm>> -> memref<32x1024xf32, #tpu.memory_space<hbm>>
    %dma_start3A_122 = arith.constant 320 : i32
    %dma_start3A_123 = arith.constant 0 : i32
    %dma_start3A_124 = tpu.memref_slice %arg3[%add3A_4, %dma_start3A_122, %dma_start3A_123] : memref<64x1024x1024xf32, #tpu.memory_space<hbm>> -> memref<1x32x1024xf32, #tpu.memory_space<hbm>>
    %dma_start3A_125 = tpu.memref_squeeze %dma_start3A_124 : memref<1x32x1024xf32, #tpu.memory_space<hbm>> -> memref<32x1024xf32, #tpu.memory_space<hbm>>
    tpu.enqueue_dma source(%arg4 : memref<32x1024xf32, #tpu.memory_space<vmem>>) target(%dma_start3A_125 : memref<32x1024xf32, #tpu.memory_space<hbm>>) target_semaphore(%arg8 : memref<!tpu.dma_semaphore, #tpu.memory_space<semaphore_mem>>)
    %dma_start3A_126 = arith.constant 352 : i32
    %dma_start3A_127 = arith.constant 0 : i32
    %dma_start3A_128 = tpu.memref_slice %arg3[%add3A_4, %dma_start3A_126, %dma_start3A_127] : memref<64x1024x1024xf32, #tpu.memory_space<hbm>> -> memref<1x32x1024xf32, #tpu.memory_space<hbm>>
    %dma_start3A_129 = tpu.memref_squeeze %dma_start3A_128 : memref<1x32x1024xf32, #tpu.memory_space<hbm>> -> memref<32x1024xf32, #tpu.memory_space<hbm>>
    %dma_start3A_130 = arith.constant 352 : i32
    %dma_start3A_131 = arith.constant 0 : i32
    %dma_start3A_132 = tpu.memref_slice %arg3[%add3A_4, %dma_start3A_130, %dma_start3A_131] : memref<64x1024x1024xf32, #tpu.memory_space<hbm>> -> memref<1x32x1024xf32, #tpu.memory_space<hbm>>
    %dma_start3A_133 = tpu.memref_squeeze %dma_start3A_132 : memref<1x32x1024xf32, #tpu.memory_space<hbm>> -> memref<32x1024xf32, #tpu.memory_space<hbm>>
    tpu.enqueue_dma source(%arg4 : memref<32x1024xf32, #tpu.memory_space<vmem>>) target(%dma_start3A_133 : memref<32x1024xf32, #tpu.memory_space<hbm>>) target_semaphore(%arg8 : memref<!tpu.dma_semaphore, #tpu.memory_space<semaphore_mem>>)
    %dma_start3A_134 = arith.constant 384 : i32
    %dma_start3A_135 = arith.constant 0 : i32
    %dma_start3A_136 = tpu.memref_slice %arg3[%add3A_4, %dma_start3A_134, %dma_start3A_135] : memref<64x1024x1024xf32, #tpu.memory_space<hbm>> -> memref<1x32x1024xf32, #tpu.memory_space<hbm>>
    %dma_start3A_137 = tpu.memref_squeeze %dma_start3A_136 : memref<1x32x1024xf32, #tpu.memory_space<hbm>> -> memref<32x1024xf32, #tpu.memory_space<hbm>>
    %dma_start3A_138 = arith.constant 384 : i32
    %dma_start3A_139 = arith.constant 0 : i32
    %dma_start3A_140 = tpu.memref_slice %arg3[%add3A_4, %dma_start3A_138, %dma_start3A_139] : memref<64x1024x1024xf32, #tpu.memory_space<hbm>> -> memref<1x32x1024xf32, #tpu.memory_space<hbm>>
    %dma_start3A_141 = tpu.memref_squeeze %dma_start3A_140 : memref<1x32x1024xf32, #tpu.memory_space<hbm>> -> memref<32x1024xf32, #tpu.memory_space<hbm>>
    tpu.enqueue_dma source(%arg4 : memref<32x1024xf32, #tpu.memory_space<vmem>>) target(%dma_start3A_141 : memref<32x1024xf32, #tpu.memory_space<hbm>>) target_semaphore(%arg8 : memref<!tpu.dma_semaphore, #tpu.memory_space<semaphore_mem>>)
    %dma_start3A_142 = arith.constant 416 : i32
    %dma_start3A_143 = arith.constant 0 : i32
    %dma_start3A_144 = tpu.memref_slice %arg3[%add3A_4, %dma_start3A_142, %dma_start3A_143] : memref<64x1024x1024xf32, #tpu.memory_space<hbm>> -> memref<1x32x1024xf32, #tpu.memory_space<hbm>>
    %dma_start3A_145 = tpu.memref_squeeze %dma_start3A_144 : memref<1x32x1024xf32, #tpu.memory_space<hbm>> -> memref<32x1024xf32, #tpu.memory_space<hbm>>
    %dma_start3A_146 = arith.constant 416 : i32
    %dma_start3A_147 = arith.constant 0 : i32
    %dma_start3A_148 = tpu.memref_slice %arg3[%add3A_4, %dma_start3A_146, %dma_start3A_147] : memref<64x1024x1024xf32, #tpu.memory_space<hbm>> -> memref<1x32x1024xf32, #tpu.memory_space<hbm>>
    %dma_start3A_149 = tpu.memref_squeeze %dma_start3A_148 : memref<1x32x1024xf32, #tpu.memory_space<hbm>> -> memref<32x1024xf32, #tpu.memory_space<hbm>>
    tpu.enqueue_dma source(%arg4 : memref<32x1024xf32, #tpu.memory_space<vmem>>) target(%dma_start3A_149 : memref<32x1024xf32, #tpu.memory_space<hbm>>) target_semaphore(%arg8 : memref<!tpu.dma_semaphore, #tpu.memory_space<semaphore_mem>>)
    %dma_start3A_150 = arith.constant 448 : i32
    %dma_start3A_151 = arith.constant 0 : i32
    %dma_start3A_152 = tpu.memref_slice %arg3[%add3A_4, %dma_start3A_150, %dma_start3A_151] : memref<64x1024x1024xf32, #tpu.memory_space<hbm>> -> memref<1x32x1024xf32, #tpu.memory_space<hbm>>
    %dma_start3A_153 = tpu.memref_squeeze %dma_start3A_152 : memref<1x32x1024xf32, #tpu.memory_space<hbm>> -> memref<32x1024xf32, #tpu.memory_space<hbm>>
    %dma_start3A_154 = arith.constant 448 : i32
    %dma_start3A_155 = arith.constant 0 : i32
    %dma_start3A_156 = tpu.memref_slice %arg3[%add3A_4, %dma_start3A_154, %dma_start3A_155] : memref<64x1024x1024xf32, #tpu.memory_space<hbm>> -> memref<1x32x1024xf32, #tpu.memory_space<hbm>>
    %dma_start3A_157 = tpu.memref_squeeze %dma_start3A_156 : memref<1x32x1024xf32, #tpu.memory_space<hbm>> -> memref<32x1024xf32, #tpu.memory_space<hbm>>
    tpu.enqueue_dma source(%arg4 : memref<32x1024xf32, #tpu.memory_space<vmem>>) target(%dma_start3A_157 : memref<32x1024xf32, #tpu.memory_space<hbm>>) target_semaphore(%arg8 : memref<!tpu.dma_semaphore, #tpu.memory_space<semaphore_mem>>)
    %dma_start3A_158 = arith.constant 480 : i32
    %dma_start3A_159 = arith.constant 0 : i32
    %dma_start3A_160 = tpu.memref_slice %arg3[%add3A_4, %dma_start3A_158, %dma_start3A_159] : memref<64x1024x1024xf32, #tpu.memory_space<hbm>> -> memref<1x32x1024xf32, #tpu.memory_space<hbm>>
    %dma_start3A_161 = tpu.memref_squeeze %dma_start3A_160 : memref<1x32x1024xf32, #tpu.memory_space<hbm>> -> memref<32x1024xf32, #tpu.memory_space<hbm>>
    %dma_start3A_162 = arith.constant 480 : i32
    %dma_start3A_163 = arith.constant 0 : i32
    %dma_start3A_164 = tpu.memref_slice %arg3[%add3A_4, %dma_start3A_162, %dma_start3A_163] : memref<64x1024x1024xf32, #tpu.memory_space<hbm>> -> memref<1x32x1024xf32, #tpu.memory_space<hbm>>
    %dma_start3A_165 = tpu.memref_squeeze %dma_start3A_164 : memref<1x32x1024xf32, #tpu.memory_space<hbm>> -> memref<32x1024xf32, #tpu.memory_space<hbm>>
    tpu.enqueue_dma source(%arg4 : memref<32x1024xf32, #tpu.memory_space<vmem>>) target(%dma_start3A_165 : memref<32x1024xf32, #tpu.memory_space<hbm>>) target_semaphore(%arg8 : memref<!tpu.dma_semaphore, #tpu.memory_space<semaphore_mem>>)
    %dma_start3A_166 = arith.constant 512 : i32
    %dma_start3A_167 = arith.constant 0 : i32
    %dma_start3A_168 = tpu.memref_slice %arg3[%add3A_4, %dma_start3A_166, %dma_start3A_167] : memref<64x1024x1024xf32, #tpu.memory_space<hbm>> -> memref<1x32x512xf32, #tpu.memory_space<hbm>>
    %dma_start3A_169 = tpu.memref_squeeze %dma_start3A_168 : memref<1x32x512xf32, #tpu.memory_space<hbm>> -> memref<32x512xf32, #tpu.memory_space<hbm>>
    %dma_start3A_170 = arith.constant 512 : i32
    %dma_start3A_171 = arith.constant 0 : i32
    %dma_start3A_172 = tpu.memref_slice %arg3[%add3A_4, %dma_start3A_170, %dma_start3A_171] : memref<64x1024x1024xf32, #tpu.memory_space<hbm>> -> memref<1x32x512xf32, #tpu.memory_space<hbm>>
    %dma_start3A_173 = tpu.memref_squeeze %dma_start3A_172 : memref<1x32x512xf32, #tpu.memory_space<hbm>> -> memref<32x512xf32, #tpu.memory_space<hbm>>
    tpu.enqueue_dma source(%arg5 : memref<32x512xf32, #tpu.memory_space<vmem>>) target(%dma_start3A_173 : memref<32x512xf32, #tpu.memory_space<hbm>>) target_semaphore(%arg8 : memref<!tpu.dma_semaphore, #tpu.memory_space<semaphore_mem>>)
    %dma_start3A_174 = arith.constant 544 : i32
    %dma_start3A_175 = arith.constant 0 : i32
    %dma_start3A_176 = tpu.memref_slice %arg3[%add3A_4, %dma_start3A_174, %dma_start3A_175] : memref<64x1024x1024xf32, #tpu.memory_space<hbm>> -> memref<1x32x512xf32, #tpu.memory_space<hbm>>
    %dma_start3A_177 = tpu.memref_squeeze %dma_start3A_176 : memref<1x32x512xf32, #tpu.memory_space<hbm>> -> memref<32x512xf32, #tpu.memory_space<hbm>>
    %dma_start3A_178 = arith.constant 544 : i32
    %dma_start3A_179 = arith.constant 0 : i32
    %dma_start3A_180 = tpu.memref_slice %arg3[%add3A_4, %dma_start3A_178, %dma_start3A_179] : memref<64x1024x1024xf32, #tpu.memory_space<hbm>> -> memref<1x32x512xf32, #tpu.memory_space<hbm>>
    %dma_start3A_181 = tpu.memref_squeeze %dma_start3A_180 : memref<1x32x512xf32, #tpu.memory_space<hbm>> -> memref<32x512xf32, #tpu.memory_space<hbm>>
    tpu.enqueue_dma source(%arg5 : memref<32x512xf32, #tpu.memory_space<vmem>>) target(%dma_start3A_181 : memref<32x512xf32, #tpu.memory_space<hbm>>) target_semaphore(%arg8 : memref<!tpu.dma_semaphore, #tpu.memory_space<semaphore_mem>>)
    %dma_start3A_182 = arith.constant 576 : i32
    %dma_start3A_183 = arith.constant 0 : i32
    %dma_start3A_184 = tpu.memref_slice %arg3[%add3A_4, %dma_start3A_182, %dma_start3A_183] : memref<64x1024x1024xf32, #tpu.memory_space<hbm>> -> memref<1x32x512xf32, #tpu.memory_space<hbm>>
    %dma_start3A_185 = tpu.memref_squeeze %dma_start3A_184 : memref<1x32x512xf32, #tpu.memory_space<hbm>> -> memref<32x512xf32, #tpu.memory_space<hbm>>
    %dma_start3A_186 = arith.constant 576 : i32
    %dma_start3A_187 = arith.constant 0 : i32
    %dma_start3A_188 = tpu.memref_slice %arg3[%add3A_4, %dma_start3A_186, %dma_start3A_187] : memref<64x1024x1024xf32, #tpu.memory_space<hbm>> -> memref<1x32x512xf32, #tpu.memory_space<hbm>>
    %dma_start3A_189 = tpu.memref_squeeze %dma_start3A_188 : memref<1x32x512xf32, #tpu.memory_space<hbm>> -> memref<32x512xf32, #tpu.memory_space<hbm>>
    tpu.enqueue_dma source(%arg5 : memref<32x512xf32, #tpu.memory_space<vmem>>) target(%dma_start3A_189 : memref<32x512xf32, #tpu.memory_space<hbm>>) target_semaphore(%arg8 : memref<!tpu.dma_semaphore, #tpu.memory_space<semaphore_mem>>)
    %dma_start3A_190 = arith.constant 608 : i32
    %dma_start3A_191 = arith.constant 0 : i32
    %dma_start3A_192 = tpu.memref_slice %arg3[%add3A_4, %dma_start3A_190, %dma_start3A_191] : memref<64x1024x1024xf32, #tpu.memory_space<hbm>> -> memref<1x32x512xf32, #tpu.memory_space<hbm>>
    %dma_start3A_193 = tpu.memref_squeeze %dma_start3A_192 : memref<1x32x512xf32, #tpu.memory_space<hbm>> -> memref<32x512xf32, #tpu.memory_space<hbm>>
    %dma_start3A_194 = arith.constant 608 : i32
    %dma_start3A_195 = arith.constant 0 : i32
    %dma_start3A_196 = tpu.memref_slice %arg3[%add3A_4, %dma_start3A_194, %dma_start3A_195] : memref<64x1024x1024xf32, #tpu.memory_space<hbm>> -> memref<1x32x512xf32, #tpu.memory_space<hbm>>
    %dma_start3A_197 = tpu.memref_squeeze %dma_start3A_196 : memref<1x32x512xf32, #tpu.memory_space<hbm>> -> memref<32x512xf32, #tpu.memory_space<hbm>>
    tpu.enqueue_dma source(%arg5 : memref<32x512xf32, #tpu.memory_space<vmem>>) target(%dma_start3A_197 : memref<32x512xf32, #tpu.memory_space<hbm>>) target_semaphore(%arg8 : memref<!tpu.dma_semaphore, #tpu.memory_space<semaphore_mem>>)
    %dma_start3A_198 = arith.constant 640 : i32
    %dma_start3A_199 = arith.constant 0 : i32
    %dma_start3A_200 = tpu.memref_slice %arg3[%add3A_4, %dma_start3A_198, %dma_start3A_199] : memref<64x1024x1024xf32, #tpu.memory_space<hbm>> -> memref<1x32x512xf32, #tpu.memory_space<hbm>>
    %dma_start3A_201 = tpu.memref_squeeze %dma_start3A_200 : memref<1x32x512xf32, #tpu.memory_space<hbm>> -> memref<32x512xf32, #tpu.memory_space<hbm>>
    %dma_start3A_202 = arith.constant 640 : i32
    %dma_start3A_203 = arith.constant 0 : i32
    %dma_start3A_204 = tpu.memref_slice %arg3[%add3A_4, %dma_start3A_202, %dma_start3A_203] : memref<64x1024x1024xf32, #tpu.memory_space<hbm>> -> memref<1x32x512xf32, #tpu.memory_space<hbm>>
    %dma_start3A_205 = tpu.memref_squeeze %dma_start3A_204 : memref<1x32x512xf32, #tpu.memory_space<hbm>> -> memref<32x512xf32, #tpu.memory_space<hbm>>
    tpu.enqueue_dma source(%arg5 : memref<32x512xf32, #tpu.memory_space<vmem>>) target(%dma_start3A_205 : memref<32x512xf32, #tpu.memory_space<hbm>>) target_semaphore(%arg8 : memref<!tpu.dma_semaphore, #tpu.memory_space<semaphore_mem>>)
    %dma_start3A_206 = arith.constant 672 : i32
    %dma_start3A_207 = arith.constant 0 : i32
    %dma_start3A_208 = tpu.memref_slice %arg3[%add3A_4, %dma_start3A_206, %dma_start3A_207] : memref<64x1024x1024xf32, #tpu.memory_space<hbm>> -> memref<1x32x512xf32, #tpu.memory_space<hbm>>
    %dma_start3A_209 = tpu.memref_squeeze %dma_start3A_208 : memref<1x32x512xf32, #tpu.memory_space<hbm>> -> memref<32x512xf32, #tpu.memory_space<hbm>>
    %dma_start3A_210 = arith.constant 672 : i32
    %dma_start3A_211 = arith.constant 0 : i32
    %dma_start3A_212 = tpu.memref_slice %arg3[%add3A_4, %dma_start3A_210, %dma_start3A_211] : memref<64x1024x1024xf32, #tpu.memory_space<hbm>> -> memref<1x32x512xf32, #tpu.memory_space<hbm>>
    %dma_start3A_213 = tpu.memref_squeeze %dma_start3A_212 : memref<1x32x512xf32, #tpu.memory_space<hbm>> -> memref<32x512xf32, #tpu.memory_space<hbm>>
    tpu.enqueue_dma source(%arg5 : memref<32x512xf32, #tpu.memory_space<vmem>>) target(%dma_start3A_213 : memref<32x512xf32, #tpu.memory_space<hbm>>) target_semaphore(%arg8 : memref<!tpu.dma_semaphore, #tpu.memory_space<semaphore_mem>>)
    %dma_start3A_214 = arith.constant 704 : i32
    %dma_start3A_215 = arith.constant 0 : i32
    %dma_start3A_216 = tpu.memref_slice %arg3[%add3A_4, %dma_start3A_214, %dma_start3A_215] : memref<64x1024x1024xf32, #tpu.memory_space<hbm>> -> memref<1x32x512xf32, #tpu.memory_space<hbm>>
    %dma_start3A_217 = tpu.memref_squeeze %dma_start3A_216 : memref<1x32x512xf32, #tpu.memory_space<hbm>> -> memref<32x512xf32, #tpu.memory_space<hbm>>
    %dma_start3A_218 = arith.constant 704 : i32
    %dma_start3A_219 = arith.constant 0 : i32
    %dma_start3A_220 = tpu.memref_slice %arg3[%add3A_4, %dma_start3A_218, %dma_start3A_219] : memref<64x1024x1024xf32, #tpu.memory_space<hbm>> -> memref<1x32x512xf32, #tpu.memory_space<hbm>>
    %dma_start3A_221 = tpu.memref_squeeze %dma_start3A_220 : memref<1x32x512xf32, #tpu.memory_space<hbm>> -> memref<32x512xf32, #tpu.memory_space<hbm>>
    tpu.enqueue_dma source(%arg5 : memref<32x512xf32, #tpu.memory_space<vmem>>) target(%dma_start3A_221 : memref<32x512xf32, #tpu.memory_space<hbm>>) target_semaphore(%arg8 : memref<!tpu.dma_semaphore, #tpu.memory_space<semaphore_mem>>)
    %dma_start3A_222 = arith.constant 736 : i32
    %dma_start3A_223 = arith.constant 0 : i32
    %dma_start3A_224 = tpu.memref_slice %arg3[%add3A_4, %dma_start3A_222, %dma_start3A_223] : memref<64x1024x1024xf32, #tpu.memory_space<hbm>> -> memref<1x32x512xf32, #tpu.memory_space<hbm>>
    %dma_start3A_225 = tpu.memref_squeeze %dma_start3A_224 : memref<1x32x512xf32, #tpu.memory_space<hbm>> -> memref<32x512xf32, #tpu.memory_space<hbm>>
    %dma_start3A_226 = arith.constant 736 : i32
    %dma_start3A_227 = arith.constant 0 : i32
    %dma_start3A_228 = tpu.memref_slice %arg3[%add3A_4, %dma_start3A_226, %dma_start3A_227] : memref<64x1024x1024xf32, #tpu.memory_space<hbm>> -> memref<1x32x512xf32, #tpu.memory_space<hbm>>
    %dma_start3A_229 = tpu.memref_squeeze %dma_start3A_228 : memref<1x32x512xf32, #tpu.memory_space<hbm>> -> memref<32x512xf32, #tpu.memory_space<hbm>>
    tpu.enqueue_dma source(%arg5 : memref<32x512xf32, #tpu.memory_space<vmem>>) target(%dma_start3A_229 : memref<32x512xf32, #tpu.memory_space<hbm>>) target_semaphore(%arg8 : memref<!tpu.dma_semaphore, #tpu.memory_space<semaphore_mem>>)
    %dma_start3A_230 = arith.constant 768 : i32
    %dma_start3A_231 = arith.constant 0 : i32
    %dma_start3A_232 = tpu.memref_slice %arg3[%add3A_4, %dma_start3A_230, %dma_start3A_231] : memref<64x1024x1024xf32, #tpu.memory_space<hbm>> -> memref<1x32x512xf32, #tpu.memory_space<hbm>>
    %dma_start3A_233 = tpu.memref_squeeze %dma_start3A_232 : memref<1x32x512xf32, #tpu.memory_space<hbm>> -> memref<32x512xf32, #tpu.memory_space<hbm>>
    %dma_start3A_234 = arith.constant 768 : i32
    %dma_start3A_235 = arith.constant 0 : i32
    %dma_start3A_236 = tpu.memref_slice %arg3[%add3A_4, %dma_start3A_234, %dma_start3A_235] : memref<64x1024x1024xf32, #tpu.memory_space<hbm>> -> memref<1x32x512xf32, #tpu.memory_space<hbm>>
    %dma_start3A_237 = tpu.memref_squeeze %dma_start3A_236 : memref<1x32x512xf32, #tpu.memory_space<hbm>> -> memref<32x512xf32, #tpu.memory_space<hbm>>
    tpu.enqueue_dma source(%arg5 : memref<32x512xf32, #tpu.memory_space<vmem>>) target(%dma_start3A_237 : memref<32x512xf32, #tpu.memory_space<hbm>>) target_semaphore(%arg8 : memref<!tpu.dma_semaphore, #tpu.memory_space<semaphore_mem>>)
    %dma_start3A_238 = arith.constant 800 : i32
    %dma_start3A_239 = arith.constant 0 : i32
    %dma_start3A_240 = tpu.memref_slice %arg3[%add3A_4, %dma_start3A_238, %dma_start3A_239] : memref<64x1024x1024xf32, #tpu.memory_space<hbm>> -> memref<1x32x512xf32, #tpu.memory_space<hbm>>
    %dma_start3A_241 = tpu.memref_squeeze %dma_start3A_240 : memref<1x32x512xf32, #tpu.memory_space<hbm>> -> memref<32x512xf32, #tpu.memory_space<hbm>>
    %dma_start3A_242 = arith.constant 800 : i32
    %dma_start3A_243 = arith.constant 0 : i32
    %dma_start3A_244 = tpu.memref_slice %arg3[%add3A_4, %dma_start3A_242, %dma_start3A_243] : memref<64x1024x1024xf32, #tpu.memory_space<hbm>> -> memref<1x32x512xf32, #tpu.memory_space<hbm>>
    %dma_start3A_245 = tpu.memref_squeeze %dma_start3A_244 : memref<1x32x512xf32, #tpu.memory_space<hbm>> -> memref<32x512xf32, #tpu.memory_space<hbm>>
    tpu.enqueue_dma source(%arg5 : memref<32x512xf32, #tpu.memory_space<vmem>>) target(%dma_start3A_245 : memref<32x512xf32, #tpu.memory_space<hbm>>) target_semaphore(%arg8 : memref<!tpu.dma_semaphore, #tpu.memory_space<semaphore_mem>>)
    %dma_start3A_246 = arith.constant 832 : i32
    %dma_start3A_247 = arith.constant 0 : i32
    %dma_start3A_248 = tpu.memref_slice %arg3[%add3A_4, %dma_start3A_246, %dma_start3A_247] : memref<64x1024x1024xf32, #tpu.memory_space<hbm>> -> memref<1x32x512xf32, #tpu.memory_space<hbm>>
    %dma_start3A_249 = tpu.memref_squeeze %dma_start3A_248 : memref<1x32x512xf32, #tpu.memory_space<hbm>> -> memref<32x512xf32, #tpu.memory_space<hbm>>
    %dma_start3A_250 = arith.constant 832 : i32
    %dma_start3A_251 = arith.constant 0 : i32
    %dma_start3A_252 = tpu.memref_slice %arg3[%add3A_4, %dma_start3A_250, %dma_start3A_251] : memref<64x1024x1024xf32, #tpu.memory_space<hbm>> -> memref<1x32x512xf32, #tpu.memory_space<hbm>>
    %dma_start3A_253 = tpu.memref_squeeze %dma_start3A_252 : memref<1x32x512xf32, #tpu.memory_space<hbm>> -> memref<32x512xf32, #tpu.memory_space<hbm>>
    tpu.enqueue_dma source(%arg5 : memref<32x512xf32, #tpu.memory_space<vmem>>) target(%dma_start3A_253 : memref<32x512xf32, #tpu.memory_space<hbm>>) target_semaphore(%arg8 : memref<!tpu.dma_semaphore, #tpu.memory_space<semaphore_mem>>)
    %dma_start3A_254 = arith.constant 864 : i32
    %dma_start3A_255 = arith.constant 0 : i32
    %dma_start3A_256 = tpu.memref_slice %arg3[%add3A_4, %dma_start3A_254, %dma_start3A_255] : memref<64x1024x1024xf32, #tpu.memory_space<hbm>> -> memref<1x32x512xf32, #tpu.memory_space<hbm>>
    %dma_start3A_257 = tpu.memref_squeeze %dma_start3A_256 : memref<1x32x512xf32, #tpu.memory_space<hbm>> -> memref<32x512xf32, #tpu.memory_space<hbm>>
    %dma_start3A_258 = arith.constant 864 : i32
    %dma_start3A_259 = arith.constant 0 : i32
    %dma_start3A_260 = tpu.memref_slice %arg3[%add3A_4, %dma_start3A_258, %dma_start3A_259] : memref<64x1024x1024xf32, #tpu.memory_space<hbm>> -> memref<1x32x512xf32, #tpu.memory_space<hbm>>
    %dma_start3A_261 = tpu.memref_squeeze %dma_start3A_260 : memref<1x32x512xf32, #tpu.memory_space<hbm>> -> memref<32x512xf32, #tpu.memory_space<hbm>>
    tpu.enqueue_dma source(%arg5 : memref<32x512xf32, #tpu.memory_space<vmem>>) target(%dma_start3A_261 : memref<32x512xf32, #tpu.memory_space<hbm>>) target_semaphore(%arg8 : memref<!tpu.dma_semaphore, #tpu.memory_space<semaphore_mem>>)
    %dma_start3A_262 = arith.constant 896 : i32
    %dma_start3A_263 = arith.constant 0 : i32
    %dma_start3A_264 = tpu.memref_slice %arg3[%add3A_4, %dma_start3A_262, %dma_start3A_263] : memref<64x1024x1024xf32, #tpu.memory_space<hbm>> -> memref<1x32x512xf32, #tpu.memory_space<hbm>>
    %dma_start3A_265 = tpu.memref_squeeze %dma_start3A_264 : memref<1x32x512xf32, #tpu.memory_space<hbm>> -> memref<32x512xf32, #tpu.memory_space<hbm>>
    %dma_start3A_266 = arith.constant 896 : i32
    %dma_start3A_267 = arith.constant 0 : i32
    %dma_start3A_268 = tpu.memref_slice %arg3[%add3A_4, %dma_start3A_266, %dma_start3A_267] : memref<64x1024x1024xf32, #tpu.memory_space<hbm>> -> memref<1x32x512xf32, #tpu.memory_space<hbm>>
    %dma_start3A_269 = tpu.memref_squeeze %dma_start3A_268 : memref<1x32x512xf32, #tpu.memory_space<hbm>> -> memref<32x512xf32, #tpu.memory_space<hbm>>
    tpu.enqueue_dma source(%arg5 : memref<32x512xf32, #tpu.memory_space<vmem>>) target(%dma_start3A_269 : memref<32x512xf32, #tpu.memory_space<hbm>>) target_semaphore(%arg8 : memref<!tpu.dma_semaphore, #tpu.memory_space<semaphore_mem>>)
    %dma_start3A_270 = arith.constant 928 : i32
    %dma_start3A_271 = arith.constant 0 : i32
    %dma_start3A_272 = tpu.memref_slice %arg3[%add3A_4, %dma_start3A_270, %dma_start3A_271] : memref<64x1024x1024xf32, #tpu.memory_space<hbm>> -> memref<1x32x512xf32, #tpu.memory_space<hbm>>
    %dma_start3A_273 = tpu.memref_squeeze %dma_start3A_272 : memref<1x32x512xf32, #tpu.memory_space<hbm>> -> memref<32x512xf32, #tpu.memory_space<hbm>>
    %dma_start3A_274 = arith.constant 928 : i32
    %dma_start3A_275 = arith.constant 0 : i32
    %dma_start3A_276 = tpu.memref_slice %arg3[%add3A_4, %dma_start3A_274, %dma_start3A_275] : memref<64x1024x1024xf32, #tpu.memory_space<hbm>> -> memref<1x32x512xf32, #tpu.memory_space<hbm>>
    %dma_start3A_277 = tpu.memref_squeeze %dma_start3A_276 : memref<1x32x512xf32, #tpu.memory_space<hbm>> -> memref<32x512xf32, #tpu.memory_space<hbm>>
    tpu.enqueue_dma source(%arg5 : memref<32x512xf32, #tpu.memory_space<vmem>>) target(%dma_start3A_277 : memref<32x512xf32, #tpu.memory_space<hbm>>) target_semaphore(%arg8 : memref<!tpu.dma_semaphore, #tpu.memory_space<semaphore_mem>>)
    %dma_start3A_278 = arith.constant 960 : i32
    %dma_start3A_279 = arith.constant 0 : i32
    %dma_start3A_280 = tpu.memref_slice %arg3[%add3A_4, %dma_start3A_278, %dma_start3A_279] : memref<64x1024x1024xf32, #tpu.memory_space<hbm>> -> memref<1x32x512xf32, #tpu.memory_space<hbm>>
    %dma_start3A_281 = tpu.memref_squeeze %dma_start3A_280 : memref<1x32x512xf32, #tpu.memory_space<hbm>> -> memref<32x512xf32, #tpu.memory_space<hbm>>
    %dma_start3A_282 = arith.constant 960 : i32
    %dma_start3A_283 = arith.constant 0 : i32
    %dma_start3A_284 = tpu.memref_slice %arg3[%add3A_4, %dma_start3A_282, %dma_start3A_283] : memref<64x1024x1024xf32, #tpu.memory_space<hbm>> -> memref<1x32x512xf32, #tpu.memory_space<hbm>>
    %dma_start3A_285 = tpu.memref_squeeze %dma_start3A_284 : memref<1x32x512xf32, #tpu.memory_space<hbm>> -> memref<32x512xf32, #tpu.memory_space<hbm>>
    tpu.enqueue_dma source(%arg5 : memref<32x512xf32, #tpu.memory_space<vmem>>) target(%dma_start3A_285 : memref<32x512xf32, #tpu.memory_space<hbm>>) target_semaphore(%arg8 : memref<!tpu.dma_semaphore, #tpu.memory_space<semaphore_mem>>)
    %dma_start3A_286 = arith.constant 992 : i32
    %dma_start3A_287 = arith.constant 0 : i32
    %dma_start3A_288 = tpu.memref_slice %arg3[%add3A_4, %dma_start3A_286, %dma_start3A_287] : memref<64x1024x1024xf32, #tpu.memory_space<hbm>> -> memref<1x32x512xf32, #tpu.memory_space<hbm>>
    %dma_start3A_289 = tpu.memref_squeeze %dma_start3A_288 : memref<1x32x512xf32, #tpu.memory_space<hbm>> -> memref<32x512xf32, #tpu.memory_space<hbm>>
    %dma_start3A_290 = arith.constant 992 : i32
    %dma_start3A_291 = arith.constant 0 : i32
    %dma_start3A_292 = tpu.memref_slice %arg3[%add3A_4, %dma_start3A_290, %dma_start3A_291] : memref<64x1024x1024xf32, #tpu.memory_space<hbm>> -> memref<1x32x512xf32, #tpu.memory_space<hbm>>
    %dma_start3A_293 = tpu.memref_squeeze %dma_start3A_292 : memref<1x32x512xf32, #tpu.memory_space<hbm>> -> memref<32x512xf32, #tpu.memory_space<hbm>>
    tpu.enqueue_dma source(%arg5 : memref<32x512xf32, #tpu.memory_space<vmem>>) target(%dma_start3A_293 : memref<32x512xf32, #tpu.memory_space<hbm>>) target_semaphore(%arg8 : memref<!tpu.dma_semaphore, #tpu.memory_space<semaphore_mem>>)
    %dma_start3A_294 = arith.constant 0 : i32
    %dma_start3A_295 = arith.constant 0 : i32
    %dma_start3A_296 = tpu.memref_slice %arg3[%add3A_8, %dma_start3A_294, %dma_start3A_295] : memref<64x1024x1024xf32, #tpu.memory_space<hbm>> -> memref<1x32x1024xf32, #tpu.memory_space<hbm>>
    %dma_start3A_297 = tpu.memref_squeeze %dma_start3A_296 : memref<1x32x1024xf32, #tpu.memory_space<hbm>> -> memref<32x1024xf32, #tpu.memory_space<hbm>>
    %dma_start3A_298 = arith.constant 0 : i32
    %dma_start3A_299 = arith.constant 0 : i32
    %dma_start3A_300 = tpu.memref_slice %arg3[%add3A_8, %dma_start3A_298, %dma_start3A_299] : memref<64x1024x1024xf32, #tpu.memory_space<hbm>> -> memref<1x32x1024xf32, #tpu.memory_space<hbm>>
    %dma_start3A_301 = tpu.memref_squeeze %dma_start3A_300 : memref<1x32x1024xf32, #tpu.memory_space<hbm>> -> memref<32x1024xf32, #tpu.memory_space<hbm>>
    tpu.enqueue_dma source(%arg4 : memref<32x1024xf32, #tpu.memory_space<vmem>>) target(%dma_start3A_301 : memref<32x1024xf32, #tpu.memory_space<hbm>>) target_semaphore(%arg8 : memref<!tpu.dma_semaphore, #tpu.memory_space<semaphore_mem>>)
    %dma_start3A_302 = arith.constant 32 : i32
    %dma_start3A_303 = arith.constant 0 : i32
    %dma_start3A_304 = tpu.memref_slice %arg3[%add3A_8, %dma_start3A_302, %dma_start3A_303] : memref<64x1024x1024xf32, #tpu.memory_space<hbm>> -> memref<1x32x1024xf32, #tpu.memory_space<hbm>>
    %dma_start3A_305 = tpu.memref_squeeze %dma_start3A_304 : memref<1x32x1024xf32, #tpu.memory_space<hbm>> -> memref<32x1024xf32, #tpu.memory_space<hbm>>
    %dma_start3A_306 = arith.constant 32 : i32
    %dma_start3A_307 = arith.constant 0 : i32
    %dma_start3A_308 = tpu.memref_slice %arg3[%add3A_8, %dma_start3A_306, %dma_start3A_307] : memref<64x1024x1024xf32, #tpu.memory_space<hbm>> -> memref<1x32x1024xf32, #tpu.memory_space<hbm>>
    %dma_start3A_309 = tpu.memref_squeeze %dma_start3A_308 : memref<1x32x1024xf32, #tpu.memory_space<hbm>> -> memref<32x1024xf32, #tpu.memory_space<hbm>>
    tpu.enqueue_dma source(%arg4 : memref<32x1024xf32, #tpu.memory_space<vmem>>) target(%dma_start3A_309 : memref<32x1024xf32, #tpu.memory_space<hbm>>) target_semaphore(%arg8 : memref<!tpu.dma_semaphore, #tpu.memory_space<semaphore_mem>>)
    %dma_start3A_310 = arith.constant 64 : i32
    %dma_start3A_311 = arith.constant 0 : i32
    %dma_start3A_312 = tpu.memref_slice %arg3[%add3A_8, %dma_start3A_310, %dma_start3A_311] : memref<64x1024x1024xf32, #tpu.memory_space<hbm>> -> memref<1x32x1024xf32, #tpu.memory_space<hbm>>
    %dma_start3A_313 = tpu.memref_squeeze %dma_start3A_312 : memref<1x32x1024xf32, #tpu.memory_space<hbm>> -> memref<32x1024xf32, #tpu.memory_space<hbm>>
    %dma_start3A_314 = arith.constant 64 : i32
    %dma_start3A_315 = arith.constant 0 : i32
    %dma_start3A_316 = tpu.memref_slice %arg3[%add3A_8, %dma_start3A_314, %dma_start3A_315] : memref<64x1024x1024xf32, #tpu.memory_space<hbm>> -> memref<1x32x1024xf32, #tpu.memory_space<hbm>>
    %dma_start3A_317 = tpu.memref_squeeze %dma_start3A_316 : memref<1x32x1024xf32, #tpu.memory_space<hbm>> -> memref<32x1024xf32, #tpu.memory_space<hbm>>
    tpu.enqueue_dma source(%arg4 : memref<32x1024xf32, #tpu.memory_space<vmem>>) target(%dma_start3A_317 : memref<32x1024xf32, #tpu.memory_space<hbm>>) target_semaphore(%arg8 : memref<!tpu.dma_semaphore, #tpu.memory_space<semaphore_mem>>)
    %dma_start3A_318 = arith.constant 96 : i32
    %dma_start3A_319 = arith.constant 0 : i32
    %dma_start3A_320 = tpu.memref_slice %arg3[%add3A_8, %dma_start3A_318, %dma_start3A_319] : memref<64x1024x1024xf32, #tpu.memory_space<hbm>> -> memref<1x32x1024xf32, #tpu.memory_space<hbm>>
    %dma_start3A_321 = tpu.memref_squeeze %dma_start3A_320 : memref<1x32x1024xf32, #tpu.memory_space<hbm>> -> memref<32x1024xf32, #tpu.memory_space<hbm>>
    %dma_start3A_322 = arith.constant 96 : i32
    %dma_start3A_323 = arith.constant 0 : i32
    %dma_start3A_324 = tpu.memref_slice %arg3[%add3A_8, %dma_start3A_322, %dma_start3A_323] : memref<64x1024x1024xf32, #tpu.memory_space<hbm>> -> memref<1x32x1024xf32, #tpu.memory_space<hbm>>
    %dma_start3A_325 = tpu.memref_squeeze %dma_start3A_324 : memref<1x32x1024xf32, #tpu.memory_space<hbm>> -> memref<32x1024xf32, #tpu.memory_space<hbm>>
    tpu.enqueue_dma source(%arg4 : memref<32x1024xf32, #tpu.memory_space<vmem>>) target(%dma_start3A_325 : memref<32x1024xf32, #tpu.memory_space<hbm>>) target_semaphore(%arg8 : memref<!tpu.dma_semaphore, #tpu.memory_space<semaphore_mem>>)
    %dma_start3A_326 = arith.constant 128 : i32
    %dma_start3A_327 = arith.constant 0 : i32
    %dma_start3A_328 = tpu.memref_slice %arg3[%add3A_8, %dma_start3A_326, %dma_start3A_327] : memref<64x1024x1024xf32, #tpu.memory_space<hbm>> -> memref<1x32x1024xf32, #tpu.memory_space<hbm>>
    %dma_start3A_329 = tpu.memref_squeeze %dma_start3A_328 : memref<1x32x1024xf32, #tpu.memory_space<hbm>> -> memref<32x1024xf32, #tpu.memory_space<hbm>>
    %dma_start3A_330 = arith.constant 128 : i32
    %dma_start3A_331 = arith.constant 0 : i32
    %dma_start3A_332 = tpu.memref_slice %arg3[%add3A_8, %dma_start3A_330, %dma_start3A_331] : memref<64x1024x1024xf32, #tpu.memory_space<hbm>> -> memref<1x32x1024xf32, #tpu.memory_space<hbm>>
    %dma_start3A_333 = tpu.memref_squeeze %dma_start3A_332 : memref<1x32x1024xf32, #tpu.memory_space<hbm>> -> memref<32x1024xf32, #tpu.memory_space<hbm>>
    tpu.enqueue_dma source(%arg4 : memref<32x1024xf32, #tpu.memory_space<vmem>>) target(%dma_start3A_333 : memref<32x1024xf32, #tpu.memory_space<hbm>>) target_semaphore(%arg8 : memref<!tpu.dma_semaphore, #tpu.memory_space<semaphore_mem>>)
    %dma_start3A_334 = arith.constant 160 : i32
    %dma_start3A_335 = arith.constant 0 : i32
    %dma_start3A_336 = tpu.memref_slice %arg3[%add3A_8, %dma_start3A_334, %dma_start3A_335] : memref<64x1024x1024xf32, #tpu.memory_space<hbm>> -> memref<1x32x1024xf32, #tpu.memory_space<hbm>>
    %dma_start3A_337 = tpu.memref_squeeze %dma_start3A_336 : memref<1x32x1024xf32, #tpu.memory_space<hbm>> -> memref<32x1024xf32, #tpu.memory_space<hbm>>
    %dma_start3A_338 = arith.constant 160 : i32
    %dma_start3A_339 = arith.constant 0 : i32
    %dma_start3A_340 = tpu.memref_slice %arg3[%add3A_8, %dma_start3A_338, %dma_start3A_339] : memref<64x1024x1024xf32, #tpu.memory_space<hbm>> -> memref<1x32x1024xf32, #tpu.memory_space<hbm>>
    %dma_start3A_341 = tpu.memref_squeeze %dma_start3A_340 : memref<1x32x1024xf32, #tpu.memory_space<hbm>> -> memref<32x1024xf32, #tpu.memory_space<hbm>>
    tpu.enqueue_dma source(%arg4 : memref<32x1024xf32, #tpu.memory_space<vmem>>) target(%dma_start3A_341 : memref<32x1024xf32, #tpu.memory_space<hbm>>) target_semaphore(%arg8 : memref<!tpu.dma_semaphore, #tpu.memory_space<semaphore_mem>>)
    %dma_start3A_342 = arith.constant 192 : i32
    %dma_start3A_343 = arith.constant 0 : i32
    %dma_start3A_344 = tpu.memref_slice %arg3[%add3A_8, %dma_start3A_342, %dma_start3A_343] : memref<64x1024x1024xf32, #tpu.memory_space<hbm>> -> memref<1x32x1024xf32, #tpu.memory_space<hbm>>
    %dma_start3A_345 = tpu.memref_squeeze %dma_start3A_344 : memref<1x32x1024xf32, #tpu.memory_space<hbm>> -> memref<32x1024xf32, #tpu.memory_space<hbm>>
    %dma_start3A_346 = arith.constant 192 : i32
    %dma_start3A_347 = arith.constant 0 : i32
    %dma_start3A_348 = tpu.memref_slice %arg3[%add3A_8, %dma_start3A_346, %dma_start3A_347] : memref<64x1024x1024xf32, #tpu.memory_space<hbm>> -> memref<1x32x1024xf32, #tpu.memory_space<hbm>>
    %dma_start3A_349 = tpu.memref_squeeze %dma_start3A_348 : memref<1x32x1024xf32, #tpu.memory_space<hbm>> -> memref<32x1024xf32, #tpu.memory_space<hbm>>
    tpu.enqueue_dma source(%arg4 : memref<32x1024xf32, #tpu.memory_space<vmem>>) target(%dma_start3A_349 : memref<32x1024xf32, #tpu.memory_space<hbm>>) target_semaphore(%arg8 : memref<!tpu.dma_semaphore, #tpu.memory_space<semaphore_mem>>)
    %dma_start3A_350 = arith.constant 224 : i32
    %dma_start3A_351 = arith.constant 0 : i32
    %dma_start3A_352 = tpu.memref_slice %arg3[%add3A_8, %dma_start3A_350, %dma_start3A_351] : memref<64x1024x1024xf32, #tpu.memory_space<hbm>> -> memref<1x32x1024xf32, #tpu.memory_space<hbm>>
    %dma_start3A_353 = tpu.memref_squeeze %dma_start3A_352 : memref<1x32x1024xf32, #tpu.memory_space<hbm>> -> memref<32x1024xf32, #tpu.memory_space<hbm>>
    %dma_start3A_354 = arith.constant 224 : i32
    %dma_start3A_355 = arith.constant 0 : i32
    %dma_start3A_356 = tpu.memref_slice %arg3[%add3A_8, %dma_start3A_354, %dma_start3A_355] : memref<64x1024x1024xf32, #tpu.memory_space<hbm>> -> memref<1x32x1024xf32, #tpu.memory_space<hbm>>
    %dma_start3A_357 = tpu.memref_squeeze %dma_start3A_356 : memref<1x32x1024xf32, #tpu.memory_space<hbm>> -> memref<32x1024xf32, #tpu.memory_space<hbm>>
    tpu.enqueue_dma source(%arg4 : memref<32x1024xf32, #tpu.memory_space<vmem>>) target(%dma_start3A_357 : memref<32x1024xf32, #tpu.memory_space<hbm>>) target_semaphore(%arg8 : memref<!tpu.dma_semaphore, #tpu.memory_space<semaphore_mem>>)
    %dma_start3A_358 = arith.constant 256 : i32
    %dma_start3A_359 = arith.constant 0 : i32
    %dma_start3A_360 = tpu.memref_slice %arg3[%add3A_8, %dma_start3A_358, %dma_start3A_359] : memref<64x1024x1024xf32, #tpu.memory_space<hbm>> -> memref<1x32x1024xf32, #tpu.memory_space<hbm>>
    %dma_start3A_361 = tpu.memref_squeeze %dma_start3A_360 : memref<1x32x1024xf32, #tpu.memory_space<hbm>> -> memref<32x1024xf32, #tpu.memory_space<hbm>>
    %dma_start3A_362 = arith.constant 256 : i32
    %dma_start3A_363 = arith.constant 0 : i32
    %dma_start3A_364 = tpu.memref_slice %arg3[%add3A_8, %dma_start3A_362, %dma_start3A_363] : memref<64x1024x1024xf32, #tpu.memory_space<hbm>> -> memref<1x32x1024xf32, #tpu.memory_space<hbm>>
    %dma_start3A_365 = tpu.memref_squeeze %dma_start3A_364 : memref<1x32x1024xf32, #tpu.memory_space<hbm>> -> memref<32x1024xf32, #tpu.memory_space<hbm>>
    tpu.enqueue_dma source(%arg4 : memref<32x1024xf32, #tpu.memory_space<vmem>>) target(%dma_start3A_365 : memref<32x1024xf32, #tpu.memory_space<hbm>>) target_semaphore(%arg8 : memref<!tpu.dma_semaphore, #tpu.memory_space<semaphore_mem>>)
    %dma_start3A_366 = arith.constant 288 : i32
    %dma_start3A_367 = arith.constant 0 : i32
    %dma_start3A_368 = tpu.memref_slice %arg3[%add3A_8, %dma_start3A_366, %dma_start3A_367] : memref<64x1024x1024xf32, #tpu.memory_space<hbm>> -> memref<1x32x1024xf32, #tpu.memory_space<hbm>>
    %dma_start3A_369 = tpu.memref_squeeze %dma_start3A_368 : memref<1x32x1024xf32, #tpu.memory_space<hbm>> -> memref<32x1024xf32, #tpu.memory_space<hbm>>
    %dma_start3A_370 = arith.constant 288 : i32
    %dma_start3A_371 = arith.constant 0 : i32
    %dma_start3A_372 = tpu.memref_slice %arg3[%add3A_8, %dma_start3A_370, %dma_start3A_371] : memref<64x1024x1024xf32, #tpu.memory_space<hbm>> -> memref<1x32x1024xf32, #tpu.memory_space<hbm>>
    %dma_start3A_373 = tpu.memref_squeeze %dma_start3A_372 : memref<1x32x1024xf32, #tpu.memory_space<hbm>> -> memref<32x1024xf32, #tpu.memory_space<hbm>>
    tpu.enqueue_dma source(%arg4 : memref<32x1024xf32, #tpu.memory_space<vmem>>) target(%dma_start3A_373 : memref<32x1024xf32, #tpu.memory_space<hbm>>) target_semaphore(%arg8 : memref<!tpu.dma_semaphore, #tpu.memory_space<semaphore_mem>>)
    %dma_start3A_374 = arith.constant 320 : i32
    %dma_start3A_375 = arith.constant 0 : i32
    %dma_start3A_376 = tpu.memref_slice %arg3[%add3A_8, %dma_start3A_374, %dma_start3A_375] : memref<64x1024x1024xf32, #tpu.memory_space<hbm>> -> memref<1x32x1024xf32, #tpu.memory_space<hbm>>
    %dma_start3A_377 = tpu.memref_squeeze %dma_start3A_376 : memref<1x32x1024xf32, #tpu.memory_space<hbm>> -> memref<32x1024xf32, #tpu.memory_space<hbm>>
    %dma_start3A_378 = arith.constant 320 : i32
    %dma_start3A_379 = arith.constant 0 : i32
    %dma_start3A_380 = tpu.memref_slice %arg3[%add3A_8, %dma_start3A_378, %dma_start3A_379] : memref<64x1024x1024xf32, #tpu.memory_space<hbm>> -> memref<1x32x1024xf32, #tpu.memory_space<hbm>>
    %dma_start3A_381 = tpu.memref_squeeze %dma_start3A_380 : memref<1x32x1024xf32, #tpu.memory_space<hbm>> -> memref<32x1024xf32, #tpu.memory_space<hbm>>
    tpu.enqueue_dma source(%arg4 : memref<32x1024xf32, #tpu.memory_space<vmem>>) target(%dma_start3A_381 : memref<32x1024xf32, #tpu.memory_space<hbm>>) target_semaphore(%arg8 : memref<!tpu.dma_semaphore, #tpu.memory_space<semaphore_mem>>)
    %dma_start3A_382 = arith.constant 352 : i32
    %dma_start3A_383 = arith.constant 0 : i32
    %dma_start3A_384 = tpu.memref_slice %arg3[%add3A_8, %dma_start3A_382, %dma_start3A_383] : memref<64x1024x1024xf32, #tpu.memory_space<hbm>> -> memref<1x32x1024xf32, #tpu.memory_space<hbm>>
    %dma_start3A_385 = tpu.memref_squeeze %dma_start3A_384 : memref<1x32x1024xf32, #tpu.memory_space<hbm>> -> memref<32x1024xf32, #tpu.memory_space<hbm>>
    %dma_start3A_386 = arith.constant 352 : i32
    %dma_start3A_387 = arith.constant 0 : i32
    %dma_start3A_388 = tpu.memref_slice %arg3[%add3A_8, %dma_start3A_386, %dma_start3A_387] : memref<64x1024x1024xf32, #tpu.memory_space<hbm>> -> memref<1x32x1024xf32, #tpu.memory_space<hbm>>
    %dma_start3A_389 = tpu.memref_squeeze %dma_start3A_388 : memref<1x32x1024xf32, #tpu.memory_space<hbm>> -> memref<32x1024xf32, #tpu.memory_space<hbm>>
    tpu.enqueue_dma source(%arg4 : memref<32x1024xf32, #tpu.memory_space<vmem>>) target(%dma_start3A_389 : memref<32x1024xf32, #tpu.memory_space<hbm>>) target_semaphore(%arg8 : memref<!tpu.dma_semaphore, #tpu.memory_space<semaphore_mem>>)
    %dma_start3A_390 = arith.constant 384 : i32
    %dma_start3A_391 = arith.constant 0 : i32
    %dma_start3A_392 = tpu.memref_slice %arg3[%add3A_8, %dma_start3A_390, %dma_start3A_391] : memref<64x1024x1024xf32, #tpu.memory_space<hbm>> -> memref<1x32x1024xf32, #tpu.memory_space<hbm>>
    %dma_start3A_393 = tpu.memref_squeeze %dma_start3A_392 : memref<1x32x1024xf32, #tpu.memory_space<hbm>> -> memref<32x1024xf32, #tpu.memory_space<hbm>>
    %dma_start3A_394 = arith.constant 384 : i32
    %dma_start3A_395 = arith.constant 0 : i32
    %dma_start3A_396 = tpu.memref_slice %arg3[%add3A_8, %dma_start3A_394, %dma_start3A_395] : memref<64x1024x1024xf32, #tpu.memory_space<hbm>> -> memref<1x32x1024xf32, #tpu.memory_space<hbm>>
    %dma_start3A_397 = tpu.memref_squeeze %dma_start3A_396 : memref<1x32x1024xf32, #tpu.memory_space<hbm>> -> memref<32x1024xf32, #tpu.memory_space<hbm>>
    tpu.enqueue_dma source(%arg4 : memref<32x1024xf32, #tpu.memory_space<vmem>>) target(%dma_start3A_397 : memref<32x1024xf32, #tpu.memory_space<hbm>>) target_semaphore(%arg8 : memref<!tpu.dma_semaphore, #tpu.memory_space<semaphore_mem>>)
    %dma_start3A_398 = arith.constant 416 : i32
    %dma_start3A_399 = arith.constant 0 : i32
    %dma_start3A_400 = tpu.memref_slice %arg3[%add3A_8, %dma_start3A_398, %dma_start3A_399] : memref<64x1024x1024xf32, #tpu.memory_space<hbm>> -> memref<1x32x1024xf32, #tpu.memory_space<hbm>>
    %dma_start3A_401 = tpu.memref_squeeze %dma_start3A_400 : memref<1x32x1024xf32, #tpu.memory_space<hbm>> -> memref<32x1024xf32, #tpu.memory_space<hbm>>
    %dma_start3A_402 = arith.constant 416 : i32
    %dma_start3A_403 = arith.constant 0 : i32
    %dma_start3A_404 = tpu.memref_slice %arg3[%add3A_8, %dma_start3A_402, %dma_start3A_403] : memref<64x1024x1024xf32, #tpu.memory_space<hbm>> -> memref<1x32x1024xf32, #tpu.memory_space<hbm>>
    %dma_start3A_405 = tpu.memref_squeeze %dma_start3A_404 : memref<1x32x1024xf32, #tpu.memory_space<hbm>> -> memref<32x1024xf32, #tpu.memory_space<hbm>>
    tpu.enqueue_dma source(%arg4 : memref<32x1024xf32, #tpu.memory_space<vmem>>) target(%dma_start3A_405 : memref<32x1024xf32, #tpu.memory_space<hbm>>) target_semaphore(%arg8 : memref<!tpu.dma_semaphore, #tpu.memory_space<semaphore_mem>>)
    %dma_start3A_406 = arith.constant 448 : i32
    %dma_start3A_407 = arith.constant 0 : i32
    %dma_start3A_408 = tpu.memref_slice %arg3[%add3A_8, %dma_start3A_406, %dma_start3A_407] : memref<64x1024x1024xf32, #tpu.memory_space<hbm>> -> memref<1x32x1024xf32, #tpu.memory_space<hbm>>
    %dma_start3A_409 = tpu.memref_squeeze %dma_start3A_408 : memref<1x32x1024xf32, #tpu.memory_space<hbm>> -> memref<32x1024xf32, #tpu.memory_space<hbm>>
    %dma_start3A_410 = arith.constant 448 : i32
    %dma_start3A_411 = arith.constant 0 : i32
    %dma_start3A_412 = tpu.memref_slice %arg3[%add3A_8, %dma_start3A_410, %dma_start3A_411] : memref<64x1024x1024xf32, #tpu.memory_space<hbm>> -> memref<1x32x1024xf32, #tpu.memory_space<hbm>>
    %dma_start3A_413 = tpu.memref_squeeze %dma_start3A_412 : memref<1x32x1024xf32, #tpu.memory_space<hbm>> -> memref<32x1024xf32, #tpu.memory_space<hbm>>
    tpu.enqueue_dma source(%arg4 : memref<32x1024xf32, #tpu.memory_space<vmem>>) target(%dma_start3A_413 : memref<32x1024xf32, #tpu.memory_space<hbm>>) target_semaphore(%arg8 : memref<!tpu.dma_semaphore, #tpu.memory_space<semaphore_mem>>)
    %dma_start3A_414 = arith.constant 480 : i32
    %dma_start3A_415 = arith.constant 0 : i32
    %dma_start3A_416 = tpu.memref_slice %arg3[%add3A_8, %dma_start3A_414, %dma_start3A_415] : memref<64x1024x1024xf32, #tpu.memory_space<hbm>> -> memref<1x32x1024xf32, #tpu.memory_space<hbm>>
    %dma_start3A_417 = tpu.memref_squeeze %dma_start3A_416 : memref<1x32x1024xf32, #tpu.memory_space<hbm>> -> memref<32x1024xf32, #tpu.memory_space<hbm>>
    %dma_start3A_418 = arith.constant 480 : i32
    %dma_start3A_419 = arith.constant 0 : i32
    %dma_start3A_420 = tpu.memref_slice %arg3[%add3A_8, %dma_start3A_418, %dma_start3A_419] : memref<64x1024x1024xf32, #tpu.memory_space<hbm>> -> memref<1x32x1024xf32, #tpu.memory_space<hbm>>
    %dma_start3A_421 = tpu.memref_squeeze %dma_start3A_420 : memref<1x32x1024xf32, #tpu.memory_space<hbm>> -> memref<32x1024xf32, #tpu.memory_space<hbm>>
    tpu.enqueue_dma source(%arg4 : memref<32x1024xf32, #tpu.memory_space<vmem>>) target(%dma_start3A_421 : memref<32x1024xf32, #tpu.memory_space<hbm>>) target_semaphore(%arg8 : memref<!tpu.dma_semaphore, #tpu.memory_space<semaphore_mem>>)
    %dma_start3A_422 = arith.constant 512 : i32
    %dma_start3A_423 = arith.constant 0 : i32
    %dma_start3A_424 = tpu.memref_slice %arg3[%add3A_8, %dma_start3A_422, %dma_start3A_423] : memref<64x1024x1024xf32, #tpu.memory_space<hbm>> -> memref<1x32x512xf32, #tpu.memory_space<hbm>>
    %dma_start3A_425 = tpu.memref_squeeze %dma_start3A_424 : memref<1x32x512xf32, #tpu.memory_space<hbm>> -> memref<32x512xf32, #tpu.memory_space<hbm>>
    %dma_start3A_426 = arith.constant 512 : i32
    %dma_start3A_427 = arith.constant 0 : i32
    %dma_start3A_428 = tpu.memref_slice %arg3[%add3A_8, %dma_start3A_426, %dma_start3A_427] : memref<64x1024x1024xf32, #tpu.memory_space<hbm>> -> memref<1x32x512xf32, #tpu.memory_space<hbm>>
    %dma_start3A_429 = tpu.memref_squeeze %dma_start3A_428 : memref<1x32x512xf32, #tpu.memory_space<hbm>> -> memref<32x512xf32, #tpu.memory_space<hbm>>
    tpu.enqueue_dma source(%arg5 : memref<32x512xf32, #tpu.memory_space<vmem>>) target(%dma_start3A_429 : memref<32x512xf32, #tpu.memory_space<hbm>>) target_semaphore(%arg8 : memref<!tpu.dma_semaphore, #tpu.memory_space<semaphore_mem>>)
    %dma_start3A_430 = arith.constant 544 : i32
    %dma_start3A_431 = arith.constant 0 : i32
    %dma_start3A_432 = tpu.memref_slice %arg3[%add3A_8, %dma_start3A_430, %dma_start3A_431] : memref<64x1024x1024xf32, #tpu.memory_space<hbm>> -> memref<1x32x512xf32, #tpu.memory_space<hbm>>
    %dma_start3A_433 = tpu.memref_squeeze %dma_start3A_432 : memref<1x32x512xf32, #tpu.memory_space<hbm>> -> memref<32x512xf32, #tpu.memory_space<hbm>>
    %dma_start3A_434 = arith.constant 544 : i32
    %dma_start3A_435 = arith.constant 0 : i32
    %dma_start3A_436 = tpu.memref_slice %arg3[%add3A_8, %dma_start3A_434, %dma_start3A_435] : memref<64x1024x1024xf32, #tpu.memory_space<hbm>> -> memref<1x32x512xf32, #tpu.memory_space<hbm>>
    %dma_start3A_437 = tpu.memref_squeeze %dma_start3A_436 : memref<1x32x512xf32, #tpu.memory_space<hbm>> -> memref<32x512xf32, #tpu.memory_space<hbm>>
    tpu.enqueue_dma source(%arg5 : memref<32x512xf32, #tpu.memory_space<vmem>>) target(%dma_start3A_437 : memref<32x512xf32, #tpu.memory_space<hbm>>) target_semaphore(%arg8 : memref<!tpu.dma_semaphore, #tpu.memory_space<semaphore_mem>>)
    %dma_start3A_438 = arith.constant 576 : i32
    %dma_start3A_439 = arith.constant 0 : i32
    %dma_start3A_440 = tpu.memref_slice %arg3[%add3A_8, %dma_start3A_438, %dma_start3A_439] : memref<64x1024x1024xf32, #tpu.memory_space<hbm>> -> memref<1x32x512xf32, #tpu.memory_space<hbm>>
    %dma_start3A_441 = tpu.memref_squeeze %dma_start3A_440 : memref<1x32x512xf32, #tpu.memory_space<hbm>> -> memref<32x512xf32, #tpu.memory_space<hbm>>
    %dma_start3A_442 = arith.constant 576 : i32
    %dma_start3A_443 = arith.constant 0 : i32
    %dma_start3A_444 = tpu.memref_slice %arg3[%add3A_8, %dma_start3A_442, %dma_start3A_443] : memref<64x1024x1024xf32, #tpu.memory_space<hbm>> -> memref<1x32x512xf32, #tpu.memory_space<hbm>>
    %dma_start3A_445 = tpu.memref_squeeze %dma_start3A_444 : memref<1x32x512xf32, #tpu.memory_space<hbm>> -> memref<32x512xf32, #tpu.memory_space<hbm>>
    tpu.enqueue_dma source(%arg5 : memref<32x512xf32, #tpu.memory_space<vmem>>) target(%dma_start3A_445 : memref<32x512xf32, #tpu.memory_space<hbm>>) target_semaphore(%arg8 : memref<!tpu.dma_semaphore, #tpu.memory_space<semaphore_mem>>)
    %dma_start3A_446 = arith.constant 608 : i32
    %dma_start3A_447 = arith.constant 0 : i32
    %dma_start3A_448 = tpu.memref_slice %arg3[%add3A_8, %dma_start3A_446, %dma_start3A_447] : memref<64x1024x1024xf32, #tpu.memory_space<hbm>> -> memref<1x32x512xf32, #tpu.memory_space<hbm>>
    %dma_start3A_449 = tpu.memref_squeeze %dma_start3A_448 : memref<1x32x512xf32, #tpu.memory_space<hbm>> -> memref<32x512xf32, #tpu.memory_space<hbm>>
    %dma_start3A_450 = arith.constant 608 : i32
    %dma_start3A_451 = arith.constant 0 : i32
    %dma_start3A_452 = tpu.memref_slice %arg3[%add3A_8, %dma_start3A_450, %dma_start3A_451] : memref<64x1024x1024xf32, #tpu.memory_space<hbm>> -> memref<1x32x512xf32, #tpu.memory_space<hbm>>
    %dma_start3A_453 = tpu.memref_squeeze %dma_start3A_452 : memref<1x32x512xf32, #tpu.memory_space<hbm>> -> memref<32x512xf32, #tpu.memory_space<hbm>>
    tpu.enqueue_dma source(%arg5 : memref<32x512xf32, #tpu.memory_space<vmem>>) target(%dma_start3A_453 : memref<32x512xf32, #tpu.memory_space<hbm>>) target_semaphore(%arg8 : memref<!tpu.dma_semaphore, #tpu.memory_space<semaphore_mem>>)
    %dma_start3A_454 = arith.constant 640 : i32
    %dma_start3A_455 = arith.constant 0 : i32
    %dma_start3A_456 = tpu.memref_slice %arg3[%add3A_8, %dma_start3A_454, %dma_start3A_455] : memref<64x1024x1024xf32, #tpu.memory_space<hbm>> -> memref<1x32x512xf32, #tpu.memory_space<hbm>>
    %dma_start3A_457 = tpu.memref_squeeze %dma_start3A_456 : memref<1x32x512xf32, #tpu.memory_space<hbm>> -> memref<32x512xf32, #tpu.memory_space<hbm>>
    %dma_start3A_458 = arith.constant 640 : i32
    %dma_start3A_459 = arith.constant 0 : i32
    %dma_start3A_460 = tpu.memref_slice %arg3[%add3A_8, %dma_start3A_458, %dma_start3A_459] : memref<64x1024x1024xf32, #tpu.memory_space<hbm>> -> memref<1x32x512xf32, #tpu.memory_space<hbm>>
    %dma_start3A_461 = tpu.memref_squeeze %dma_start3A_460 : memref<1x32x512xf32, #tpu.memory_space<hbm>> -> memref<32x512xf32, #tpu.memory_space<hbm>>
    tpu.enqueue_dma source(%arg5 : memref<32x512xf32, #tpu.memory_space<vmem>>) target(%dma_start3A_461 : memref<32x512xf32, #tpu.memory_space<hbm>>) target_semaphore(%arg8 : memref<!tpu.dma_semaphore, #tpu.memory_space<semaphore_mem>>)
    %dma_start3A_462 = arith.constant 672 : i32
    %dma_start3A_463 = arith.constant 0 : i32
    %dma_start3A_464 = tpu.memref_slice %arg3[%add3A_8, %dma_start3A_462, %dma_start3A_463] : memref<64x1024x1024xf32, #tpu.memory_space<hbm>> -> memref<1x32x512xf32, #tpu.memory_space<hbm>>
    %dma_start3A_465 = tpu.memref_squeeze %dma_start3A_464 : memref<1x32x512xf32, #tpu.memory_space<hbm>> -> memref<32x512xf32, #tpu.memory_space<hbm>>
    %dma_start3A_466 = arith.constant 672 : i32
    %dma_start3A_467 = arith.constant 0 : i32
    %dma_start3A_468 = tpu.memref_slice %arg3[%add3A_8, %dma_start3A_466, %dma_start3A_467] : memref<64x1024x1024xf32, #tpu.memory_space<hbm>> -> memref<1x32x512xf32, #tpu.memory_space<hbm>>
    %dma_start3A_469 = tpu.memref_squeeze %dma_start3A_468 : memref<1x32x512xf32, #tpu.memory_space<hbm>> -> memref<32x512xf32, #tpu.memory_space<hbm>>
    tpu.enqueue_dma source(%arg5 : memref<32x512xf32, #tpu.memory_space<vmem>>) target(%dma_start3A_469 : memref<32x512xf32, #tpu.memory_space<hbm>>) target_semaphore(%arg8 : memref<!tpu.dma_semaphore, #tpu.memory_space<semaphore_mem>>)
    %dma_start3A_470 = arith.constant 704 : i32
    %dma_start3A_471 = arith.constant 0 : i32
    %dma_start3A_472 = tpu.memref_slice %arg3[%add3A_8, %dma_start3A_470, %dma_start3A_471] : memref<64x1024x1024xf32, #tpu.memory_space<hbm>> -> memref<1x32x512xf32, #tpu.memory_space<hbm>>
    %dma_start3A_473 = tpu.memref_squeeze %dma_start3A_472 : memref<1x32x512xf32, #tpu.memory_space<hbm>> -> memref<32x512xf32, #tpu.memory_space<hbm>>
    %dma_start3A_474 = arith.constant 704 : i32
    %dma_start3A_475 = arith.constant 0 : i32
    %dma_start3A_476 = tpu.memref_slice %arg3[%add3A_8, %dma_start3A_474, %dma_start3A_475] : memref<64x1024x1024xf32, #tpu.memory_space<hbm>> -> memref<1x32x512xf32, #tpu.memory_space<hbm>>
    %dma_start3A_477 = tpu.memref_squeeze %dma_start3A_476 : memref<1x32x512xf32, #tpu.memory_space<hbm>> -> memref<32x512xf32, #tpu.memory_space<hbm>>
    tpu.enqueue_dma source(%arg5 : memref<32x512xf32, #tpu.memory_space<vmem>>) target(%dma_start3A_477 : memref<32x512xf32, #tpu.memory_space<hbm>>) target_semaphore(%arg8 : memref<!tpu.dma_semaphore, #tpu.memory_space<semaphore_mem>>)
    %dma_start3A_478 = arith.constant 736 : i32
    %dma_start3A_479 = arith.constant 0 : i32
    %dma_start3A_480 = tpu.memref_slice %arg3[%add3A_8, %dma_start3A_478, %dma_start3A_479] : memref<64x1024x1024xf32, #tpu.memory_space<hbm>> -> memref<1x32x512xf32, #tpu.memory_space<hbm>>
    %dma_start3A_481 = tpu.memref_squeeze %dma_start3A_480 : memref<1x32x512xf32, #tpu.memory_space<hbm>> -> memref<32x512xf32, #tpu.memory_space<hbm>>
    %dma_start3A_482 = arith.constant 736 : i32
    %dma_start3A_483 = arith.constant 0 : i32
    %dma_start3A_484 = tpu.memref_slice %arg3[%add3A_8, %dma_start3A_482, %dma_start3A_483] : memref<64x1024x1024xf32, #tpu.memory_space<hbm>> -> memref<1x32x512xf32, #tpu.memory_space<hbm>>
    %dma_start3A_485 = tpu.memref_squeeze %dma_start3A_484 : memref<1x32x512xf32, #tpu.memory_space<hbm>> -> memref<32x512xf32, #tpu.memory_space<hbm>>
    tpu.enqueue_dma source(%arg5 : memref<32x512xf32, #tpu.memory_space<vmem>>) target(%dma_start3A_485 : memref<32x512xf32, #tpu.memory_space<hbm>>) target_semaphore(%arg8 : memref<!tpu.dma_semaphore, #tpu.memory_space<semaphore_mem>>)
    %dma_start3A_486 = arith.constant 768 : i32
    %dma_start3A_487 = arith.constant 0 : i32
    %dma_start3A_488 = tpu.memref_slice %arg3[%add3A_8, %dma_start3A_486, %dma_start3A_487] : memref<64x1024x1024xf32, #tpu.memory_space<hbm>> -> memref<1x32x512xf32, #tpu.memory_space<hbm>>
    %dma_start3A_489 = tpu.memref_squeeze %dma_start3A_488 : memref<1x32x512xf32, #tpu.memory_space<hbm>> -> memref<32x512xf32, #tpu.memory_space<hbm>>
    %dma_start3A_490 = arith.constant 768 : i32
    %dma_start3A_491 = arith.constant 0 : i32
    %dma_start3A_492 = tpu.memref_slice %arg3[%add3A_8, %dma_start3A_490, %dma_start3A_491] : memref<64x1024x1024xf32, #tpu.memory_space<hbm>> -> memref<1x32x512xf32, #tpu.memory_space<hbm>>
    %dma_start3A_493 = tpu.memref_squeeze %dma_start3A_492 : memref<1x32x512xf32, #tpu.memory_space<hbm>> -> memref<32x512xf32, #tpu.memory_space<hbm>>
    tpu.enqueue_dma source(%arg5 : memref<32x512xf32, #tpu.memory_space<vmem>>) target(%dma_start3A_493 : memref<32x512xf32, #tpu.memory_space<hbm>>) target_semaphore(%arg8 : memref<!tpu.dma_semaphore, #tpu.memory_space<semaphore_mem>>)
    %dma_start3A_494 = arith.constant 800 : i32
    %dma_start3A_495 = arith.constant 0 : i32
    %dma_start3A_496 = tpu.memref_slice %arg3[%add3A_8, %dma_start3A_494, %dma_start3A_495] : memref<64x1024x1024xf32, #tpu.memory_space<hbm>> -> memref<1x32x512xf32, #tpu.memory_space<hbm>>
    %dma_start3A_497 = tpu.memref_squeeze %dma_start3A_496 : memref<1x32x512xf32, #tpu.memory_space<hbm>> -> memref<32x512xf32, #tpu.memory_space<hbm>>
    %dma_start3A_498 = arith.constant 800 : i32
    %dma_start3A_499 = arith.constant 0 : i32
    %dma_start3A_500 = tpu.memref_slice %arg3[%add3A_8, %dma_start3A_498, %dma_start3A_499] : memref<64x1024x1024xf32, #tpu.memory_space<hbm>> -> memref<1x32x512xf32, #tpu.memory_space<hbm>>
    %dma_start3A_501 = tpu.memref_squeeze %dma_start3A_500 : memref<1x32x512xf32, #tpu.memory_space<hbm>> -> memref<32x512xf32, #tpu.memory_space<hbm>>
    tpu.enqueue_dma source(%arg5 : memref<32x512xf32, #tpu.memory_space<vmem>>) target(%dma_start3A_501 : memref<32x512xf32, #tpu.memory_space<hbm>>) target_semaphore(%arg8 : memref<!tpu.dma_semaphore, #tpu.memory_space<semaphore_mem>>)
    %dma_start3A_502 = arith.constant 832 : i32
    %dma_start3A_503 = arith.constant 0 : i32
    %dma_start3A_504 = tpu.memref_slice %arg3[%add3A_8, %dma_start3A_502, %dma_start3A_503] : memref<64x1024x1024xf32, #tpu.memory_space<hbm>> -> memref<1x32x512xf32, #tpu.memory_space<hbm>>
    %dma_start3A_505 = tpu.memref_squeeze %dma_start3A_504 : memref<1x32x512xf32, #tpu.memory_space<hbm>> -> memref<32x512xf32, #tpu.memory_space<hbm>>
    %dma_start3A_506 = arith.constant 832 : i32
    %dma_start3A_507 = arith.constant 0 : i32
    %dma_start3A_508 = tpu.memref_slice %arg3[%add3A_8, %dma_start3A_506, %dma_start3A_507] : memref<64x1024x1024xf32, #tpu.memory_space<hbm>> -> memref<1x32x512xf32, #tpu.memory_space<hbm>>
    %dma_start3A_509 = tpu.memref_squeeze %dma_start3A_508 : memref<1x32x512xf32, #tpu.memory_space<hbm>> -> memref<32x512xf32, #tpu.memory_space<hbm>>
    tpu.enqueue_dma source(%arg5 : memref<32x512xf32, #tpu.memory_space<vmem>>) target(%dma_start3A_509 : memref<32x512xf32, #tpu.memory_space<hbm>>) target_semaphore(%arg8 : memref<!tpu.dma_semaphore, #tpu.memory_space<semaphore_mem>>)
    %dma_start3A_510 = arith.constant 864 : i32
    %dma_start3A_511 = arith.constant 0 : i32
    %dma_start3A_512 = tpu.memref_slice %arg3[%add3A_8, %dma_start3A_510, %dma_start3A_511] : memref<64x1024x1024xf32, #tpu.memory_space<hbm>> -> memref<1x32x512xf32, #tpu.memory_space<hbm>>
    %dma_start3A_513 = tpu.memref_squeeze %dma_start3A_512 : memref<1x32x512xf32, #tpu.memory_space<hbm>> -> memref<32x512xf32, #tpu.memory_space<hbm>>
    %dma_start3A_514 = arith.constant 864 : i32
    %dma_start3A_515 = arith.constant 0 : i32
    %dma_start3A_516 = tpu.memref_slice %arg3[%add3A_8, %dma_start3A_514, %dma_start3A_515] : memref<64x1024x1024xf32, #tpu.memory_space<hbm>> -> memref<1x32x512xf32, #tpu.memory_space<hbm>>
    %dma_start3A_517 = tpu.memref_squeeze %dma_start3A_516 : memref<1x32x512xf32, #tpu.memory_space<hbm>> -> memref<32x512xf32, #tpu.memory_space<hbm>>
    tpu.enqueue_dma source(%arg5 : memref<32x512xf32, #tpu.memory_space<vmem>>) target(%dma_start3A_517 : memref<32x512xf32, #tpu.memory_space<hbm>>) target_semaphore(%arg8 : memref<!tpu.dma_semaphore, #tpu.memory_space<semaphore_mem>>)
    %dma_start3A_518 = arith.constant 896 : i32
    %dma_start3A_519 = arith.constant 0 : i32
    %dma_start3A_520 = tpu.memref_slice %arg3[%add3A_8, %dma_start3A_518, %dma_start3A_519] : memref<64x1024x1024xf32, #tpu.memory_space<hbm>> -> memref<1x32x512xf32, #tpu.memory_space<hbm>>
    %dma_start3A_521 = tpu.memref_squeeze %dma_start3A_520 : memref<1x32x512xf32, #tpu.memory_space<hbm>> -> memref<32x512xf32, #tpu.memory_space<hbm>>
    %dma_start3A_522 = arith.constant 896 : i32
    %dma_start3A_523 = arith.constant 0 : i32
    %dma_start3A_524 = tpu.memref_slice %arg3[%add3A_8, %dma_start3A_522, %dma_start3A_523] : memref<64x1024x1024xf32, #tpu.memory_space<hbm>> -> memref<1x32x512xf32, #tpu.memory_space<hbm>>
    %dma_start3A_525 = tpu.memref_squeeze %dma_start3A_524 : memref<1x32x512xf32, #tpu.memory_space<hbm>> -> memref<32x512xf32, #tpu.memory_space<hbm>>
    tpu.enqueue_dma source(%arg5 : memref<32x512xf32, #tpu.memory_space<vmem>>) target(%dma_start3A_525 : memref<32x512xf32, #tpu.memory_space<hbm>>) target_semaphore(%arg8 : memref<!tpu.dma_semaphore, #tpu.memory_space<semaphore_mem>>)
    %dma_start3A_526 = arith.constant 928 : i32
    %dma_start3A_527 = arith.constant 0 : i32
    %dma_start3A_528 = tpu.memref_slice %arg3[%add3A_8, %dma_start3A_526, %dma_start3A_527] : memref<64x1024x1024xf32, #tpu.memory_space<hbm>> -> memref<1x32x512xf32, #tpu.memory_space<hbm>>
    %dma_start3A_529 = tpu.memref_squeeze %dma_start3A_528 : memref<1x32x512xf32, #tpu.memory_space<hbm>> -> memref<32x512xf32, #tpu.memory_space<hbm>>
    %dma_start3A_530 = arith.constant 928 : i32
    %dma_start3A_531 = arith.constant 0 : i32
    %dma_start3A_532 = tpu.memref_slice %arg3[%add3A_8, %dma_start3A_530, %dma_start3A_531] : memref<64x1024x1024xf32, #tpu.memory_space<hbm>> -> memref<1x32x512xf32, #tpu.memory_space<hbm>>
    %dma_start3A_533 = tpu.memref_squeeze %dma_start3A_532 : memref<1x32x512xf32, #tpu.memory_space<hbm>> -> memref<32x512xf32, #tpu.memory_space<hbm>>
    tpu.enqueue_dma source(%arg5 : memref<32x512xf32, #tpu.memory_space<vmem>>) target(%dma_start3A_533 : memref<32x512xf32, #tpu.memory_space<hbm>>) target_semaphore(%arg8 : memref<!tpu.dma_semaphore, #tpu.memory_space<semaphore_mem>>)
    %dma_start3A_534 = arith.constant 960 : i32
    %dma_start3A_535 = arith.constant 0 : i32
    %dma_start3A_536 = tpu.memref_slice %arg3[%add3A_8, %dma_start3A_534, %dma_start3A_535] : memref<64x1024x1024xf32, #tpu.memory_space<hbm>> -> memref<1x32x512xf32, #tpu.memory_space<hbm>>
    %dma_start3A_537 = tpu.memref_squeeze %dma_start3A_536 : memref<1x32x512xf32, #tpu.memory_space<hbm>> -> memref<32x512xf32, #tpu.memory_space<hbm>>
    %dma_start3A_538 = arith.constant 960 : i32
    %dma_start3A_539 = arith.constant 0 : i32
    %dma_start3A_540 = tpu.memref_slice %arg3[%add3A_8, %dma_start3A_538, %dma_start3A_539] : memref<64x1024x1024xf32, #tpu.memory_space<hbm>> -> memref<1x32x512xf32, #tpu.memory_space<hbm>>
    %dma_start3A_541 = tpu.memref_squeeze %dma_start3A_540 : memref<1x32x512xf32, #tpu.memory_space<hbm>> -> memref<32x512xf32, #tpu.memory_space<hbm>>
    tpu.enqueue_dma source(%arg5 : memref<32x512xf32, #tpu.memory_space<vmem>>) target(%dma_start3A_541 : memref<32x512xf32, #tpu.memory_space<hbm>>) target_semaphore(%arg8 : memref<!tpu.dma_semaphore, #tpu.memory_space<semaphore_mem>>)
    %dma_start3A_542 = arith.constant 992 : i32
    %dma_start3A_543 = arith.constant 0 : i32
    %dma_start3A_544 = tpu.memref_slice %arg3[%add3A_8, %dma_start3A_542, %dma_start3A_543] : memref<64x1024x1024xf32, #tpu.memory_space<hbm>> -> memref<1x32x512xf32, #tpu.memory_space<hbm>>
    %dma_start3A_545 = tpu.memref_squeeze %dma_start3A_544 : memref<1x32x512xf32, #tpu.memory_space<hbm>> -> memref<32x512xf32, #tpu.memory_space<hbm>>
    %dma_start3A_546 = arith.constant 992 : i32
    %dma_start3A_547 = arith.constant 0 : i32
    %dma_start3A_548 = tpu.memref_slice %arg3[%add3A_8, %dma_start3A_546, %dma_start3A_547] : memref<64x1024x1024xf32, #tpu.memory_space<hbm>> -> memref<1x32x512xf32, #tpu.memory_space<hbm>>
    %dma_start3A_549 = tpu.memref_squeeze %dma_start3A_548 : memref<1x32x512xf32, #tpu.memory_space<hbm>> -> memref<32x512xf32, #tpu.memory_space<hbm>>
    tpu.enqueue_dma source(%arg5 : memref<32x512xf32, #tpu.memory_space<vmem>>) target(%dma_start3A_549 : memref<32x512xf32, #tpu.memory_space<hbm>>) target_semaphore(%arg8 : memref<!tpu.dma_semaphore, #tpu.memory_space<semaphore_mem>>)
    %dma_wait3A = arith.constant 0 : i32
    %dma_wait3A_550 = arith.constant 0 : i32
    %dma_wait3A_551 = tpu.memref_slice %arg2[%add3A_4, %dma_wait3A, %dma_wait3A_550] : memref<64x512x512xf32, #tpu.memory_space<hbm>> -> memref<1x64x512xf32, #tpu.memory_space<hbm>>
    %dma_wait3A_552 = tpu.memref_squeeze %dma_wait3A_551 : memref<1x64x512xf32, #tpu.memory_space<hbm>> -> memref<64x512xf32, #tpu.memory_space<hbm>>
    %dma_wait3A_553 = arith.constant 0 : i32
    %dma_wait3A_554 = arith.constant 0 : i32
    %dma_wait3A_555 = tpu.memref_slice %arg2[%add3A_4, %dma_wait3A_553, %dma_wait3A_554] : memref<64x512x512xf32, #tpu.memory_space<hbm>> -> memref<1x64x512xf32, #tpu.memory_space<hbm>>
    %dma_wait3A_556 = tpu.memref_squeeze %dma_wait3A_555 : memref<1x64x512xf32, #tpu.memory_space<hbm>> -> memref<64x512xf32, #tpu.memory_space<hbm>>
    tpu.wait_dma2 semaphore(%arg9 : memref<!tpu.dma_semaphore, #tpu.memory_space<semaphore_mem>>) src(%dma_wait3A_556 : memref<64x512xf32, #tpu.memory_space<hbm>>) dst(%arg6 : memref<64x512xf32, #tpu.memory_space<vmem>>)
    %dma_start3A_557 = arith.constant 512 : i32
    %dma_start3A_558 = arith.constant 512 : i32
    %dma_start3A_559 = tpu.memref_slice %arg3[%add3A_4, %dma_start3A_557, %dma_start3A_558] : memref<64x1024x1024xf32, #tpu.memory_space<hbm>> -> memref<1x64x512xf32, #tpu.memory_space<hbm>>
    %dma_start3A_560 = tpu.memref_squeeze %dma_start3A_559 : memref<1x64x512xf32, #tpu.memory_space<hbm>> -> memref<64x512xf32, #tpu.memory_space<hbm>>
    %dma_start3A_561 = arith.constant 512 : i32
    %dma_start3A_562 = arith.constant 512 : i32
    %dma_start3A_563 = tpu.memref_slice %arg3[%add3A_4, %dma_start3A_561, %dma_start3A_562] : memref<64x1024x1024xf32, #tpu.memory_space<hbm>> -> memref<1x64x512xf32, #tpu.memory_space<hbm>>
    %dma_start3A_564 = tpu.memref_squeeze %dma_start3A_563 : memref<1x64x512xf32, #tpu.memory_space<hbm>> -> memref<64x512xf32, #tpu.memory_space<hbm>>
    tpu.enqueue_dma source(%arg6 : memref<64x512xf32, #tpu.memory_space<vmem>>) target(%dma_start3A_564 : memref<64x512xf32, #tpu.memory_space<hbm>>) target_semaphore(%arg11 : memref<!tpu.dma_semaphore, #tpu.memory_space<semaphore_mem>>)
    %dma_wait3A_565 = arith.constant 512 : i32
    %dma_wait3A_566 = arith.constant 512 : i32
    %dma_wait3A_567 = tpu.memref_slice %arg3[%add3A_4, %dma_wait3A_565, %dma_wait3A_566] : memref<64x1024x1024xf32, #tpu.memory_space<hbm>> -> memref<1x64x512xf32, #tpu.memory_space<hbm>>
    %dma_wait3A_568 = tpu.memref_squeeze %dma_wait3A_567 : memref<1x64x512xf32, #tpu.memory_space<hbm>> -> memref<64x512xf32, #tpu.memory_space<hbm>>
    %dma_wait3A_569 = arith.constant 512 : i32
    %dma_wait3A_570 = arith.constant 512 : i32
    %dma_wait3A_571 = tpu.memref_slice %arg3[%add3A_4, %dma_wait3A_569, %dma_wait3A_570] : memref<64x1024x1024xf32, #tpu.memory_space<hbm>> -> memref<1x64x512xf32, #tpu.memory_space<hbm>>
    %dma_wait3A_572 = tpu.memref_squeeze %dma_wait3A_571 : memref<1x64x512xf32, #tpu.memory_space<hbm>> -> memref<64x512xf32, #tpu.memory_space<hbm>>
    tpu.wait_dma2 semaphore(%arg11 : memref<!tpu.dma_semaphore, #tpu.memory_space<semaphore_mem>>) src(%arg6 : memref<64x512xf32, #tpu.memory_space<vmem>>) dst(%dma_wait3A_572 : memref<64x512xf32, #tpu.memory_space<hbm>>)
    %dma_start3A_573 = arith.constant 128 : i32
    %dma_start3A_574 = arith.constant 0 : i32
    %dma_start3A_575 = tpu.memref_slice %arg2[%add3A_4, %dma_start3A_573, %dma_start3A_574] : memref<64x512x512xf32, #tpu.memory_space<hbm>> -> memref<1x64x512xf32, #tpu.memory_space<hbm>>
    %dma_start3A_576 = tpu.memref_squeeze %dma_start3A_575 : memref<1x64x512xf32, #tpu.memory_space<hbm>> -> memref<64x512xf32, #tpu.memory_space<hbm>>
    %dma_start3A_577 = arith.constant 128 : i32
    %dma_start3A_578 = arith.constant 0 : i32
    %dma_start3A_579 = tpu.memref_slice %arg2[%add3A_4, %dma_start3A_577, %dma_start3A_578] : memref<64x512x512xf32, #tpu.memory_space<hbm>> -> memref<1x64x512xf32, #tpu.memory_space<hbm>>
    %dma_start3A_580 = tpu.memref_squeeze %dma_start3A_579 : memref<1x64x512xf32, #tpu.memory_space<hbm>> -> memref<64x512xf32, #tpu.memory_space<hbm>>
    tpu.enqueue_dma source(%dma_start3A_580 : memref<64x512xf32, #tpu.memory_space<hbm>>) target(%arg6 : memref<64x512xf32, #tpu.memory_space<vmem>>) target_semaphore(%arg9 : memref<!tpu.dma_semaphore, #tpu.memory_space<semaphore_mem>>)
    %dma_wait3A_581 = arith.constant 64 : i32
    %dma_wait3A_582 = arith.constant 0 : i32
    %dma_wait3A_583 = tpu.memref_slice %arg2[%add3A_4, %dma_wait3A_581, %dma_wait3A_582] : memref<64x512x512xf32, #tpu.memory_space<hbm>> -> memref<1x64x512xf32, #tpu.memory_space<hbm>>
    %dma_wait3A_584 = tpu.memref_squeeze %dma_wait3A_583 : memref<1x64x512xf32, #tpu.memory_space<hbm>> -> memref<64x512xf32, #tpu.memory_space<hbm>>
    %dma_wait3A_585 = arith.constant 64 : i32
    %dma_wait3A_586 = arith.constant 0 : i32
    %dma_wait3A_587 = tpu.memref_slice %arg2[%add3A_4, %dma_wait3A_585, %dma_wait3A_586] : memref<64x512x512xf32, #tpu.memory_space<hbm>> -> memref<1x64x512xf32, #tpu.memory_space<hbm>>
    %dma_wait3A_588 = tpu.memref_squeeze %dma_wait3A_587 : memref<1x64x512xf32, #tpu.memory_space<hbm>> -> memref<64x512xf32, #tpu.memory_space<hbm>>
    tpu.wait_dma2 semaphore(%arg10 : memref<!tpu.dma_semaphore, #tpu.memory_space<semaphore_mem>>) src(%dma_wait3A_588 : memref<64x512xf32, #tpu.memory_space<hbm>>) dst(%arg7 : memref<64x512xf32, #tpu.memory_space<vmem>>)
    %dma_start3A_589 = arith.constant 576 : i32
    %dma_start3A_590 = arith.constant 512 : i32
    %dma_start3A_591 = tpu.memref_slice %arg3[%add3A_4, %dma_start3A_589, %dma_start3A_590] : memref<64x1024x1024xf32, #tpu.memory_space<hbm>> -> memref<1x64x512xf32, #tpu.memory_space<hbm>>
    %dma_start3A_592 = tpu.memref_squeeze %dma_start3A_591 : memref<1x64x512xf32, #tpu.memory_space<hbm>> -> memref<64x512xf32, #tpu.memory_space<hbm>>
    %dma_start3A_593 = arith.constant 576 : i32
    %dma_start3A_594 = arith.constant 512 : i32
    %dma_start3A_595 = tpu.memref_slice %arg3[%add3A_4, %dma_start3A_593, %dma_start3A_594] : memref<64x1024x1024xf32, #tpu.memory_space<hbm>> -> memref<1x64x512xf32, #tpu.memory_space<hbm>>
    %dma_start3A_596 = tpu.memref_squeeze %dma_start3A_595 : memref<1x64x512xf32, #tpu.memory_space<hbm>> -> memref<64x512xf32, #tpu.memory_space<hbm>>
    tpu.enqueue_dma source(%arg7 : memref<64x512xf32, #tpu.memory_space<vmem>>) target(%dma_start3A_596 : memref<64x512xf32, #tpu.memory_space<hbm>>) target_semaphore(%arg12 : memref<!tpu.dma_semaphore, #tpu.memory_space<semaphore_mem>>)
    %dma_wait3A_597 = arith.constant 576 : i32
    %dma_wait3A_598 = arith.constant 512 : i32
    %dma_wait3A_599 = tpu.memref_slice %arg3[%add3A_4, %dma_wait3A_597, %dma_wait3A_598] : memref<64x1024x1024xf32, #tpu.memory_space<hbm>> -> memref<1x64x512xf32, #tpu.memory_space<hbm>>
    %dma_wait3A_600 = tpu.memref_squeeze %dma_wait3A_599 : memref<1x64x512xf32, #tpu.memory_space<hbm>> -> memref<64x512xf32, #tpu.memory_space<hbm>>
    %dma_wait3A_601 = arith.constant 576 : i32
    %dma_wait3A_602 = arith.constant 512 : i32
    %dma_wait3A_603 = tpu.memref_slice %arg3[%add3A_4, %dma_wait3A_601, %dma_wait3A_602] : memref<64x1024x1024xf32, #tpu.memory_space<hbm>> -> memref<1x64x512xf32, #tpu.memory_space<hbm>>
    %dma_wait3A_604 = tpu.memref_squeeze %dma_wait3A_603 : memref<1x64x512xf32, #tpu.memory_space<hbm>> -> memref<64x512xf32, #tpu.memory_space<hbm>>
    tpu.wait_dma2 semaphore(%arg12 : memref<!tpu.dma_semaphore, #tpu.memory_space<semaphore_mem>>) src(%arg7 : memref<64x512xf32, #tpu.memory_space<vmem>>) dst(%dma_wait3A_604 : memref<64x512xf32, #tpu.memory_space<hbm>>)
    %dma_start3A_605 = arith.constant 192 : i32
    %dma_start3A_606 = arith.constant 0 : i32
    %dma_start3A_607 = tpu.memref_slice %arg2[%add3A_4, %dma_start3A_605, %dma_start3A_606] : memref<64x512x512xf32, #tpu.memory_space<hbm>> -> memref<1x64x512xf32, #tpu.memory_space<hbm>>
    %dma_start3A_608 = tpu.memref_squeeze %dma_start3A_607 : memref<1x64x512xf32, #tpu.memory_space<hbm>> -> memref<64x512xf32, #tpu.memory_space<hbm>>
    %dma_start3A_609 = arith.constant 192 : i32
    %dma_start3A_610 = arith.constant 0 : i32
    %dma_start3A_611 = tpu.memref_slice %arg2[%add3A_4, %dma_start3A_609, %dma_start3A_610] : memref<64x512x512xf32, #tpu.memory_space<hbm>> -> memref<1x64x512xf32, #tpu.memory_space<hbm>>
    %dma_start3A_612 = tpu.memref_squeeze %dma_start3A_611 : memref<1x64x512xf32, #tpu.memory_space<hbm>> -> memref<64x512xf32, #tpu.memory_space<hbm>>
    tpu.enqueue_dma source(%dma_start3A_612 : memref<64x512xf32, #tpu.memory_space<hbm>>) target(%arg7 : memref<64x512xf32, #tpu.memory_space<vmem>>) target_semaphore(%arg10 : memref<!tpu.dma_semaphore, #tpu.memory_space<semaphore_mem>>)
    %dma_wait3A_613 = arith.constant 128 : i32
    %dma_wait3A_614 = arith.constant 0 : i32
    %dma_wait3A_615 = tpu.memref_slice %arg2[%add3A_4, %dma_wait3A_613, %dma_wait3A_614] : memref<64x512x512xf32, #tpu.memory_space<hbm>> -> memref<1x64x512xf32, #tpu.memory_space<hbm>>
    %dma_wait3A_616 = tpu.memref_squeeze %dma_wait3A_615 : memref<1x64x512xf32, #tpu.memory_space<hbm>> -> memref<64x512xf32, #tpu.memory_space<hbm>>
    %dma_wait3A_617 = arith.constant 128 : i32
    %dma_wait3A_618 = arith.constant 0 : i32
    %dma_wait3A_619 = tpu.memref_slice %arg2[%add3A_4, %dma_wait3A_617, %dma_wait3A_618] : memref<64x512x512xf32, #tpu.memory_space<hbm>> -> memref<1x64x512xf32, #tpu.memory_space<hbm>>
    %dma_wait3A_620 = tpu.memref_squeeze %dma_wait3A_619 : memref<1x64x512xf32, #tpu.memory_space<hbm>> -> memref<64x512xf32, #tpu.memory_space<hbm>>
    tpu.wait_dma2 semaphore(%arg9 : memref<!tpu.dma_semaphore, #tpu.memory_space<semaphore_mem>>) src(%dma_wait3A_620 : memref<64x512xf32, #tpu.memory_space<hbm>>) dst(%arg6 : memref<64x512xf32, #tpu.memory_space<vmem>>)
    %dma_start3A_621 = arith.constant 640 : i32
    %dma_start3A_622 = arith.constant 512 : i32
    %dma_start3A_623 = tpu.memref_slice %arg3[%add3A_4, %dma_start3A_621, %dma_start3A_622] : memref<64x1024x1024xf32, #tpu.memory_space<hbm>> -> memref<1x64x512xf32, #tpu.memory_space<hbm>>
    %dma_start3A_624 = tpu.memref_squeeze %dma_start3A_623 : memref<1x64x512xf32, #tpu.memory_space<hbm>> -> memref<64x512xf32, #tpu.memory_space<hbm>>
    %dma_start3A_625 = arith.constant 640 : i32
    %dma_start3A_626 = arith.constant 512 : i32
    %dma_start3A_627 = tpu.memref_slice %arg3[%add3A_4, %dma_start3A_625, %dma_start3A_626] : memref<64x1024x1024xf32, #tpu.memory_space<hbm>> -> memref<1x64x512xf32, #tpu.memory_space<hbm>>
    %dma_start3A_628 = tpu.memref_squeeze %dma_start3A_627 : memref<1x64x512xf32, #tpu.memory_space<hbm>> -> memref<64x512xf32, #tpu.memory_space<hbm>>
    tpu.enqueue_dma source(%arg6 : memref<64x512xf32, #tpu.memory_space<vmem>>) target(%dma_start3A_628 : memref<64x512xf32, #tpu.memory_space<hbm>>) target_semaphore(%arg11 : memref<!tpu.dma_semaphore, #tpu.memory_space<semaphore_mem>>)
    %dma_wait3A_629 = arith.constant 640 : i32
    %dma_wait3A_630 = arith.constant 512 : i32
    %dma_wait3A_631 = tpu.memref_slice %arg3[%add3A_4, %dma_wait3A_629, %dma_wait3A_630] : memref<64x1024x1024xf32, #tpu.memory_space<hbm>> -> memref<1x64x512xf32, #tpu.memory_space<hbm>>
    %dma_wait3A_632 = tpu.memref_squeeze %dma_wait3A_631 : memref<1x64x512xf32, #tpu.memory_space<hbm>> -> memref<64x512xf32, #tpu.memory_space<hbm>>
    %dma_wait3A_633 = arith.constant 640 : i32
    %dma_wait3A_634 = arith.constant 512 : i32
    %dma_wait3A_635 = tpu.memref_slice %arg3[%add3A_4, %dma_wait3A_633, %dma_wait3A_634] : memref<64x1024x1024xf32, #tpu.memory_space<hbm>> -> memref<1x64x512xf32, #tpu.memory_space<hbm>>
    %dma_wait3A_636 = tpu.memref_squeeze %dma_wait3A_635 : memref<1x64x512xf32, #tpu.memory_space<hbm>> -> memref<64x512xf32, #tpu.memory_space<hbm>>
    tpu.wait_dma2 semaphore(%arg11 : memref<!tpu.dma_semaphore, #tpu.memory_space<semaphore_mem>>) src(%arg6 : memref<64x512xf32, #tpu.memory_space<vmem>>) dst(%dma_wait3A_636 : memref<64x512xf32, #tpu.memory_space<hbm>>)
    %dma_start3A_637 = arith.constant 256 : i32
    %dma_start3A_638 = arith.constant 0 : i32
    %dma_start3A_639 = tpu.memref_slice %arg2[%add3A_4, %dma_start3A_637, %dma_start3A_638] : memref<64x512x512xf32, #tpu.memory_space<hbm>> -> memref<1x64x512xf32, #tpu.memory_space<hbm>>
    %dma_start3A_640 = tpu.memref_squeeze %dma_start3A_639 : memref<1x64x512xf32, #tpu.memory_space<hbm>> -> memref<64x512xf32, #tpu.memory_space<hbm>>
    %dma_start3A_641 = arith.constant 256 : i32
    %dma_start3A_642 = arith.constant 0 : i32
    %dma_start3A_643 = tpu.memref_slice %arg2[%add3A_4, %dma_start3A_641, %dma_start3A_642] : memref<64x512x512xf32, #tpu.memory_space<hbm>> -> memref<1x64x512xf32, #tpu.memory_space<hbm>>
    %dma_start3A_644 = tpu.memref_squeeze %dma_start3A_643 : memref<1x64x512xf32, #tpu.memory_space<hbm>> -> memref<64x512xf32, #tpu.memory_space<hbm>>
    tpu.enqueue_dma source(%dma_start3A_644 : memref<64x512xf32, #tpu.memory_space<hbm>>) target(%arg6 : memref<64x512xf32, #tpu.memory_space<vmem>>) target_semaphore(%arg9 : memref<!tpu.dma_semaphore, #tpu.memory_space<semaphore_mem>>)
    %dma_wait3A_645 = arith.constant 192 : i32
    %dma_wait3A_646 = arith.constant 0 : i32
    %dma_wait3A_647 = tpu.memref_slice %arg2[%add3A_4, %dma_wait3A_645, %dma_wait3A_646] : memref<64x512x512xf32, #tpu.memory_space<hbm>> -> memref<1x64x512xf32, #tpu.memory_space<hbm>>
    %dma_wait3A_648 = tpu.memref_squeeze %dma_wait3A_647 : memref<1x64x512xf32, #tpu.memory_space<hbm>> -> memref<64x512xf32, #tpu.memory_space<hbm>>
    %dma_wait3A_649 = arith.constant 192 : i32
    %dma_wait3A_650 = arith.constant 0 : i32
    %dma_wait3A_651 = tpu.memref_slice %arg2[%add3A_4, %dma_wait3A_649, %dma_wait3A_650] : memref<64x512x512xf32, #tpu.memory_space<hbm>> -> memref<1x64x512xf32, #tpu.memory_space<hbm>>
    %dma_wait3A_652 = tpu.memref_squeeze %dma_wait3A_651 : memref<1x64x512xf32, #tpu.memory_space<hbm>> -> memref<64x512xf32, #tpu.memory_space<hbm>>
    tpu.wait_dma2 semaphore(%arg10 : memref<!tpu.dma_semaphore, #tpu.memory_space<semaphore_mem>>) src(%dma_wait3A_652 : memref<64x512xf32, #tpu.memory_space<hbm>>) dst(%arg7 : memref<64x512xf32, #tpu.memory_space<vmem>>)
    %dma_start3A_653 = arith.constant 704 : i32
    %dma_start3A_654 = arith.constant 512 : i32
    %dma_start3A_655 = tpu.memref_slice %arg3[%add3A_4, %dma_start3A_653, %dma_start3A_654] : memref<64x1024x1024xf32, #tpu.memory_space<hbm>> -> memref<1x64x512xf32, #tpu.memory_space<hbm>>
    %dma_start3A_656 = tpu.memref_squeeze %dma_start3A_655 : memref<1x64x512xf32, #tpu.memory_space<hbm>> -> memref<64x512xf32, #tpu.memory_space<hbm>>
    %dma_start3A_657 = arith.constant 704 : i32
    %dma_start3A_658 = arith.constant 512 : i32
    %dma_start3A_659 = tpu.memref_slice %arg3[%add3A_4, %dma_start3A_657, %dma_start3A_658] : memref<64x1024x1024xf32, #tpu.memory_space<hbm>> -> memref<1x64x512xf32, #tpu.memory_space<hbm>>
    %dma_start3A_660 = tpu.memref_squeeze %dma_start3A_659 : memref<1x64x512xf32, #tpu.memory_space<hbm>> -> memref<64x512xf32, #tpu.memory_space<hbm>>
    tpu.enqueue_dma source(%arg7 : memref<64x512xf32, #tpu.memory_space<vmem>>) target(%dma_start3A_660 : memref<64x512xf32, #tpu.memory_space<hbm>>) target_semaphore(%arg12 : memref<!tpu.dma_semaphore, #tpu.memory_space<semaphore_mem>>)
    %dma_wait3A_661 = arith.constant 704 : i32
    %dma_wait3A_662 = arith.constant 512 : i32
    %dma_wait3A_663 = tpu.memref_slice %arg3[%add3A_4, %dma_wait3A_661, %dma_wait3A_662] : memref<64x1024x1024xf32, #tpu.memory_space<hbm>> -> memref<1x64x512xf32, #tpu.memory_space<hbm>>
    %dma_wait3A_664 = tpu.memref_squeeze %dma_wait3A_663 : memref<1x64x512xf32, #tpu.memory_space<hbm>> -> memref<64x512xf32, #tpu.memory_space<hbm>>
    %dma_wait3A_665 = arith.constant 704 : i32
    %dma_wait3A_666 = arith.constant 512 : i32
    %dma_wait3A_667 = tpu.memref_slice %arg3[%add3A_4, %dma_wait3A_665, %dma_wait3A_666] : memref<64x1024x1024xf32, #tpu.memory_space<hbm>> -> memref<1x64x512xf32, #tpu.memory_space<hbm>>
    %dma_wait3A_668 = tpu.memref_squeeze %dma_wait3A_667 : memref<1x64x512xf32, #tpu.memory_space<hbm>> -> memref<64x512xf32, #tpu.memory_space<hbm>>
    tpu.wait_dma2 semaphore(%arg12 : memref<!tpu.dma_semaphore, #tpu.memory_space<semaphore_mem>>) src(%arg7 : memref<64x512xf32, #tpu.memory_space<vmem>>) dst(%dma_wait3A_668 : memref<64x512xf32, #tpu.memory_space<hbm>>)
    %dma_start3A_669 = arith.constant 320 : i32
    %dma_start3A_670 = arith.constant 0 : i32
    %dma_start3A_671 = tpu.memref_slice %arg2[%add3A_4, %dma_start3A_669, %dma_start3A_670] : memref<64x512x512xf32, #tpu.memory_space<hbm>> -> memref<1x64x512xf32, #tpu.memory_space<hbm>>
    %dma_start3A_672 = tpu.memref_squeeze %dma_start3A_671 : memref<1x64x512xf32, #tpu.memory_space<hbm>> -> memref<64x512xf32, #tpu.memory_space<hbm>>
    %dma_start3A_673 = arith.constant 320 : i32
    %dma_start3A_674 = arith.constant 0 : i32
    %dma_start3A_675 = tpu.memref_slice %arg2[%add3A_4, %dma_start3A_673, %dma_start3A_674] : memref<64x512x512xf32, #tpu.memory_space<hbm>> -> memref<1x64x512xf32, #tpu.memory_space<hbm>>
    %dma_start3A_676 = tpu.memref_squeeze %dma_start3A_675 : memref<1x64x512xf32, #tpu.memory_space<hbm>> -> memref<64x512xf32, #tpu.memory_space<hbm>>
    tpu.enqueue_dma source(%dma_start3A_676 : memref<64x512xf32, #tpu.memory_space<hbm>>) target(%arg7 : memref<64x512xf32, #tpu.memory_space<vmem>>) target_semaphore(%arg10 : memref<!tpu.dma_semaphore, #tpu.memory_space<semaphore_mem>>)
    %dma_wait3A_677 = arith.constant 256 : i32
    %dma_wait3A_678 = arith.constant 0 : i32
    %dma_wait3A_679 = tpu.memref_slice %arg2[%add3A_4, %dma_wait3A_677, %dma_wait3A_678] : memref<64x512x512xf32, #tpu.memory_space<hbm>> -> memref<1x64x512xf32, #tpu.memory_space<hbm>>
    %dma_wait3A_680 = tpu.memref_squeeze %dma_wait3A_679 : memref<1x64x512xf32, #tpu.memory_space<hbm>> -> memref<64x512xf32, #tpu.memory_space<hbm>>
    %dma_wait3A_681 = arith.constant 256 : i32
    %dma_wait3A_682 = arith.constant 0 : i32
    %dma_wait3A_683 = tpu.memref_slice %arg2[%add3A_4, %dma_wait3A_681, %dma_wait3A_682] : memref<64x512x512xf32, #tpu.memory_space<hbm>> -> memref<1x64x512xf32, #tpu.memory_space<hbm>>
    %dma_wait3A_684 = tpu.memref_squeeze %dma_wait3A_683 : memref<1x64x512xf32, #tpu.memory_space<hbm>> -> memref<64x512xf32, #tpu.memory_space<hbm>>
    tpu.wait_dma2 semaphore(%arg9 : memref<!tpu.dma_semaphore, #tpu.memory_space<semaphore_mem>>) src(%dma_wait3A_684 : memref<64x512xf32, #tpu.memory_space<hbm>>) dst(%arg6 : memref<64x512xf32, #tpu.memory_space<vmem>>)
    %dma_start3A_685 = arith.constant 768 : i32
    %dma_start3A_686 = arith.constant 512 : i32
    %dma_start3A_687 = tpu.memref_slice %arg3[%add3A_4, %dma_start3A_685, %dma_start3A_686] : memref<64x1024x1024xf32, #tpu.memory_space<hbm>> -> memref<1x64x512xf32, #tpu.memory_space<hbm>>
    %dma_start3A_688 = tpu.memref_squeeze %dma_start3A_687 : memref<1x64x512xf32, #tpu.memory_space<hbm>> -> memref<64x512xf32, #tpu.memory_space<hbm>>
    %dma_start3A_689 = arith.constant 768 : i32
    %dma_start3A_690 = arith.constant 512 : i32
    %dma_start3A_691 = tpu.memref_slice %arg3[%add3A_4, %dma_start3A_689, %dma_start3A_690] : memref<64x1024x1024xf32, #tpu.memory_space<hbm>> -> memref<1x64x512xf32, #tpu.memory_space<hbm>>
    %dma_start3A_692 = tpu.memref_squeeze %dma_start3A_691 : memref<1x64x512xf32, #tpu.memory_space<hbm>> -> memref<64x512xf32, #tpu.memory_space<hbm>>
    tpu.enqueue_dma source(%arg6 : memref<64x512xf32, #tpu.memory_space<vmem>>) target(%dma_start3A_692 : memref<64x512xf32, #tpu.memory_space<hbm>>) target_semaphore(%arg11 : memref<!tpu.dma_semaphore, #tpu.memory_space<semaphore_mem>>)
    %dma_wait3A_693 = arith.constant 768 : i32
    %dma_wait3A_694 = arith.constant 512 : i32
    %dma_wait3A_695 = tpu.memref_slice %arg3[%add3A_4, %dma_wait3A_693, %dma_wait3A_694] : memref<64x1024x1024xf32, #tpu.memory_space<hbm>> -> memref<1x64x512xf32, #tpu.memory_space<hbm>>
    %dma_wait3A_696 = tpu.memref_squeeze %dma_wait3A_695 : memref<1x64x512xf32, #tpu.memory_space<hbm>> -> memref<64x512xf32, #tpu.memory_space<hbm>>
    %dma_wait3A_697 = arith.constant 768 : i32
    %dma_wait3A_698 = arith.constant 512 : i32
    %dma_wait3A_699 = tpu.memref_slice %arg3[%add3A_4, %dma_wait3A_697, %dma_wait3A_698] : memref<64x1024x1024xf32, #tpu.memory_space<hbm>> -> memref<1x64x512xf32, #tpu.memory_space<hbm>>
    %dma_wait3A_700 = tpu.memref_squeeze %dma_wait3A_699 : memref<1x64x512xf32, #tpu.memory_space<hbm>> -> memref<64x512xf32, #tpu.memory_space<hbm>>
    tpu.wait_dma2 semaphore(%arg11 : memref<!tpu.dma_semaphore, #tpu.memory_space<semaphore_mem>>) src(%arg6 : memref<64x512xf32, #tpu.memory_space<vmem>>) dst(%dma_wait3A_700 : memref<64x512xf32, #tpu.memory_space<hbm>>)
    %dma_start3A_701 = arith.constant 384 : i32
    %dma_start3A_702 = arith.constant 0 : i32
    %dma_start3A_703 = tpu.memref_slice %arg2[%add3A_4, %dma_start3A_701, %dma_start3A_702] : memref<64x512x512xf32, #tpu.memory_space<hbm>> -> memref<1x64x512xf32, #tpu.memory_space<hbm>>
    %dma_start3A_704 = tpu.memref_squeeze %dma_start3A_703 : memref<1x64x512xf32, #tpu.memory_space<hbm>> -> memref<64x512xf32, #tpu.memory_space<hbm>>
    %dma_start3A_705 = arith.constant 384 : i32
    %dma_start3A_706 = arith.constant 0 : i32
    %dma_start3A_707 = tpu.memref_slice %arg2[%add3A_4, %dma_start3A_705, %dma_start3A_706] : memref<64x512x512xf32, #tpu.memory_space<hbm>> -> memref<1x64x512xf32, #tpu.memory_space<hbm>>
    %dma_start3A_708 = tpu.memref_squeeze %dma_start3A_707 : memref<1x64x512xf32, #tpu.memory_space<hbm>> -> memref<64x512xf32, #tpu.memory_space<hbm>>
    tpu.enqueue_dma source(%dma_start3A_708 : memref<64x512xf32, #tpu.memory_space<hbm>>) target(%arg6 : memref<64x512xf32, #tpu.memory_space<vmem>>) target_semaphore(%arg9 : memref<!tpu.dma_semaphore, #tpu.memory_space<semaphore_mem>>)
    %dma_wait3A_709 = arith.constant 320 : i32
    %dma_wait3A_710 = arith.constant 0 : i32
    %dma_wait3A_711 = tpu.memref_slice %arg2[%add3A_4, %dma_wait3A_709, %dma_wait3A_710] : memref<64x512x512xf32, #tpu.memory_space<hbm>> -> memref<1x64x512xf32, #tpu.memory_space<hbm>>
    %dma_wait3A_712 = tpu.memref_squeeze %dma_wait3A_711 : memref<1x64x512xf32, #tpu.memory_space<hbm>> -> memref<64x512xf32, #tpu.memory_space<hbm>>
    %dma_wait3A_713 = arith.constant 320 : i32
    %dma_wait3A_714 = arith.constant 0 : i32
    %dma_wait3A_715 = tpu.memref_slice %arg2[%add3A_4, %dma_wait3A_713, %dma_wait3A_714] : memref<64x512x512xf32, #tpu.memory_space<hbm>> -> memref<1x64x512xf32, #tpu.memory_space<hbm>>
    %dma_wait3A_716 = tpu.memref_squeeze %dma_wait3A_715 : memref<1x64x512xf32, #tpu.memory_space<hbm>> -> memref<64x512xf32, #tpu.memory_space<hbm>>
    tpu.wait_dma2 semaphore(%arg10 : memref<!tpu.dma_semaphore, #tpu.memory_space<semaphore_mem>>) src(%dma_wait3A_716 : memref<64x512xf32, #tpu.memory_space<hbm>>) dst(%arg7 : memref<64x512xf32, #tpu.memory_space<vmem>>)
    %dma_start3A_717 = arith.constant 832 : i32
    %dma_start3A_718 = arith.constant 512 : i32
    %dma_start3A_719 = tpu.memref_slice %arg3[%add3A_4, %dma_start3A_717, %dma_start3A_718] : memref<64x1024x1024xf32, #tpu.memory_space<hbm>> -> memref<1x64x512xf32, #tpu.memory_space<hbm>>
    %dma_start3A_720 = tpu.memref_squeeze %dma_start3A_719 : memref<1x64x512xf32, #tpu.memory_space<hbm>> -> memref<64x512xf32, #tpu.memory_space<hbm>>
    %dma_start3A_721 = arith.constant 832 : i32
    %dma_start3A_722 = arith.constant 512 : i32
    %dma_start3A_723 = tpu.memref_slice %arg3[%add3A_4, %dma_start3A_721, %dma_start3A_722] : memref<64x1024x1024xf32, #tpu.memory_space<hbm>> -> memref<1x64x512xf32, #tpu.memory_space<hbm>>
    %dma_start3A_724 = tpu.memref_squeeze %dma_start3A_723 : memref<1x64x512xf32, #tpu.memory_space<hbm>> -> memref<64x512xf32, #tpu.memory_space<hbm>>
    tpu.enqueue_dma source(%arg7 : memref<64x512xf32, #tpu.memory_space<vmem>>) target(%dma_start3A_724 : memref<64x512xf32, #tpu.memory_space<hbm>>) target_semaphore(%arg12 : memref<!tpu.dma_semaphore, #tpu.memory_space<semaphore_mem>>)
    %dma_wait3A_725 = arith.constant 832 : i32
    %dma_wait3A_726 = arith.constant 512 : i32
    %dma_wait3A_727 = tpu.memref_slice %arg3[%add3A_4, %dma_wait3A_725, %dma_wait3A_726] : memref<64x1024x1024xf32, #tpu.memory_space<hbm>> -> memref<1x64x512xf32, #tpu.memory_space<hbm>>
    %dma_wait3A_728 = tpu.memref_squeeze %dma_wait3A_727 : memref<1x64x512xf32, #tpu.memory_space<hbm>> -> memref<64x512xf32, #tpu.memory_space<hbm>>
    %dma_wait3A_729 = arith.constant 832 : i32
    %dma_wait3A_730 = arith.constant 512 : i32
    %dma_wait3A_731 = tpu.memref_slice %arg3[%add3A_4, %dma_wait3A_729, %dma_wait3A_730] : memref<64x1024x1024xf32, #tpu.memory_space<hbm>> -> memref<1x64x512xf32, #tpu.memory_space<hbm>>
    %dma_wait3A_732 = tpu.memref_squeeze %dma_wait3A_731 : memref<1x64x512xf32, #tpu.memory_space<hbm>> -> memref<64x512xf32, #tpu.memory_space<hbm>>
    tpu.wait_dma2 semaphore(%arg12 : memref<!tpu.dma_semaphore, #tpu.memory_space<semaphore_mem>>) src(%arg7 : memref<64x512xf32, #tpu.memory_space<vmem>>) dst(%dma_wait3A_732 : memref<64x512xf32, #tpu.memory_space<hbm>>)
    %dma_start3A_733 = arith.constant 448 : i32
    %dma_start3A_734 = arith.constant 0 : i32
    %dma_start3A_735 = tpu.memref_slice %arg2[%add3A_4, %dma_start3A_733, %dma_start3A_734] : memref<64x512x512xf32, #tpu.memory_space<hbm>> -> memref<1x64x512xf32, #tpu.memory_space<hbm>>
    %dma_start3A_736 = tpu.memref_squeeze %dma_start3A_735 : memref<1x64x512xf32, #tpu.memory_space<hbm>> -> memref<64x512xf32, #tpu.memory_space<hbm>>
    %dma_start3A_737 = arith.constant 448 : i32
    %dma_start3A_738 = arith.constant 0 : i32
    %dma_start3A_739 = tpu.memref_slice %arg2[%add3A_4, %dma_start3A_737, %dma_start3A_738] : memref<64x512x512xf32, #tpu.memory_space<hbm>> -> memref<1x64x512xf32, #tpu.memory_space<hbm>>
    %dma_start3A_740 = tpu.memref_squeeze %dma_start3A_739 : memref<1x64x512xf32, #tpu.memory_space<hbm>> -> memref<64x512xf32, #tpu.memory_space<hbm>>
    tpu.enqueue_dma source(%dma_start3A_740 : memref<64x512xf32, #tpu.memory_space<hbm>>) target(%arg7 : memref<64x512xf32, #tpu.memory_space<vmem>>) target_semaphore(%arg10 : memref<!tpu.dma_semaphore, #tpu.memory_space<semaphore_mem>>)
    %dma_wait3A_741 = arith.constant 384 : i32
    %dma_wait3A_742 = arith.constant 0 : i32
    %dma_wait3A_743 = tpu.memref_slice %arg2[%add3A_4, %dma_wait3A_741, %dma_wait3A_742] : memref<64x512x512xf32, #tpu.memory_space<hbm>> -> memref<1x64x512xf32, #tpu.memory_space<hbm>>
    %dma_wait3A_744 = tpu.memref_squeeze %dma_wait3A_743 : memref<1x64x512xf32, #tpu.memory_space<hbm>> -> memref<64x512xf32, #tpu.memory_space<hbm>>
    %dma_wait3A_745 = arith.constant 384 : i32
    %dma_wait3A_746 = arith.constant 0 : i32
    %dma_wait3A_747 = tpu.memref_slice %arg2[%add3A_4, %dma_wait3A_745, %dma_wait3A_746] : memref<64x512x512xf32, #tpu.memory_space<hbm>> -> memref<1x64x512xf32, #tpu.memory_space<hbm>>
    %dma_wait3A_748 = tpu.memref_squeeze %dma_wait3A_747 : memref<1x64x512xf32, #tpu.memory_space<hbm>> -> memref<64x512xf32, #tpu.memory_space<hbm>>
    tpu.wait_dma2 semaphore(%arg9 : memref<!tpu.dma_semaphore, #tpu.memory_space<semaphore_mem>>) src(%dma_wait3A_748 : memref<64x512xf32, #tpu.memory_space<hbm>>) dst(%arg6 : memref<64x512xf32, #tpu.memory_space<vmem>>)
    %dma_start3A_749 = arith.constant 896 : i32
    %dma_start3A_750 = arith.constant 512 : i32
    %dma_start3A_751 = tpu.memref_slice %arg3[%add3A_4, %dma_start3A_749, %dma_start3A_750] : memref<64x1024x1024xf32, #tpu.memory_space<hbm>> -> memref<1x64x512xf32, #tpu.memory_space<hbm>>
    %dma_start3A_752 = tpu.memref_squeeze %dma_start3A_751 : memref<1x64x512xf32, #tpu.memory_space<hbm>> -> memref<64x512xf32, #tpu.memory_space<hbm>>
    %dma_start3A_753 = arith.constant 896 : i32
    %dma_start3A_754 = arith.constant 512 : i32
    %dma_start3A_755 = tpu.memref_slice %arg3[%add3A_4, %dma_start3A_753, %dma_start3A_754] : memref<64x1024x1024xf32, #tpu.memory_space<hbm>> -> memref<1x64x512xf32, #tpu.memory_space<hbm>>
    %dma_start3A_756 = tpu.memref_squeeze %dma_start3A_755 : memref<1x64x512xf32, #tpu.memory_space<hbm>> -> memref<64x512xf32, #tpu.memory_space<hbm>>
    tpu.enqueue_dma source(%arg6 : memref<64x512xf32, #tpu.memory_space<vmem>>) target(%dma_start3A_756 : memref<64x512xf32, #tpu.memory_space<hbm>>) target_semaphore(%arg11 : memref<!tpu.dma_semaphore, #tpu.memory_space<semaphore_mem>>)
    %dma_wait3A_757 = arith.constant 896 : i32
    %dma_wait3A_758 = arith.constant 512 : i32
    %dma_wait3A_759 = tpu.memref_slice %arg3[%add3A_4, %dma_wait3A_757, %dma_wait3A_758] : memref<64x1024x1024xf32, #tpu.memory_space<hbm>> -> memref<1x64x512xf32, #tpu.memory_space<hbm>>
    %dma_wait3A_760 = tpu.memref_squeeze %dma_wait3A_759 : memref<1x64x512xf32, #tpu.memory_space<hbm>> -> memref<64x512xf32, #tpu.memory_space<hbm>>
    %dma_wait3A_761 = arith.constant 896 : i32
    %dma_wait3A_762 = arith.constant 512 : i32
    %dma_wait3A_763 = tpu.memref_slice %arg3[%add3A_4, %dma_wait3A_761, %dma_wait3A_762] : memref<64x1024x1024xf32, #tpu.memory_space<hbm>> -> memref<1x64x512xf32, #tpu.memory_space<hbm>>
    %dma_wait3A_764 = tpu.memref_squeeze %dma_wait3A_763 : memref<1x64x512xf32, #tpu.memory_space<hbm>> -> memref<64x512xf32, #tpu.memory_space<hbm>>
    tpu.wait_dma2 semaphore(%arg11 : memref<!tpu.dma_semaphore, #tpu.memory_space<semaphore_mem>>) src(%arg6 : memref<64x512xf32, #tpu.memory_space<vmem>>) dst(%dma_wait3A_764 : memref<64x512xf32, #tpu.memory_space<hbm>>)
    %dma_start3A_765 = arith.constant 0 : i32
    %dma_start3A_766 = arith.constant 0 : i32
    %dma_start3A_767 = tpu.memref_slice %arg2[%add3A_8, %dma_start3A_765, %dma_start3A_766] : memref<64x512x512xf32, #tpu.memory_space<hbm>> -> memref<1x64x512xf32, #tpu.memory_space<hbm>>
    %dma_start3A_768 = tpu.memref_squeeze %dma_start3A_767 : memref<1x64x512xf32, #tpu.memory_space<hbm>> -> memref<64x512xf32, #tpu.memory_space<hbm>>
    %dma_start3A_769 = arith.constant 0 : i32
    %dma_start3A_770 = arith.constant 0 : i32
    %dma_start3A_771 = tpu.memref_slice %arg2[%add3A_8, %dma_start3A_769, %dma_start3A_770] : memref<64x512x512xf32, #tpu.memory_space<hbm>> -> memref<1x64x512xf32, #tpu.memory_space<hbm>>
    %dma_start3A_772 = tpu.memref_squeeze %dma_start3A_771 : memref<1x64x512xf32, #tpu.memory_space<hbm>> -> memref<64x512xf32, #tpu.memory_space<hbm>>
    tpu.enqueue_dma source(%dma_start3A_772 : memref<64x512xf32, #tpu.memory_space<hbm>>) target(%arg6 : memref<64x512xf32, #tpu.memory_space<vmem>>) target_semaphore(%arg9 : memref<!tpu.dma_semaphore, #tpu.memory_space<semaphore_mem>>)
    %dma_wait3A_773 = arith.constant 448 : i32
    %dma_wait3A_774 = arith.constant 0 : i32
    %dma_wait3A_775 = tpu.memref_slice %arg2[%add3A_4, %dma_wait3A_773, %dma_wait3A_774] : memref<64x512x512xf32, #tpu.memory_space<hbm>> -> memref<1x64x512xf32, #tpu.memory_space<hbm>>
    %dma_wait3A_776 = tpu.memref_squeeze %dma_wait3A_775 : memref<1x64x512xf32, #tpu.memory_space<hbm>> -> memref<64x512xf32, #tpu.memory_space<hbm>>
    %dma_wait3A_777 = arith.constant 448 : i32
    %dma_wait3A_778 = arith.constant 0 : i32
    %dma_wait3A_779 = tpu.memref_slice %arg2[%add3A_4, %dma_wait3A_777, %dma_wait3A_778] : memref<64x512x512xf32, #tpu.memory_space<hbm>> -> memref<1x64x512xf32, #tpu.memory_space<hbm>>
    %dma_wait3A_780 = tpu.memref_squeeze %dma_wait3A_779 : memref<1x64x512xf32, #tpu.memory_space<hbm>> -> memref<64x512xf32, #tpu.memory_space<hbm>>
    tpu.wait_dma2 semaphore(%arg10 : memref<!tpu.dma_semaphore, #tpu.memory_space<semaphore_mem>>) src(%dma_wait3A_780 : memref<64x512xf32, #tpu.memory_space<hbm>>) dst(%arg7 : memref<64x512xf32, #tpu.memory_space<vmem>>)
    %dma_start3A_781 = arith.constant 960 : i32
    %dma_start3A_782 = arith.constant 512 : i32
    %dma_start3A_783 = tpu.memref_slice %arg3[%add3A_4, %dma_start3A_781, %dma_start3A_782] : memref<64x1024x1024xf32, #tpu.memory_space<hbm>> -> memref<1x64x512xf32, #tpu.memory_space<hbm>>
    %dma_start3A_784 = tpu.memref_squeeze %dma_start3A_783 : memref<1x64x512xf32, #tpu.memory_space<hbm>> -> memref<64x512xf32, #tpu.memory_space<hbm>>
    %dma_start3A_785 = arith.constant 960 : i32
    %dma_start3A_786 = arith.constant 512 : i32
    %dma_start3A_787 = tpu.memref_slice %arg3[%add3A_4, %dma_start3A_785, %dma_start3A_786] : memref<64x1024x1024xf32, #tpu.memory_space<hbm>> -> memref<1x64x512xf32, #tpu.memory_space<hbm>>
    %dma_start3A_788 = tpu.memref_squeeze %dma_start3A_787 : memref<1x64x512xf32, #tpu.memory_space<hbm>> -> memref<64x512xf32, #tpu.memory_space<hbm>>
    tpu.enqueue_dma source(%arg7 : memref<64x512xf32, #tpu.memory_space<vmem>>) target(%dma_start3A_788 : memref<64x512xf32, #tpu.memory_space<hbm>>) target_semaphore(%arg12 : memref<!tpu.dma_semaphore, #tpu.memory_space<semaphore_mem>>)
    %dma_wait3A_789 = arith.constant 960 : i32
    %dma_wait3A_790 = arith.constant 512 : i32
    %dma_wait3A_791 = tpu.memref_slice %arg3[%add3A_4, %dma_wait3A_789, %dma_wait3A_790] : memref<64x1024x1024xf32, #tpu.memory_space<hbm>> -> memref<1x64x512xf32, #tpu.memory_space<hbm>>
    %dma_wait3A_792 = tpu.memref_squeeze %dma_wait3A_791 : memref<1x64x512xf32, #tpu.memory_space<hbm>> -> memref<64x512xf32, #tpu.memory_space<hbm>>
    %dma_wait3A_793 = arith.constant 960 : i32
    %dma_wait3A_794 = arith.constant 512 : i32
    %dma_wait3A_795 = tpu.memref_slice %arg3[%add3A_4, %dma_wait3A_793, %dma_wait3A_794] : memref<64x1024x1024xf32, #tpu.memory_space<hbm>> -> memref<1x64x512xf32, #tpu.memory_space<hbm>>
    %dma_wait3A_796 = tpu.memref_squeeze %dma_wait3A_795 : memref<1x64x512xf32, #tpu.memory_space<hbm>> -> memref<64x512xf32, #tpu.memory_space<hbm>>
    tpu.wait_dma2 semaphore(%arg12 : memref<!tpu.dma_semaphore, #tpu.memory_space<semaphore_mem>>) src(%arg7 : memref<64x512xf32, #tpu.memory_space<vmem>>) dst(%dma_wait3A_796 : memref<64x512xf32, #tpu.memory_space<hbm>>)
    %dma_start3A_797 = arith.constant 64 : i32
    %dma_start3A_798 = arith.constant 0 : i32
    %dma_start3A_799 = tpu.memref_slice %arg2[%add3A_8, %dma_start3A_797, %dma_start3A_798] : memref<64x512x512xf32, #tpu.memory_space<hbm>> -> memref<1x64x512xf32, #tpu.memory_space<hbm>>
    %dma_start3A_800 = tpu.memref_squeeze %dma_start3A_799 : memref<1x64x512xf32, #tpu.memory_space<hbm>> -> memref<64x512xf32, #tpu.memory_space<hbm>>
    %dma_start3A_801 = arith.constant 64 : i32
    %dma_start3A_802 = arith.constant 0 : i32
    %dma_start3A_803 = tpu.memref_slice %arg2[%add3A_8, %dma_start3A_801, %dma_start3A_802] : memref<64x512x512xf32, #tpu.memory_space<hbm>> -> memref<1x64x512xf32, #tpu.memory_space<hbm>>
    %dma_start3A_804 = tpu.memref_squeeze %dma_start3A_803 : memref<1x64x512xf32, #tpu.memory_space<hbm>> -> memref<64x512xf32, #tpu.memory_space<hbm>>
    tpu.enqueue_dma source(%dma_start3A_804 : memref<64x512xf32, #tpu.memory_space<hbm>>) target(%arg7 : memref<64x512xf32, #tpu.memory_space<vmem>>) target_semaphore(%arg10 : memref<!tpu.dma_semaphore, #tpu.memory_space<semaphore_mem>>)
    %dma_wait3A_805 = arith.constant 0 : i32
    %dma_wait3A_806 = arith.constant 0 : i32
    %dma_wait3A_807 = tpu.memref_slice %arg2[%add3A_8, %dma_wait3A_805, %dma_wait3A_806] : memref<64x512x512xf32, #tpu.memory_space<hbm>> -> memref<1x64x512xf32, #tpu.memory_space<hbm>>
    %dma_wait3A_808 = tpu.memref_squeeze %dma_wait3A_807 : memref<1x64x512xf32, #tpu.memory_space<hbm>> -> memref<64x512xf32, #tpu.memory_space<hbm>>
    %dma_wait3A_809 = arith.constant 0 : i32
    %dma_wait3A_810 = arith.constant 0 : i32
    %dma_wait3A_811 = tpu.memref_slice %arg2[%add3A_8, %dma_wait3A_809, %dma_wait3A_810] : memref<64x512x512xf32, #tpu.memory_space<hbm>> -> memref<1x64x512xf32, #tpu.memory_space<hbm>>
    %dma_wait3A_812 = tpu.memref_squeeze %dma_wait3A_811 : memref<1x64x512xf32, #tpu.memory_space<hbm>> -> memref<64x512xf32, #tpu.memory_space<hbm>>
    tpu.wait_dma2 semaphore(%arg9 : memref<!tpu.dma_semaphore, #tpu.memory_space<semaphore_mem>>) src(%dma_wait3A_812 : memref<64x512xf32, #tpu.memory_space<hbm>>) dst(%arg6 : memref<64x512xf32, #tpu.memory_space<vmem>>)
    %dma_start3A_813 = arith.constant 512 : i32
    %dma_start3A_814 = arith.constant 512 : i32
    %dma_start3A_815 = tpu.memref_slice %arg3[%add3A_8, %dma_start3A_813, %dma_start3A_814] : memref<64x1024x1024xf32, #tpu.memory_space<hbm>> -> memref<1x64x512xf32, #tpu.memory_space<hbm>>
    %dma_start3A_816 = tpu.memref_squeeze %dma_start3A_815 : memref<1x64x512xf32, #tpu.memory_space<hbm>> -> memref<64x512xf32, #tpu.memory_space<hbm>>
    %dma_start3A_817 = arith.constant 512 : i32
    %dma_start3A_818 = arith.constant 512 : i32
    %dma_start3A_819 = tpu.memref_slice %arg3[%add3A_8, %dma_start3A_817, %dma_start3A_818] : memref<64x1024x1024xf32, #tpu.memory_space<hbm>> -> memref<1x64x512xf32, #tpu.memory_space<hbm>>
    %dma_start3A_820 = tpu.memref_squeeze %dma_start3A_819 : memref<1x64x512xf32, #tpu.memory_space<hbm>> -> memref<64x512xf32, #tpu.memory_space<hbm>>
    tpu.enqueue_dma source(%arg6 : memref<64x512xf32, #tpu.memory_space<vmem>>) target(%dma_start3A_820 : memref<64x512xf32, #tpu.memory_space<hbm>>) target_semaphore(%arg11 : memref<!tpu.dma_semaphore, #tpu.memory_space<semaphore_mem>>)
    %dma_wait3A_821 = arith.constant 512 : i32
    %dma_wait3A_822 = arith.constant 512 : i32
    %dma_wait3A_823 = tpu.memref_slice %arg3[%add3A_8, %dma_wait3A_821, %dma_wait3A_822] : memref<64x1024x1024xf32, #tpu.memory_space<hbm>> -> memref<1x64x512xf32, #tpu.memory_space<hbm>>
    %dma_wait3A_824 = tpu.memref_squeeze %dma_wait3A_823 : memref<1x64x512xf32, #tpu.memory_space<hbm>> -> memref<64x512xf32, #tpu.memory_space<hbm>>
    %dma_wait3A_825 = arith.constant 512 : i32
    %dma_wait3A_826 = arith.constant 512 : i32
    %dma_wait3A_827 = tpu.memref_slice %arg3[%add3A_8, %dma_wait3A_825, %dma_wait3A_826] : memref<64x1024x1024xf32, #tpu.memory_space<hbm>> -> memref<1x64x512xf32, #tpu.memory_space<hbm>>
    %dma_wait3A_828 = tpu.memref_squeeze %dma_wait3A_827 : memref<1x64x512xf32, #tpu.memory_space<hbm>> -> memref<64x512xf32, #tpu.memory_space<hbm>>
    tpu.wait_dma2 semaphore(%arg11 : memref<!tpu.dma_semaphore, #tpu.memory_space<semaphore_mem>>) src(%arg6 : memref<64x512xf32, #tpu.memory_space<vmem>>) dst(%dma_wait3A_828 : memref<64x512xf32, #tpu.memory_space<hbm>>)
    %dma_start3A_829 = arith.constant 128 : i32
    %dma_start3A_830 = arith.constant 0 : i32
    %dma_start3A_831 = tpu.memref_slice %arg2[%add3A_8, %dma_start3A_829, %dma_start3A_830] : memref<64x512x512xf32, #tpu.memory_space<hbm>> -> memref<1x64x512xf32, #tpu.memory_space<hbm>>
    %dma_start3A_832 = tpu.memref_squeeze %dma_start3A_831 : memref<1x64x512xf32, #tpu.memory_space<hbm>> -> memref<64x512xf32, #tpu.memory_space<hbm>>
    %dma_start3A_833 = arith.constant 128 : i32
    %dma_start3A_834 = arith.constant 0 : i32
    %dma_start3A_835 = tpu.memref_slice %arg2[%add3A_8, %dma_start3A_833, %dma_start3A_834] : memref<64x512x512xf32, #tpu.memory_space<hbm>> -> memref<1x64x512xf32, #tpu.memory_space<hbm>>
    %dma_start3A_836 = tpu.memref_squeeze %dma_start3A_835 : memref<1x64x512xf32, #tpu.memory_space<hbm>> -> memref<64x512xf32, #tpu.memory_space<hbm>>
    tpu.enqueue_dma source(%dma_start3A_836 : memref<64x512xf32, #tpu.memory_space<hbm>>) target(%arg6 : memref<64x512xf32, #tpu.memory_space<vmem>>) target_semaphore(%arg9 : memref<!tpu.dma_semaphore, #tpu.memory_space<semaphore_mem>>)
    %dma_wait3A_837 = arith.constant 64 : i32
    %dma_wait3A_838 = arith.constant 0 : i32
    %dma_wait3A_839 = tpu.memref_slice %arg2[%add3A_8, %dma_wait3A_837, %dma_wait3A_838] : memref<64x512x512xf32, #tpu.memory_space<hbm>> -> memref<1x64x512xf32, #tpu.memory_space<hbm>>
    %dma_wait3A_840 = tpu.memref_squeeze %dma_wait3A_839 : memref<1x64x512xf32, #tpu.memory_space<hbm>> -> memref<64x512xf32, #tpu.memory_space<hbm>>
    %dma_wait3A_841 = arith.constant 64 : i32
    %dma_wait3A_842 = arith.constant 0 : i32
    %dma_wait3A_843 = tpu.memref_slice %arg2[%add3A_8, %dma_wait3A_841, %dma_wait3A_842] : memref<64x512x512xf32, #tpu.memory_space<hbm>> -> memref<1x64x512xf32, #tpu.memory_space<hbm>>
    %dma_wait3A_844 = tpu.memref_squeeze %dma_wait3A_843 : memref<1x64x512xf32, #tpu.memory_space<hbm>> -> memref<64x512xf32, #tpu.memory_space<hbm>>
    tpu.wait_dma2 semaphore(%arg10 : memref<!tpu.dma_semaphore, #tpu.memory_space<semaphore_mem>>) src(%dma_wait3A_844 : memref<64x512xf32, #tpu.memory_space<hbm>>) dst(%arg7 : memref<64x512xf32, #tpu.memory_space<vmem>>)
    %dma_start3A_845 = arith.constant 576 : i32
    %dma_start3A_846 = arith.constant 512 : i32
    %dma_start3A_847 = tpu.memref_slice %arg3[%add3A_8, %dma_start3A_845, %dma_start3A_846] : memref<64x1024x1024xf32, #tpu.memory_space<hbm>> -> memref<1x64x512xf32, #tpu.memory_space<hbm>>
    %dma_start3A_848 = tpu.memref_squeeze %dma_start3A_847 : memref<1x64x512xf32, #tpu.memory_space<hbm>> -> memref<64x512xf32, #tpu.memory_space<hbm>>
    %dma_start3A_849 = arith.constant 576 : i32
    %dma_start3A_850 = arith.constant 512 : i32
    %dma_start3A_851 = tpu.memref_slice %arg3[%add3A_8, %dma_start3A_849, %dma_start3A_850] : memref<64x1024x1024xf32, #tpu.memory_space<hbm>> -> memref<1x64x512xf32, #tpu.memory_space<hbm>>
    %dma_start3A_852 = tpu.memref_squeeze %dma_start3A_851 : memref<1x64x512xf32, #tpu.memory_space<hbm>> -> memref<64x512xf32, #tpu.memory_space<hbm>>
    tpu.enqueue_dma source(%arg7 : memref<64x512xf32, #tpu.memory_space<vmem>>) target(%dma_start3A_852 : memref<64x512xf32, #tpu.memory_space<hbm>>) target_semaphore(%arg12 : memref<!tpu.dma_semaphore, #tpu.memory_space<semaphore_mem>>)
    %dma_wait3A_853 = arith.constant 576 : i32
    %dma_wait3A_854 = arith.constant 512 : i32
    %dma_wait3A_855 = tpu.memref_slice %arg3[%add3A_8, %dma_wait3A_853, %dma_wait3A_854] : memref<64x1024x1024xf32, #tpu.memory_space<hbm>> -> memref<1x64x512xf32, #tpu.memory_space<hbm>>
    %dma_wait3A_856 = tpu.memref_squeeze %dma_wait3A_855 : memref<1x64x512xf32, #tpu.memory_space<hbm>> -> memref<64x512xf32, #tpu.memory_space<hbm>>
    %dma_wait3A_857 = arith.constant 576 : i32
    %dma_wait3A_858 = arith.constant 512 : i32
    %dma_wait3A_859 = tpu.memref_slice %arg3[%add3A_8, %dma_wait3A_857, %dma_wait3A_858] : memref<64x1024x1024xf32, #tpu.memory_space<hbm>> -> memref<1x64x512xf32, #tpu.memory_space<hbm>>
    %dma_wait3A_860 = tpu.memref_squeeze %dma_wait3A_859 : memref<1x64x512xf32, #tpu.memory_space<hbm>> -> memref<64x512xf32, #tpu.memory_space<hbm>>
    tpu.wait_dma2 semaphore(%arg12 : memref<!tpu.dma_semaphore, #tpu.memory_space<semaphore_mem>>) src(%arg7 : memref<64x512xf32, #tpu.memory_space<vmem>>) dst(%dma_wait3A_860 : memref<64x512xf32, #tpu.memory_space<hbm>>)
    %dma_start3A_861 = arith.constant 192 : i32
    %dma_start3A_862 = arith.constant 0 : i32
    %dma_start3A_863 = tpu.memref_slice %arg2[%add3A_8, %dma_start3A_861, %dma_start3A_862] : memref<64x512x512xf32, #tpu.memory_space<hbm>> -> memref<1x64x512xf32, #tpu.memory_space<hbm>>
    %dma_start3A_864 = tpu.memref_squeeze %dma_start3A_863 : memref<1x64x512xf32, #tpu.memory_space<hbm>> -> memref<64x512xf32, #tpu.memory_space<hbm>>
    %dma_start3A_865 = arith.constant 192 : i32
    %dma_start3A_866 = arith.constant 0 : i32
    %dma_start3A_867 = tpu.memref_slice %arg2[%add3A_8, %dma_start3A_865, %dma_start3A_866] : memref<64x512x512xf32, #tpu.memory_space<hbm>> -> memref<1x64x512xf32, #tpu.memory_space<hbm>>
    %dma_start3A_868 = tpu.memref_squeeze %dma_start3A_867 : memref<1x64x512xf32, #tpu.memory_space<hbm>> -> memref<64x512xf32, #tpu.memory_space<hbm>>
    tpu.enqueue_dma source(%dma_start3A_868 : memref<64x512xf32, #tpu.memory_space<hbm>>) target(%arg7 : memref<64x512xf32, #tpu.memory_space<vmem>>) target_semaphore(%arg10 : memref<!tpu.dma_semaphore, #tpu.memory_space<semaphore_mem>>)
    %dma_wait3A_869 = arith.constant 128 : i32
    %dma_wait3A_870 = arith.constant 0 : i32
    %dma_wait3A_871 = tpu.memref_slice %arg2[%add3A_8, %dma_wait3A_869, %dma_wait3A_870] : memref<64x512x512xf32, #tpu.memory_space<hbm>> -> memref<1x64x512xf32, #tpu.memory_space<hbm>>
    %dma_wait3A_872 = tpu.memref_squeeze %dma_wait3A_871 : memref<1x64x512xf32, #tpu.memory_space<hbm>> -> memref<64x512xf32, #tpu.memory_space<hbm>>
    %dma_wait3A_873 = arith.constant 128 : i32
    %dma_wait3A_874 = arith.constant 0 : i32
    %dma_wait3A_875 = tpu.memref_slice %arg2[%add3A_8, %dma_wait3A_873, %dma_wait3A_874] : memref<64x512x512xf32, #tpu.memory_space<hbm>> -> memref<1x64x512xf32, #tpu.memory_space<hbm>>
    %dma_wait3A_876 = tpu.memref_squeeze %dma_wait3A_875 : memref<1x64x512xf32, #tpu.memory_space<hbm>> -> memref<64x512xf32, #tpu.memory_space<hbm>>
    tpu.wait_dma2 semaphore(%arg9 : memref<!tpu.dma_semaphore, #tpu.memory_space<semaphore_mem>>) src(%dma_wait3A_876 : memref<64x512xf32, #tpu.memory_space<hbm>>) dst(%arg6 : memref<64x512xf32, #tpu.memory_space<vmem>>)
    %dma_start3A_877 = arith.constant 640 : i32
    %dma_start3A_878 = arith.constant 512 : i32
    %dma_start3A_879 = tpu.memref_slice %arg3[%add3A_8, %dma_start3A_877, %dma_start3A_878] : memref<64x1024x1024xf32, #tpu.memory_space<hbm>> -> memref<1x64x512xf32, #tpu.memory_space<hbm>>
    %dma_start3A_880 = tpu.memref_squeeze %dma_start3A_879 : memref<1x64x512xf32, #tpu.memory_space<hbm>> -> memref<64x512xf32, #tpu.memory_space<hbm>>
    %dma_start3A_881 = arith.constant 640 : i32
    %dma_start3A_882 = arith.constant 512 : i32
    %dma_start3A_883 = tpu.memref_slice %arg3[%add3A_8, %dma_start3A_881, %dma_start3A_882] : memref<64x1024x1024xf32, #tpu.memory_space<hbm>> -> memref<1x64x512xf32, #tpu.memory_space<hbm>>
    %dma_start3A_884 = tpu.memref_squeeze %dma_start3A_883 : memref<1x64x512xf32, #tpu.memory_space<hbm>> -> memref<64x512xf32, #tpu.memory_space<hbm>>
    tpu.enqueue_dma source(%arg6 : memref<64x512xf32, #tpu.memory_space<vmem>>) target(%dma_start3A_884 : memref<64x512xf32, #tpu.memory_space<hbm>>) target_semaphore(%arg11 : memref<!tpu.dma_semaphore, #tpu.memory_space<semaphore_mem>>)
    %dma_wait3A_885 = arith.constant 640 : i32
    %dma_wait3A_886 = arith.constant 512 : i32
    %dma_wait3A_887 = tpu.memref_slice %arg3[%add3A_8, %dma_wait3A_885, %dma_wait3A_886] : memref<64x1024x1024xf32, #tpu.memory_space<hbm>> -> memref<1x64x512xf32, #tpu.memory_space<hbm>>
    %dma_wait3A_888 = tpu.memref_squeeze %dma_wait3A_887 : memref<1x64x512xf32, #tpu.memory_space<hbm>> -> memref<64x512xf32, #tpu.memory_space<hbm>>
    %dma_wait3A_889 = arith.constant 640 : i32
    %dma_wait3A_890 = arith.constant 512 : i32
    %dma_wait3A_891 = tpu.memref_slice %arg3[%add3A_8, %dma_wait3A_889, %dma_wait3A_890] : memref<64x1024x1024xf32, #tpu.memory_space<hbm>> -> memref<1x64x512xf32, #tpu.memory_space<hbm>>
    %dma_wait3A_892 = tpu.memref_squeeze %dma_wait3A_891 : memref<1x64x512xf32, #tpu.memory_space<hbm>> -> memref<64x512xf32, #tpu.memory_space<hbm>>
    tpu.wait_dma2 semaphore(%arg11 : memref<!tpu.dma_semaphore, #tpu.memory_space<semaphore_mem>>) src(%arg6 : memref<64x512xf32, #tpu.memory_space<vmem>>) dst(%dma_wait3A_892 : memref<64x512xf32, #tpu.memory_space<hbm>>)
    %dma_start3A_893 = arith.constant 256 : i32
    %dma_start3A_894 = arith.constant 0 : i32
    %dma_start3A_895 = tpu.memref_slice %arg2[%add3A_8, %dma_start3A_893, %dma_start3A_894] : memref<64x512x512xf32, #tpu.memory_space<hbm>> -> memref<1x64x512xf32, #tpu.memory_space<hbm>>
    %dma_start3A_896 = tpu.memref_squeeze %dma_start3A_895 : memref<1x64x512xf32, #tpu.memory_space<hbm>> -> memref<64x512xf32, #tpu.memory_space<hbm>>
    %dma_start3A_897 = arith.constant 256 : i32
    %dma_start3A_898 = arith.constant 0 : i32
    %dma_start3A_899 = tpu.memref_slice %arg2[%add3A_8, %dma_start3A_897, %dma_start3A_898] : memref<64x512x512xf32, #tpu.memory_space<hbm>> -> memref<1x64x512xf32, #tpu.memory_space<hbm>>
    %dma_start3A_900 = tpu.memref_squeeze %dma_start3A_899 : memref<1x64x512xf32, #tpu.memory_space<hbm>> -> memref<64x512xf32, #tpu.memory_space<hbm>>
    tpu.enqueue_dma source(%dma_start3A_900 : memref<64x512xf32, #tpu.memory_space<hbm>>) target(%arg6 : memref<64x512xf32, #tpu.memory_space<vmem>>) target_semaphore(%arg9 : memref<!tpu.dma_semaphore, #tpu.memory_space<semaphore_mem>>)
    %dma_wait3A_901 = arith.constant 192 : i32
    %dma_wait3A_902 = arith.constant 0 : i32
    %dma_wait3A_903 = tpu.memref_slice %arg2[%add3A_8, %dma_wait3A_901, %dma_wait3A_902] : memref<64x512x512xf32, #tpu.memory_space<hbm>> -> memref<1x64x512xf32, #tpu.memory_space<hbm>>
    %dma_wait3A_904 = tpu.memref_squeeze %dma_wait3A_903 : memref<1x64x512xf32, #tpu.memory_space<hbm>> -> memref<64x512xf32, #tpu.memory_space<hbm>>
    %dma_wait3A_905 = arith.constant 192 : i32
    %dma_wait3A_906 = arith.constant 0 : i32
    %dma_wait3A_907 = tpu.memref_slice %arg2[%add3A_8, %dma_wait3A_905, %dma_wait3A_906] : memref<64x512x512xf32, #tpu.memory_space<hbm>> -> memref<1x64x512xf32, #tpu.memory_space<hbm>>
    %dma_wait3A_908 = tpu.memref_squeeze %dma_wait3A_907 : memref<1x64x512xf32, #tpu.memory_space<hbm>> -> memref<64x512xf32, #tpu.memory_space<hbm>>
    tpu.wait_dma2 semaphore(%arg10 : memref<!tpu.dma_semaphore, #tpu.memory_space<semaphore_mem>>) src(%dma_wait3A_908 : memref<64x512xf32, #tpu.memory_space<hbm>>) dst(%arg7 : memref<64x512xf32, #tpu.memory_space<vmem>>)
    %dma_start3A_909 = arith.constant 704 : i32
    %dma_start3A_910 = arith.constant 512 : i32
    %dma_start3A_911 = tpu.memref_slice %arg3[%add3A_8, %dma_start3A_909, %dma_start3A_910] : memref<64x1024x1024xf32, #tpu.memory_space<hbm>> -> memref<1x64x512xf32, #tpu.memory_space<hbm>>
    %dma_start3A_912 = tpu.memref_squeeze %dma_start3A_911 : memref<1x64x512xf32, #tpu.memory_space<hbm>> -> memref<64x512xf32, #tpu.memory_space<hbm>>
    %dma_start3A_913 = arith.constant 704 : i32
    %dma_start3A_914 = arith.constant 512 : i32
    %dma_start3A_915 = tpu.memref_slice %arg3[%add3A_8, %dma_start3A_913, %dma_start3A_914] : memref<64x1024x1024xf32, #tpu.memory_space<hbm>> -> memref<1x64x512xf32, #tpu.memory_space<hbm>>
    %dma_start3A_916 = tpu.memref_squeeze %dma_start3A_915 : memref<1x64x512xf32, #tpu.memory_space<hbm>> -> memref<64x512xf32, #tpu.memory_space<hbm>>
    tpu.enqueue_dma source(%arg7 : memref<64x512xf32, #tpu.memory_space<vmem>>) target(%dma_start3A_916 : memref<64x512xf32, #tpu.memory_space<hbm>>) target_semaphore(%arg12 : memref<!tpu.dma_semaphore, #tpu.memory_space<semaphore_mem>>)
    %dma_wait3A_917 = arith.constant 704 : i32
    %dma_wait3A_918 = arith.constant 512 : i32
    %dma_wait3A_919 = tpu.memref_slice %arg3[%add3A_8, %dma_wait3A_917, %dma_wait3A_918] : memref<64x1024x1024xf32, #tpu.memory_space<hbm>> -> memref<1x64x512xf32, #tpu.memory_space<hbm>>
    %dma_wait3A_920 = tpu.memref_squeeze %dma_wait3A_919 : memref<1x64x512xf32, #tpu.memory_space<hbm>> -> memref<64x512xf32, #tpu.memory_space<hbm>>
    %dma_wait3A_921 = arith.constant 704 : i32
    %dma_wait3A_922 = arith.constant 512 : i32
    %dma_wait3A_923 = tpu.memref_slice %arg3[%add3A_8, %dma_wait3A_921, %dma_wait3A_922] : memref<64x1024x1024xf32, #tpu.memory_space<hbm>> -> memref<1x64x512xf32, #tpu.memory_space<hbm>>
    %dma_wait3A_924 = tpu.memref_squeeze %dma_wait3A_923 : memref<1x64x512xf32, #tpu.memory_space<hbm>> -> memref<64x512xf32, #tpu.memory_space<hbm>>
    tpu.wait_dma2 semaphore(%arg12 : memref<!tpu.dma_semaphore, #tpu.memory_space<semaphore_mem>>) src(%arg7 : memref<64x512xf32, #tpu.memory_space<vmem>>) dst(%dma_wait3A_924 : memref<64x512xf32, #tpu.memory_space<hbm>>)
    %dma_start3A_925 = arith.constant 320 : i32
    %dma_start3A_926 = arith.constant 0 : i32
    %dma_start3A_927 = tpu.memref_slice %arg2[%add3A_8, %dma_start3A_925, %dma_start3A_926] : memref<64x512x512xf32, #tpu.memory_space<hbm>> -> memref<1x64x512xf32, #tpu.memory_space<hbm>>
    %dma_start3A_928 = tpu.memref_squeeze %dma_start3A_927 : memref<1x64x512xf32, #tpu.memory_space<hbm>> -> memref<64x512xf32, #tpu.memory_space<hbm>>
    %dma_start3A_929 = arith.constant 320 : i32
    %dma_start3A_930 = arith.constant 0 : i32
    %dma_start3A_931 = tpu.memref_slice %arg2[%add3A_8, %dma_start3A_929, %dma_start3A_930] : memref<64x512x512xf32, #tpu.memory_space<hbm>> -> memref<1x64x512xf32, #tpu.memory_space<hbm>>
    %dma_start3A_932 = tpu.memref_squeeze %dma_start3A_931 : memref<1x64x512xf32, #tpu.memory_space<hbm>> -> memref<64x512xf32, #tpu.memory_space<hbm>>
    tpu.enqueue_dma source(%dma_start3A_932 : memref<64x512xf32, #tpu.memory_space<hbm>>) target(%arg7 : memref<64x512xf32, #tpu.memory_space<vmem>>) target_semaphore(%arg10 : memref<!tpu.dma_semaphore, #tpu.memory_space<semaphore_mem>>)
    %dma_wait3A_933 = arith.constant 256 : i32
    %dma_wait3A_934 = arith.constant 0 : i32
    %dma_wait3A_935 = tpu.memref_slice %arg2[%add3A_8, %dma_wait3A_933, %dma_wait3A_934] : memref<64x512x512xf32, #tpu.memory_space<hbm>> -> memref<1x64x512xf32, #tpu.memory_space<hbm>>
    %dma_wait3A_936 = tpu.memref_squeeze %dma_wait3A_935 : memref<1x64x512xf32, #tpu.memory_space<hbm>> -> memref<64x512xf32, #tpu.memory_space<hbm>>
    %dma_wait3A_937 = arith.constant 256 : i32
    %dma_wait3A_938 = arith.constant 0 : i32
    %dma_wait3A_939 = tpu.memref_slice %arg2[%add3A_8, %dma_wait3A_937, %dma_wait3A_938] : memref<64x512x512xf32, #tpu.memory_space<hbm>> -> memref<1x64x512xf32, #tpu.memory_space<hbm>>
    %dma_wait3A_940 = tpu.memref_squeeze %dma_wait3A_939 : memref<1x64x512xf32, #tpu.memory_space<hbm>> -> memref<64x512xf32, #tpu.memory_space<hbm>>
    tpu.wait_dma2 semaphore(%arg9 : memref<!tpu.dma_semaphore, #tpu.memory_space<semaphore_mem>>) src(%dma_wait3A_940 : memref<64x512xf32, #tpu.memory_space<hbm>>) dst(%arg6 : memref<64x512xf32, #tpu.memory_space<vmem>>)
    %dma_start3A_941 = arith.constant 768 : i32
    %dma_start3A_942 = arith.constant 512 : i32
    %dma_start3A_943 = tpu.memref_slice %arg3[%add3A_8, %dma_start3A_941, %dma_start3A_942] : memref<64x1024x1024xf32, #tpu.memory_space<hbm>> -> memref<1x64x512xf32, #tpu.memory_space<hbm>>
    %dma_start3A_944 = tpu.memref_squeeze %dma_start3A_943 : memref<1x64x512xf32, #tpu.memory_space<hbm>> -> memref<64x512xf32, #tpu.memory_space<hbm>>
    %dma_start3A_945 = arith.constant 768 : i32
    %dma_start3A_946 = arith.constant 512 : i32
    %dma_start3A_947 = tpu.memref_slice %arg3[%add3A_8, %dma_start3A_945, %dma_start3A_946] : memref<64x1024x1024xf32, #tpu.memory_space<hbm>> -> memref<1x64x512xf32, #tpu.memory_space<hbm>>
    %dma_start3A_948 = tpu.memref_squeeze %dma_start3A_947 : memref<1x64x512xf32, #tpu.memory_space<hbm>> -> memref<64x512xf32, #tpu.memory_space<hbm>>
    tpu.enqueue_dma source(%arg6 : memref<64x512xf32, #tpu.memory_space<vmem>>) target(%dma_start3A_948 : memref<64x512xf32, #tpu.memory_space<hbm>>) target_semaphore(%arg11 : memref<!tpu.dma_semaphore, #tpu.memory_space<semaphore_mem>>)
    %dma_wait3A_949 = arith.constant 768 : i32
    %dma_wait3A_950 = arith.constant 512 : i32
    %dma_wait3A_951 = tpu.memref_slice %arg3[%add3A_8, %dma_wait3A_949, %dma_wait3A_950] : memref<64x1024x1024xf32, #tpu.memory_space<hbm>> -> memref<1x64x512xf32, #tpu.memory_space<hbm>>
    %dma_wait3A_952 = tpu.memref_squeeze %dma_wait3A_951 : memref<1x64x512xf32, #tpu.memory_space<hbm>> -> memref<64x512xf32, #tpu.memory_space<hbm>>
    %dma_wait3A_953 = arith.constant 768 : i32
    %dma_wait3A_954 = arith.constant 512 : i32
    %dma_wait3A_955 = tpu.memref_slice %arg3[%add3A_8, %dma_wait3A_953, %dma_wait3A_954] : memref<64x1024x1024xf32, #tpu.memory_space<hbm>> -> memref<1x64x512xf32, #tpu.memory_space<hbm>>
    %dma_wait3A_956 = tpu.memref_squeeze %dma_wait3A_955 : memref<1x64x512xf32, #tpu.memory_space<hbm>> -> memref<64x512xf32, #tpu.memory_space<hbm>>
    tpu.wait_dma2 semaphore(%arg11 : memref<!tpu.dma_semaphore, #tpu.memory_space<semaphore_mem>>) src(%arg6 : memref<64x512xf32, #tpu.memory_space<vmem>>) dst(%dma_wait3A_956 : memref<64x512xf32, #tpu.memory_space<hbm>>)
    %dma_start3A_957 = arith.constant 384 : i32
    %dma_start3A_958 = arith.constant 0 : i32
    %dma_start3A_959 = tpu.memref_slice %arg2[%add3A_8, %dma_start3A_957, %dma_start3A_958] : memref<64x512x512xf32, #tpu.memory_space<hbm>> -> memref<1x64x512xf32, #tpu.memory_space<hbm>>
    %dma_start3A_960 = tpu.memref_squeeze %dma_start3A_959 : memref<1x64x512xf32, #tpu.memory_space<hbm>> -> memref<64x512xf32, #tpu.memory_space<hbm>>
    %dma_start3A_961 = arith.constant 384 : i32
    %dma_start3A_962 = arith.constant 0 : i32
    %dma_start3A_963 = tpu.memref_slice %arg2[%add3A_8, %dma_start3A_961, %dma_start3A_962] : memref<64x512x512xf32, #tpu.memory_space<hbm>> -> memref<1x64x512xf32, #tpu.memory_space<hbm>>
    %dma_start3A_964 = tpu.memref_squeeze %dma_start3A_963 : memref<1x64x512xf32, #tpu.memory_space<hbm>> -> memref<64x512xf32, #tpu.memory_space<hbm>>
    tpu.enqueue_dma source(%dma_start3A_964 : memref<64x512xf32, #tpu.memory_space<hbm>>) target(%arg6 : memref<64x512xf32, #tpu.memory_space<vmem>>) target_semaphore(%arg9 : memref<!tpu.dma_semaphore, #tpu.memory_space<semaphore_mem>>)
    %dma_wait3A_965 = arith.constant 320 : i32
    %dma_wait3A_966 = arith.constant 0 : i32
    %dma_wait3A_967 = tpu.memref_slice %arg2[%add3A_8, %dma_wait3A_965, %dma_wait3A_966] : memref<64x512x512xf32, #tpu.memory_space<hbm>> -> memref<1x64x512xf32, #tpu.memory_space<hbm>>
    %dma_wait3A_968 = tpu.memref_squeeze %dma_wait3A_967 : memref<1x64x512xf32, #tpu.memory_space<hbm>> -> memref<64x512xf32, #tpu.memory_space<hbm>>
    %dma_wait3A_969 = arith.constant 320 : i32
    %dma_wait3A_970 = arith.constant 0 : i32
    %dma_wait3A_971 = tpu.memref_slice %arg2[%add3A_8, %dma_wait3A_969, %dma_wait3A_970] : memref<64x512x512xf32, #tpu.memory_space<hbm>> -> memref<1x64x512xf32, #tpu.memory_space<hbm>>
    %dma_wait3A_972 = tpu.memref_squeeze %dma_wait3A_971 : memref<1x64x512xf32, #tpu.memory_space<hbm>> -> memref<64x512xf32, #tpu.memory_space<hbm>>
    tpu.wait_dma2 semaphore(%arg10 : memref<!tpu.dma_semaphore, #tpu.memory_space<semaphore_mem>>) src(%dma_wait3A_972 : memref<64x512xf32, #tpu.memory_space<hbm>>) dst(%arg7 : memref<64x512xf32, #tpu.memory_space<vmem>>)
    %dma_start3A_973 = arith.constant 832 : i32
    %dma_start3A_974 = arith.constant 512 : i32
    %dma_start3A_975 = tpu.memref_slice %arg3[%add3A_8, %dma_start3A_973, %dma_start3A_974] : memref<64x1024x1024xf32, #tpu.memory_space<hbm>> -> memref<1x64x512xf32, #tpu.memory_space<hbm>>
    %dma_start3A_976 = tpu.memref_squeeze %dma_start3A_975 : memref<1x64x512xf32, #tpu.memory_space<hbm>> -> memref<64x512xf32, #tpu.memory_space<hbm>>
    %dma_start3A_977 = arith.constant 832 : i32
    %dma_start3A_978 = arith.constant 512 : i32
    %dma_start3A_979 = tpu.memref_slice %arg3[%add3A_8, %dma_start3A_977, %dma_start3A_978] : memref<64x1024x1024xf32, #tpu.memory_space<hbm>> -> memref<1x64x512xf32, #tpu.memory_space<hbm>>
    %dma_start3A_980 = tpu.memref_squeeze %dma_start3A_979 : memref<1x64x512xf32, #tpu.memory_space<hbm>> -> memref<64x512xf32, #tpu.memory_space<hbm>>
    tpu.enqueue_dma source(%arg7 : memref<64x512xf32, #tpu.memory_space<vmem>>) target(%dma_start3A_980 : memref<64x512xf32, #tpu.memory_space<hbm>>) target_semaphore(%arg12 : memref<!tpu.dma_semaphore, #tpu.memory_space<semaphore_mem>>)
    %dma_wait3A_981 = arith.constant 832 : i32
    %dma_wait3A_982 = arith.constant 512 : i32
    %dma_wait3A_983 = tpu.memref_slice %arg3[%add3A_8, %dma_wait3A_981, %dma_wait3A_982] : memref<64x1024x1024xf32, #tpu.memory_space<hbm>> -> memref<1x64x512xf32, #tpu.memory_space<hbm>>
    %dma_wait3A_984 = tpu.memref_squeeze %dma_wait3A_983 : memref<1x64x512xf32, #tpu.memory_space<hbm>> -> memref<64x512xf32, #tpu.memory_space<hbm>>
    %dma_wait3A_985 = arith.constant 832 : i32
    %dma_wait3A_986 = arith.constant 512 : i32
    %dma_wait3A_987 = tpu.memref_slice %arg3[%add3A_8, %dma_wait3A_985, %dma_wait3A_986] : memref<64x1024x1024xf32, #tpu.memory_space<hbm>> -> memref<1x64x512xf32, #tpu.memory_space<hbm>>
    %dma_wait3A_988 = tpu.memref_squeeze %dma_wait3A_987 : memref<1x64x512xf32, #tpu.memory_space<hbm>> -> memref<64x512xf32, #tpu.memory_space<hbm>>
    tpu.wait_dma2 semaphore(%arg12 : memref<!tpu.dma_semaphore, #tpu.memory_space<semaphore_mem>>) src(%arg7 : memref<64x512xf32, #tpu.memory_space<vmem>>) dst(%dma_wait3A_988 : memref<64x512xf32, #tpu.memory_space<hbm>>)
    %dma_start3A_989 = arith.constant 448 : i32
    %dma_start3A_990 = arith.constant 0 : i32
    %dma_start3A_991 = tpu.memref_slice %arg2[%add3A_8, %dma_start3A_989, %dma_start3A_990] : memref<64x512x512xf32, #tpu.memory_space<hbm>> -> memref<1x64x512xf32, #tpu.memory_space<hbm>>
    %dma_start3A_992 = tpu.memref_squeeze %dma_start3A_991 : memref<1x64x512xf32, #tpu.memory_space<hbm>> -> memref<64x512xf32, #tpu.memory_space<hbm>>
    %dma_start3A_993 = arith.constant 448 : i32
    %dma_start3A_994 = arith.constant 0 : i32
    %dma_start3A_995 = tpu.memref_slice %arg2[%add3A_8, %dma_start3A_993, %dma_start3A_994] : memref<64x512x512xf32, #tpu.memory_space<hbm>> -> memref<1x64x512xf32, #tpu.memory_space<hbm>>
    %dma_start3A_996 = tpu.memref_squeeze %dma_start3A_995 : memref<1x64x512xf32, #tpu.memory_space<hbm>> -> memref<64x512xf32, #tpu.memory_space<hbm>>
    tpu.enqueue_dma source(%dma_start3A_996 : memref<64x512xf32, #tpu.memory_space<hbm>>) target(%arg7 : memref<64x512xf32, #tpu.memory_space<vmem>>) target_semaphore(%arg10 : memref<!tpu.dma_semaphore, #tpu.memory_space<semaphore_mem>>)
    %dma_wait3A_997 = arith.constant 384 : i32
    %dma_wait3A_998 = arith.constant 0 : i32
    %dma_wait3A_999 = tpu.memref_slice %arg2[%add3A_8, %dma_wait3A_997, %dma_wait3A_998] : memref<64x512x512xf32, #tpu.memory_space<hbm>> -> memref<1x64x512xf32, #tpu.memory_space<hbm>>
    %dma_wait3A_1000 = tpu.memref_squeeze %dma_wait3A_999 : memref<1x64x512xf32, #tpu.memory_space<hbm>> -> memref<64x512xf32, #tpu.memory_space<hbm>>
    %dma_wait3A_1001 = arith.constant 384 : i32
    %dma_wait3A_1002 = arith.constant 0 : i32
    %dma_wait3A_1003 = tpu.memref_slice %arg2[%add3A_8, %dma_wait3A_1001, %dma_wait3A_1002] : memref<64x512x512xf32, #tpu.memory_space<hbm>> -> memref<1x64x512xf32, #tpu.memory_space<hbm>>
    %dma_wait3A_1004 = tpu.memref_squeeze %dma_wait3A_1003 : memref<1x64x512xf32, #tpu.memory_space<hbm>> -> memref<64x512xf32, #tpu.memory_space<hbm>>
    tpu.wait_dma2 semaphore(%arg9 : memref<!tpu.dma_semaphore, #tpu.memory_space<semaphore_mem>>) src(%dma_wait3A_1004 : memref<64x512xf32, #tpu.memory_space<hbm>>) dst(%arg6 : memref<64x512xf32, #tpu.memory_space<vmem>>)
    %dma_start3A_1005 = arith.constant 896 : i32
    %dma_start3A_1006 = arith.constant 512 : i32
    %dma_start3A_1007 = tpu.memref_slice %arg3[%add3A_8, %dma_start3A_1005, %dma_start3A_1006] : memref<64x1024x1024xf32, #tpu.memory_space<hbm>> -> memref<1x64x512xf32, #tpu.memory_space<hbm>>
    %dma_start3A_1008 = tpu.memref_squeeze %dma_start3A_1007 : memref<1x64x512xf32, #tpu.memory_space<hbm>> -> memref<64x512xf32, #tpu.memory_space<hbm>>
    %dma_start3A_1009 = arith.constant 896 : i32
    %dma_start3A_1010 = arith.constant 512 : i32
    %dma_start3A_1011 = tpu.memref_slice %arg3[%add3A_8, %dma_start3A_1009, %dma_start3A_1010] : memref<64x1024x1024xf32, #tpu.memory_space<hbm>> -> memref<1x64x512xf32, #tpu.memory_space<hbm>>
    %dma_start3A_1012 = tpu.memref_squeeze %dma_start3A_1011 : memref<1x64x512xf32, #tpu.memory_space<hbm>> -> memref<64x512xf32, #tpu.memory_space<hbm>>
    tpu.enqueue_dma source(%arg6 : memref<64x512xf32, #tpu.memory_space<vmem>>) target(%dma_start3A_1012 : memref<64x512xf32, #tpu.memory_space<hbm>>) target_semaphore(%arg11 : memref<!tpu.dma_semaphore, #tpu.memory_space<semaphore_mem>>)
    %dma_wait3A_1013 = arith.constant 448 : i32
    %dma_wait3A_1014 = arith.constant 0 : i32
    %dma_wait3A_1015 = tpu.memref_slice %arg2[%add3A_8, %dma_wait3A_1013, %dma_wait3A_1014] : memref<64x512x512xf32, #tpu.memory_space<hbm>> -> memref<1x64x512xf32, #tpu.memory_space<hbm>>
    %dma_wait3A_1016 = tpu.memref_squeeze %dma_wait3A_1015 : memref<1x64x512xf32, #tpu.memory_space<hbm>> -> memref<64x512xf32, #tpu.memory_space<hbm>>
    %dma_wait3A_1017 = arith.constant 448 : i32
    %dma_wait3A_1018 = arith.constant 0 : i32
    %dma_wait3A_1019 = tpu.memref_slice %arg2[%add3A_8, %dma_wait3A_1017, %dma_wait3A_1018] : memref<64x512x512xf32, #tpu.memory_space<hbm>> -> memref<1x64x512xf32, #tpu.memory_space<hbm>>
    %dma_wait3A_1020 = tpu.memref_squeeze %dma_wait3A_1019 : memref<1x64x512xf32, #tpu.memory_space<hbm>> -> memref<64x512xf32, #tpu.memory_space<hbm>>
    tpu.wait_dma2 semaphore(%arg10 : memref<!tpu.dma_semaphore, #tpu.memory_space<semaphore_mem>>) src(%dma_wait3A_1020 : memref<64x512xf32, #tpu.memory_space<hbm>>) dst(%arg7 : memref<64x512xf32, #tpu.memory_space<vmem>>)
    %dma_start3A_1021 = arith.constant 960 : i32
    %dma_start3A_1022 = arith.constant 512 : i32
    %dma_start3A_1023 = tpu.memref_slice %arg3[%add3A_8, %dma_start3A_1021, %dma_start3A_1022] : memref<64x1024x1024xf32, #tpu.memory_space<hbm>> -> memref<1x64x512xf32, #tpu.memory_space<hbm>>
    %dma_start3A_1024 = tpu.memref_squeeze %dma_start3A_1023 : memref<1x64x512xf32, #tpu.memory_space<hbm>> -> memref<64x512xf32, #tpu.memory_space<hbm>>
    %dma_start3A_1025 = arith.constant 960 : i32
    %dma_start3A_1026 = arith.constant 512 : i32
    %dma_start3A_1027 = tpu.memref_slice %arg3[%add3A_8, %dma_start3A_1025, %dma_start3A_1026] : memref<64x1024x1024xf32, #tpu.memory_space<hbm>> -> memref<1x64x512xf32, #tpu.memory_space<hbm>>
    %dma_start3A_1028 = tpu.memref_squeeze %dma_start3A_1027 : memref<1x64x512xf32, #tpu.memory_space<hbm>> -> memref<64x512xf32, #tpu.memory_space<hbm>>
    tpu.enqueue_dma source(%arg7 : memref<64x512xf32, #tpu.memory_space<vmem>>) target(%dma_start3A_1028 : memref<64x512xf32, #tpu.memory_space<hbm>>) target_semaphore(%arg12 : memref<!tpu.dma_semaphore, #tpu.memory_space<semaphore_mem>>)
    %dma_wait3A_1029 = arith.constant 896 : i32
    %dma_wait3A_1030 = arith.constant 512 : i32
    %dma_wait3A_1031 = tpu.memref_slice %arg3[%add3A_8, %dma_wait3A_1029, %dma_wait3A_1030] : memref<64x1024x1024xf32, #tpu.memory_space<hbm>> -> memref<1x64x512xf32, #tpu.memory_space<hbm>>
    %dma_wait3A_1032 = tpu.memref_squeeze %dma_wait3A_1031 : memref<1x64x512xf32, #tpu.memory_space<hbm>> -> memref<64x512xf32, #tpu.memory_space<hbm>>
    %dma_wait3A_1033 = arith.constant 896 : i32
    %dma_wait3A_1034 = arith.constant 512 : i32
    %dma_wait3A_1035 = tpu.memref_slice %arg3[%add3A_8, %dma_wait3A_1033, %dma_wait3A_1034] : memref<64x1024x1024xf32, #tpu.memory_space<hbm>> -> memref<1x64x512xf32, #tpu.memory_space<hbm>>
    %dma_wait3A_1036 = tpu.memref_squeeze %dma_wait3A_1035 : memref<1x64x512xf32, #tpu.memory_space<hbm>> -> memref<64x512xf32, #tpu.memory_space<hbm>>
    tpu.wait_dma2 semaphore(%arg11 : memref<!tpu.dma_semaphore, #tpu.memory_space<semaphore_mem>>) src(%arg6 : memref<64x512xf32, #tpu.memory_space<vmem>>) dst(%dma_wait3A_1036 : memref<64x512xf32, #tpu.memory_space<hbm>>)
    %dma_wait3A_1037 = arith.constant 960 : i32
    %dma_wait3A_1038 = arith.constant 512 : i32
    %dma_wait3A_1039 = tpu.memref_slice %arg3[%add3A_8, %dma_wait3A_1037, %dma_wait3A_1038] : memref<64x1024x1024xf32, #tpu.memory_space<hbm>> -> memref<1x64x512xf32, #tpu.memory_space<hbm>>
    %dma_wait3A_1040 = tpu.memref_squeeze %dma_wait3A_1039 : memref<1x64x512xf32, #tpu.memory_space<hbm>> -> memref<64x512xf32, #tpu.memory_space<hbm>>
    %dma_wait3A_1041 = arith.constant 960 : i32
    %dma_wait3A_1042 = arith.constant 512 : i32
    %dma_wait3A_1043 = tpu.memref_slice %arg3[%add3A_8, %dma_wait3A_1041, %dma_wait3A_1042] : memref<64x1024x1024xf32, #tpu.memory_space<hbm>> -> memref<1x64x512xf32, #tpu.memory_space<hbm>>
    %dma_wait3A_1044 = tpu.memref_squeeze %dma_wait3A_1043 : memref<1x64x512xf32, #tpu.memory_space<hbm>> -> memref<64x512xf32, #tpu.memory_space<hbm>>
    tpu.wait_dma2 semaphore(%arg12 : memref<!tpu.dma_semaphore, #tpu.memory_space<semaphore_mem>>) src(%arg7 : memref<64x512xf32, #tpu.memory_space<vmem>>) dst(%dma_wait3A_1044 : memref<64x512xf32, #tpu.memory_space<hbm>>)
    %dma_wait3A_1045 = arith.constant 0 : i32
    %dma_wait3A_1046 = arith.constant 0 : i32
    %dma_wait3A_1047 = tpu.memref_slice %arg3[%add3A_4, %dma_wait3A_1045, %dma_wait3A_1046] : memref<64x1024x1024xf32, #tpu.memory_space<hbm>> -> memref<1x32x1024xf32, #tpu.memory_space<hbm>>
    %dma_wait3A_1048 = tpu.memref_squeeze %dma_wait3A_1047 : memref<1x32x1024xf32, #tpu.memory_space<hbm>> -> memref<32x1024xf32, #tpu.memory_space<hbm>>
    %dma_wait3A_1049 = arith.constant 0 : i32
    %dma_wait3A_1050 = arith.constant 0 : i32
    %dma_wait3A_1051 = tpu.memref_slice %arg3[%add3A_4, %dma_wait3A_1049, %dma_wait3A_1050] : memref<64x1024x1024xf32, #tpu.memory_space<hbm>> -> memref<1x32x1024xf32, #tpu.memory_space<hbm>>
    %dma_wait3A_1052 = tpu.memref_squeeze %dma_wait3A_1051 : memref<1x32x1024xf32, #tpu.memory_space<hbm>> -> memref<32x1024xf32, #tpu.memory_space<hbm>>
    tpu.wait_dma2 semaphore(%arg8 : memref<!tpu.dma_semaphore, #tpu.memory_space<semaphore_mem>>) src(%arg4 : memref<32x1024xf32, #tpu.memory_space<vmem>>) dst(%dma_wait3A_1052 : memref<32x1024xf32, #tpu.memory_space<hbm>>)
    %dma_wait3A_1053 = arith.constant 32 : i32
    %dma_wait3A_1054 = arith.constant 0 : i32
    %dma_wait3A_1055 = tpu.memref_slice %arg3[%add3A_4, %dma_wait3A_1053, %dma_wait3A_1054] : memref<64x1024x1024xf32, #tpu.memory_space<hbm>> -> memref<1x32x1024xf32, #tpu.memory_space<hbm>>
    %dma_wait3A_1056 = tpu.memref_squeeze %dma_wait3A_1055 : memref<1x32x1024xf32, #tpu.memory_space<hbm>> -> memref<32x1024xf32, #tpu.memory_space<hbm>>
    %dma_wait3A_1057 = arith.constant 32 : i32
    %dma_wait3A_1058 = arith.constant 0 : i32
    %dma_wait3A_1059 = tpu.memref_slice %arg3[%add3A_4, %dma_wait3A_1057, %dma_wait3A_1058] : memref<64x1024x1024xf32, #tpu.memory_space<hbm>> -> memref<1x32x1024xf32, #tpu.memory_space<hbm>>
    %dma_wait3A_1060 = tpu.memref_squeeze %dma_wait3A_1059 : memref<1x32x1024xf32, #tpu.memory_space<hbm>> -> memref<32x1024xf32, #tpu.memory_space<hbm>>
    tpu.wait_dma2 semaphore(%arg8 : memref<!tpu.dma_semaphore, #tpu.memory_space<semaphore_mem>>) src(%arg4 : memref<32x1024xf32, #tpu.memory_space<vmem>>) dst(%dma_wait3A_1060 : memref<32x1024xf32, #tpu.memory_space<hbm>>)
    %dma_wait3A_1061 = arith.constant 64 : i32
    %dma_wait3A_1062 = arith.constant 0 : i32
    %dma_wait3A_1063 = tpu.memref_slice %arg3[%add3A_4, %dma_wait3A_1061, %dma_wait3A_1062] : memref<64x1024x1024xf32, #tpu.memory_space<hbm>> -> memref<1x32x1024xf32, #tpu.memory_space<hbm>>
    %dma_wait3A_1064 = tpu.memref_squeeze %dma_wait3A_1063 : memref<1x32x1024xf32, #tpu.memory_space<hbm>> -> memref<32x1024xf32, #tpu.memory_space<hbm>>
    %dma_wait3A_1065 = arith.constant 64 : i32
    %dma_wait3A_1066 = arith.constant 0 : i32
    %dma_wait3A_1067 = tpu.memref_slice %arg3[%add3A_4, %dma_wait3A_1065, %dma_wait3A_1066] : memref<64x1024x1024xf32, #tpu.memory_space<hbm>> -> memref<1x32x1024xf32, #tpu.memory_space<hbm>>
    %dma_wait3A_1068 = tpu.memref_squeeze %dma_wait3A_1067 : memref<1x32x1024xf32, #tpu.memory_space<hbm>> -> memref<32x1024xf32, #tpu.memory_space<hbm>>
    tpu.wait_dma2 semaphore(%arg8 : memref<!tpu.dma_semaphore, #tpu.memory_space<semaphore_mem>>) src(%arg4 : memref<32x1024xf32, #tpu.memory_space<vmem>>) dst(%dma_wait3A_1068 : memref<32x1024xf32, #tpu.memory_space<hbm>>)
    %dma_wait3A_1069 = arith.constant 96 : i32
    %dma_wait3A_1070 = arith.constant 0 : i32
    %dma_wait3A_1071 = tpu.memref_slice %arg3[%add3A_4, %dma_wait3A_1069, %dma_wait3A_1070] : memref<64x1024x1024xf32, #tpu.memory_space<hbm>> -> memref<1x32x1024xf32, #tpu.memory_space<hbm>>
    %dma_wait3A_1072 = tpu.memref_squeeze %dma_wait3A_1071 : memref<1x32x1024xf32, #tpu.memory_space<hbm>> -> memref<32x1024xf32, #tpu.memory_space<hbm>>
    %dma_wait3A_1073 = arith.constant 96 : i32
    %dma_wait3A_1074 = arith.constant 0 : i32
    %dma_wait3A_1075 = tpu.memref_slice %arg3[%add3A_4, %dma_wait3A_1073, %dma_wait3A_1074] : memref<64x1024x1024xf32, #tpu.memory_space<hbm>> -> memref<1x32x1024xf32, #tpu.memory_space<hbm>>
    %dma_wait3A_1076 = tpu.memref_squeeze %dma_wait3A_1075 : memref<1x32x1024xf32, #tpu.memory_space<hbm>> -> memref<32x1024xf32, #tpu.memory_space<hbm>>
    tpu.wait_dma2 semaphore(%arg8 : memref<!tpu.dma_semaphore, #tpu.memory_space<semaphore_mem>>) src(%arg4 : memref<32x1024xf32, #tpu.memory_space<vmem>>) dst(%dma_wait3A_1076 : memref<32x1024xf32, #tpu.memory_space<hbm>>)
    %dma_wait3A_1077 = arith.constant 128 : i32
    %dma_wait3A_1078 = arith.constant 0 : i32
    %dma_wait3A_1079 = tpu.memref_slice %arg3[%add3A_4, %dma_wait3A_1077, %dma_wait3A_1078] : memref<64x1024x1024xf32, #tpu.memory_space<hbm>> -> memref<1x32x1024xf32, #tpu.memory_space<hbm>>
    %dma_wait3A_1080 = tpu.memref_squeeze %dma_wait3A_1079 : memref<1x32x1024xf32, #tpu.memory_space<hbm>> -> memref<32x1024xf32, #tpu.memory_space<hbm>>
    %dma_wait3A_1081 = arith.constant 128 : i32
    %dma_wait3A_1082 = arith.constant 0 : i32
    %dma_wait3A_1083 = tpu.memref_slice %arg3[%add3A_4, %dma_wait3A_1081, %dma_wait3A_1082] : memref<64x1024x1024xf32, #tpu.memory_space<hbm>> -> memref<1x32x1024xf32, #tpu.memory_space<hbm>>
    %dma_wait3A_1084 = tpu.memref_squeeze %dma_wait3A_1083 : memref<1x32x1024xf32, #tpu.memory_space<hbm>> -> memref<32x1024xf32, #tpu.memory_space<hbm>>
    tpu.wait_dma2 semaphore(%arg8 : memref<!tpu.dma_semaphore, #tpu.memory_space<semaphore_mem>>) src(%arg4 : memref<32x1024xf32, #tpu.memory_space<vmem>>) dst(%dma_wait3A_1084 : memref<32x1024xf32, #tpu.memory_space<hbm>>)
    %dma_wait3A_1085 = arith.constant 160 : i32
    %dma_wait3A_1086 = arith.constant 0 : i32
    %dma_wait3A_1087 = tpu.memref_slice %arg3[%add3A_4, %dma_wait3A_1085, %dma_wait3A_1086] : memref<64x1024x1024xf32, #tpu.memory_space<hbm>> -> memref<1x32x1024xf32, #tpu.memory_space<hbm>>
    %dma_wait3A_1088 = tpu.memref_squeeze %dma_wait3A_1087 : memref<1x32x1024xf32, #tpu.memory_space<hbm>> -> memref<32x1024xf32, #tpu.memory_space<hbm>>
    %dma_wait3A_1089 = arith.constant 160 : i32
    %dma_wait3A_1090 = arith.constant 0 : i32
    %dma_wait3A_1091 = tpu.memref_slice %arg3[%add3A_4, %dma_wait3A_1089, %dma_wait3A_1090] : memref<64x1024x1024xf32, #tpu.memory_space<hbm>> -> memref<1x32x1024xf32, #tpu.memory_space<hbm>>
    %dma_wait3A_1092 = tpu.memref_squeeze %dma_wait3A_1091 : memref<1x32x1024xf32, #tpu.memory_space<hbm>> -> memref<32x1024xf32, #tpu.memory_space<hbm>>
    tpu.wait_dma2 semaphore(%arg8 : memref<!tpu.dma_semaphore, #tpu.memory_space<semaphore_mem>>) src(%arg4 : memref<32x1024xf32, #tpu.memory_space<vmem>>) dst(%dma_wait3A_1092 : memref<32x1024xf32, #tpu.memory_space<hbm>>)
    %dma_wait3A_1093 = arith.constant 192 : i32
    %dma_wait3A_1094 = arith.constant 0 : i32
    %dma_wait3A_1095 = tpu.memref_slice %arg3[%add3A_4, %dma_wait3A_1093, %dma_wait3A_1094] : memref<64x1024x1024xf32, #tpu.memory_space<hbm>> -> memref<1x32x1024xf32, #tpu.memory_space<hbm>>
    %dma_wait3A_1096 = tpu.memref_squeeze %dma_wait3A_1095 : memref<1x32x1024xf32, #tpu.memory_space<hbm>> -> memref<32x1024xf32, #tpu.memory_space<hbm>>
    %dma_wait3A_1097 = arith.constant 192 : i32
    %dma_wait3A_1098 = arith.constant 0 : i32
    %dma_wait3A_1099 = tpu.memref_slice %arg3[%add3A_4, %dma_wait3A_1097, %dma_wait3A_1098] : memref<64x1024x1024xf32, #tpu.memory_space<hbm>> -> memref<1x32x1024xf32, #tpu.memory_space<hbm>>
    %dma_wait3A_1100 = tpu.memref_squeeze %dma_wait3A_1099 : memref<1x32x1024xf32, #tpu.memory_space<hbm>> -> memref<32x1024xf32, #tpu.memory_space<hbm>>
    tpu.wait_dma2 semaphore(%arg8 : memref<!tpu.dma_semaphore, #tpu.memory_space<semaphore_mem>>) src(%arg4 : memref<32x1024xf32, #tpu.memory_space<vmem>>) dst(%dma_wait3A_1100 : memref<32x1024xf32, #tpu.memory_space<hbm>>)
    %dma_wait3A_1101 = arith.constant 224 : i32
    %dma_wait3A_1102 = arith.constant 0 : i32
    %dma_wait3A_1103 = tpu.memref_slice %arg3[%add3A_4, %dma_wait3A_1101, %dma_wait3A_1102] : memref<64x1024x1024xf32, #tpu.memory_space<hbm>> -> memref<1x32x1024xf32, #tpu.memory_space<hbm>>
    %dma_wait3A_1104 = tpu.memref_squeeze %dma_wait3A_1103 : memref<1x32x1024xf32, #tpu.memory_space<hbm>> -> memref<32x1024xf32, #tpu.memory_space<hbm>>
    %dma_wait3A_1105 = arith.constant 224 : i32
    %dma_wait3A_1106 = arith.constant 0 : i32
    %dma_wait3A_1107 = tpu.memref_slice %arg3[%add3A_4, %dma_wait3A_1105, %dma_wait3A_1106] : memref<64x1024x1024xf32, #tpu.memory_space<hbm>> -> memref<1x32x1024xf32, #tpu.memory_space<hbm>>
    %dma_wait3A_1108 = tpu.memref_squeeze %dma_wait3A_1107 : memref<1x32x1024xf32, #tpu.memory_space<hbm>> -> memref<32x1024xf32, #tpu.memory_space<hbm>>
    tpu.wait_dma2 semaphore(%arg8 : memref<!tpu.dma_semaphore, #tpu.memory_space<semaphore_mem>>) src(%arg4 : memref<32x1024xf32, #tpu.memory_space<vmem>>) dst(%dma_wait3A_1108 : memref<32x1024xf32, #tpu.memory_space<hbm>>)
    %dma_wait3A_1109 = arith.constant 256 : i32
    %dma_wait3A_1110 = arith.constant 0 : i32
    %dma_wait3A_1111 = tpu.memref_slice %arg3[%add3A_4, %dma_wait3A_1109, %dma_wait3A_1110] : memref<64x1024x1024xf32, #tpu.memory_space<hbm>> -> memref<1x32x1024xf32, #tpu.memory_space<hbm>>
    %dma_wait3A_1112 = tpu.memref_squeeze %dma_wait3A_1111 : memref<1x32x1024xf32, #tpu.memory_space<hbm>> -> memref<32x1024xf32, #tpu.memory_space<hbm>>
    %dma_wait3A_1113 = arith.constant 256 : i32
    %dma_wait3A_1114 = arith.constant 0 : i32
    %dma_wait3A_1115 = tpu.memref_slice %arg3[%add3A_4, %dma_wait3A_1113, %dma_wait3A_1114] : memref<64x1024x1024xf32, #tpu.memory_space<hbm>> -> memref<1x32x1024xf32, #tpu.memory_space<hbm>>
    %dma_wait3A_1116 = tpu.memref_squeeze %dma_wait3A_1115 : memref<1x32x1024xf32, #tpu.memory_space<hbm>> -> memref<32x1024xf32, #tpu.memory_space<hbm>>
    tpu.wait_dma2 semaphore(%arg8 : memref<!tpu.dma_semaphore, #tpu.memory_space<semaphore_mem>>) src(%arg4 : memref<32x1024xf32, #tpu.memory_space<vmem>>) dst(%dma_wait3A_1116 : memref<32x1024xf32, #tpu.memory_space<hbm>>)
    %dma_wait3A_1117 = arith.constant 288 : i32
    %dma_wait3A_1118 = arith.constant 0 : i32
    %dma_wait3A_1119 = tpu.memref_slice %arg3[%add3A_4, %dma_wait3A_1117, %dma_wait3A_1118] : memref<64x1024x1024xf32, #tpu.memory_space<hbm>> -> memref<1x32x1024xf32, #tpu.memory_space<hbm>>
    %dma_wait3A_1120 = tpu.memref_squeeze %dma_wait3A_1119 : memref<1x32x1024xf32, #tpu.memory_space<hbm>> -> memref<32x1024xf32, #tpu.memory_space<hbm>>
    %dma_wait3A_1121 = arith.constant 288 : i32
    %dma_wait3A_1122 = arith.constant 0 : i32
    %dma_wait3A_1123 = tpu.memref_slice %arg3[%add3A_4, %dma_wait3A_1121, %dma_wait3A_1122] : memref<64x1024x1024xf32, #tpu.memory_space<hbm>> -> memref<1x32x1024xf32, #tpu.memory_space<hbm>>
    %dma_wait3A_1124 = tpu.memref_squeeze %dma_wait3A_1123 : memref<1x32x1024xf32, #tpu.memory_space<hbm>> -> memref<32x1024xf32, #tpu.memory_space<hbm>>
    tpu.wait_dma2 semaphore(%arg8 : memref<!tpu.dma_semaphore, #tpu.memory_space<semaphore_mem>>) src(%arg4 : memref<32x1024xf32, #tpu.memory_space<vmem>>) dst(%dma_wait3A_1124 : memref<32x1024xf32, #tpu.memory_space<hbm>>)
    %dma_wait3A_1125 = arith.constant 320 : i32
    %dma_wait3A_1126 = arith.constant 0 : i32
    %dma_wait3A_1127 = tpu.memref_slice %arg3[%add3A_4, %dma_wait3A_1125, %dma_wait3A_1126] : memref<64x1024x1024xf32, #tpu.memory_space<hbm>> -> memref<1x32x1024xf32, #tpu.memory_space<hbm>>
    %dma_wait3A_1128 = tpu.memref_squeeze %dma_wait3A_1127 : memref<1x32x1024xf32, #tpu.memory_space<hbm>> -> memref<32x1024xf32, #tpu.memory_space<hbm>>
    %dma_wait3A_1129 = arith.constant 320 : i32
    %dma_wait3A_1130 = arith.constant 0 : i32
    %dma_wait3A_1131 = tpu.memref_slice %arg3[%add3A_4, %dma_wait3A_1129, %dma_wait3A_1130] : memref<64x1024x1024xf32, #tpu.memory_space<hbm>> -> memref<1x32x1024xf32, #tpu.memory_space<hbm>>
    %dma_wait3A_1132 = tpu.memref_squeeze %dma_wait3A_1131 : memref<1x32x1024xf32, #tpu.memory_space<hbm>> -> memref<32x1024xf32, #tpu.memory_space<hbm>>
    tpu.wait_dma2 semaphore(%arg8 : memref<!tpu.dma_semaphore, #tpu.memory_space<semaphore_mem>>) src(%arg4 : memref<32x1024xf32, #tpu.memory_space<vmem>>) dst(%dma_wait3A_1132 : memref<32x1024xf32, #tpu.memory_space<hbm>>)
    %dma_wait3A_1133 = arith.constant 352 : i32
    %dma_wait3A_1134 = arith.constant 0 : i32
    %dma_wait3A_1135 = tpu.memref_slice %arg3[%add3A_4, %dma_wait3A_1133, %dma_wait3A_1134] : memref<64x1024x1024xf32, #tpu.memory_space<hbm>> -> memref<1x32x1024xf32, #tpu.memory_space<hbm>>
    %dma_wait3A_1136 = tpu.memref_squeeze %dma_wait3A_1135 : memref<1x32x1024xf32, #tpu.memory_space<hbm>> -> memref<32x1024xf32, #tpu.memory_space<hbm>>
    %dma_wait3A_1137 = arith.constant 352 : i32
    %dma_wait3A_1138 = arith.constant 0 : i32
    %dma_wait3A_1139 = tpu.memref_slice %arg3[%add3A_4, %dma_wait3A_1137, %dma_wait3A_1138] : memref<64x1024x1024xf32, #tpu.memory_space<hbm>> -> memref<1x32x1024xf32, #tpu.memory_space<hbm>>
    %dma_wait3A_1140 = tpu.memref_squeeze %dma_wait3A_1139 : memref<1x32x1024xf32, #tpu.memory_space<hbm>> -> memref<32x1024xf32, #tpu.memory_space<hbm>>
    tpu.wait_dma2 semaphore(%arg8 : memref<!tpu.dma_semaphore, #tpu.memory_space<semaphore_mem>>) src(%arg4 : memref<32x1024xf32, #tpu.memory_space<vmem>>) dst(%dma_wait3A_1140 : memref<32x1024xf32, #tpu.memory_space<hbm>>)
    %dma_wait3A_1141 = arith.constant 384 : i32
    %dma_wait3A_1142 = arith.constant 0 : i32
    %dma_wait3A_1143 = tpu.memref_slice %arg3[%add3A_4, %dma_wait3A_1141, %dma_wait3A_1142] : memref<64x1024x1024xf32, #tpu.memory_space<hbm>> -> memref<1x32x1024xf32, #tpu.memory_space<hbm>>
    %dma_wait3A_1144 = tpu.memref_squeeze %dma_wait3A_1143 : memref<1x32x1024xf32, #tpu.memory_space<hbm>> -> memref<32x1024xf32, #tpu.memory_space<hbm>>
    %dma_wait3A_1145 = arith.constant 384 : i32
    %dma_wait3A_1146 = arith.constant 0 : i32
    %dma_wait3A_1147 = tpu.memref_slice %arg3[%add3A_4, %dma_wait3A_1145, %dma_wait3A_1146] : memref<64x1024x1024xf32, #tpu.memory_space<hbm>> -> memref<1x32x1024xf32, #tpu.memory_space<hbm>>
    %dma_wait3A_1148 = tpu.memref_squeeze %dma_wait3A_1147 : memref<1x32x1024xf32, #tpu.memory_space<hbm>> -> memref<32x1024xf32, #tpu.memory_space<hbm>>
    tpu.wait_dma2 semaphore(%arg8 : memref<!tpu.dma_semaphore, #tpu.memory_space<semaphore_mem>>) src(%arg4 : memref<32x1024xf32, #tpu.memory_space<vmem>>) dst(%dma_wait3A_1148 : memref<32x1024xf32, #tpu.memory_space<hbm>>)
    %dma_wait3A_1149 = arith.constant 416 : i32
    %dma_wait3A_1150 = arith.constant 0 : i32
    %dma_wait3A_1151 = tpu.memref_slice %arg3[%add3A_4, %dma_wait3A_1149, %dma_wait3A_1150] : memref<64x1024x1024xf32, #tpu.memory_space<hbm>> -> memref<1x32x1024xf32, #tpu.memory_space<hbm>>
    %dma_wait3A_1152 = tpu.memref_squeeze %dma_wait3A_1151 : memref<1x32x1024xf32, #tpu.memory_space<hbm>> -> memref<32x1024xf32, #tpu.memory_space<hbm>>
    %dma_wait3A_1153 = arith.constant 416 : i32
    %dma_wait3A_1154 = arith.constant 0 : i32
    %dma_wait3A_1155 = tpu.memref_slice %arg3[%add3A_4, %dma_wait3A_1153, %dma_wait3A_1154] : memref<64x1024x1024xf32, #tpu.memory_space<hbm>> -> memref<1x32x1024xf32, #tpu.memory_space<hbm>>
    %dma_wait3A_1156 = tpu.memref_squeeze %dma_wait3A_1155 : memref<1x32x1024xf32, #tpu.memory_space<hbm>> -> memref<32x1024xf32, #tpu.memory_space<hbm>>
    tpu.wait_dma2 semaphore(%arg8 : memref<!tpu.dma_semaphore, #tpu.memory_space<semaphore_mem>>) src(%arg4 : memref<32x1024xf32, #tpu.memory_space<vmem>>) dst(%dma_wait3A_1156 : memref<32x1024xf32, #tpu.memory_space<hbm>>)
    %dma_wait3A_1157 = arith.constant 448 : i32
    %dma_wait3A_1158 = arith.constant 0 : i32
    %dma_wait3A_1159 = tpu.memref_slice %arg3[%add3A_4, %dma_wait3A_1157, %dma_wait3A_1158] : memref<64x1024x1024xf32, #tpu.memory_space<hbm>> -> memref<1x32x1024xf32, #tpu.memory_space<hbm>>
    %dma_wait3A_1160 = tpu.memref_squeeze %dma_wait3A_1159 : memref<1x32x1024xf32, #tpu.memory_space<hbm>> -> memref<32x1024xf32, #tpu.memory_space<hbm>>
    %dma_wait3A_1161 = arith.constant 448 : i32
    %dma_wait3A_1162 = arith.constant 0 : i32
    %dma_wait3A_1163 = tpu.memref_slice %arg3[%add3A_4, %dma_wait3A_1161, %dma_wait3A_1162] : memref<64x1024x1024xf32, #tpu.memory_space<hbm>> -> memref<1x32x1024xf32, #tpu.memory_space<hbm>>
    %dma_wait3A_1164 = tpu.memref_squeeze %dma_wait3A_1163 : memref<1x32x1024xf32, #tpu.memory_space<hbm>> -> memref<32x1024xf32, #tpu.memory_space<hbm>>
    tpu.wait_dma2 semaphore(%arg8 : memref<!tpu.dma_semaphore, #tpu.memory_space<semaphore_mem>>) src(%arg4 : memref<32x1024xf32, #tpu.memory_space<vmem>>) dst(%dma_wait3A_1164 : memref<32x1024xf32, #tpu.memory_space<hbm>>)
    %dma_wait3A_1165 = arith.constant 480 : i32
    %dma_wait3A_1166 = arith.constant 0 : i32
    %dma_wait3A_1167 = tpu.memref_slice %arg3[%add3A_4, %dma_wait3A_1165, %dma_wait3A_1166] : memref<64x1024x1024xf32, #tpu.memory_space<hbm>> -> memref<1x32x1024xf32, #tpu.memory_space<hbm>>
    %dma_wait3A_1168 = tpu.memref_squeeze %dma_wait3A_1167 : memref<1x32x1024xf32, #tpu.memory_space<hbm>> -> memref<32x1024xf32, #tpu.memory_space<hbm>>
    %dma_wait3A_1169 = arith.constant 480 : i32
    %dma_wait3A_1170 = arith.constant 0 : i32
    %dma_wait3A_1171 = tpu.memref_slice %arg3[%add3A_4, %dma_wait3A_1169, %dma_wait3A_1170] : memref<64x1024x1024xf32, #tpu.memory_space<hbm>> -> memref<1x32x1024xf32, #tpu.memory_space<hbm>>
    %dma_wait3A_1172 = tpu.memref_squeeze %dma_wait3A_1171 : memref<1x32x1024xf32, #tpu.memory_space<hbm>> -> memref<32x1024xf32, #tpu.memory_space<hbm>>
    tpu.wait_dma2 semaphore(%arg8 : memref<!tpu.dma_semaphore, #tpu.memory_space<semaphore_mem>>) src(%arg4 : memref<32x1024xf32, #tpu.memory_space<vmem>>) dst(%dma_wait3A_1172 : memref<32x1024xf32, #tpu.memory_space<hbm>>)
    %dma_wait3A_1173 = arith.constant 512 : i32
    %dma_wait3A_1174 = arith.constant 0 : i32
    %dma_wait3A_1175 = tpu.memref_slice %arg3[%add3A_4, %dma_wait3A_1173, %dma_wait3A_1174] : memref<64x1024x1024xf32, #tpu.memory_space<hbm>> -> memref<1x32x512xf32, #tpu.memory_space<hbm>>
    %dma_wait3A_1176 = tpu.memref_squeeze %dma_wait3A_1175 : memref<1x32x512xf32, #tpu.memory_space<hbm>> -> memref<32x512xf32, #tpu.memory_space<hbm>>
    %dma_wait3A_1177 = arith.constant 512 : i32
    %dma_wait3A_1178 = arith.constant 0 : i32
    %dma_wait3A_1179 = tpu.memref_slice %arg3[%add3A_4, %dma_wait3A_1177, %dma_wait3A_1178] : memref<64x1024x1024xf32, #tpu.memory_space<hbm>> -> memref<1x32x512xf32, #tpu.memory_space<hbm>>
    %dma_wait3A_1180 = tpu.memref_squeeze %dma_wait3A_1179 : memref<1x32x512xf32, #tpu.memory_space<hbm>> -> memref<32x512xf32, #tpu.memory_space<hbm>>
    tpu.wait_dma2 semaphore(%arg8 : memref<!tpu.dma_semaphore, #tpu.memory_space<semaphore_mem>>) src(%arg5 : memref<32x512xf32, #tpu.memory_space<vmem>>) dst(%dma_wait3A_1180 : memref<32x512xf32, #tpu.memory_space<hbm>>)
    %dma_wait3A_1181 = arith.constant 544 : i32
    %dma_wait3A_1182 = arith.constant 0 : i32
    %dma_wait3A_1183 = tpu.memref_slice %arg3[%add3A_4, %dma_wait3A_1181, %dma_wait3A_1182] : memref<64x1024x1024xf32, #tpu.memory_space<hbm>> -> memref<1x32x512xf32, #tpu.memory_space<hbm>>
    %dma_wait3A_1184 = tpu.memref_squeeze %dma_wait3A_1183 : memref<1x32x512xf32, #tpu.memory_space<hbm>> -> memref<32x512xf32, #tpu.memory_space<hbm>>
    %dma_wait3A_1185 = arith.constant 544 : i32
    %dma_wait3A_1186 = arith.constant 0 : i32
    %dma_wait3A_1187 = tpu.memref_slice %arg3[%add3A_4, %dma_wait3A_1185, %dma_wait3A_1186] : memref<64x1024x1024xf32, #tpu.memory_space<hbm>> -> memref<1x32x512xf32, #tpu.memory_space<hbm>>
    %dma_wait3A_1188 = tpu.memref_squeeze %dma_wait3A_1187 : memref<1x32x512xf32, #tpu.memory_space<hbm>> -> memref<32x512xf32, #tpu.memory_space<hbm>>
    tpu.wait_dma2 semaphore(%arg8 : memref<!tpu.dma_semaphore, #tpu.memory_space<semaphore_mem>>) src(%arg5 : memref<32x512xf32, #tpu.memory_space<vmem>>) dst(%dma_wait3A_1188 : memref<32x512xf32, #tpu.memory_space<hbm>>)
    %dma_wait3A_1189 = arith.constant 576 : i32
    %dma_wait3A_1190 = arith.constant 0 : i32
    %dma_wait3A_1191 = tpu.memref_slice %arg3[%add3A_4, %dma_wait3A_1189, %dma_wait3A_1190] : memref<64x1024x1024xf32, #tpu.memory_space<hbm>> -> memref<1x32x512xf32, #tpu.memory_space<hbm>>
    %dma_wait3A_1192 = tpu.memref_squeeze %dma_wait3A_1191 : memref<1x32x512xf32, #tpu.memory_space<hbm>> -> memref<32x512xf32, #tpu.memory_space<hbm>>
    %dma_wait3A_1193 = arith.constant 576 : i32
    %dma_wait3A_1194 = arith.constant 0 : i32
    %dma_wait3A_1195 = tpu.memref_slice %arg3[%add3A_4, %dma_wait3A_1193, %dma_wait3A_1194] : memref<64x1024x1024xf32, #tpu.memory_space<hbm>> -> memref<1x32x512xf32, #tpu.memory_space<hbm>>
    %dma_wait3A_1196 = tpu.memref_squeeze %dma_wait3A_1195 : memref<1x32x512xf32, #tpu.memory_space<hbm>> -> memref<32x512xf32, #tpu.memory_space<hbm>>
    tpu.wait_dma2 semaphore(%arg8 : memref<!tpu.dma_semaphore, #tpu.memory_space<semaphore_mem>>) src(%arg5 : memref<32x512xf32, #tpu.memory_space<vmem>>) dst(%dma_wait3A_1196 : memref<32x512xf32, #tpu.memory_space<hbm>>)
    %dma_wait3A_1197 = arith.constant 608 : i32
    %dma_wait3A_1198 = arith.constant 0 : i32
    %dma_wait3A_1199 = tpu.memref_slice %arg3[%add3A_4, %dma_wait3A_1197, %dma_wait3A_1198] : memref<64x1024x1024xf32, #tpu.memory_space<hbm>> -> memref<1x32x512xf32, #tpu.memory_space<hbm>>
    %dma_wait3A_1200 = tpu.memref_squeeze %dma_wait3A_1199 : memref<1x32x512xf32, #tpu.memory_space<hbm>> -> memref<32x512xf32, #tpu.memory_space<hbm>>
    %dma_wait3A_1201 = arith.constant 608 : i32
    %dma_wait3A_1202 = arith.constant 0 : i32
    %dma_wait3A_1203 = tpu.memref_slice %arg3[%add3A_4, %dma_wait3A_1201, %dma_wait3A_1202] : memref<64x1024x1024xf32, #tpu.memory_space<hbm>> -> memref<1x32x512xf32, #tpu.memory_space<hbm>>
    %dma_wait3A_1204 = tpu.memref_squeeze %dma_wait3A_1203 : memref<1x32x512xf32, #tpu.memory_space<hbm>> -> memref<32x512xf32, #tpu.memory_space<hbm>>
    tpu.wait_dma2 semaphore(%arg8 : memref<!tpu.dma_semaphore, #tpu.memory_space<semaphore_mem>>) src(%arg5 : memref<32x512xf32, #tpu.memory_space<vmem>>) dst(%dma_wait3A_1204 : memref<32x512xf32, #tpu.memory_space<hbm>>)
    %dma_wait3A_1205 = arith.constant 640 : i32
    %dma_wait3A_1206 = arith.constant 0 : i32
    %dma_wait3A_1207 = tpu.memref_slice %arg3[%add3A_4, %dma_wait3A_1205, %dma_wait3A_1206] : memref<64x1024x1024xf32, #tpu.memory_space<hbm>> -> memref<1x32x512xf32, #tpu.memory_space<hbm>>
    %dma_wait3A_1208 = tpu.memref_squeeze %dma_wait3A_1207 : memref<1x32x512xf32, #tpu.memory_space<hbm>> -> memref<32x512xf32, #tpu.memory_space<hbm>>
    %dma_wait3A_1209 = arith.constant 640 : i32
    %dma_wait3A_1210 = arith.constant 0 : i32
    %dma_wait3A_1211 = tpu.memref_slice %arg3[%add3A_4, %dma_wait3A_1209, %dma_wait3A_1210] : memref<64x1024x1024xf32, #tpu.memory_space<hbm>> -> memref<1x32x512xf32, #tpu.memory_space<hbm>>
    %dma_wait3A_1212 = tpu.memref_squeeze %dma_wait3A_1211 : memref<1x32x512xf32, #tpu.memory_space<hbm>> -> memref<32x512xf32, #tpu.memory_space<hbm>>
    tpu.wait_dma2 semaphore(%arg8 : memref<!tpu.dma_semaphore, #tpu.memory_space<semaphore_mem>>) src(%arg5 : memref<32x512xf32, #tpu.memory_space<vmem>>) dst(%dma_wait3A_1212 : memref<32x512xf32, #tpu.memory_space<hbm>>)
    %dma_wait3A_1213 = arith.constant 672 : i32
    %dma_wait3A_1214 = arith.constant 0 : i32
    %dma_wait3A_1215 = tpu.memref_slice %arg3[%add3A_4, %dma_wait3A_1213, %dma_wait3A_1214] : memref<64x1024x1024xf32, #tpu.memory_space<hbm>> -> memref<1x32x512xf32, #tpu.memory_space<hbm>>
    %dma_wait3A_1216 = tpu.memref_squeeze %dma_wait3A_1215 : memref<1x32x512xf32, #tpu.memory_space<hbm>> -> memref<32x512xf32, #tpu.memory_space<hbm>>
    %dma_wait3A_1217 = arith.constant 672 : i32
    %dma_wait3A_1218 = arith.constant 0 : i32
    %dma_wait3A_1219 = tpu.memref_slice %arg3[%add3A_4, %dma_wait3A_1217, %dma_wait3A_1218] : memref<64x1024x1024xf32, #tpu.memory_space<hbm>> -> memref<1x32x512xf32, #tpu.memory_space<hbm>>
    %dma_wait3A_1220 = tpu.memref_squeeze %dma_wait3A_1219 : memref<1x32x512xf32, #tpu.memory_space<hbm>> -> memref<32x512xf32, #tpu.memory_space<hbm>>
    tpu.wait_dma2 semaphore(%arg8 : memref<!tpu.dma_semaphore, #tpu.memory_space<semaphore_mem>>) src(%arg5 : memref<32x512xf32, #tpu.memory_space<vmem>>) dst(%dma_wait3A_1220 : memref<32x512xf32, #tpu.memory_space<hbm>>)
    %dma_wait3A_1221 = arith.constant 704 : i32
    %dma_wait3A_1222 = arith.constant 0 : i32
    %dma_wait3A_1223 = tpu.memref_slice %arg3[%add3A_4, %dma_wait3A_1221, %dma_wait3A_1222] : memref<64x1024x1024xf32, #tpu.memory_space<hbm>> -> memref<1x32x512xf32, #tpu.memory_space<hbm>>
    %dma_wait3A_1224 = tpu.memref_squeeze %dma_wait3A_1223 : memref<1x32x512xf32, #tpu.memory_space<hbm>> -> memref<32x512xf32, #tpu.memory_space<hbm>>
    %dma_wait3A_1225 = arith.constant 704 : i32
    %dma_wait3A_1226 = arith.constant 0 : i32
    %dma_wait3A_1227 = tpu.memref_slice %arg3[%add3A_4, %dma_wait3A_1225, %dma_wait3A_1226] : memref<64x1024x1024xf32, #tpu.memory_space<hbm>> -> memref<1x32x512xf32, #tpu.memory_space<hbm>>
    %dma_wait3A_1228 = tpu.memref_squeeze %dma_wait3A_1227 : memref<1x32x512xf32, #tpu.memory_space<hbm>> -> memref<32x512xf32, #tpu.memory_space<hbm>>
    tpu.wait_dma2 semaphore(%arg8 : memref<!tpu.dma_semaphore, #tpu.memory_space<semaphore_mem>>) src(%arg5 : memref<32x512xf32, #tpu.memory_space<vmem>>) dst(%dma_wait3A_1228 : memref<32x512xf32, #tpu.memory_space<hbm>>)
    %dma_wait3A_1229 = arith.constant 736 : i32
    %dma_wait3A_1230 = arith.constant 0 : i32
    %dma_wait3A_1231 = tpu.memref_slice %arg3[%add3A_4, %dma_wait3A_1229, %dma_wait3A_1230] : memref<64x1024x1024xf32, #tpu.memory_space<hbm>> -> memref<1x32x512xf32, #tpu.memory_space<hbm>>
    %dma_wait3A_1232 = tpu.memref_squeeze %dma_wait3A_1231 : memref<1x32x512xf32, #tpu.memory_space<hbm>> -> memref<32x512xf32, #tpu.memory_space<hbm>>
    %dma_wait3A_1233 = arith.constant 736 : i32
    %dma_wait3A_1234 = arith.constant 0 : i32
    %dma_wait3A_1235 = tpu.memref_slice %arg3[%add3A_4, %dma_wait3A_1233, %dma_wait3A_1234] : memref<64x1024x1024xf32, #tpu.memory_space<hbm>> -> memref<1x32x512xf32, #tpu.memory_space<hbm>>
    %dma_wait3A_1236 = tpu.memref_squeeze %dma_wait3A_1235 : memref<1x32x512xf32, #tpu.memory_space<hbm>> -> memref<32x512xf32, #tpu.memory_space<hbm>>
    tpu.wait_dma2 semaphore(%arg8 : memref<!tpu.dma_semaphore, #tpu.memory_space<semaphore_mem>>) src(%arg5 : memref<32x512xf32, #tpu.memory_space<vmem>>) dst(%dma_wait3A_1236 : memref<32x512xf32, #tpu.memory_space<hbm>>)
    %dma_wait3A_1237 = arith.constant 768 : i32
    %dma_wait3A_1238 = arith.constant 0 : i32
    %dma_wait3A_1239 = tpu.memref_slice %arg3[%add3A_4, %dma_wait3A_1237, %dma_wait3A_1238] : memref<64x1024x1024xf32, #tpu.memory_space<hbm>> -> memref<1x32x512xf32, #tpu.memory_space<hbm>>
    %dma_wait3A_1240 = tpu.memref_squeeze %dma_wait3A_1239 : memref<1x32x512xf32, #tpu.memory_space<hbm>> -> memref<32x512xf32, #tpu.memory_space<hbm>>
    %dma_wait3A_1241 = arith.constant 768 : i32
    %dma_wait3A_1242 = arith.constant 0 : i32
    %dma_wait3A_1243 = tpu.memref_slice %arg3[%add3A_4, %dma_wait3A_1241, %dma_wait3A_1242] : memref<64x1024x1024xf32, #tpu.memory_space<hbm>> -> memref<1x32x512xf32, #tpu.memory_space<hbm>>
    %dma_wait3A_1244 = tpu.memref_squeeze %dma_wait3A_1243 : memref<1x32x512xf32, #tpu.memory_space<hbm>> -> memref<32x512xf32, #tpu.memory_space<hbm>>
    tpu.wait_dma2 semaphore(%arg8 : memref<!tpu.dma_semaphore, #tpu.memory_space<semaphore_mem>>) src(%arg5 : memref<32x512xf32, #tpu.memory_space<vmem>>) dst(%dma_wait3A_1244 : memref<32x512xf32, #tpu.memory_space<hbm>>)
    %dma_wait3A_1245 = arith.constant 800 : i32
    %dma_wait3A_1246 = arith.constant 0 : i32
    %dma_wait3A_1247 = tpu.memref_slice %arg3[%add3A_4, %dma_wait3A_1245, %dma_wait3A_1246] : memref<64x1024x1024xf32, #tpu.memory_space<hbm>> -> memref<1x32x512xf32, #tpu.memory_space<hbm>>
    %dma_wait3A_1248 = tpu.memref_squeeze %dma_wait3A_1247 : memref<1x32x512xf32, #tpu.memory_space<hbm>> -> memref<32x512xf32, #tpu.memory_space<hbm>>
    %dma_wait3A_1249 = arith.constant 800 : i32
    %dma_wait3A_1250 = arith.constant 0 : i32
    %dma_wait3A_1251 = tpu.memref_slice %arg3[%add3A_4, %dma_wait3A_1249, %dma_wait3A_1250] : memref<64x1024x1024xf32, #tpu.memory_space<hbm>> -> memref<1x32x512xf32, #tpu.memory_space<hbm>>
    %dma_wait3A_1252 = tpu.memref_squeeze %dma_wait3A_1251 : memref<1x32x512xf32, #tpu.memory_space<hbm>> -> memref<32x512xf32, #tpu.memory_space<hbm>>
    tpu.wait_dma2 semaphore(%arg8 : memref<!tpu.dma_semaphore, #tpu.memory_space<semaphore_mem>>) src(%arg5 : memref<32x512xf32, #tpu.memory_space<vmem>>) dst(%dma_wait3A_1252 : memref<32x512xf32, #tpu.memory_space<hbm>>)
    %dma_wait3A_1253 = arith.constant 832 : i32
    %dma_wait3A_1254 = arith.constant 0 : i32
    %dma_wait3A_1255 = tpu.memref_slice %arg3[%add3A_4, %dma_wait3A_1253, %dma_wait3A_1254] : memref<64x1024x1024xf32, #tpu.memory_space<hbm>> -> memref<1x32x512xf32, #tpu.memory_space<hbm>>
    %dma_wait3A_1256 = tpu.memref_squeeze %dma_wait3A_1255 : memref<1x32x512xf32, #tpu.memory_space<hbm>> -> memref<32x512xf32, #tpu.memory_space<hbm>>
    %dma_wait3A_1257 = arith.constant 832 : i32
    %dma_wait3A_1258 = arith.constant 0 : i32
    %dma_wait3A_1259 = tpu.memref_slice %arg3[%add3A_4, %dma_wait3A_1257, %dma_wait3A_1258] : memref<64x1024x1024xf32, #tpu.memory_space<hbm>> -> memref<1x32x512xf32, #tpu.memory_space<hbm>>
    %dma_wait3A_1260 = tpu.memref_squeeze %dma_wait3A_1259 : memref<1x32x512xf32, #tpu.memory_space<hbm>> -> memref<32x512xf32, #tpu.memory_space<hbm>>
    tpu.wait_dma2 semaphore(%arg8 : memref<!tpu.dma_semaphore, #tpu.memory_space<semaphore_mem>>) src(%arg5 : memref<32x512xf32, #tpu.memory_space<vmem>>) dst(%dma_wait3A_1260 : memref<32x512xf32, #tpu.memory_space<hbm>>)
    %dma_wait3A_1261 = arith.constant 864 : i32
    %dma_wait3A_1262 = arith.constant 0 : i32
    %dma_wait3A_1263 = tpu.memref_slice %arg3[%add3A_4, %dma_wait3A_1261, %dma_wait3A_1262] : memref<64x1024x1024xf32, #tpu.memory_space<hbm>> -> memref<1x32x512xf32, #tpu.memory_space<hbm>>
    %dma_wait3A_1264 = tpu.memref_squeeze %dma_wait3A_1263 : memref<1x32x512xf32, #tpu.memory_space<hbm>> -> memref<32x512xf32, #tpu.memory_space<hbm>>
    %dma_wait3A_1265 = arith.constant 864 : i32
    %dma_wait3A_1266 = arith.constant 0 : i32
    %dma_wait3A_1267 = tpu.memref_slice %arg3[%add3A_4, %dma_wait3A_1265, %dma_wait3A_1266] : memref<64x1024x1024xf32, #tpu.memory_space<hbm>> -> memref<1x32x512xf32, #tpu.memory_space<hbm>>
    %dma_wait3A_1268 = tpu.memref_squeeze %dma_wait3A_1267 : memref<1x32x512xf32, #tpu.memory_space<hbm>> -> memref<32x512xf32, #tpu.memory_space<hbm>>
    tpu.wait_dma2 semaphore(%arg8 : memref<!tpu.dma_semaphore, #tpu.memory_space<semaphore_mem>>) src(%arg5 : memref<32x512xf32, #tpu.memory_space<vmem>>) dst(%dma_wait3A_1268 : memref<32x512xf32, #tpu.memory_space<hbm>>)
    %dma_wait3A_1269 = arith.constant 896 : i32
    %dma_wait3A_1270 = arith.constant 0 : i32
    %dma_wait3A_1271 = tpu.memref_slice %arg3[%add3A_4, %dma_wait3A_1269, %dma_wait3A_1270] : memref<64x1024x1024xf32, #tpu.memory_space<hbm>> -> memref<1x32x512xf32, #tpu.memory_space<hbm>>
    %dma_wait3A_1272 = tpu.memref_squeeze %dma_wait3A_1271 : memref<1x32x512xf32, #tpu.memory_space<hbm>> -> memref<32x512xf32, #tpu.memory_space<hbm>>
    %dma_wait3A_1273 = arith.constant 896 : i32
    %dma_wait3A_1274 = arith.constant 0 : i32
    %dma_wait3A_1275 = tpu.memref_slice %arg3[%add3A_4, %dma_wait3A_1273, %dma_wait3A_1274] : memref<64x1024x1024xf32, #tpu.memory_space<hbm>> -> memref<1x32x512xf32, #tpu.memory_space<hbm>>
    %dma_wait3A_1276 = tpu.memref_squeeze %dma_wait3A_1275 : memref<1x32x512xf32, #tpu.memory_space<hbm>> -> memref<32x512xf32, #tpu.memory_space<hbm>>
    tpu.wait_dma2 semaphore(%arg8 : memref<!tpu.dma_semaphore, #tpu.memory_space<semaphore_mem>>) src(%arg5 : memref<32x512xf32, #tpu.memory_space<vmem>>) dst(%dma_wait3A_1276 : memref<32x512xf32, #tpu.memory_space<hbm>>)
    %dma_wait3A_1277 = arith.constant 928 : i32
    %dma_wait3A_1278 = arith.constant 0 : i32
    %dma_wait3A_1279 = tpu.memref_slice %arg3[%add3A_4, %dma_wait3A_1277, %dma_wait3A_1278] : memref<64x1024x1024xf32, #tpu.memory_space<hbm>> -> memref<1x32x512xf32, #tpu.memory_space<hbm>>
    %dma_wait3A_1280 = tpu.memref_squeeze %dma_wait3A_1279 : memref<1x32x512xf32, #tpu.memory_space<hbm>> -> memref<32x512xf32, #tpu.memory_space<hbm>>
    %dma_wait3A_1281 = arith.constant 928 : i32
    %dma_wait3A_1282 = arith.constant 0 : i32
    %dma_wait3A_1283 = tpu.memref_slice %arg3[%add3A_4, %dma_wait3A_1281, %dma_wait3A_1282] : memref<64x1024x1024xf32, #tpu.memory_space<hbm>> -> memref<1x32x512xf32, #tpu.memory_space<hbm>>
    %dma_wait3A_1284 = tpu.memref_squeeze %dma_wait3A_1283 : memref<1x32x512xf32, #tpu.memory_space<hbm>> -> memref<32x512xf32, #tpu.memory_space<hbm>>
    tpu.wait_dma2 semaphore(%arg8 : memref<!tpu.dma_semaphore, #tpu.memory_space<semaphore_mem>>) src(%arg5 : memref<32x512xf32, #tpu.memory_space<vmem>>) dst(%dma_wait3A_1284 : memref<32x512xf32, #tpu.memory_space<hbm>>)
    %dma_wait3A_1285 = arith.constant 960 : i32
    %dma_wait3A_1286 = arith.constant 0 : i32
    %dma_wait3A_1287 = tpu.memref_slice %arg3[%add3A_4, %dma_wait3A_1285, %dma_wait3A_1286] : memref<64x1024x1024xf32, #tpu.memory_space<hbm>> -> memref<1x32x512xf32, #tpu.memory_space<hbm>>
    %dma_wait3A_1288 = tpu.memref_squeeze %dma_wait3A_1287 : memref<1x32x512xf32, #tpu.memory_space<hbm>> -> memref<32x512xf32, #tpu.memory_space<hbm>>
    %dma_wait3A_1289 = arith.constant 960 : i32
    %dma_wait3A_1290 = arith.constant 0 : i32
    %dma_wait3A_1291 = tpu.memref_slice %arg3[%add3A_4, %dma_wait3A_1289, %dma_wait3A_1290] : memref<64x1024x1024xf32, #tpu.memory_space<hbm>> -> memref<1x32x512xf32, #tpu.memory_space<hbm>>
    %dma_wait3A_1292 = tpu.memref_squeeze %dma_wait3A_1291 : memref<1x32x512xf32, #tpu.memory_space<hbm>> -> memref<32x512xf32, #tpu.memory_space<hbm>>
    tpu.wait_dma2 semaphore(%arg8 : memref<!tpu.dma_semaphore, #tpu.memory_space<semaphore_mem>>) src(%arg5 : memref<32x512xf32, #tpu.memory_space<vmem>>) dst(%dma_wait3A_1292 : memref<32x512xf32, #tpu.memory_space<hbm>>)
    %dma_wait3A_1293 = arith.constant 992 : i32
    %dma_wait3A_1294 = arith.constant 0 : i32
    %dma_wait3A_1295 = tpu.memref_slice %arg3[%add3A_4, %dma_wait3A_1293, %dma_wait3A_1294] : memref<64x1024x1024xf32, #tpu.memory_space<hbm>> -> memref<1x32x512xf32, #tpu.memory_space<hbm>>
    %dma_wait3A_1296 = tpu.memref_squeeze %dma_wait3A_1295 : memref<1x32x512xf32, #tpu.memory_space<hbm>> -> memref<32x512xf32, #tpu.memory_space<hbm>>
    %dma_wait3A_1297 = arith.constant 992 : i32
    %dma_wait3A_1298 = arith.constant 0 : i32
    %dma_wait3A_1299 = tpu.memref_slice %arg3[%add3A_4, %dma_wait3A_1297, %dma_wait3A_1298] : memref<64x1024x1024xf32, #tpu.memory_space<hbm>> -> memref<1x32x512xf32, #tpu.memory_space<hbm>>
    %dma_wait3A_1300 = tpu.memref_squeeze %dma_wait3A_1299 : memref<1x32x512xf32, #tpu.memory_space<hbm>> -> memref<32x512xf32, #tpu.memory_space<hbm>>
    tpu.wait_dma2 semaphore(%arg8 : memref<!tpu.dma_semaphore, #tpu.memory_space<semaphore_mem>>) src(%arg5 : memref<32x512xf32, #tpu.memory_space<vmem>>) dst(%dma_wait3A_1300 : memref<32x512xf32, #tpu.memory_space<hbm>>)
    %dma_wait3A_1301 = arith.constant 0 : i32
    %dma_wait3A_1302 = arith.constant 0 : i32
    %dma_wait3A_1303 = tpu.memref_slice %arg3[%add3A_8, %dma_wait3A_1301, %dma_wait3A_1302] : memref<64x1024x1024xf32, #tpu.memory_space<hbm>> -> memref<1x32x1024xf32, #tpu.memory_space<hbm>>
    %dma_wait3A_1304 = tpu.memref_squeeze %dma_wait3A_1303 : memref<1x32x1024xf32, #tpu.memory_space<hbm>> -> memref<32x1024xf32, #tpu.memory_space<hbm>>
    %dma_wait3A_1305 = arith.constant 0 : i32
    %dma_wait3A_1306 = arith.constant 0 : i32
    %dma_wait3A_1307 = tpu.memref_slice %arg3[%add3A_8, %dma_wait3A_1305, %dma_wait3A_1306] : memref<64x1024x1024xf32, #tpu.memory_space<hbm>> -> memref<1x32x1024xf32, #tpu.memory_space<hbm>>
    %dma_wait3A_1308 = tpu.memref_squeeze %dma_wait3A_1307 : memref<1x32x1024xf32, #tpu.memory_space<hbm>> -> memref<32x1024xf32, #tpu.memory_space<hbm>>
    tpu.wait_dma2 semaphore(%arg8 : memref<!tpu.dma_semaphore, #tpu.memory_space<semaphore_mem>>) src(%arg4 : memref<32x1024xf32, #tpu.memory_space<vmem>>) dst(%dma_wait3A_1308 : memref<32x1024xf32, #tpu.memory_space<hbm>>)
    %dma_wait3A_1309 = arith.constant 32 : i32
    %dma_wait3A_1310 = arith.constant 0 : i32
    %dma_wait3A_1311 = tpu.memref_slice %arg3[%add3A_8, %dma_wait3A_1309, %dma_wait3A_1310] : memref<64x1024x1024xf32, #tpu.memory_space<hbm>> -> memref<1x32x1024xf32, #tpu.memory_space<hbm>>
    %dma_wait3A_1312 = tpu.memref_squeeze %dma_wait3A_1311 : memref<1x32x1024xf32, #tpu.memory_space<hbm>> -> memref<32x1024xf32, #tpu.memory_space<hbm>>
    %dma_wait3A_1313 = arith.constant 32 : i32
    %dma_wait3A_1314 = arith.constant 0 : i32
    %dma_wait3A_1315 = tpu.memref_slice %arg3[%add3A_8, %dma_wait3A_1313, %dma_wait3A_1314] : memref<64x1024x1024xf32, #tpu.memory_space<hbm>> -> memref<1x32x1024xf32, #tpu.memory_space<hbm>>
    %dma_wait3A_1316 = tpu.memref_squeeze %dma_wait3A_1315 : memref<1x32x1024xf32, #tpu.memory_space<hbm>> -> memref<32x1024xf32, #tpu.memory_space<hbm>>
    tpu.wait_dma2 semaphore(%arg8 : memref<!tpu.dma_semaphore, #tpu.memory_space<semaphore_mem>>) src(%arg4 : memref<32x1024xf32, #tpu.memory_space<vmem>>) dst(%dma_wait3A_1316 : memref<32x1024xf32, #tpu.memory_space<hbm>>)
    %dma_wait3A_1317 = arith.constant 64 : i32
    %dma_wait3A_1318 = arith.constant 0 : i32
    %dma_wait3A_1319 = tpu.memref_slice %arg3[%add3A_8, %dma_wait3A_1317, %dma_wait3A_1318] : memref<64x1024x1024xf32, #tpu.memory_space<hbm>> -> memref<1x32x1024xf32, #tpu.memory_space<hbm>>
    %dma_wait3A_1320 = tpu.memref_squeeze %dma_wait3A_1319 : memref<1x32x1024xf32, #tpu.memory_space<hbm>> -> memref<32x1024xf32, #tpu.memory_space<hbm>>
    %dma_wait3A_1321 = arith.constant 64 : i32
    %dma_wait3A_1322 = arith.constant 0 : i32
    %dma_wait3A_1323 = tpu.memref_slice %arg3[%add3A_8, %dma_wait3A_1321, %dma_wait3A_1322] : memref<64x1024x1024xf32, #tpu.memory_space<hbm>> -> memref<1x32x1024xf32, #tpu.memory_space<hbm>>
    %dma_wait3A_1324 = tpu.memref_squeeze %dma_wait3A_1323 : memref<1x32x1024xf32, #tpu.memory_space<hbm>> -> memref<32x1024xf32, #tpu.memory_space<hbm>>
    tpu.wait_dma2 semaphore(%arg8 : memref<!tpu.dma_semaphore, #tpu.memory_space<semaphore_mem>>) src(%arg4 : memref<32x1024xf32, #tpu.memory_space<vmem>>) dst(%dma_wait3A_1324 : memref<32x1024xf32, #tpu.memory_space<hbm>>)
    %dma_wait3A_1325 = arith.constant 96 : i32
    %dma_wait3A_1326 = arith.constant 0 : i32
    %dma_wait3A_1327 = tpu.memref_slice %arg3[%add3A_8, %dma_wait3A_1325, %dma_wait3A_1326] : memref<64x1024x1024xf32, #tpu.memory_space<hbm>> -> memref<1x32x1024xf32, #tpu.memory_space<hbm>>
    %dma_wait3A_1328 = tpu.memref_squeeze %dma_wait3A_1327 : memref<1x32x1024xf32, #tpu.memory_space<hbm>> -> memref<32x1024xf32, #tpu.memory_space<hbm>>
    %dma_wait3A_1329 = arith.constant 96 : i32
    %dma_wait3A_1330 = arith.constant 0 : i32
    %dma_wait3A_1331 = tpu.memref_slice %arg3[%add3A_8, %dma_wait3A_1329, %dma_wait3A_1330] : memref<64x1024x1024xf32, #tpu.memory_space<hbm>> -> memref<1x32x1024xf32, #tpu.memory_space<hbm>>
    %dma_wait3A_1332 = tpu.memref_squeeze %dma_wait3A_1331 : memref<1x32x1024xf32, #tpu.memory_space<hbm>> -> memref<32x1024xf32, #tpu.memory_space<hbm>>
    tpu.wait_dma2 semaphore(%arg8 : memref<!tpu.dma_semaphore, #tpu.memory_space<semaphore_mem>>) src(%arg4 : memref<32x1024xf32, #tpu.memory_space<vmem>>) dst(%dma_wait3A_1332 : memref<32x1024xf32, #tpu.memory_space<hbm>>)
    %dma_wait3A_1333 = arith.constant 128 : i32
    %dma_wait3A_1334 = arith.constant 0 : i32
    %dma_wait3A_1335 = tpu.memref_slice %arg3[%add3A_8, %dma_wait3A_1333, %dma_wait3A_1334] : memref<64x1024x1024xf32, #tpu.memory_space<hbm>> -> memref<1x32x1024xf32, #tpu.memory_space<hbm>>
    %dma_wait3A_1336 = tpu.memref_squeeze %dma_wait3A_1335 : memref<1x32x1024xf32, #tpu.memory_space<hbm>> -> memref<32x1024xf32, #tpu.memory_space<hbm>>
    %dma_wait3A_1337 = arith.constant 128 : i32
    %dma_wait3A_1338 = arith.constant 0 : i32
    %dma_wait3A_1339 = tpu.memref_slice %arg3[%add3A_8, %dma_wait3A_1337, %dma_wait3A_1338] : memref<64x1024x1024xf32, #tpu.memory_space<hbm>> -> memref<1x32x1024xf32, #tpu.memory_space<hbm>>
    %dma_wait3A_1340 = tpu.memref_squeeze %dma_wait3A_1339 : memref<1x32x1024xf32, #tpu.memory_space<hbm>> -> memref<32x1024xf32, #tpu.memory_space<hbm>>
    tpu.wait_dma2 semaphore(%arg8 : memref<!tpu.dma_semaphore, #tpu.memory_space<semaphore_mem>>) src(%arg4 : memref<32x1024xf32, #tpu.memory_space<vmem>>) dst(%dma_wait3A_1340 : memref<32x1024xf32, #tpu.memory_space<hbm>>)
    %dma_wait3A_1341 = arith.constant 160 : i32
    %dma_wait3A_1342 = arith.constant 0 : i32
    %dma_wait3A_1343 = tpu.memref_slice %arg3[%add3A_8, %dma_wait3A_1341, %dma_wait3A_1342] : memref<64x1024x1024xf32, #tpu.memory_space<hbm>> -> memref<1x32x1024xf32, #tpu.memory_space<hbm>>
    %dma_wait3A_1344 = tpu.memref_squeeze %dma_wait3A_1343 : memref<1x32x1024xf32, #tpu.memory_space<hbm>> -> memref<32x1024xf32, #tpu.memory_space<hbm>>
    %dma_wait3A_1345 = arith.constant 160 : i32
    %dma_wait3A_1346 = arith.constant 0 : i32
    %dma_wait3A_1347 = tpu.memref_slice %arg3[%add3A_8, %dma_wait3A_1345, %dma_wait3A_1346] : memref<64x1024x1024xf32, #tpu.memory_space<hbm>> -> memref<1x32x1024xf32, #tpu.memory_space<hbm>>
    %dma_wait3A_1348 = tpu.memref_squeeze %dma_wait3A_1347 : memref<1x32x1024xf32, #tpu.memory_space<hbm>> -> memref<32x1024xf32, #tpu.memory_space<hbm>>
    tpu.wait_dma2 semaphore(%arg8 : memref<!tpu.dma_semaphore, #tpu.memory_space<semaphore_mem>>) src(%arg4 : memref<32x1024xf32, #tpu.memory_space<vmem>>) dst(%dma_wait3A_1348 : memref<32x1024xf32, #tpu.memory_space<hbm>>)
    %dma_wait3A_1349 = arith.constant 192 : i32
    %dma_wait3A_1350 = arith.constant 0 : i32
    %dma_wait3A_1351 = tpu.memref_slice %arg3[%add3A_8, %dma_wait3A_1349, %dma_wait3A_1350] : memref<64x1024x1024xf32, #tpu.memory_space<hbm>> -> memref<1x32x1024xf32, #tpu.memory_space<hbm>>
    %dma_wait3A_1352 = tpu.memref_squeeze %dma_wait3A_1351 : memref<1x32x1024xf32, #tpu.memory_space<hbm>> -> memref<32x1024xf32, #tpu.memory_space<hbm>>
    %dma_wait3A_1353 = arith.constant 192 : i32
    %dma_wait3A_1354 = arith.constant 0 : i32
    %dma_wait3A_1355 = tpu.memref_slice %arg3[%add3A_8, %dma_wait3A_1353, %dma_wait3A_1354] : memref<64x1024x1024xf32, #tpu.memory_space<hbm>> -> memref<1x32x1024xf32, #tpu.memory_space<hbm>>
    %dma_wait3A_1356 = tpu.memref_squeeze %dma_wait3A_1355 : memref<1x32x1024xf32, #tpu.memory_space<hbm>> -> memref<32x1024xf32, #tpu.memory_space<hbm>>
    tpu.wait_dma2 semaphore(%arg8 : memref<!tpu.dma_semaphore, #tpu.memory_space<semaphore_mem>>) src(%arg4 : memref<32x1024xf32, #tpu.memory_space<vmem>>) dst(%dma_wait3A_1356 : memref<32x1024xf32, #tpu.memory_space<hbm>>)
    %dma_wait3A_1357 = arith.constant 224 : i32
    %dma_wait3A_1358 = arith.constant 0 : i32
    %dma_wait3A_1359 = tpu.memref_slice %arg3[%add3A_8, %dma_wait3A_1357, %dma_wait3A_1358] : memref<64x1024x1024xf32, #tpu.memory_space<hbm>> -> memref<1x32x1024xf32, #tpu.memory_space<hbm>>
    %dma_wait3A_1360 = tpu.memref_squeeze %dma_wait3A_1359 : memref<1x32x1024xf32, #tpu.memory_space<hbm>> -> memref<32x1024xf32, #tpu.memory_space<hbm>>
    %dma_wait3A_1361 = arith.constant 224 : i32
    %dma_wait3A_1362 = arith.constant 0 : i32
    %dma_wait3A_1363 = tpu.memref_slice %arg3[%add3A_8, %dma_wait3A_1361, %dma_wait3A_1362] : memref<64x1024x1024xf32, #tpu.memory_space<hbm>> -> memref<1x32x1024xf32, #tpu.memory_space<hbm>>
    %dma_wait3A_1364 = tpu.memref_squeeze %dma_wait3A_1363 : memref<1x32x1024xf32, #tpu.memory_space<hbm>> -> memref<32x1024xf32, #tpu.memory_space<hbm>>
    tpu.wait_dma2 semaphore(%arg8 : memref<!tpu.dma_semaphore, #tpu.memory_space<semaphore_mem>>) src(%arg4 : memref<32x1024xf32, #tpu.memory_space<vmem>>) dst(%dma_wait3A_1364 : memref<32x1024xf32, #tpu.memory_space<hbm>>)
    %dma_wait3A_1365 = arith.constant 256 : i32
    %dma_wait3A_1366 = arith.constant 0 : i32
    %dma_wait3A_1367 = tpu.memref_slice %arg3[%add3A_8, %dma_wait3A_1365, %dma_wait3A_1366] : memref<64x1024x1024xf32, #tpu.memory_space<hbm>> -> memref<1x32x1024xf32, #tpu.memory_space<hbm>>
    %dma_wait3A_1368 = tpu.memref_squeeze %dma_wait3A_1367 : memref<1x32x1024xf32, #tpu.memory_space<hbm>> -> memref<32x1024xf32, #tpu.memory_space<hbm>>
    %dma_wait3A_1369 = arith.constant 256 : i32
    %dma_wait3A_1370 = arith.constant 0 : i32
    %dma_wait3A_1371 = tpu.memref_slice %arg3[%add3A_8, %dma_wait3A_1369, %dma_wait3A_1370] : memref<64x1024x1024xf32, #tpu.memory_space<hbm>> -> memref<1x32x1024xf32, #tpu.memory_space<hbm>>
    %dma_wait3A_1372 = tpu.memref_squeeze %dma_wait3A_1371 : memref<1x32x1024xf32, #tpu.memory_space<hbm>> -> memref<32x1024xf32, #tpu.memory_space<hbm>>
    tpu.wait_dma2 semaphore(%arg8 : memref<!tpu.dma_semaphore, #tpu.memory_space<semaphore_mem>>) src(%arg4 : memref<32x1024xf32, #tpu.memory_space<vmem>>) dst(%dma_wait3A_1372 : memref<32x1024xf32, #tpu.memory_space<hbm>>)
    %dma_wait3A_1373 = arith.constant 288 : i32
    %dma_wait3A_1374 = arith.constant 0 : i32
    %dma_wait3A_1375 = tpu.memref_slice %arg3[%add3A_8, %dma_wait3A_1373, %dma_wait3A_1374] : memref<64x1024x1024xf32, #tpu.memory_space<hbm>> -> memref<1x32x1024xf32, #tpu.memory_space<hbm>>
    %dma_wait3A_1376 = tpu.memref_squeeze %dma_wait3A_1375 : memref<1x32x1024xf32, #tpu.memory_space<hbm>> -> memref<32x1024xf32, #tpu.memory_space<hbm>>
    %dma_wait3A_1377 = arith.constant 288 : i32
    %dma_wait3A_1378 = arith.constant 0 : i32
    %dma_wait3A_1379 = tpu.memref_slice %arg3[%add3A_8, %dma_wait3A_1377, %dma_wait3A_1378] : memref<64x1024x1024xf32, #tpu.memory_space<hbm>> -> memref<1x32x1024xf32, #tpu.memory_space<hbm>>
    %dma_wait3A_1380 = tpu.memref_squeeze %dma_wait3A_1379 : memref<1x32x1024xf32, #tpu.memory_space<hbm>> -> memref<32x1024xf32, #tpu.memory_space<hbm>>
    tpu.wait_dma2 semaphore(%arg8 : memref<!tpu.dma_semaphore, #tpu.memory_space<semaphore_mem>>) src(%arg4 : memref<32x1024xf32, #tpu.memory_space<vmem>>) dst(%dma_wait3A_1380 : memref<32x1024xf32, #tpu.memory_space<hbm>>)
    %dma_wait3A_1381 = arith.constant 320 : i32
    %dma_wait3A_1382 = arith.constant 0 : i32
    %dma_wait3A_1383 = tpu.memref_slice %arg3[%add3A_8, %dma_wait3A_1381, %dma_wait3A_1382] : memref<64x1024x1024xf32, #tpu.memory_space<hbm>> -> memref<1x32x1024xf32, #tpu.memory_space<hbm>>
    %dma_wait3A_1384 = tpu.memref_squeeze %dma_wait3A_1383 : memref<1x32x1024xf32, #tpu.memory_space<hbm>> -> memref<32x1024xf32, #tpu.memory_space<hbm>>
    %dma_wait3A_1385 = arith.constant 320 : i32
    %dma_wait3A_1386 = arith.constant 0 : i32
    %dma_wait3A_1387 = tpu.memref_slice %arg3[%add3A_8, %dma_wait3A_1385, %dma_wait3A_1386] : memref<64x1024x1024xf32, #tpu.memory_space<hbm>> -> memref<1x32x1024xf32, #tpu.memory_space<hbm>>
    %dma_wait3A_1388 = tpu.memref_squeeze %dma_wait3A_1387 : memref<1x32x1024xf32, #tpu.memory_space<hbm>> -> memref<32x1024xf32, #tpu.memory_space<hbm>>
    tpu.wait_dma2 semaphore(%arg8 : memref<!tpu.dma_semaphore, #tpu.memory_space<semaphore_mem>>) src(%arg4 : memref<32x1024xf32, #tpu.memory_space<vmem>>) dst(%dma_wait3A_1388 : memref<32x1024xf32, #tpu.memory_space<hbm>>)
    %dma_wait3A_1389 = arith.constant 352 : i32
    %dma_wait3A_1390 = arith.constant 0 : i32
    %dma_wait3A_1391 = tpu.memref_slice %arg3[%add3A_8, %dma_wait3A_1389, %dma_wait3A_1390] : memref<64x1024x1024xf32, #tpu.memory_space<hbm>> -> memref<1x32x1024xf32, #tpu.memory_space<hbm>>
    %dma_wait3A_1392 = tpu.memref_squeeze %dma_wait3A_1391 : memref<1x32x1024xf32, #tpu.memory_space<hbm>> -> memref<32x1024xf32, #tpu.memory_space<hbm>>
    %dma_wait3A_1393 = arith.constant 352 : i32
    %dma_wait3A_1394 = arith.constant 0 : i32
    %dma_wait3A_1395 = tpu.memref_slice %arg3[%add3A_8, %dma_wait3A_1393, %dma_wait3A_1394] : memref<64x1024x1024xf32, #tpu.memory_space<hbm>> -> memref<1x32x1024xf32, #tpu.memory_space<hbm>>
    %dma_wait3A_1396 = tpu.memref_squeeze %dma_wait3A_1395 : memref<1x32x1024xf32, #tpu.memory_space<hbm>> -> memref<32x1024xf32, #tpu.memory_space<hbm>>
    tpu.wait_dma2 semaphore(%arg8 : memref<!tpu.dma_semaphore, #tpu.memory_space<semaphore_mem>>) src(%arg4 : memref<32x1024xf32, #tpu.memory_space<vmem>>) dst(%dma_wait3A_1396 : memref<32x1024xf32, #tpu.memory_space<hbm>>)
    %dma_wait3A_1397 = arith.constant 384 : i32
    %dma_wait3A_1398 = arith.constant 0 : i32
    %dma_wait3A_1399 = tpu.memref_slice %arg3[%add3A_8, %dma_wait3A_1397, %dma_wait3A_1398] : memref<64x1024x1024xf32, #tpu.memory_space<hbm>> -> memref<1x32x1024xf32, #tpu.memory_space<hbm>>
    %dma_wait3A_1400 = tpu.memref_squeeze %dma_wait3A_1399 : memref<1x32x1024xf32, #tpu.memory_space<hbm>> -> memref<32x1024xf32, #tpu.memory_space<hbm>>
    %dma_wait3A_1401 = arith.constant 384 : i32
    %dma_wait3A_1402 = arith.constant 0 : i32
    %dma_wait3A_1403 = tpu.memref_slice %arg3[%add3A_8, %dma_wait3A_1401, %dma_wait3A_1402] : memref<64x1024x1024xf32, #tpu.memory_space<hbm>> -> memref<1x32x1024xf32, #tpu.memory_space<hbm>>
    %dma_wait3A_1404 = tpu.memref_squeeze %dma_wait3A_1403 : memref<1x32x1024xf32, #tpu.memory_space<hbm>> -> memref<32x1024xf32, #tpu.memory_space<hbm>>
    tpu.wait_dma2 semaphore(%arg8 : memref<!tpu.dma_semaphore, #tpu.memory_space<semaphore_mem>>) src(%arg4 : memref<32x1024xf32, #tpu.memory_space<vmem>>) dst(%dma_wait3A_1404 : memref<32x1024xf32, #tpu.memory_space<hbm>>)
    %dma_wait3A_1405 = arith.constant 416 : i32
    %dma_wait3A_1406 = arith.constant 0 : i32
    %dma_wait3A_1407 = tpu.memref_slice %arg3[%add3A_8, %dma_wait3A_1405, %dma_wait3A_1406] : memref<64x1024x1024xf32, #tpu.memory_space<hbm>> -> memref<1x32x1024xf32, #tpu.memory_space<hbm>>
    %dma_wait3A_1408 = tpu.memref_squeeze %dma_wait3A_1407 : memref<1x32x1024xf32, #tpu.memory_space<hbm>> -> memref<32x1024xf32, #tpu.memory_space<hbm>>
    %dma_wait3A_1409 = arith.constant 416 : i32
    %dma_wait3A_1410 = arith.constant 0 : i32
    %dma_wait3A_1411 = tpu.memref_slice %arg3[%add3A_8, %dma_wait3A_1409, %dma_wait3A_1410] : memref<64x1024x1024xf32, #tpu.memory_space<hbm>> -> memref<1x32x1024xf32, #tpu.memory_space<hbm>>
    %dma_wait3A_1412 = tpu.memref_squeeze %dma_wait3A_1411 : memref<1x32x1024xf32, #tpu.memory_space<hbm>> -> memref<32x1024xf32, #tpu.memory_space<hbm>>
    tpu.wait_dma2 semaphore(%arg8 : memref<!tpu.dma_semaphore, #tpu.memory_space<semaphore_mem>>) src(%arg4 : memref<32x1024xf32, #tpu.memory_space<vmem>>) dst(%dma_wait3A_1412 : memref<32x1024xf32, #tpu.memory_space<hbm>>)
    %dma_wait3A_1413 = arith.constant 448 : i32
    %dma_wait3A_1414 = arith.constant 0 : i32
    %dma_wait3A_1415 = tpu.memref_slice %arg3[%add3A_8, %dma_wait3A_1413, %dma_wait3A_1414] : memref<64x1024x1024xf32, #tpu.memory_space<hbm>> -> memref<1x32x1024xf32, #tpu.memory_space<hbm>>
    %dma_wait3A_1416 = tpu.memref_squeeze %dma_wait3A_1415 : memref<1x32x1024xf32, #tpu.memory_space<hbm>> -> memref<32x1024xf32, #tpu.memory_space<hbm>>
    %dma_wait3A_1417 = arith.constant 448 : i32
    %dma_wait3A_1418 = arith.constant 0 : i32
    %dma_wait3A_1419 = tpu.memref_slice %arg3[%add3A_8, %dma_wait3A_1417, %dma_wait3A_1418] : memref<64x1024x1024xf32, #tpu.memory_space<hbm>> -> memref<1x32x1024xf32, #tpu.memory_space<hbm>>
    %dma_wait3A_1420 = tpu.memref_squeeze %dma_wait3A_1419 : memref<1x32x1024xf32, #tpu.memory_space<hbm>> -> memref<32x1024xf32, #tpu.memory_space<hbm>>
    tpu.wait_dma2 semaphore(%arg8 : memref<!tpu.dma_semaphore, #tpu.memory_space<semaphore_mem>>) src(%arg4 : memref<32x1024xf32, #tpu.memory_space<vmem>>) dst(%dma_wait3A_1420 : memref<32x1024xf32, #tpu.memory_space<hbm>>)
    %dma_wait3A_1421 = arith.constant 480 : i32
    %dma_wait3A_1422 = arith.constant 0 : i32
    %dma_wait3A_1423 = tpu.memref_slice %arg3[%add3A_8, %dma_wait3A_1421, %dma_wait3A_1422] : memref<64x1024x1024xf32, #tpu.memory_space<hbm>> -> memref<1x32x1024xf32, #tpu.memory_space<hbm>>
    %dma_wait3A_1424 = tpu.memref_squeeze %dma_wait3A_1423 : memref<1x32x1024xf32, #tpu.memory_space<hbm>> -> memref<32x1024xf32, #tpu.memory_space<hbm>>
    %dma_wait3A_1425 = arith.constant 480 : i32
    %dma_wait3A_1426 = arith.constant 0 : i32
    %dma_wait3A_1427 = tpu.memref_slice %arg3[%add3A_8, %dma_wait3A_1425, %dma_wait3A_1426] : memref<64x1024x1024xf32, #tpu.memory_space<hbm>> -> memref<1x32x1024xf32, #tpu.memory_space<hbm>>
    %dma_wait3A_1428 = tpu.memref_squeeze %dma_wait3A_1427 : memref<1x32x1024xf32, #tpu.memory_space<hbm>> -> memref<32x1024xf32, #tpu.memory_space<hbm>>
    tpu.wait_dma2 semaphore(%arg8 : memref<!tpu.dma_semaphore, #tpu.memory_space<semaphore_mem>>) src(%arg4 : memref<32x1024xf32, #tpu.memory_space<vmem>>) dst(%dma_wait3A_1428 : memref<32x1024xf32, #tpu.memory_space<hbm>>)
    %dma_wait3A_1429 = arith.constant 512 : i32
    %dma_wait3A_1430 = arith.constant 0 : i32
    %dma_wait3A_1431 = tpu.memref_slice %arg3[%add3A_8, %dma_wait3A_1429, %dma_wait3A_1430] : memref<64x1024x1024xf32, #tpu.memory_space<hbm>> -> memref<1x32x512xf32, #tpu.memory_space<hbm>>
    %dma_wait3A_1432 = tpu.memref_squeeze %dma_wait3A_1431 : memref<1x32x512xf32, #tpu.memory_space<hbm>> -> memref<32x512xf32, #tpu.memory_space<hbm>>
    %dma_wait3A_1433 = arith.constant 512 : i32
    %dma_wait3A_1434 = arith.constant 0 : i32
    %dma_wait3A_1435 = tpu.memref_slice %arg3[%add3A_8, %dma_wait3A_1433, %dma_wait3A_1434] : memref<64x1024x1024xf32, #tpu.memory_space<hbm>> -> memref<1x32x512xf32, #tpu.memory_space<hbm>>
    %dma_wait3A_1436 = tpu.memref_squeeze %dma_wait3A_1435 : memref<1x32x512xf32, #tpu.memory_space<hbm>> -> memref<32x512xf32, #tpu.memory_space<hbm>>
    tpu.wait_dma2 semaphore(%arg8 : memref<!tpu.dma_semaphore, #tpu.memory_space<semaphore_mem>>) src(%arg5 : memref<32x512xf32, #tpu.memory_space<vmem>>) dst(%dma_wait3A_1436 : memref<32x512xf32, #tpu.memory_space<hbm>>)
    %dma_wait3A_1437 = arith.constant 544 : i32
    %dma_wait3A_1438 = arith.constant 0 : i32
    %dma_wait3A_1439 = tpu.memref_slice %arg3[%add3A_8, %dma_wait3A_1437, %dma_wait3A_1438] : memref<64x1024x1024xf32, #tpu.memory_space<hbm>> -> memref<1x32x512xf32, #tpu.memory_space<hbm>>
    %dma_wait3A_1440 = tpu.memref_squeeze %dma_wait3A_1439 : memref<1x32x512xf32, #tpu.memory_space<hbm>> -> memref<32x512xf32, #tpu.memory_space<hbm>>
    %dma_wait3A_1441 = arith.constant 544 : i32
    %dma_wait3A_1442 = arith.constant 0 : i32
    %dma_wait3A_1443 = tpu.memref_slice %arg3[%add3A_8, %dma_wait3A_1441, %dma_wait3A_1442] : memref<64x1024x1024xf32, #tpu.memory_space<hbm>> -> memref<1x32x512xf32, #tpu.memory_space<hbm>>
    %dma_wait3A_1444 = tpu.memref_squeeze %dma_wait3A_1443 : memref<1x32x512xf32, #tpu.memory_space<hbm>> -> memref<32x512xf32, #tpu.memory_space<hbm>>
    tpu.wait_dma2 semaphore(%arg8 : memref<!tpu.dma_semaphore, #tpu.memory_space<semaphore_mem>>) src(%arg5 : memref<32x512xf32, #tpu.memory_space<vmem>>) dst(%dma_wait3A_1444 : memref<32x512xf32, #tpu.memory_space<hbm>>)
    %dma_wait3A_1445 = arith.constant 576 : i32
    %dma_wait3A_1446 = arith.constant 0 : i32
    %dma_wait3A_1447 = tpu.memref_slice %arg3[%add3A_8, %dma_wait3A_1445, %dma_wait3A_1446] : memref<64x1024x1024xf32, #tpu.memory_space<hbm>> -> memref<1x32x512xf32, #tpu.memory_space<hbm>>
    %dma_wait3A_1448 = tpu.memref_squeeze %dma_wait3A_1447 : memref<1x32x512xf32, #tpu.memory_space<hbm>> -> memref<32x512xf32, #tpu.memory_space<hbm>>
    %dma_wait3A_1449 = arith.constant 576 : i32
    %dma_wait3A_1450 = arith.constant 0 : i32
    %dma_wait3A_1451 = tpu.memref_slice %arg3[%add3A_8, %dma_wait3A_1449, %dma_wait3A_1450] : memref<64x1024x1024xf32, #tpu.memory_space<hbm>> -> memref<1x32x512xf32, #tpu.memory_space<hbm>>
    %dma_wait3A_1452 = tpu.memref_squeeze %dma_wait3A_1451 : memref<1x32x512xf32, #tpu.memory_space<hbm>> -> memref<32x512xf32, #tpu.memory_space<hbm>>
    tpu.wait_dma2 semaphore(%arg8 : memref<!tpu.dma_semaphore, #tpu.memory_space<semaphore_mem>>) src(%arg5 : memref<32x512xf32, #tpu.memory_space<vmem>>) dst(%dma_wait3A_1452 : memref<32x512xf32, #tpu.memory_space<hbm>>)
    %dma_wait3A_1453 = arith.constant 608 : i32
    %dma_wait3A_1454 = arith.constant 0 : i32
    %dma_wait3A_1455 = tpu.memref_slice %arg3[%add3A_8, %dma_wait3A_1453, %dma_wait3A_1454] : memref<64x1024x1024xf32, #tpu.memory_space<hbm>> -> memref<1x32x512xf32, #tpu.memory_space<hbm>>
    %dma_wait3A_1456 = tpu.memref_squeeze %dma_wait3A_1455 : memref<1x32x512xf32, #tpu.memory_space<hbm>> -> memref<32x512xf32, #tpu.memory_space<hbm>>
    %dma_wait3A_1457 = arith.constant 608 : i32
    %dma_wait3A_1458 = arith.constant 0 : i32
    %dma_wait3A_1459 = tpu.memref_slice %arg3[%add3A_8, %dma_wait3A_1457, %dma_wait3A_1458] : memref<64x1024x1024xf32, #tpu.memory_space<hbm>> -> memref<1x32x512xf32, #tpu.memory_space<hbm>>
    %dma_wait3A_1460 = tpu.memref_squeeze %dma_wait3A_1459 : memref<1x32x512xf32, #tpu.memory_space<hbm>> -> memref<32x512xf32, #tpu.memory_space<hbm>>
    tpu.wait_dma2 semaphore(%arg8 : memref<!tpu.dma_semaphore, #tpu.memory_space<semaphore_mem>>) src(%arg5 : memref<32x512xf32, #tpu.memory_space<vmem>>) dst(%dma_wait3A_1460 : memref<32x512xf32, #tpu.memory_space<hbm>>)
    %dma_wait3A_1461 = arith.constant 640 : i32
    %dma_wait3A_1462 = arith.constant 0 : i32
    %dma_wait3A_1463 = tpu.memref_slice %arg3[%add3A_8, %dma_wait3A_1461, %dma_wait3A_1462] : memref<64x1024x1024xf32, #tpu.memory_space<hbm>> -> memref<1x32x512xf32, #tpu.memory_space<hbm>>
    %dma_wait3A_1464 = tpu.memref_squeeze %dma_wait3A_1463 : memref<1x32x512xf32, #tpu.memory_space<hbm>> -> memref<32x512xf32, #tpu.memory_space<hbm>>
    %dma_wait3A_1465 = arith.constant 640 : i32
    %dma_wait3A_1466 = arith.constant 0 : i32
    %dma_wait3A_1467 = tpu.memref_slice %arg3[%add3A_8, %dma_wait3A_1465, %dma_wait3A_1466] : memref<64x1024x1024xf32, #tpu.memory_space<hbm>> -> memref<1x32x512xf32, #tpu.memory_space<hbm>>
    %dma_wait3A_1468 = tpu.memref_squeeze %dma_wait3A_1467 : memref<1x32x512xf32, #tpu.memory_space<hbm>> -> memref<32x512xf32, #tpu.memory_space<hbm>>
    tpu.wait_dma2 semaphore(%arg8 : memref<!tpu.dma_semaphore, #tpu.memory_space<semaphore_mem>>) src(%arg5 : memref<32x512xf32, #tpu.memory_space<vmem>>) dst(%dma_wait3A_1468 : memref<32x512xf32, #tpu.memory_space<hbm>>)
    %dma_wait3A_1469 = arith.constant 672 : i32
    %dma_wait3A_1470 = arith.constant 0 : i32
    %dma_wait3A_1471 = tpu.memref_slice %arg3[%add3A_8, %dma_wait3A_1469, %dma_wait3A_1470] : memref<64x1024x1024xf32, #tpu.memory_space<hbm>> -> memref<1x32x512xf32, #tpu.memory_space<hbm>>
    %dma_wait3A_1472 = tpu.memref_squeeze %dma_wait3A_1471 : memref<1x32x512xf32, #tpu.memory_space<hbm>> -> memref<32x512xf32, #tpu.memory_space<hbm>>
    %dma_wait3A_1473 = arith.constant 672 : i32
    %dma_wait3A_1474 = arith.constant 0 : i32
    %dma_wait3A_1475 = tpu.memref_slice %arg3[%add3A_8, %dma_wait3A_1473, %dma_wait3A_1474] : memref<64x1024x1024xf32, #tpu.memory_space<hbm>> -> memref<1x32x512xf32, #tpu.memory_space<hbm>>
    %dma_wait3A_1476 = tpu.memref_squeeze %dma_wait3A_1475 : memref<1x32x512xf32, #tpu.memory_space<hbm>> -> memref<32x512xf32, #tpu.memory_space<hbm>>
    tpu.wait_dma2 semaphore(%arg8 : memref<!tpu.dma_semaphore, #tpu.memory_space<semaphore_mem>>) src(%arg5 : memref<32x512xf32, #tpu.memory_space<vmem>>) dst(%dma_wait3A_1476 : memref<32x512xf32, #tpu.memory_space<hbm>>)
    %dma_wait3A_1477 = arith.constant 704 : i32
    %dma_wait3A_1478 = arith.constant 0 : i32
    %dma_wait3A_1479 = tpu.memref_slice %arg3[%add3A_8, %dma_wait3A_1477, %dma_wait3A_1478] : memref<64x1024x1024xf32, #tpu.memory_space<hbm>> -> memref<1x32x512xf32, #tpu.memory_space<hbm>>
    %dma_wait3A_1480 = tpu.memref_squeeze %dma_wait3A_1479 : memref<1x32x512xf32, #tpu.memory_space<hbm>> -> memref<32x512xf32, #tpu.memory_space<hbm>>
    %dma_wait3A_1481 = arith.constant 704 : i32
    %dma_wait3A_1482 = arith.constant 0 : i32
    %dma_wait3A_1483 = tpu.memref_slice %arg3[%add3A_8, %dma_wait3A_1481, %dma_wait3A_1482] : memref<64x1024x1024xf32, #tpu.memory_space<hbm>> -> memref<1x32x512xf32, #tpu.memory_space<hbm>>
    %dma_wait3A_1484 = tpu.memref_squeeze %dma_wait3A_1483 : memref<1x32x512xf32, #tpu.memory_space<hbm>> -> memref<32x512xf32, #tpu.memory_space<hbm>>
    tpu.wait_dma2 semaphore(%arg8 : memref<!tpu.dma_semaphore, #tpu.memory_space<semaphore_mem>>) src(%arg5 : memref<32x512xf32, #tpu.memory_space<vmem>>) dst(%dma_wait3A_1484 : memref<32x512xf32, #tpu.memory_space<hbm>>)
    %dma_wait3A_1485 = arith.constant 736 : i32
    %dma_wait3A_1486 = arith.constant 0 : i32
    %dma_wait3A_1487 = tpu.memref_slice %arg3[%add3A_8, %dma_wait3A_1485, %dma_wait3A_1486] : memref<64x1024x1024xf32, #tpu.memory_space<hbm>> -> memref<1x32x512xf32, #tpu.memory_space<hbm>>
    %dma_wait3A_1488 = tpu.memref_squeeze %dma_wait3A_1487 : memref<1x32x512xf32, #tpu.memory_space<hbm>> -> memref<32x512xf32, #tpu.memory_space<hbm>>
    %dma_wait3A_1489 = arith.constant 736 : i32
    %dma_wait3A_1490 = arith.constant 0 : i32
    %dma_wait3A_1491 = tpu.memref_slice %arg3[%add3A_8, %dma_wait3A_1489, %dma_wait3A_1490] : memref<64x1024x1024xf32, #tpu.memory_space<hbm>> -> memref<1x32x512xf32, #tpu.memory_space<hbm>>
    %dma_wait3A_1492 = tpu.memref_squeeze %dma_wait3A_1491 : memref<1x32x512xf32, #tpu.memory_space<hbm>> -> memref<32x512xf32, #tpu.memory_space<hbm>>
    tpu.wait_dma2 semaphore(%arg8 : memref<!tpu.dma_semaphore, #tpu.memory_space<semaphore_mem>>) src(%arg5 : memref<32x512xf32, #tpu.memory_space<vmem>>) dst(%dma_wait3A_1492 : memref<32x512xf32, #tpu.memory_space<hbm>>)
    %dma_wait3A_1493 = arith.constant 768 : i32
    %dma_wait3A_1494 = arith.constant 0 : i32
    %dma_wait3A_1495 = tpu.memref_slice %arg3[%add3A_8, %dma_wait3A_1493, %dma_wait3A_1494] : memref<64x1024x1024xf32, #tpu.memory_space<hbm>> -> memref<1x32x512xf32, #tpu.memory_space<hbm>>
    %dma_wait3A_1496 = tpu.memref_squeeze %dma_wait3A_1495 : memref<1x32x512xf32, #tpu.memory_space<hbm>> -> memref<32x512xf32, #tpu.memory_space<hbm>>
    %dma_wait3A_1497 = arith.constant 768 : i32
    %dma_wait3A_1498 = arith.constant 0 : i32
    %dma_wait3A_1499 = tpu.memref_slice %arg3[%add3A_8, %dma_wait3A_1497, %dma_wait3A_1498] : memref<64x1024x1024xf32, #tpu.memory_space<hbm>> -> memref<1x32x512xf32, #tpu.memory_space<hbm>>
    %dma_wait3A_1500 = tpu.memref_squeeze %dma_wait3A_1499 : memref<1x32x512xf32, #tpu.memory_space<hbm>> -> memref<32x512xf32, #tpu.memory_space<hbm>>
    tpu.wait_dma2 semaphore(%arg8 : memref<!tpu.dma_semaphore, #tpu.memory_space<semaphore_mem>>) src(%arg5 : memref<32x512xf32, #tpu.memory_space<vmem>>) dst(%dma_wait3A_1500 : memref<32x512xf32, #tpu.memory_space<hbm>>)
    %dma_wait3A_1501 = arith.constant 800 : i32
    %dma_wait3A_1502 = arith.constant 0 : i32
    %dma_wait3A_1503 = tpu.memref_slice %arg3[%add3A_8, %dma_wait3A_1501, %dma_wait3A_1502] : memref<64x1024x1024xf32, #tpu.memory_space<hbm>> -> memref<1x32x512xf32, #tpu.memory_space<hbm>>
    %dma_wait3A_1504 = tpu.memref_squeeze %dma_wait3A_1503 : memref<1x32x512xf32, #tpu.memory_space<hbm>> -> memref<32x512xf32, #tpu.memory_space<hbm>>
    %dma_wait3A_1505 = arith.constant 800 : i32
    %dma_wait3A_1506 = arith.constant 0 : i32
    %dma_wait3A_1507 = tpu.memref_slice %arg3[%add3A_8, %dma_wait3A_1505, %dma_wait3A_1506] : memref<64x1024x1024xf32, #tpu.memory_space<hbm>> -> memref<1x32x512xf32, #tpu.memory_space<hbm>>
    %dma_wait3A_1508 = tpu.memref_squeeze %dma_wait3A_1507 : memref<1x32x512xf32, #tpu.memory_space<hbm>> -> memref<32x512xf32, #tpu.memory_space<hbm>>
    tpu.wait_dma2 semaphore(%arg8 : memref<!tpu.dma_semaphore, #tpu.memory_space<semaphore_mem>>) src(%arg5 : memref<32x512xf32, #tpu.memory_space<vmem>>) dst(%dma_wait3A_1508 : memref<32x512xf32, #tpu.memory_space<hbm>>)
    %dma_wait3A_1509 = arith.constant 832 : i32
    %dma_wait3A_1510 = arith.constant 0 : i32
    %dma_wait3A_1511 = tpu.memref_slice %arg3[%add3A_8, %dma_wait3A_1509, %dma_wait3A_1510] : memref<64x1024x1024xf32, #tpu.memory_space<hbm>> -> memref<1x32x512xf32, #tpu.memory_space<hbm>>
    %dma_wait3A_1512 = tpu.memref_squeeze %dma_wait3A_1511 : memref<1x32x512xf32, #tpu.memory_space<hbm>> -> memref<32x512xf32, #tpu.memory_space<hbm>>
    %dma_wait3A_1513 = arith.constant 832 : i32
    %dma_wait3A_1514 = arith.constant 0 : i32
    %dma_wait3A_1515 = tpu.memref_slice %arg3[%add3A_8, %dma_wait3A_1513, %dma_wait3A_1514] : memref<64x1024x1024xf32, #tpu.memory_space<hbm>> -> memref<1x32x512xf32, #tpu.memory_space<hbm>>
    %dma_wait3A_1516 = tpu.memref_squeeze %dma_wait3A_1515 : memref<1x32x512xf32, #tpu.memory_space<hbm>> -> memref<32x512xf32, #tpu.memory_space<hbm>>
    tpu.wait_dma2 semaphore(%arg8 : memref<!tpu.dma_semaphore, #tpu.memory_space<semaphore_mem>>) src(%arg5 : memref<32x512xf32, #tpu.memory_space<vmem>>) dst(%dma_wait3A_1516 : memref<32x512xf32, #tpu.memory_space<hbm>>)
    %dma_wait3A_1517 = arith.constant 864 : i32
    %dma_wait3A_1518 = arith.constant 0 : i32
    %dma_wait3A_1519 = tpu.memref_slice %arg3[%add3A_8, %dma_wait3A_1517, %dma_wait3A_1518] : memref<64x1024x1024xf32, #tpu.memory_space<hbm>> -> memref<1x32x512xf32, #tpu.memory_space<hbm>>
    %dma_wait3A_1520 = tpu.memref_squeeze %dma_wait3A_1519 : memref<1x32x512xf32, #tpu.memory_space<hbm>> -> memref<32x512xf32, #tpu.memory_space<hbm>>
    %dma_wait3A_1521 = arith.constant 864 : i32
    %dma_wait3A_1522 = arith.constant 0 : i32
    %dma_wait3A_1523 = tpu.memref_slice %arg3[%add3A_8, %dma_wait3A_1521, %dma_wait3A_1522] : memref<64x1024x1024xf32, #tpu.memory_space<hbm>> -> memref<1x32x512xf32, #tpu.memory_space<hbm>>
    %dma_wait3A_1524 = tpu.memref_squeeze %dma_wait3A_1523 : memref<1x32x512xf32, #tpu.memory_space<hbm>> -> memref<32x512xf32, #tpu.memory_space<hbm>>
    tpu.wait_dma2 semaphore(%arg8 : memref<!tpu.dma_semaphore, #tpu.memory_space<semaphore_mem>>) src(%arg5 : memref<32x512xf32, #tpu.memory_space<vmem>>) dst(%dma_wait3A_1524 : memref<32x512xf32, #tpu.memory_space<hbm>>)
    %dma_wait3A_1525 = arith.constant 896 : i32
    %dma_wait3A_1526 = arith.constant 0 : i32
    %dma_wait3A_1527 = tpu.memref_slice %arg3[%add3A_8, %dma_wait3A_1525, %dma_wait3A_1526] : memref<64x1024x1024xf32, #tpu.memory_space<hbm>> -> memref<1x32x512xf32, #tpu.memory_space<hbm>>
    %dma_wait3A_1528 = tpu.memref_squeeze %dma_wait3A_1527 : memref<1x32x512xf32, #tpu.memory_space<hbm>> -> memref<32x512xf32, #tpu.memory_space<hbm>>
    %dma_wait3A_1529 = arith.constant 896 : i32
    %dma_wait3A_1530 = arith.constant 0 : i32
    %dma_wait3A_1531 = tpu.memref_slice %arg3[%add3A_8, %dma_wait3A_1529, %dma_wait3A_1530] : memref<64x1024x1024xf32, #tpu.memory_space<hbm>> -> memref<1x32x512xf32, #tpu.memory_space<hbm>>
    %dma_wait3A_1532 = tpu.memref_squeeze %dma_wait3A_1531 : memref<1x32x512xf32, #tpu.memory_space<hbm>> -> memref<32x512xf32, #tpu.memory_space<hbm>>
    tpu.wait_dma2 semaphore(%arg8 : memref<!tpu.dma_semaphore, #tpu.memory_space<semaphore_mem>>) src(%arg5 : memref<32x512xf32, #tpu.memory_space<vmem>>) dst(%dma_wait3A_1532 : memref<32x512xf32, #tpu.memory_space<hbm>>)
    %dma_wait3A_1533 = arith.constant 928 : i32
    %dma_wait3A_1534 = arith.constant 0 : i32
    %dma_wait3A_1535 = tpu.memref_slice %arg3[%add3A_8, %dma_wait3A_1533, %dma_wait3A_1534] : memref<64x1024x1024xf32, #tpu.memory_space<hbm>> -> memref<1x32x512xf32, #tpu.memory_space<hbm>>
    %dma_wait3A_1536 = tpu.memref_squeeze %dma_wait3A_1535 : memref<1x32x512xf32, #tpu.memory_space<hbm>> -> memref<32x512xf32, #tpu.memory_space<hbm>>
    %dma_wait3A_1537 = arith.constant 928 : i32
    %dma_wait3A_1538 = arith.constant 0 : i32
    %dma_wait3A_1539 = tpu.memref_slice %arg3[%add3A_8, %dma_wait3A_1537, %dma_wait3A_1538] : memref<64x1024x1024xf32, #tpu.memory_space<hbm>> -> memref<1x32x512xf32, #tpu.memory_space<hbm>>
    %dma_wait3A_1540 = tpu.memref_squeeze %dma_wait3A_1539 : memref<1x32x512xf32, #tpu.memory_space<hbm>> -> memref<32x512xf32, #tpu.memory_space<hbm>>
    tpu.wait_dma2 semaphore(%arg8 : memref<!tpu.dma_semaphore, #tpu.memory_space<semaphore_mem>>) src(%arg5 : memref<32x512xf32, #tpu.memory_space<vmem>>) dst(%dma_wait3A_1540 : memref<32x512xf32, #tpu.memory_space<hbm>>)
    %dma_wait3A_1541 = arith.constant 960 : i32
    %dma_wait3A_1542 = arith.constant 0 : i32
    %dma_wait3A_1543 = tpu.memref_slice %arg3[%add3A_8, %dma_wait3A_1541, %dma_wait3A_1542] : memref<64x1024x1024xf32, #tpu.memory_space<hbm>> -> memref<1x32x512xf32, #tpu.memory_space<hbm>>
    %dma_wait3A_1544 = tpu.memref_squeeze %dma_wait3A_1543 : memref<1x32x512xf32, #tpu.memory_space<hbm>> -> memref<32x512xf32, #tpu.memory_space<hbm>>
    %dma_wait3A_1545 = arith.constant 960 : i32
    %dma_wait3A_1546 = arith.constant 0 : i32
    %dma_wait3A_1547 = tpu.memref_slice %arg3[%add3A_8, %dma_wait3A_1545, %dma_wait3A_1546] : memref<64x1024x1024xf32, #tpu.memory_space<hbm>> -> memref<1x32x512xf32, #tpu.memory_space<hbm>>
    %dma_wait3A_1548 = tpu.memref_squeeze %dma_wait3A_1547 : memref<1x32x512xf32, #tpu.memory_space<hbm>> -> memref<32x512xf32, #tpu.memory_space<hbm>>
    tpu.wait_dma2 semaphore(%arg8 : memref<!tpu.dma_semaphore, #tpu.memory_space<semaphore_mem>>) src(%arg5 : memref<32x512xf32, #tpu.memory_space<vmem>>) dst(%dma_wait3A_1548 : memref<32x512xf32, #tpu.memory_space<hbm>>)
    %dma_wait3A_1549 = arith.constant 992 : i32
    %dma_wait3A_1550 = arith.constant 0 : i32
    %dma_wait3A_1551 = tpu.memref_slice %arg3[%add3A_8, %dma_wait3A_1549, %dma_wait3A_1550] : memref<64x1024x1024xf32, #tpu.memory_space<hbm>> -> memref<1x32x512xf32, #tpu.memory_space<hbm>>
    %dma_wait3A_1552 = tpu.memref_squeeze %dma_wait3A_1551 : memref<1x32x512xf32, #tpu.memory_space<hbm>> -> memref<32x512xf32, #tpu.memory_space<hbm>>
    %dma_wait3A_1553 = arith.constant 992 : i32
    %dma_wait3A_1554 = arith.constant 0 : i32
    %dma_wait3A_1555 = tpu.memref_slice %arg3[%add3A_8, %dma_wait3A_1553, %dma_wait3A_1554] : memref<64x1024x1024xf32, #tpu.memory_space<hbm>> -> memref<1x32x512xf32, #tpu.memory_space<hbm>>
    %dma_wait3A_1556 = tpu.memref_squeeze %dma_wait3A_1555 : memref<1x32x512xf32, #tpu.memory_space<hbm>> -> memref<32x512xf32, #tpu.memory_space<hbm>>
    tpu.wait_dma2 semaphore(%arg8 : memref<!tpu.dma_semaphore, #tpu.memory_space<semaphore_mem>>) src(%arg5 : memref<32x512xf32, #tpu.memory_space<vmem>>) dst(%dma_wait3A_1556 : memref<32x512xf32, #tpu.memory_space<hbm>>)
    return
  }
}

</mosaic_0001>

<sc_bundles>
// kernel: kernel.3.cloned.1.call-start
scs
__scs_entry_jumppad:
0x0: {  	(pc) =	sbr.rel $0x88, $3  }
0x1: {  	(tag) =	ssettag $0x0;
	lr =	simm.s32 $0x1  }
0x2: {  	[smem:$0x3FA0] =	sst lr;
	_ =	strace $0xD0000000  }
0x3: {  	_ = 	snop  }
0x4: {  	_ = 	snop  }
0x5: {  	_ = 	snop  }
0x6: {  	_ = 	snop  }
0x7: {  	_ = 	snop  }
__scs_overlays_trampoline_lowered:
0x8: {  	[smem:$0x3FAF] =	sst s0  }
0x9: {  	[smem:$0x3FB0] =	sst s1  }
0xa: {  	[smem:$0x3FB1] =	sst s2  }
0xb: {  	[smem:$0x3FB2] =	sst s3  }
0xc: {  	[smem:$0x3FB3] =	sst s4  }
0xd: {  	[smem:$0x3FB4] =	sst s5  }
0xe: {  	[smem:$0x3FB5] =	sst s6  }
0xf: {  	[smem:$0x3FB6] =	sst s7  }
0x10: {  	[smem:$0x3FB7] =	sst s8  }
0x11: {  	[smem:$0x3FB8] =	sst s9;
	s0 =	simm.s32 @!p0 $0x0  }
0x12: {  	s1 =	sld [smem:$0x3F9E];
	s0 =	simm.s32 @p0 $0x1  }
0x13: {  	[smem:$0x3FB9] =	sst s0;
	s0 =	simm.s32 @!p1 $0x0  }
0x14: {  	s2 =	sld [smem:$0x3F9D];
	s0 =	simm.s32 @p1 $0x1  }
0x15: {  	[smem:$0x3FBA] =	sst s0;
	s0 =	simm.s32 @!p2 $0x0  }
0x16: {  	s3 =	sld [smem:$0x3FDB];
	s0 =	simm.s32 @p2 $0x1  }
0x17: {  	s4 =	simm.s32 $0x1BF5;
	[smem:$0x3FBC] =	sst s0  }
0x18: {  	s0 =	sld [smem:$0x3F9F];
	_ =	swait.ge [sflag:s4], $0x0  }
0x19: {  	s7 =	sld [smem:$0x3FA0]  }
0x1a: {  	s8 =	sadd.s32 $0xFFFFE003, lr  }
0x1b: {  	s9 =	sadd.s32 $0xFFFFFEF7, lr;
	s5 =	simm.s32 $0xFFFFFFFF;
	p2 =	slt.u32 s8, $0xFFFFF086  }
0x1c: {  	p1 =	slt.u32 s9, $0xF7A;
	s5 =	simm.s32 @!p2 $0x0  }
0x1d: {  	s5 =	simm.s32 @p1 $0x1;
	p0 =	seq.s32 s7, s2  }
0x1e: {  	s7 =	smul.u32 @!p0 $0xF7A, s2;
	p2 =	seq.s32 @!p0 s5, $0x0  }
0x1f: {  	s9 =	smul.u32 $0xF7A, s1;
	s8 =	simm.s32 @!p0 $0x1BF5;
	p2 =	por !p2, p0  }
0x20: {  	[sflag:s8] =	ssyncset.s32 @!p0 $0xFFFFF086;
	s6 =	sadd.s32 @!p0 s3, s7;
	s7 =	simm.s32 @!p0 $0x108  }
0x21: {  	s3 =	sadd.s32 s3, s9;
	s6 =	sadd.s32 @!p0 $0x88, s6;
	s7 =	simm.s32 @p2 $0x1082  }
0x22: {  	[simem:s7], [sflag:s8] =	dma.local @!p0 [hbm:s6], $0xF7A  }
0x23: {  	s9 =	sor.u32 $0xD0000000, s2;
	s6 =	simm.s32 $0x108;
	_ =	swait.ge @!p0 [sflag:s8], $0x0  }
0x24: {  	s3 =	sadd.s32 $0x88, s3;
	s6 =	simm.s32 @!p1 $0x1082;
	[sflag:s4] =	ssyncset.s32 $0xFFFFF086  }
0x25: {  	[simem:s6], [sflag:s4] =	dma.local [hbm:s3], $0xF7A  }
0x26: {  	[smem:$0x3FA0] =	sst s1;
	(tag) =	ssettag s2;
	_ =	strace s9  }
0x27: {  	s1 =	sld [smem:$0x3FB0]  }
0x28: {  	s2 =	sld [smem:$0x3FB1]  }
0x29: {  	s4 =	sld [smem:$0x3FB3]  }
0x2a: {  	p0 =	seq.s32 s5, $0x0;
	s5 =	sld [smem:$0x3FB4]  }
0x2b: {  	s6 =	sld [smem:$0x3FB5]  }
0x2c: {  	s7 =	sld [smem:$0x3FB6]  }
0x2d: {  	s3 =	simm.s32 $0x108;
	s8 =	sld [smem:$0x3FB7]  }
0x2e: {  	s3 =	simm.s32 @!p0 $0x1082;
	s9 =	sld [smem:$0x3FB8]  }
0x2f: {  	lr =	sadd.s32 s0, s3;
	s0 =	sld [smem:$0x3FAF]  }
0x30: {  	s3 =	sld [smem:$0x3FB2]  }
0x31: {  	[smem:$0x3FBB] =	sst s10  }
0x32: {  	s10 =	sld [smem:$0x3FB9];
	_ =	sdelay $0x3  }
0x33: {  	p0 =	seq.s32 s10, $0x1;
	s10 =	sld [smem:$0x3FBB];
	_ =	sdelay $0x3  }
0x34: {  	[smem:$0x3FBB] =	sst s10  }
0x35: {  	s10 =	sld [smem:$0x3FBA];
	_ =	sdelay $0x3  }
0x36: {  	p1 =	seq.s32 s10, $0x1;
	s10 =	sld [smem:$0x3FBB];
	_ =	sdelay $0x3  }
0x37: {  	[smem:$0x3FBB] =	sst s10  }
0x38: {  	s10 =	sld [smem:$0x3FBC]  }
0x39: {  	_ = 	snop;
	(pc) =	sbr.ind lr, $3  }
0x3a: {  	_ = 	snop  }
0x3b: {  	_ = 	snop  }
0x3c: {  	p2 =	seq.s32 s10, $0x1;
	s10 =	sld [smem:$0x3FBB]  }
0x3d: {  	_ =	shalt  }
0x3e: {  	_ =	shalt  }
0x3f: {  	_ =	shalt  }
0x40: {  	_ =	shalt  }
0x41: {  	_ =	shalt  }
0x42: {  	_ =	shalt  }
0x43: {  	_ =	shalt  }
0x44: {  	_ =	shalt  }
0x45: {  	_ =	shalt  }
0x46: {  	_ =	shalt  }
0x47: {  	_ =	shalt  }
0x48: {  	_ =	shalt  }
0x49: {  	_ =	shalt  }
0x4a: {  	_ =	shalt  }
0x4b: {  	_ =	shalt  }
0x4c: {  	_ =	shalt  }
0x4d: {  	_ =	shalt  }
0x4e: {  	_ =	shalt  }
0x4f: {  	_ =	shalt  }
0x50: {  	_ =	shalt  }
0x51: {  	_ =	shalt  }
0x52: {  	_ =	shalt  }
0x53: {  	_ =	shalt  }
0x54: {  	_ =	shalt  }
0x55: {  	_ =	shalt  }
0x56: {  	_ =	shalt  }
0x57: {  	_ =	shalt  }
0x58: {  	_ =	shalt  }
0x59: {  	_ =	shalt  }
0x5a: {  	_ =	shalt  }
0x5b: {  	_ =	shalt  }
0x5c: {  	_ =	shalt  }
0x5d: {  	_ =	shalt  }
0x5e: {  	_ =	shalt  }
0x5f: {  	_ =	shalt  }
0x60: {  	_ =	shalt  }
0x61: {  	_ =	shalt  }
0x62: {  	_ =	shalt  }
0x63: {  	_ =	shalt  }
0x64: {  	_ =	shalt  }
0x65: {  	_ =	shalt  }
0x66: {  	_ =	shalt  }
0x67: {  	_ =	shalt  }
0x68: {  	_ =	shalt  }
0x69: {  	_ =	shalt  }
0x6a: {  	_ =	shalt  }
0x6b: {  	_ =	shalt  }
0x6c: {  	_ =	shalt  }
0x6d: {  	_ =	shalt  }
0x6e: {  	_ =	shalt  }
0x6f: {  	_ =	shalt  }
0x70: {  	_ =	shalt  }
0x71: {  	_ =	shalt  }
0x72: {  	_ =	shalt  }
0x73: {  	_ =	shalt  }
0x74: {  	_ =	shalt  }
0x75: {  	_ =	shalt  }
0x76: {  	_ =	shalt  }
0x77: {  	_ =	shalt  }
0x78: {  	_ =	shalt  }
0x79: {  	_ =	shalt  }
0x7a: {  	_ =	shalt  }
0x7b: {  	_ =	shalt  }
0x7c: {  	_ =	shalt  }
0x7d: {  	_ =	shalt  }
0x7e: {  	_ =	shalt  }
0x7f: {  	_ =	shalt  }
0x80: {  	_ =	shalt  }
0x81: {  	_ =	shalt  }
0x82: {  	_ =	shalt  }
0x83: {  	_ =	shalt  }
0x84: {  	_ =	shalt  }
0x85: {  	_ =	shalt  }
0x86: {  	_ =	shalt  }
0x87: {  	_ =	shalt  }
.Lfunc_end0:
.L_simem_size_0:
called_computation_lowered:
.L_overlay_start_0:
0x88: {  	s2 =	sld [smem:$0x3FD9]  }
0x89: {  	s3 =	sld [smem:$0x3FFE];
	_ =	sdelay $0x1  }
0x8a: {  	s1 =	srdreg.scid  }
0x8b: {  	s0 =	sand.u32 $0x1, s1  }
0x8c: {  	s18 =	sshll.u32 s0, $0xA;
	s2 =	sadd.s32 s3, s2  }
0x8d: {  	s2 =	sadd.s32 s2, s18  }
0x8e: {  	[smem:$0x3FC7] =	sst s2  }
0x8f: {  	_ = 	snop  }
0x90: {  	s2 =	sld [smem:$0x3FC9]  }
0x91: {  	s19 =	sld [smem:$0x3FD0];
	(tm) =	ssettm $0x1  }
0x92: {  	s4 =	sld [smem:$0x3FFB];
	_ =	sdelay $0x3  }
0x93: {  	_ =	strace s4  }
0x94: {  	s4 =	sld [smem:$0x3FFC];
	_ =	sdelay $0x3  }
0x95: {  	_ =	strace s4  }
0x96: {  	s4 =	sld [smem:$0x3FFD];
	_ =	sdelay $0x3  }
0x97: {  	_ =	strace s4  }
0x98: {  	_ =	strace $0x8FFFFFFF  }
0x99: {  	s20 =	sld [smem:$0x3FDB];
	_ =	sdelay $0x1  }
0x9a: {  	s5 =	simm.s32 $_scs_section_size  }
0x9b: {  	s6 =	simm.s32 $_size__tile_overlayer_lowered;
	s7 =	simm.s32 $_tile_overlayer_lowered  }
0x9c: {  	s23 =	simm.s32 $0x1BFF;
	s22 =	sshll.u32 s7, $0x1;
	s4 =	sadd.s32 s5, s20  }
0x9d: {  	s8 =	simm.s32 $0x0;
	s21 =	sshll.u32 s6, $0x1;
	s6 =	sadd.s32 s22, s4  }
0x9e: {  	[timem:s8], [sflag:s23] =	dma.local [hbm:s6], s21  }
0x9f: {  	_ =	swait.ge [sflag:s23], s21  }
0xa0: {  	s5 =	ssub.s32 $0x0, s21;
	[sflag:s23] =	ssyncset.done $0x0  }
0xa1: {  	[sflag:s23] =	ssyncadd.s32 s5;
	_ =	sdelay $0x1  }
0xa2: {  	s24 =	simm.s32 $0x1B8B  }
0xa3: {  	_ =	swait.ge [sflag:s24], $0x1  }
0xa4: {  	[sflag:s24] =	ssyncset.done $0x0  }
0xa5: {  	s25 =	simm.s32 $0x1B8E;
	[sflag:s24] =	ssyncadd.s32 $0xFFFFFFFF  }
0xa6: {  	s26 =	simm.s32 $execute0_lowered;
	[smem:$0x3FD2] =	sst s25  }
0xa7: {  	s5 =	sshll.u32 s26, $0x1;
	_ =	strace $0x80000046;
	[dreg:$0x1] =	wrdreg $0xFFFFFFFF  }
0xa8: {  	s28 =	simm.s32 $_size_execute0_lowered;
	s4 =	sadd.s32 s4, s5;
	[dreg:$0x0] =	wrdreg $0x0  }
0xa9: {  	s5 =	sshll.u32 s28, $0x1;
	[dreg:$0x2] =	wrdreg s4  }
0xaa: {  	[dreg:$0x3] =	wrdreg s5  }
0xab: {  	[dreg:$0x4] =	wrdreg $0xC0  }
0xac: {  	_ =	task [dreg:s8], $0x5FFFF  }
0xad: {  	[dreg:$0x1] =	wrdreg $0xFFFFFFFF  }
0xae: {  	[dreg:$0x0] =	wrdreg $0x60  }
0xaf: {  	[dreg:$0x2] =	wrdreg s2  }
0xb0: {  	[dreg:$0x3] =	wrdreg s19  }
0xb1: {  	[dreg:$0x4] =	wrdreg $0x9  }
0xb2: {  	_ =	task.clear_ibuf [dreg:s8], $0x5FFFF;
	_ =	strace $0x90000046  }
0xb3: {  	s29 =	simm.s32 $0x9;
	_ =	strace $0x80000048  }
0xb4: {  	_ =	swait.ge [sflag:s29], $0x1  }
0xb5: {  	[sflag:s29] =	ssyncadd.s32 $0xFFFFFFFF  }
0xb6: {  	_ =	strace $0x90000048  }
0xb7: {  	_ =	sfence  }
0xb8: {  	s30 =	sld [smem:$0x0];
	_ =	sdelay $0x2  }
0xb9: {  	s31 =	sshll.u32 s1, $0xD;
	s1 =	sshrl.u32 s1, $0x2  }
0xba: {  	s3 =	sand.u32 $0x4000, s31;
	s1 =	sadd.s32 s1, s30  }
0xbb: {  	s0 =	sor.u32 s3, s0;
	s1 =	sshll.u32 s1, $0x11  }
0xbc: {  	s0 =	sor.u32 s1, s0  }
0xbd: {  	s0 =	sadd.s32 $0x8F2B, s0  }
0xbe: {  	[sflag:s0] =	ssyncadd.remote.s32 $0x1  }
0xbf: {  	_ =	sfence.sel $0xFFFF  }
0xc0: {  	[dreg:$0x0] =	wrdreg $0xFFFFFFFF;
	(pc) =	sbr.abs _section_cstart, $3  }
0xc1: {  	[dreg:$0x1] =	wrdreg $0xFFFFFFFF  }
0xc2: {  	_ =	task.clear_ibuf [dreg:s8], $0x2FFFF;
	_ =	strace $0x9FFFFFFF  }
0xc3: {  	(tm) =	ssettm $0x7FFFFFFF  }
tec
execute0_lowered:
.L_overlay_start_1:
0x0: {  	(tag) =	ssettag $0x1  }
0x1: {  	s3 =	rddreg [dreg:$0x0]  }
0x2: {  	s0 =	rddreg [dreg:$0x1];
	s2 =	srdreg.scid  }
0x3: {  	s1 =	simm.s32 $0x0;
	s5 =	stileid.u32;
	s2 =	sand.u32 $0x1, s2  }
0x4: {  	s5 =	sshll.u32 s5, $0x2;
	s4 =	ssub.s32 $0x2, s2;
	s2 =	sshll.u32 s2, $0x1  }
0x5: {  	[smem:$0x7FF] =	sst s1;
	s26 =	sadd.s32 $0x1000, s3;
	s2 =	sor.u32 s2, s5  }
0x6: {  	s9 =	sadd.s32 $0x1000, s0;
	s6 =	sshrl.u32 s4, $0x1;
	s25 =	sshll.u32 s2, $0xF  }
0x7: {  	s8 =	ssub.s32 s4, s6;
	s6 =	sor.u32 $0x1, s2;
	s7 =	sadd.s32 s3, s25  }
0x8: {  	s2 =	sshll.u32 s2, $0x11;
	s17 =	sadd.s32 s25, s26;
	[dreg:$0x3] =	wrdreg s7  }
0x9: {  	s18 =	sadd.s32 $0x2000, s3;
	s10 =	sadd.s32 s2, s9;
	[dreg:$0x4] =	wrdreg s17  }
0xa: {  	s20 =	sadd.s32 $0x3000, s3;
	s11 =	sadd.s32 s25, s18;
	[dreg:$0x5] =	wrdreg s10  }
0xb: {  	s12 =	sadd.s32 $0x4000, s3;
	s14 =	sadd.s32 s25, s20;
	[dreg:$0x6] =	wrdreg s11  }
0xc: {  	s13 =	sadd.s32 $0x5000, s3;
	s21 =	sadd.s32 s25, s12;
	[dreg:$0x7] =	wrdreg s14  }
0xd: {  	s15 =	sadd.s32 $0x7000, s3;
	s22 =	sadd.s32 s25, s13;
	[dreg:$0x8] =	wrdreg s21  }
0xe: {  	s23 =	sadd.s32 $0x6000, s3;
	s4 =	sadd.s32 s25, s15;
	[dreg:$0x9] =	wrdreg s22  }
0xf: {  	s16 =	sshll.u32 s6, $0xF;
	s17 =	sadd.s32 s25, s23;
	[dreg:$0xb] =	wrdreg s4  }
0x10: {  	s3 =	sadd.s32 s3, s16;
	[dreg:$0xa] =	wrdreg s17  }
0x11: {  	s24 =	sadd.s32 s16, s26;
	[dreg:$0xc] =	wrdreg s3  }
0x12: {  	s25 =	sadd.s32 s16, s18;
	[dreg:$0xd] =	wrdreg s24  }
0x13: {  	s26 =	sadd.s32 s16, s20;
	[dreg:$0xe] =	wrdreg s25  }
0x14: {  	s4 =	sadd.s32 s16, s12;
	[dreg:$0xf] =	wrdreg s26  }
0x15: {  	s5 =	sadd.s32 s16, s13;
	[dreg:$0x10] =	wrdreg s4  }
0x16: {  	s7 =	sadd.s32 s16, s23;
	[dreg:$0x11] =	wrdreg s5  }
0x17: {  	s19 =	sadd.s32 $0x2000, s0;
	s11 =	sadd.s32 s16, s15;
	[dreg:$0x12] =	wrdreg s7  }
0x18: {  	s12 =	sadd.s32 s2, s19;
	s15 =	sadd.s32 $0x3000, s0;
	[dreg:$0x13] =	wrdreg s11  }
0x19: {  	s21 =	sadd.s32 $0x6000, s0;
	[dreg:$0x14] =	wrdreg s12;
	s16 =	sadd.s32 s2, s15  }
0x1a: {  	s23 =	sadd.s32 $0x7000, s0;
	s22 =	sadd.s32 s2, s21;
	[dreg:$0x17] =	wrdreg s16  }
0x1b: {  	s7 =	sshll.u32 s6, $0x11;
	s24 =	sadd.s32 s2, s23;
	[dreg:$0x1d] =	wrdreg s22  }
0x1c: {  	s13 =	sadd.s32 s7, s9;
	[dreg:$0x1f] =	wrdreg s24  }
0x1d: {  	s14 =	sadd.s32 s7, s19;
	[dreg:$0x15] =	wrdreg s13  }
0x1e: {  	s17 =	sadd.s32 $0x4000, s0;
	s3 =	sadd.s32 s7, s15;
	[dreg:$0x16] =	wrdreg s14  }
0x1f: {  	s25 =	sadd.s32 $0x8000, s0;
	s18 =	sadd.s32 s2, s17;
	[dreg:$0x18] =	wrdreg s3  }
0x20: {  	s5 =	sadd.s32 $0x9000, s0;
	s26 =	sadd.s32 s2, s25;
	[dreg:$0x19] =	wrdreg s18  }
0x21: {  	s11 =	sadd.s32 $0xB000, s0;
	s6 =	sadd.s32 s2, s5;
	[smem:$0x7C8] =	sst s26  }
0x22: {  	s12 =	sadd.s32 s2, s11;
	[smem:$0x7CA] =	sst s6  }
0x23: {  	s19 =	sadd.s32 $0x5000, s0;
	s3 =	sadd.s32 s7, s17;
	[smem:$0x7CE] =	sst s12  }
0x24: {  	s9 =	sadd.s32 $0xA000, s0;
	s20 =	sadd.s32 s2, s19;
	[dreg:$0x1a] =	wrdreg s3  }
0x25: {  	s15 =	sadd.s32 $0xD000, s0;
	s10 =	sadd.s32 s2, s9;
	[dreg:$0x1b] =	wrdreg s20  }
0x26: {  	s16 =	sadd.s32 s2, s15;
	[smem:$0x7CC] =	sst s10  }
0x27: {  	s13 =	sadd.s32 $0xC000, s0;
	s3 =	sadd.s32 s7, s19;
	[smem:$0x7D2] =	sst s16  }
0x28: {  	s17 =	sadd.s32 $0xE000, s0;
	s14 =	sadd.s32 s2, s13;
	[dreg:$0x1c] =	wrdreg s3  }
0x29: {  	s18 =	sadd.s32 s2, s17;
	[smem:$0x7D0] =	sst s14  }
0x2a: {  	s19 =	sadd.s32 $0xF000, s0;
	s3 =	sadd.s32 s7, s21;
	[smem:$0x7D4] =	sst s18  }
0x2b: {  	s20 =	sadd.s32 s2, s19;
	[dreg:$0x1e] =	wrdreg s3  }
0x2c: {  	s21 =	sadd.s32 $0x10000, s0;
	s3 =	sadd.s32 s7, s23;
	[smem:$0x7D6] =	sst s20  }
0x2d: {  	s22 =	sadd.s32 s2, s21;
	[smem:$0x7C7] =	sst s3  }
0x2e: {  	s23 =	sadd.s32 $0x11000, s0;
	s3 =	sadd.s32 s7, s25;
	[smem:$0x7D8] =	sst s22  }
0x2f: {  	s24 =	sadd.s32 s2, s23;
	[smem:$0x7C9] =	sst s3  }
0x30: {  	s25 =	sadd.s32 $0x12000, s0;
	s3 =	sadd.s32 s7, s5;
	[smem:$0x7DA] =	sst s24  }
0x31: {  	s26 =	sadd.s32 s2, s25;
	[smem:$0x7CB] =	sst s3  }
0x32: {  	s5 =	sadd.s32 $0x13000, s0;
	s3 =	sadd.s32 s7, s9;
	[smem:$0x7DC] =	sst s26  }
0x33: {  	s6 =	sadd.s32 s2, s5;
	[smem:$0x7CD] =	sst s3  }
0x34: {  	s9 =	sadd.s32 $0x14000, s0;
	s3 =	sadd.s32 s7, s11;
	[smem:$0x7DE] =	sst s6  }
0x35: {  	s10 =	sadd.s32 s2, s9;
	[smem:$0x7CF] =	sst s3  }
0x36: {  	s11 =	sadd.s32 $0x15000, s0;
	s3 =	sadd.s32 s7, s13;
	[smem:$0x7E0] =	sst s10  }
0x37: {  	s12 =	sadd.s32 s2, s11;
	[smem:$0x7D1] =	sst s3  }
0x38: {  	s13 =	sadd.s32 $0x16000, s0;
	s3 =	sadd.s32 s7, s15;
	[smem:$0x7E2] =	sst s12  }
0x39: {  	s14 =	sadd.s32 s2, s13;
	[smem:$0x7D3] =	sst s3  }
0x3a: {  	s15 =	sadd.s32 $0x17000, s0;
	s3 =	sadd.s32 s7, s17;
	[smem:$0x7E4] =	sst s14  }
0x3b: {  	s16 =	sadd.s32 s2, s15;
	[smem:$0x7D5] =	sst s3  }
0x3c: {  	s14 =	sadd.s32 s0, s7;
	[smem:$0x7E6] =	sst s16  }
0x3d: {  	s17 =	sadd.s32 $0x18000, s0;
	s3 =	sadd.s32 s7, s19;
	[smem:$0x7F9] =	sst s14  }
0x3e: {  	s18 =	sadd.s32 s2, s17;
	[smem:$0x7D7] =	sst s3  }
0x3f: {  	s19 =	sadd.s32 $0x19000, s0;
	s3 =	sadd.s32 s7, s21;
	[smem:$0x7E8] =	sst s18  }
0x40: {  	s20 =	sadd.s32 s2, s19;
	[smem:$0x7D9] =	sst s3  }
0x41: {  	s21 =	sadd.s32 $0x1A000, s0;
	s3 =	sadd.s32 s7, s23;
	[smem:$0x7EA] =	sst s20  }
0x42: {  	s22 =	sadd.s32 s2, s21;
	[smem:$0x7DB] =	sst s3  }
0x43: {  	s23 =	sadd.s32 $0x1B000, s0;
	s3 =	sadd.s32 s7, s25;
	[smem:$0x7EC] =	sst s22  }
0x44: {  	s8 =	smax.u32 s8, $0x1;
	s24 =	sadd.s32 s2, s23;
	[smem:$0x7DD] =	sst s3  }
0x45: {  	s25 =	sadd.s32 $0x1C000, s0;
	s3 =	sadd.s32 s7, s5;
	[smem:$0x7EE] =	sst s24  }
0x46: {  	s16 =	sadd.s32 $0x12200, s0;
	s26 =	sadd.s32 s2, s25;
	[smem:$0x7DF] =	sst s3  }
0x47: {  	s14 =	simm.s32 $0x2;
	s24 =	sadd.s32 s2, s16;
	[smem:$0x7F0] =	sst s26  }
0x48: {  	s5 =	sadd.s32 $0x1D000, s0;
	s3 =	sadd.s32 s7, s9;
	[smem:$0x7FB] =	sst s24  }
0x49: {  	s18 =	sadd.s32 $0x16200, s0;
	s6 =	sadd.s32 s2, s5;
	[smem:$0x7E1] =	sst s3  }
0x4a: {  	s20 =	sadd.s32 $0x1A200, s0;
	s26 =	sadd.s32 s2, s18;
	[smem:$0x7F2] =	sst s6  }
0x4b: {  	s9 =	sadd.s32 $0x1E000, s0;
	s3 =	sadd.s32 s7, s11;
	[smem:$0x7FD] =	sst s26  }
0x4c: {  	s22 =	sadd.s32 $0x1E200, s0;
	s10 =	sadd.s32 s2, s9;
	[smem:$0x7E3] =	sst s3  }
0x4d: {  	s11 =	sadd.s32 $0x1F000, s0;
	s3 =	sadd.s32 s7, s13;
	[smem:$0x7F4] =	sst s10  }
0x4e: {  	s28 =	sadd.s32 s2, s20;
	s12 =	sadd.s32 s2, s11;
	[smem:$0x7E5] =	sst s3  }
0x4f: {  	s30 =	sadd.s32 s2, s22;
	s13 =	sadd.s32 s0, s2;
	[smem:$0x7F6] =	sst s12  }
0x50: {  	s10 =	simm.s32 $0x14000;
	s3 =	sadd.s32 s7, s15;
	[smem:$0x7F8] =	sst s13  }
0x51: {  	s15 =	sadd.s32 $0x10200, s0;
	s12 =	simm.s32 $0x2000;
	s13 =	simm.s32 $0x8000  }
0x52: {  	[smem:$0x7E7] =	sst s3;
	s3 =	sadd.s32 s7, s17;
	s17 =	sadd.s32 $0x14200, s0  }
0x53: {  	s31 =	sadd.s32 s7, s15;
	[smem:$0x7E9] =	sst s3;
	s3 =	sadd.s32 s7, s19  }
0x54: {  	s19 =	sadd.s32 $0x18200, s0;
	[smem:$0x7EB] =	sst s3;
	s3 =	sadd.s32 s7, s21  }
0x55: {  	s21 =	sadd.s32 $0x1C200, s0;
	s26 =	sadd.s32 s2, s19;
	s0 =	sadd.s32 s7, s16  }
0x56: {  	s4 =	sadd.s32 s7, s19;
	s16 =	simm.s32 $0x3;
	s19 =	simm.s32 $0x0  }
0x57: {  	[smem:$0x7ED] =	sst s3;
	s3 =	sadd.s32 s7, s23;
	s23 =	sadd.s32 s2, s15  }
0x58: {  	s29 =	sadd.s32 s2, s21;
	s6 =	sadd.s32 s7, s21;
	[smem:$0x7EF] =	sst s3  }
0x59: {  	s15 =	simm.s32 $0x4;
	s3 =	sadd.s32 s7, s25;
	[smem:$0x7FA] =	sst s23  }
0x5a: {  	s25 =	sadd.s32 s2, s17;
	s2 =	sadd.s32 s7, s17;
	[smem:$0x7F1] =	sst s3  }
0x5b: {  	s17 =	simm.s32 $0x5;
	s3 =	sadd.s32 s7, s5;
	[smem:$0x7FC] =	sst s25  }
0x5c: {  	s5 =	sadd.s32 s7, s20;
	[smem:$0x7F3] =	sst s3;
	s3 =	sadd.s32 s7, s9  }
0x5d: {  	s9 =	simm.s32 $0xC000;
	[smem:$0x7F5] =	sst s3;
	s3 =	sadd.s32 s7, s11  }
0x5e: {  	s11 =	simm.s32 $0x1000;
	[smem:$0x7F7] =	sst s3;
	s3 =	sadd.s32 s7, s18  }
0x5f: {  	v0 =	vimm.f32 $0.0e+00;
	s7 =	sadd.s32 s7, s22;
	s18 =	simm.s32 $0x1;
	_ =	strace $0x80000047  }
.LBB2_1:
0x60: {  	s20 =	rddreg [dreg:$0x3]  }
0x61: {  	s25 =	rddreg [dreg:$0x4];
	s21 =	simm.s32 $0x0  }
0x62: {  	[tilespmem:s9], [sflag:$0x2] =	stream.linear.gather [hbm4b:s20+s1], $0x8000, $0x38;
	[tilespmem:$0x1C000] =	vst v63  }
0x63: {  	s22 =	simm.s32 $0x0;
	s23 =	simm.s32 $0x0;
	s20 =	simm.s32 $0xFFFF8000  }
0x64: {  	[tilespmem:s10], [sflag:$0x3] =	stream.linear.gather [hbm4b:s25+s1], $0x8000, $0x38;
	[tilespmem:$0x1C000] =	vst v63  }
.LBB2_2:
0x65: {  	s24 =	sadd.s32 $0x8000, s20  }
0x66: {  	s25 =	sand.u32 $0x380, s23;
	s24 =	sand.u32 $0x6000, s24  }
0x67: {  	s24 =	sor.u32 s25, s24  }
0x68: {  	[tilespmem:s24+$0x0] =	vst v0  }
0x69: {  	[tilespmem:s24+$0x10] =	vst v0  }
0x6a: {  	[tilespmem:s24+$0x20] =	vst v0  }
0x6b: {  	[tilespmem:s24+$0x30] =	vst v0  }
0x6c: {  	[tilespmem:s24+$0x40] =	vst v0  }
0x6d: {  	[tilespmem:s24+$0x50] =	vst v0  }
0x6e: {  	[tilespmem:s24+$0x60] =	vst v0  }
0x6f: {  	[tilespmem:s24+$0x70] =	vst v0  }
0x70: {  	[tilespmem:s24+$0x400] =	vst v0  }
0x71: {  	[tilespmem:s24+$0x410] =	vst v0  }
0x72: {  	[tilespmem:s24+$0x420] =	vst v0  }
0x73: {  	[tilespmem:s24+$0x430] =	vst v0  }
0x74: {  	[tilespmem:s24+$0x440] =	vst v0  }
0x75: {  	[tilespmem:s24+$0x450] =	vst v0  }
0x76: {  	[tilespmem:s24+$0x460] =	vst v0  }
0x77: {  	[tilespmem:s24+$0x470] =	vst v0  }
0x78: {  	[tilespmem:s24+$0x800] =	vst v0  }
0x79: {  	[tilespmem:s24+$0x810] =	vst v0  }
0x7a: {  	[tilespmem:s24+$0x820] =	vst v0  }
0x7b: {  	[tilespmem:s24+$0x830] =	vst v0  }
0x7c: {  	[tilespmem:s24+$0x840] =	vst v0  }
0x7d: {  	[tilespmem:s24+$0x850] =	vst v0  }
0x7e: {  	[tilespmem:s24+$0x860] =	vst v0  }
0x7f: {  	[tilespmem:s24+$0x870] =	vst v0  }
0x80: {  	[tilespmem:s24+$0xC00] =	vst v0  }
0x81: {  	[tilespmem:s24+$0xC10] =	vst v0  }
0x82: {  	[tilespmem:s24+$0xC20] =	vst v0  }
0x83: {  	[tilespmem:s24+$0xC30] =	vst v0  }
0x84: {  	[tilespmem:s24+$0xC40] =	vst v0  }
0x85: {  	[tilespmem:s24+$0xC50] =	vst v0  }
0x86: {  	[tilespmem:s24+$0xC60] =	vst v0  }
0x87: {  	[tilespmem:s24+$0xC70] =	vst v0  }
0x88: {  	[tilespmem:s24+$0x1000] =	vst v0  }
0x89: {  	[tilespmem:s24+$0x1010] =	vst v0  }
0x8a: {  	[tilespmem:s24+$0x1020] =	vst v0  }
0x8b: {  	[tilespmem:s24+$0x1030] =	vst v0  }
0x8c: {  	[tilespmem:s24+$0x1040] =	vst v0  }
0x8d: {  	[tilespmem:s24+$0x1050] =	vst v0  }
0x8e: {  	[tilespmem:s24+$0x1060] =	vst v0  }
0x8f: {  	[tilespmem:s24+$0x1070] =	vst v0  }
0x90: {  	[tilespmem:s24+$0x1400] =	vst v0  }
0x91: {  	[tilespmem:s24+$0x1410] =	vst v0  }
0x92: {  	[tilespmem:s24+$0x1420] =	vst v0  }
0x93: {  	[tilespmem:s24+$0x1430] =	vst v0  }
0x94: {  	[tilespmem:s24+$0x1440] =	vst v0  }
0x95: {  	[tilespmem:s24+$0x1450] =	vst v0  }
0x96: {  	[tilespmem:s24+$0x1460] =	vst v0  }
0x97: {  	[tilespmem:s24+$0x1470] =	vst v0  }
0x98: {  	[tilespmem:s24+$0x1800] =	vst v0  }
0x99: {  	[tilespmem:s24+$0x1810] =	vst v0  }
0x9a: {  	[tilespmem:s24+$0x1820] =	vst v0  }
0x9b: {  	[tilespmem:s24+$0x1830] =	vst v0  }
0x9c: {  	s25 =	sand.u32 $0x7, s21;
	[tilespmem:s24+$0x1840] =	vst v0  }
0x9d: {  	s25 =	sshll.u32 s25, $0x7;
	[tilespmem:s24+$0x1850] =	vst v0  }
0x9e: {  	[tilespmem:s24+$0x1860] =	vst v0;
	s25 =	sadd.s32 s25, s22  }
0x9f: {  	[tilespmem:s24+$0x1870] =	vst v0;
	s24 =	sor.u32 $0x1C00, s25  }
0xa0: {  	[tilespmem:s24+$0x0] =	vst v0;
	s24 =	sor.u32 $0x1C10, s25  }
0xa1: {  	[tilespmem:s24+$0x0] =	vst v0;
	s24 =	sor.u32 $0x1C20, s25  }
0xa2: {  	p0 =	sne.s32 s23, $0xF80;
	[tilespmem:s24+$0x0] =	vst v0;
	s24 =	sor.u32 $0x1C30, s25  }
.Ltmp0:
0xa3: {  	[tilespmem:s24+$0x0] =	vst v0;
	s24 =	sor.u32 $0x1C40, s25;
	(pc) =	sbr.rel @p0 .LBB2_2-.Ltmp0, $4  }
0xa4: {  	[tilespmem:s24+$0x0] =	vst v0;
	s24 =	sor.u32 $0x1C50, s25  }
0xa5: {  	[tilespmem:s24+$0x0] =	vst v0;
	s24 =	sor.u32 $0x1C60, s25  }
0xa6: {  	s20 =	sadd.s32 $0x400, s20;
	s25 =	sor.u32 $0x1C70, s25;
	[tilespmem:s24+$0x0] =	vst v0  }
0xa7: {  	s23 =	sadd.s32 $0x80, s23;
	s21 =	sadd.s32 $0x1, s21;
	s22 =	sadd.s32 $0x400, s22;
	[tilespmem:s25+$0x0] =	vst v0  }
0xa8: {  	s20 =	simm.s32 $0x0  }
0xa9: {  	s21 =	sand.u32 $0x3000, s20;
	s20 =	sand.u32 $0x380, s20  }
0xaa: {  	s20 =	sor.u32 s20, s21  }
0xab: {  	[tilespmem:s20+$0x8C70] =	vst v0  }
0xac: {  	[tilespmem:s20+$0x8000] =	vst v0  }
0xad: {  	[tilespmem:s20+$0x8010] =	vst v0  }
0xae: {  	[tilespmem:s20+$0x8020] =	vst v0  }
0xaf: {  	[tilespmem:s20+$0x8030] =	vst v0  }
0xb0: {  	[tilespmem:s20+$0x8040] =	vst v0  }
0xb1: {  	[tilespmem:s20+$0x8050] =	vst v0  }
0xb2: {  	[tilespmem:s20+$0x8060] =	vst v0  }
0xb3: {  	[tilespmem:s20+$0x8070] =	vst v0  }
0xb4: {  	[tilespmem:s20+$0x8400] =	vst v0  }
0xb5: {  	[tilespmem:s20+$0x8410] =	vst v0  }
0xb6: {  	[tilespmem:s20+$0x8420] =	vst v0  }
0xb7: {  	[tilespmem:s20+$0x8430] =	vst v0  }
0xb8: {  	[tilespmem:s20+$0x8440] =	vst v0  }
0xb9: {  	[tilespmem:s20+$0x8450] =	vst v0  }
0xba: {  	[tilespmem:s20+$0x8460] =	vst v0  }
0xbb: {  	[tilespmem:s20+$0x8470] =	vst v0  }
0xbc: {  	[tilespmem:s20+$0x8800] =	vst v0  }
0xbd: {  	[tilespmem:s20+$0x8810] =	vst v0  }
0xbe: {  	[tilespmem:s20+$0x8820] =	vst v0  }
0xbf: {  	[tilespmem:s20+$0x8830] =	vst v0  }
0xc0: {  	[tilespmem:s20+$0x8840] =	vst v0  }
0xc1: {  	[tilespmem:s20+$0x8850] =	vst v0  }
0xc2: {  	[tilespmem:s20+$0x8860] =	vst v0  }
0xc3: {  	[tilespmem:s20+$0x8870] =	vst v0  }
0xc4: {  	[tilespmem:s20+$0x8C00] =	vst v0  }
0xc5: {  	[tilespmem:s20+$0x8C10] =	vst v0  }
0xc6: {  	[tilespmem:s20+$0x8C20] =	vst v0  }
0xc7: {  	[tilespmem:s20+$0x8C30] =	vst v0  }
0xc8: {  	s22 =	simm.s32 $0x200;
	s21 =	simm.s32 $0x80;
	[tilespmem:s20+$0x8C40] =	vst v0  }
0xc9: {  	s23 =	sand.u32 $0x3000, s22;
	s22 =	simm.s32 $0x400;
	s24 =	sand.u32 $0x380, s21;
	[tilespmem:s20+$0x8C50] =	vst v0  }
.LBB2_4:
0xca: {  	p0 =	sne.s32 s22, $0x3E00;
	[tilespmem:s20+$0x8C60] =	vst v0;
	s20 =	sor.u32 s24, s23  }
0xcb: {  	[tilespmem:s20+$0x8C70] =	vst v0  }
0xcc: {  	[tilespmem:s20+$0x8000] =	vst v0  }
0xcd: {  	[tilespmem:s20+$0x8010] =	vst v0  }
0xce: {  	[tilespmem:s20+$0x8020] =	vst v0  }
0xcf: {  	[tilespmem:s20+$0x8030] =	vst v0  }
0xd0: {  	[tilespmem:s20+$0x8040] =	vst v0  }
0xd1: {  	[tilespmem:s20+$0x8050] =	vst v0  }
0xd2: {  	[tilespmem:s20+$0x8060] =	vst v0  }
0xd3: {  	[tilespmem:s20+$0x8070] =	vst v0  }
0xd4: {  	[tilespmem:s20+$0x8400] =	vst v0  }
0xd5: {  	[tilespmem:s20+$0x8410] =	vst v0  }
0xd6: {  	[tilespmem:s20+$0x8420] =	vst v0  }
0xd7: {  	[tilespmem:s20+$0x8430] =	vst v0  }
0xd8: {  	[tilespmem:s20+$0x8440] =	vst v0  }
0xd9: {  	[tilespmem:s20+$0x8450] =	vst v0  }
0xda: {  	[tilespmem:s20+$0x8460] =	vst v0  }
0xdb: {  	[tilespmem:s20+$0x8470] =	vst v0  }
0xdc: {  	[tilespmem:s20+$0x8800] =	vst v0  }
0xdd: {  	[tilespmem:s20+$0x8810] =	vst v0  }
0xde: {  	[tilespmem:s20+$0x8820] =	vst v0  }
0xdf: {  	[tilespmem:s20+$0x8830] =	vst v0  }
0xe0: {  	[tilespmem:s20+$0x8840] =	vst v0  }
0xe1: {  	[tilespmem:s20+$0x8850] =	vst v0  }
0xe2: {  	[tilespmem:s20+$0x8860] =	vst v0  }
0xe3: {  	[tilespmem:s20+$0x8870] =	vst v0  }
0xe4: {  	[tilespmem:s20+$0x8C00] =	vst v0  }
.Ltmp1:
0xe5: {  	[tilespmem:s20+$0x8C10] =	vst v0;
	(pc) =	sbr.rel @p0 .LBB2_4-.Ltmp1, $4  }
0xe6: {  	[tilespmem:s20+$0x8C20] =	vst v0  }
0xe7: {  	[tilespmem:s20+$0x8C30] =	vst v0  }
0xe8: {  	s21 =	sadd.s32 $0x80, s21;
	[tilespmem:s20+$0x8C40] =	vst v0  }
0xe9: {  	s23 =	sand.u32 $0x3000, s22;
	s22 =	sadd.s32 $0x200, s22;
	s24 =	sand.u32 $0x380, s21;
	[tilespmem:s20+$0x8C50] =	vst v0  }
0xea: {  	s21 =	sor.u32 s24, s23;
	[tilespmem:s20+$0x8C60] =	vst v0  }
0xeb: {  	[tilespmem:s21+$0x8C70] =	vst v0  }
0xec: {  	[tilespmem:s21+$0x8000] =	vst v0  }
0xed: {  	[tilespmem:s21+$0x8010] =	vst v0  }
0xee: {  	[tilespmem:s21+$0x8020] =	vst v0  }
0xef: {  	[tilespmem:s21+$0x8030] =	vst v0  }
0xf0: {  	[tilespmem:s21+$0x8040] =	vst v0  }
0xf1: {  	[tilespmem:s21+$0x8050] =	vst v0  }
0xf2: {  	[tilespmem:s21+$0x8060] =	vst v0  }
0xf3: {  	[tilespmem:s21+$0x8070] =	vst v0  }
0xf4: {  	[tilespmem:s21+$0x8400] =	vst v0  }
0xf5: {  	[tilespmem:s21+$0x8410] =	vst v0  }
0xf6: {  	[tilespmem:s21+$0x8420] =	vst v0  }
0xf7: {  	[tilespmem:s21+$0x8430] =	vst v0  }
0xf8: {  	[tilespmem:s21+$0x8440] =	vst v0  }
0xf9: {  	[tilespmem:s21+$0x8450] =	vst v0  }
0xfa: {  	[tilespmem:s21+$0x8460] =	vst v0  }
0xfb: {  	[tilespmem:s21+$0x8470] =	vst v0  }
0xfc: {  	[tilespmem:s21+$0x8800] =	vst v0  }
0xfd: {  	[tilespmem:s21+$0x8810] =	vst v0  }
0xfe: {  	[tilespmem:s21+$0x8820] =	vst v0  }
0xff: {  	[tilespmem:s21+$0x8830] =	vst v0  }
0x100: {  	[tilespmem:s21+$0x8840] =	vst v0  }
0x101: {  	[tilespmem:s21+$0x8850] =	vst v0  }
0x102: {  	[tilespmem:s21+$0x8860] =	vst v0  }
0x103: {  	[tilespmem:s21+$0x8870] =	vst v0  }
0x104: {  	[tilespmem:s21+$0x8C00] =	vst v0  }
0x105: {  	[tilespmem:s21+$0x8C10] =	vst v0  }
0x106: {  	[tilespmem:s21+$0x8C20] =	vst v0  }
0x107: {  	[tilespmem:s21+$0x8C30] =	vst v0  }
0x108: {  	s24 =	sld [smem:$0x7F8];
	[tilespmem:s21+$0x8C40] =	vst v0  }
0x109: {  	[tilespmem:s21+$0x8C50] =	vst v0  }
0x10a: {  	s25 =	rddreg [dreg:$0x5];
	[tilespmem:s21+$0x8C60] =	vst v0  }
0x10b: {  	[hbm4b:s24+s1] =	stream.linear.scatter [tilespmem:s1], [sflag:$0x1], $0x8000, $0x38;
	[tilespmem:$0x1C000] =	vst v63  }
0x10c: {  	s22 =	rddreg [dreg:$0x17]  }
0x10d: {  	[hbm4b:s25+s1] =	stream.linear.scatter [tilespmem:s1], [sflag:$0x1], $0x8000, $0x38;
	[tilespmem:$0x1C000] =	vst v63  }
0x10e: {  	s21 =	rddreg [dreg:$0x14]  }
0x10f: {  	[hbm4b:s21+s1] =	stream.linear.scatter [tilespmem:s1], [sflag:$0x1], $0x8000, $0x38;
	[tilespmem:$0x1C000] =	vst v63  }
0x110: {  	s23 =	rddreg [dreg:$0x19]  }
0x111: {  	[hbm4b:s22+s1] =	stream.linear.scatter [tilespmem:s1], [sflag:$0x1], $0x8000, $0x38;
	[tilespmem:$0x1C000] =	vst v63  }
0x112: {  	s24 =	rddreg [dreg:$0x1b]  }
0x113: {  	[hbm4b:s23+s1] =	stream.linear.scatter [tilespmem:s1], [sflag:$0x1], $0x8000, $0x38;
	[tilespmem:$0x1C000] =	vst v63  }
0x114: {  	s25 =	rddreg [dreg:$0x1d]  }
0x115: {  	[hbm4b:s24+s1] =	stream.linear.scatter [tilespmem:s1], [sflag:$0x1], $0x8000, $0x38;
	[tilespmem:$0x1C000] =	vst v63  }
0x116: {  	s21 =	rddreg [dreg:$0x1f]  }
0x117: {  	[hbm4b:s25+s1] =	stream.linear.scatter [tilespmem:s1], [sflag:$0x1], $0x8000, $0x38;
	[tilespmem:$0x1C000] =	vst v63  }
0x118: {  	s22 =	sld [smem:$0x7C8]  }
0x119: {  	[hbm4b:s21+s1] =	stream.linear.scatter [tilespmem:s1], [sflag:$0x1], $0x8000, $0x38;
	[tilespmem:$0x1C000] =	vst v63  }
0x11a: {  	s23 =	sld [smem:$0x7CA]  }
0x11b: {  	[hbm4b:s22+s1] =	stream.linear.scatter [tilespmem:s1], [sflag:$0x1], $0x8000, $0x38;
	[tilespmem:$0x1C000] =	vst v63  }
0x11c: {  	s24 =	sld [smem:$0x7CC]  }
0x11d: {  	[hbm4b:s23+s1] =	stream.linear.scatter [tilespmem:s1], [sflag:$0x1], $0x8000, $0x38;
	[tilespmem:$0x1C000] =	vst v63  }
0x11e: {  	s25 =	sld [smem:$0x7CE]  }
0x11f: {  	[hbm4b:s24+s1] =	stream.linear.scatter [tilespmem:s1], [sflag:$0x1], $0x8000, $0x38;
	[tilespmem:$0x1C000] =	vst v63  }
0x120: {  	s21 =	sld [smem:$0x7D0]  }
0x121: {  	[hbm4b:s25+s1] =	stream.linear.scatter [tilespmem:s1], [sflag:$0x1], $0x8000, $0x38;
	[tilespmem:$0x1C000] =	vst v63  }
0x122: {  	s22 =	sld [smem:$0x7D2]  }
0x123: {  	[hbm4b:s21+s1] =	stream.linear.scatter [tilespmem:s1], [sflag:$0x1], $0x8000, $0x38;
	[tilespmem:$0x1C000] =	vst v63  }
0x124: {  	s23 =	sld [smem:$0x7D4]  }
0x125: {  	[hbm4b:s22+s1] =	stream.linear.scatter [tilespmem:s1], [sflag:$0x1], $0x8000, $0x38;
	[tilespmem:$0x1C000] =	vst v63  }
0x126: {  	s24 =	sld [smem:$0x7D6]  }
0x127: {  	[hbm4b:s23+s1] =	stream.linear.scatter [tilespmem:s1], [sflag:$0x1], $0x8000, $0x38;
	[tilespmem:$0x1C000] =	vst v63  }
0x128: {  	s25 =	sld [smem:$0x7D8]  }
0x129: {  	[hbm4b:s24+s1] =	stream.linear.scatter [tilespmem:s1], [sflag:$0x1], $0x8000, $0x38;
	[tilespmem:$0x1C000] =	vst v63  }
0x12a: {  	s21 =	sld [smem:$0x7DA]  }
0x12b: {  	[hbm4b:s25+s11] =	stream.strided.scatter [tilespmem:s13], [sflag:$0x1], $0x4000, s12, s11, $0x38;
	[tilespmem:$0x1C000] =	vst v63  }
0x12c: {  	s22 =	sld [smem:$0x7DC]  }
0x12d: {  	[hbm4b:s21+s11] =	stream.strided.scatter [tilespmem:s13], [sflag:$0x1], $0x4000, s12, s11, $0x38;
	[tilespmem:$0x1C000] =	vst v63  }
0x12e: {  	s23 =	sld [smem:$0x7DE]  }
0x12f: {  	[hbm4b:s22+s11] =	stream.strided.scatter [tilespmem:s13], [sflag:$0x1], $0x4000, s12, s11, $0x38;
	[tilespmem:$0x1C000] =	vst v63  }
0x130: {  	s24 =	sld [smem:$0x7E0]  }
0x131: {  	[hbm4b:s23+s11] =	stream.strided.scatter [tilespmem:s13], [sflag:$0x1], $0x4000, s12, s11, $0x38;
	[tilespmem:$0x1C000] =	vst v63  }
0x132: {  	s25 =	sld [smem:$0x7E2]  }
0x133: {  	[hbm4b:s24+s11] =	stream.strided.scatter [tilespmem:s13], [sflag:$0x1], $0x4000, s12, s11, $0x38;
	[tilespmem:$0x1C000] =	vst v63  }
0x134: {  	s21 =	sld [smem:$0x7E4]  }
0x135: {  	[hbm4b:s25+s11] =	stream.strided.scatter [tilespmem:s13], [sflag:$0x1], $0x4000, s12, s11, $0x38;
	[tilespmem:$0x1C000] =	vst v63  }
0x136: {  	s22 =	sld [smem:$0x7E6]  }
0x137: {  	[hbm4b:s21+s11] =	stream.strided.scatter [tilespmem:s13], [sflag:$0x1], $0x4000, s12, s11, $0x38;
	[tilespmem:$0x1C000] =	vst v63  }
0x138: {  	s23 =	sld [smem:$0x7E8]  }
0x139: {  	[hbm4b:s22+s11] =	stream.strided.scatter [tilespmem:s13], [sflag:$0x1], $0x4000, s12, s11, $0x38;
	[tilespmem:$0x1C000] =	vst v63  }
0x13a: {  	s24 =	sld [smem:$0x7EA]  }
0x13b: {  	[hbm4b:s23+s11] =	stream.strided.scatter [tilespmem:s13], [sflag:$0x1], $0x4000, s12, s11, $0x38;
	[tilespmem:$0x1C000] =	vst v63  }
0x13c: {  	s25 =	sld [smem:$0x7EC]  }
0x13d: {  	[hbm4b:s24+s11] =	stream.strided.scatter [tilespmem:s13], [sflag:$0x1], $0x4000, s12, s11, $0x38;
	[tilespmem:$0x1C000] =	vst v63  }
0x13e: {  	s21 =	sld [smem:$0x7EE]  }
0x13f: {  	[hbm4b:s25+s11] =	stream.strided.scatter [tilespmem:s13], [sflag:$0x1], $0x4000, s12, s11, $0x38;
	[tilespmem:$0x1C000] =	vst v63  }
0x140: {  	s22 =	sld [smem:$0x7F0]  }
0x141: {  	[hbm4b:s21+s11] =	stream.strided.scatter [tilespmem:s13], [sflag:$0x1], $0x4000, s12, s11, $0x38;
	[tilespmem:$0x1C000] =	vst v63  }
0x142: {  	s23 =	sld [smem:$0x7F2]  }
0x143: {  	[hbm4b:s22+s11] =	stream.strided.scatter [tilespmem:s13], [sflag:$0x1], $0x4000, s12, s11, $0x38;
	[tilespmem:$0x1C000] =	vst v63  }
0x144: {  	s24 =	sld [smem:$0x7F4]  }
0x145: {  	[hbm4b:s23+s11] =	stream.strided.scatter [tilespmem:s13], [sflag:$0x1], $0x4000, s12, s11, $0x38;
	[tilespmem:$0x1C000] =	vst v63  }
0x146: {  	s25 =	sld [smem:$0x7F6]  }
0x147: {  	[hbm4b:s24+s11] =	stream.strided.scatter [tilespmem:s13], [sflag:$0x1], $0x4000, s12, s11, $0x38;
	[tilespmem:$0x1C000] =	vst v63  }
0x148: {  	s21 =	sld [smem:$0x7F9]  }
0x149: {  	[hbm4b:s25+s11] =	stream.strided.scatter [tilespmem:s13], [sflag:$0x1], $0x4000, s12, s11, $0x38;
	[tilespmem:$0x1C000] =	vst v63  }
0x14a: {  	s22 =	rddreg [dreg:$0x15]  }
0x14b: {  	[hbm4b:s21+s1] =	stream.linear.scatter [tilespmem:s1], [sflag:$0x1], $0x8000, $0x38;
	[tilespmem:$0x1C000] =	vst v63  }
0x14c: {  	s23 =	rddreg [dreg:$0x16]  }
0x14d: {  	[hbm4b:s22+s1] =	stream.linear.scatter [tilespmem:s1], [sflag:$0x1], $0x8000, $0x38;
	[tilespmem:$0x1C000] =	vst v63  }
0x14e: {  	s24 =	rddreg [dreg:$0x18]  }
0x14f: {  	[hbm4b:s23+s1] =	stream.linear.scatter [tilespmem:s1], [sflag:$0x1], $0x8000, $0x38;
	[tilespmem:$0x1C000] =	vst v63  }
0x150: {  	s25 =	rddreg [dreg:$0x1a]  }
0x151: {  	[hbm4b:s24+s1] =	stream.linear.scatter [tilespmem:s1], [sflag:$0x1], $0x8000, $0x38;
	[tilespmem:$0x1C000] =	vst v63  }
0x152: {  	s21 =	rddreg [dreg:$0x1c]  }
0x153: {  	[hbm4b:s25+s1] =	stream.linear.scatter [tilespmem:s1], [sflag:$0x1], $0x8000, $0x38;
	[tilespmem:$0x1C000] =	vst v63  }
0x154: {  	s22 =	rddreg [dreg:$0x1e]  }
0x155: {  	[hbm4b:s21+s1] =	stream.linear.scatter [tilespmem:s1], [sflag:$0x1], $0x8000, $0x38;
	[tilespmem:$0x1C000] =	vst v63  }
0x156: {  	s23 =	sld [smem:$0x7C7]  }
0x157: {  	[hbm4b:s22+s1] =	stream.linear.scatter [tilespmem:s1], [sflag:$0x1], $0x8000, $0x38;
	[tilespmem:$0x1C000] =	vst v63  }
0x158: {  	s24 =	sld [smem:$0x7C9]  }
0x159: {  	[hbm4b:s23+s1] =	stream.linear.scatter [tilespmem:s1], [sflag:$0x1], $0x8000, $0x38;
	[tilespmem:$0x1C000] =	vst v63  }
0x15a: {  	s25 =	sld [smem:$0x7CB]  }
0x15b: {  	[hbm4b:s24+s1] =	stream.linear.scatter [tilespmem:s1], [sflag:$0x1], $0x8000, $0x38;
	[tilespmem:$0x1C000] =	vst v63  }
0x15c: {  	s21 =	sld [smem:$0x7CD]  }
0x15d: {  	[hbm4b:s25+s1] =	stream.linear.scatter [tilespmem:s1], [sflag:$0x1], $0x8000, $0x38;
	[tilespmem:$0x1C000] =	vst v63  }
0x15e: {  	s22 =	sld [smem:$0x7CF]  }
0x15f: {  	[hbm4b:s21+s1] =	stream.linear.scatter [tilespmem:s1], [sflag:$0x1], $0x8000, $0x38;
	[tilespmem:$0x1C000] =	vst v63  }
0x160: {  	s23 =	sld [smem:$0x7D1]  }
0x161: {  	[hbm4b:s22+s1] =	stream.linear.scatter [tilespmem:s1], [sflag:$0x1], $0x8000, $0x38;
	[tilespmem:$0x1C000] =	vst v63  }
0x162: {  	s24 =	sld [smem:$0x7D3]  }
0x163: {  	[hbm4b:s23+s1] =	stream.linear.scatter [tilespmem:s1], [sflag:$0x1], $0x8000, $0x38;
	[tilespmem:$0x1C000] =	vst v63  }
0x164: {  	s25 =	sld [smem:$0x7D5]  }
0x165: {  	[hbm4b:s24+s1] =	stream.linear.scatter [tilespmem:s1], [sflag:$0x1], $0x8000, $0x38;
	[tilespmem:$0x1C000] =	vst v63  }
0x166: {  	s21 =	sld [smem:$0x7D7]  }
0x167: {  	[hbm4b:s25+s1] =	stream.linear.scatter [tilespmem:s1], [sflag:$0x1], $0x8000, $0x38;
	[tilespmem:$0x1C000] =	vst v63  }
0x168: {  	s22 =	sld [smem:$0x7D9]  }
0x169: {  	[hbm4b:s21+s1] =	stream.linear.scatter [tilespmem:s1], [sflag:$0x1], $0x8000, $0x38;
	[tilespmem:$0x1C000] =	vst v63  }
0x16a: {  	s23 =	sld [smem:$0x7DB]  }
0x16b: {  	[hbm4b:s22+s11] =	stream.strided.scatter [tilespmem:s13], [sflag:$0x1], $0x4000, s12, s11, $0x38;
	[tilespmem:$0x1C000] =	vst v63  }
0x16c: {  	s24 =	sld [smem:$0x7DD]  }
0x16d: {  	[hbm4b:s23+s11] =	stream.strided.scatter [tilespmem:s13], [sflag:$0x1], $0x4000, s12, s11, $0x38;
	[tilespmem:$0x1C000] =	vst v63  }
0x16e: {  	s25 =	sld [smem:$0x7DF]  }
0x16f: {  	[hbm4b:s24+s11] =	stream.strided.scatter [tilespmem:s13], [sflag:$0x1], $0x4000, s12, s11, $0x38;
	[tilespmem:$0x1C000] =	vst v63  }
0x170: {  	s21 =	sld [smem:$0x7E1]  }
0x171: {  	[hbm4b:s25+s11] =	stream.strided.scatter [tilespmem:s13], [sflag:$0x1], $0x4000, s12, s11, $0x38;
	[tilespmem:$0x1C000] =	vst v63  }
0x172: {  	s22 =	sld [smem:$0x7E3]  }
0x173: {  	[hbm4b:s21+s11] =	stream.strided.scatter [tilespmem:s13], [sflag:$0x1], $0x4000, s12, s11, $0x38;
	[tilespmem:$0x1C000] =	vst v63  }
0x174: {  	s23 =	sld [smem:$0x7E5]  }
0x175: {  	[hbm4b:s22+s11] =	stream.strided.scatter [tilespmem:s13], [sflag:$0x1], $0x4000, s12, s11, $0x38;
	[tilespmem:$0x1C000] =	vst v63  }
0x176: {  	s24 =	sld [smem:$0x7E7]  }
0x177: {  	[hbm4b:s23+s11] =	stream.strided.scatter [tilespmem:s13], [sflag:$0x1], $0x4000, s12, s11, $0x38;
	[tilespmem:$0x1C000] =	vst v63  }
0x178: {  	s25 =	sld [smem:$0x7E9]  }
0x179: {  	[hbm4b:s24+s11] =	stream.strided.scatter [tilespmem:s13], [sflag:$0x1], $0x4000, s12, s11, $0x38;
	[tilespmem:$0x1C000] =	vst v63  }
0x17a: {  	s21 =	sld [smem:$0x7EB]  }
0x17b: {  	[hbm4b:s25+s11] =	stream.strided.scatter [tilespmem:s13], [sflag:$0x1], $0x4000, s12, s11, $0x38;
	[tilespmem:$0x1C000] =	vst v63  }
0x17c: {  	s22 =	sld [smem:$0x7ED]  }
0x17d: {  	[hbm4b:s21+s11] =	stream.strided.scatter [tilespmem:s13], [sflag:$0x1], $0x4000, s12, s11, $0x38;
	[tilespmem:$0x1C000] =	vst v63  }
0x17e: {  	s23 =	sld [smem:$0x7EF]  }
0x17f: {  	[hbm4b:s22+s11] =	stream.strided.scatter [tilespmem:s13], [sflag:$0x1], $0x4000, s12, s11, $0x38;
	[tilespmem:$0x1C000] =	vst v63  }
0x180: {  	s24 =	sld [smem:$0x7F1]  }
0x181: {  	[hbm4b:s23+s11] =	stream.strided.scatter [tilespmem:s13], [sflag:$0x1], $0x4000, s12, s11, $0x38;
	[tilespmem:$0x1C000] =	vst v63  }
0x182: {  	s25 =	sld [smem:$0x7F3]  }
0x183: {  	[hbm4b:s24+s11] =	stream.strided.scatter [tilespmem:s13], [sflag:$0x1], $0x4000, s12, s11, $0x38;
	[tilespmem:$0x1C000] =	vst v63  }
0x184: {  	s21 =	sld [smem:$0x7F5]  }
0x185: {  	[hbm4b:s25+s11] =	stream.strided.scatter [tilespmem:s13], [sflag:$0x1], $0x4000, s12, s11, $0x38;
	[tilespmem:$0x1C000] =	vst v63  }
0x186: {  	s22 =	sld [smem:$0x7F7]  }
0x187: {  	[hbm4b:s21+s11] =	stream.strided.scatter [tilespmem:s13], [sflag:$0x1], $0x4000, s12, s11, $0x38;
	[tilespmem:$0x1C000] =	vst v63  }
0x188: {  	_ = 	snop  }
0x189: {  	[hbm4b:s22+s11] =	stream.strided.scatter [tilespmem:s13], [sflag:$0x1], $0x4000, s12, s11, $0x38;
	[tilespmem:$0x1C000] =	vst v63  }
0x18a: {  	_ =	swait.ge [sflag:s14], $0x8000  }
0x18b: {  	s23 =	sld [smem:$0x7FA]  }
0x18c: {  	[sflag:s14] =	ssyncset.done $0x0  }
0x18d: {  	[sflag:s14] =	ssyncadd.s32 $0xFFFF8000  }
0x18e: {  	[hbm4b:s23+s11] =	stream.strided.scatter [tilespmem:s9], [sflag:$0x4], $0x8000, s12, s11, $0x38;
	[tilespmem:$0x1C000] =	vst v63  }
0x18f: {  	_ =	swait.ge [sflag:s15], $0x8000  }
0x190: {  	[sflag:s15] =	ssyncset.done $0x0  }
0x191: {  	s24 =	rddreg [dreg:$0x6];
	[sflag:s15] =	ssyncadd.s32 $0xFFFF8000  }
0x192: {  	[tilespmem:s9], [sflag:$0x2] =	stream.linear.gather [hbm4b:s24+s1], $0x8000, $0x38;
	[tilespmem:$0x1C000] =	vst v63  }
0x193: {  	_ =	swait.ge [sflag:s16], $0x8000  }
0x194: {  	s25 =	sld [smem:$0x7FB]  }
0x195: {  	[sflag:s16] =	ssyncset.done $0x0  }
0x196: {  	[sflag:s16] =	ssyncadd.s32 $0xFFFF8000  }
0x197: {  	[hbm4b:s25+s11] =	stream.strided.scatter [tilespmem:s10], [sflag:$0x5], $0x8000, s12, s11, $0x38;
	[tilespmem:$0x1C000] =	vst v63  }
0x198: {  	_ =	swait.ge [sflag:s17], $0x8000  }
0x199: {  	[sflag:s17] =	ssyncset.done $0x0  }
0x19a: {  	s21 =	rddreg [dreg:$0x7];
	[sflag:s17] =	ssyncadd.s32 $0xFFFF8000  }
0x19b: {  	[tilespmem:s10], [sflag:$0x3] =	stream.linear.gather [hbm4b:s21+s1], $0x8000, $0x38;
	[tilespmem:$0x1C000] =	vst v63  }
0x19c: {  	_ =	swait.ge [sflag:s14], $0x8000  }
0x19d: {  	s22 =	sld [smem:$0x7FC]  }
0x19e: {  	[sflag:s14] =	ssyncset.done $0x0  }
0x19f: {  	[sflag:s14] =	ssyncadd.s32 $0xFFFF8000  }
0x1a0: {  	[hbm4b:s22+s11] =	stream.strided.scatter [tilespmem:s9], [sflag:$0x4], $0x8000, s12, s11, $0x38;
	[tilespmem:$0x1C000] =	vst v63  }
0x1a1: {  	_ =	swait.ge [sflag:s15], $0x8000  }
0x1a2: {  	[sflag:s15] =	ssyncset.done $0x0  }
0x1a3: {  	s23 =	rddreg [dreg:$0x8];
	[sflag:s15] =	ssyncadd.s32 $0xFFFF8000  }
0x1a4: {  	[tilespmem:s9], [sflag:$0x2] =	stream.linear.gather [hbm4b:s23+s1], $0x8000, $0x38;
	[tilespmem:$0x1C000] =	vst v63  }
0x1a5: {  	_ =	swait.ge [sflag:s16], $0x8000  }
0x1a6: {  	s24 =	sld [smem:$0x7FD]  }
0x1a7: {  	[sflag:s16] =	ssyncset.done $0x0  }
0x1a8: {  	[sflag:s16] =	ssyncadd.s32 $0xFFFF8000  }
0x1a9: {  	[hbm4b:s24+s11] =	stream.strided.scatter [tilespmem:s10], [sflag:$0x5], $0x8000, s12, s11, $0x38;
	[tilespmem:$0x1C000] =	vst v63  }
0x1aa: {  	_ =	swait.ge [sflag:s17], $0x8000  }
0x1ab: {  	[sflag:s17] =	ssyncset.done $0x0  }
0x1ac: {  	s25 =	rddreg [dreg:$0x9];
	[sflag:s17] =	ssyncadd.s32 $0xFFFF8000  }
0x1ad: {  	[tilespmem:s10], [sflag:$0x3] =	stream.linear.gather [hbm4b:s25+s1], $0x8000, $0x38;
	[tilespmem:$0x1C000] =	vst v63  }
0x1ae: {  	_ =	swait.ge [sflag:s14], $0x8000  }
0x1af: {  	[sflag:s14] =	ssyncset.done $0x0  }
0x1b0: {  	[sflag:s14] =	ssyncadd.s32 $0xFFFF8000  }
0x1b1: {  	[hbm4b:s26+s11] =	stream.strided.scatter [tilespmem:s9], [sflag:$0x4], $0x8000, s12, s11, $0x38;
	[tilespmem:$0x1C000] =	vst v63  }
0x1b2: {  	_ =	swait.ge [sflag:s15], $0x8000  }
0x1b3: {  	[sflag:s15] =	ssyncset.done $0x0  }
0x1b4: {  	s21 =	rddreg [dreg:$0xa];
	[sflag:s15] =	ssyncadd.s32 $0xFFFF8000  }
0x1b5: {  	[tilespmem:s9], [sflag:$0x2] =	stream.linear.gather [hbm4b:s21+s1], $0x8000, $0x38;
	[tilespmem:$0x1C000] =	vst v63  }
0x1b6: {  	_ =	swait.ge [sflag:s16], $0x8000  }
0x1b7: {  	[sflag:s16] =	ssyncset.done $0x0  }
0x1b8: {  	[sflag:s16] =	ssyncadd.s32 $0xFFFF8000  }
0x1b9: {  	[hbm4b:s28+s11] =	stream.strided.scatter [tilespmem:s10], [sflag:$0x5], $0x8000, s12, s11, $0x38;
	[tilespmem:$0x1C000] =	vst v63  }
0x1ba: {  	_ =	swait.ge [sflag:s17], $0x8000  }
0x1bb: {  	[sflag:s17] =	ssyncset.done $0x0  }
0x1bc: {  	s22 =	rddreg [dreg:$0xb];
	[sflag:s17] =	ssyncadd.s32 $0xFFFF8000  }
0x1bd: {  	[tilespmem:s10], [sflag:$0x3] =	stream.linear.gather [hbm4b:s22+s1], $0x8000, $0x38;
	[tilespmem:$0x1C000] =	vst v63  }
0x1be: {  	_ =	swait.ge [sflag:s14], $0x8000  }
0x1bf: {  	[sflag:s14] =	ssyncset.done $0x0  }
0x1c0: {  	[sflag:s14] =	ssyncadd.s32 $0xFFFF8000  }
0x1c1: {  	[hbm4b:s29+s11] =	stream.strided.scatter [tilespmem:s9], [sflag:$0x4], $0x8000, s12, s11, $0x38;
	[tilespmem:$0x1C000] =	vst v63  }
0x1c2: {  	_ =	swait.ge [sflag:s15], $0x8000  }
0x1c3: {  	[sflag:s15] =	ssyncset.done $0x0  }
0x1c4: {  	s23 =	rddreg [dreg:$0xc];
	[sflag:s15] =	ssyncadd.s32 $0xFFFF8000  }
0x1c5: {  	[tilespmem:s9], [sflag:$0x2] =	stream.linear.gather [hbm4b:s23+s1], $0x8000, $0x38;
	[tilespmem:$0x1C000] =	vst v63  }
0x1c6: {  	_ =	swait.ge [sflag:s16], $0x8000  }
0x1c7: {  	[sflag:s16] =	ssyncset.done $0x0  }
0x1c8: {  	[sflag:s16] =	ssyncadd.s32 $0xFFFF8000  }
0x1c9: {  	[hbm4b:s30+s11] =	stream.strided.scatter [tilespmem:s10], [sflag:$0x5], $0x8000, s12, s11, $0x38;
	[tilespmem:$0x1C000] =	vst v63  }
0x1ca: {  	_ =	swait.ge [sflag:s17], $0x8000  }
0x1cb: {  	[sflag:s17] =	ssyncset.done $0x0  }
0x1cc: {  	s24 =	rddreg [dreg:$0xd];
	[sflag:s17] =	ssyncadd.s32 $0xFFFF8000  }
0x1cd: {  	[tilespmem:s10], [sflag:$0x3] =	stream.linear.gather [hbm4b:s24+s1], $0x8000, $0x38;
	[tilespmem:$0x1C000] =	vst v63  }
0x1ce: {  	_ =	swait.ge [sflag:s14], $0x8000  }
0x1cf: {  	[sflag:s14] =	ssyncset.done $0x0  }
0x1d0: {  	[sflag:s14] =	ssyncadd.s32 $0xFFFF8000  }
0x1d1: {  	[hbm4b:s31+s11] =	stream.strided.scatter [tilespmem:s9], [sflag:$0x4], $0x8000, s12, s11, $0x38;
	[tilespmem:$0x1C000] =	vst v63  }
0x1d2: {  	_ =	swait.ge [sflag:s15], $0x8000  }
0x1d3: {  	[sflag:s15] =	ssyncset.done $0x0  }
0x1d4: {  	s25 =	rddreg [dreg:$0xe];
	[sflag:s15] =	ssyncadd.s32 $0xFFFF8000  }
0x1d5: {  	[tilespmem:s9], [sflag:$0x2] =	stream.linear.gather [hbm4b:s25+s1], $0x8000, $0x38;
	[tilespmem:$0x1C000] =	vst v63  }
0x1d6: {  	_ =	swait.ge [sflag:s16], $0x8000  }
0x1d7: {  	[sflag:s16] =	ssyncset.done $0x0  }
0x1d8: {  	[sflag:s16] =	ssyncadd.s32 $0xFFFF8000  }
0x1d9: {  	[hbm4b:s0+s11] =	stream.strided.scatter [tilespmem:s10], [sflag:$0x5], $0x8000, s12, s11, $0x38;
	[tilespmem:$0x1C000] =	vst v63  }
0x1da: {  	_ =	swait.ge [sflag:s17], $0x8000  }
0x1db: {  	[sflag:s17] =	ssyncset.done $0x0  }
0x1dc: {  	s21 =	rddreg [dreg:$0xf];
	[sflag:s17] =	ssyncadd.s32 $0xFFFF8000  }
0x1dd: {  	[tilespmem:s10], [sflag:$0x3] =	stream.linear.gather [hbm4b:s21+s1], $0x8000, $0x38;
	[tilespmem:$0x1C000] =	vst v63  }
0x1de: {  	_ =	swait.ge [sflag:s14], $0x8000  }
0x1df: {  	[sflag:s14] =	ssyncset.done $0x0  }
0x1e0: {  	[sflag:s14] =	ssyncadd.s32 $0xFFFF8000  }
0x1e1: {  	[hbm4b:s2+s11] =	stream.strided.scatter [tilespmem:s9], [sflag:$0x4], $0x8000, s12, s11, $0x38;
	[tilespmem:$0x1C000] =	vst v63  }
0x1e2: {  	_ =	swait.ge [sflag:s15], $0x8000  }
0x1e3: {  	[sflag:s15] =	ssyncset.done $0x0  }
0x1e4: {  	s22 =	rddreg [dreg:$0x10];
	[sflag:s15] =	ssyncadd.s32 $0xFFFF8000  }
0x1e5: {  	[tilespmem:s9], [sflag:$0x2] =	stream.linear.gather [hbm4b:s22+s1], $0x8000, $0x38;
	[tilespmem:$0x1C000] =	vst v63  }
0x1e6: {  	_ =	swait.ge [sflag:s16], $0x8000  }
0x1e7: {  	[sflag:s16] =	ssyncset.done $0x0  }
0x1e8: {  	[sflag:s16] =	ssyncadd.s32 $0xFFFF8000  }
0x1e9: {  	[hbm4b:s3+s11] =	stream.strided.scatter [tilespmem:s10], [sflag:$0x5], $0x8000, s12, s11, $0x38;
	[tilespmem:$0x1C000] =	vst v63  }
0x1ea: {  	_ =	swait.ge [sflag:s17], $0x8000  }
0x1eb: {  	[sflag:s17] =	ssyncset.done $0x0  }
0x1ec: {  	s23 =	rddreg [dreg:$0x11];
	[sflag:s17] =	ssyncadd.s32 $0xFFFF8000  }
0x1ed: {  	[tilespmem:s10], [sflag:$0x3] =	stream.linear.gather [hbm4b:s23+s1], $0x8000, $0x38;
	[tilespmem:$0x1C000] =	vst v63  }
0x1ee: {  	_ =	swait.ge [sflag:s14], $0x8000  }
0x1ef: {  	[sflag:s14] =	ssyncset.done $0x0  }
0x1f0: {  	[sflag:s14] =	ssyncadd.s32 $0xFFFF8000  }
0x1f1: {  	[hbm4b:s4+s11] =	stream.strided.scatter [tilespmem:s9], [sflag:$0x4], $0x8000, s12, s11, $0x38;
	[tilespmem:$0x1C000] =	vst v63  }
0x1f2: {  	_ =	swait.ge [sflag:s15], $0x8000  }
0x1f3: {  	[sflag:s15] =	ssyncset.done $0x0  }
0x1f4: {  	s24 =	rddreg [dreg:$0x12];
	[sflag:s15] =	ssyncadd.s32 $0xFFFF8000  }
0x1f5: {  	[tilespmem:s9], [sflag:$0x2] =	stream.linear.gather [hbm4b:s24+s1], $0x8000, $0x38;
	[tilespmem:$0x1C000] =	vst v63  }
0x1f6: {  	_ =	swait.ge [sflag:s16], $0x8000  }
0x1f7: {  	[sflag:s16] =	ssyncset.done $0x0  }
0x1f8: {  	[sflag:s16] =	ssyncadd.s32 $0xFFFF8000  }
0x1f9: {  	[hbm4b:s5+s11] =	stream.strided.scatter [tilespmem:s10], [sflag:$0x5], $0x8000, s12, s11, $0x38;
	[tilespmem:$0x1C000] =	vst v63  }
0x1fa: {  	_ =	swait.ge [sflag:s17], $0x8000  }
0x1fb: {  	[sflag:s17] =	ssyncset.done $0x0  }
0x1fc: {  	s25 =	rddreg [dreg:$0x13];
	[sflag:s17] =	ssyncadd.s32 $0xFFFF8000  }
0x1fd: {  	[tilespmem:s10], [sflag:$0x3] =	stream.linear.gather [hbm4b:s25+s1], $0x8000, $0x38;
	[tilespmem:$0x1C000] =	vst v63  }
0x1fe: {  	_ =	swait.ge [sflag:s14], $0x8000  }
0x1ff: {  	[sflag:s14] =	ssyncset.done $0x0  }
0x200: {  	[sflag:s14] =	ssyncadd.s32 $0xFFFF8000  }
0x201: {  	[hbm4b:s6+s11] =	stream.strided.scatter [tilespmem:s9], [sflag:$0x4], $0x8000, s12, s11, $0x38;
	[tilespmem:$0x1C000] =	vst v63  }
0x202: {  	_ =	swait.ge [sflag:s16], $0x8000  }
0x203: {  	[sflag:s16] =	ssyncset.done $0x0  }
0x204: {  	[sflag:s16] =	ssyncadd.s32 $0xFFFF8000  }
0x205: {  	[hbm4b:s7+s11] =	stream.strided.scatter [tilespmem:s10], [sflag:$0x5], $0x8000, s12, s11, $0x38;
	[tilespmem:$0x1C000] =	vst v63  }
0x206: {  	_ =	swait.ge [sflag:s15], $0x8000  }
0x207: {  	[sflag:s15] =	ssyncset.done $0x0  }
0x208: {  	[sflag:s15] =	ssyncadd.s32 $0xFFFF8000  }
0x209: {  	_ =	swait.ge [sflag:s17], $0x8000  }
0x20a: {  	[sflag:s17] =	ssyncset.done $0x0  }
0x20b: {  	[sflag:s17] =	ssyncadd.s32 $0xFFFF8000  }
0x20c: {  	_ =	swait.ge [sflag:s18], $0x8000  }
0x20d: {  	[sflag:s18] =	ssyncset.done $0x0  }
0x20e: {  	[sflag:s18] =	ssyncadd.s32 $0xFFFF8000  }
0x20f: {  	_ =	swait.ge [sflag:s18], $0x8000  }
0x210: {  	[sflag:s18] =	ssyncset.done $0x0  }
0x211: {  	[sflag:s18] =	ssyncadd.s32 $0xFFFF8000  }
0x212: {  	_ =	swait.ge [sflag:s18], $0x8000  }
0x213: {  	[sflag:s18] =	ssyncset.done $0x0  }
0x214: {  	[sflag:s18] =	ssyncadd.s32 $0xFFFF8000  }
0x215: {  	_ =	swait.ge [sflag:s18], $0x8000  }
0x216: {  	[sflag:s18] =	ssyncset.done $0x0  }
0x217: {  	[sflag:s18] =	ssyncadd.s32 $0xFFFF8000  }
0x218: {  	_ =	swait.ge [sflag:s18], $0x8000  }
0x219: {  	[sflag:s18] =	ssyncset.done $0x0  }
0x21a: {  	[sflag:s18] =	ssyncadd.s32 $0xFFFF8000  }
0x21b: {  	_ =	swait.ge [sflag:s18], $0x8000  }
0x21c: {  	[sflag:s18] =	ssyncset.done $0x0  }
0x21d: {  	[sflag:s18] =	ssyncadd.s32 $0xFFFF8000  }
0x21e: {  	_ =	swait.ge [sflag:s18], $0x8000  }
0x21f: {  	[sflag:s18] =	ssyncset.done $0x0  }
0x220: {  	[sflag:s18] =	ssyncadd.s32 $0xFFFF8000  }
0x221: {  	_ =	swait.ge [sflag:s18], $0x8000  }
0x222: {  	[sflag:s18] =	ssyncset.done $0x0  }
0x223: {  	[sflag:s18] =	ssyncadd.s32 $0xFFFF8000  }
0x224: {  	_ =	swait.ge [sflag:s18], $0x8000  }
0x225: {  	[sflag:s18] =	ssyncset.done $0x0  }
0x226: {  	[sflag:s18] =	ssyncadd.s32 $0xFFFF8000  }
0x227: {  	_ =	swait.ge [sflag:s18], $0x8000  }
0x228: {  	[sflag:s18] =	ssyncset.done $0x0  }
0x229: {  	[sflag:s18] =	ssyncadd.s32 $0xFFFF8000  }
0x22a: {  	_ =	swait.ge [sflag:s18], $0x8000  }
0x22b: {  	[sflag:s18] =	ssyncset.done $0x0  }
0x22c: {  	[sflag:s18] =	ssyncadd.s32 $0xFFFF8000  }
0x22d: {  	_ =	swait.ge [sflag:s18], $0x8000  }
0x22e: {  	[sflag:s18] =	ssyncset.done $0x0  }
0x22f: {  	[sflag:s18] =	ssyncadd.s32 $0xFFFF8000  }
0x230: {  	_ =	swait.ge [sflag:s18], $0x8000  }
0x231: {  	[sflag:s18] =	ssyncset.done $0x0  }
0x232: {  	[sflag:s18] =	ssyncadd.s32 $0xFFFF8000  }
0x233: {  	_ =	swait.ge [sflag:s18], $0x8000  }
0x234: {  	[sflag:s18] =	ssyncset.done $0x0  }
0x235: {  	[sflag:s18] =	ssyncadd.s32 $0xFFFF8000  }
0x236: {  	_ =	swait.ge [sflag:s18], $0x8000  }
0x237: {  	[sflag:s18] =	ssyncset.done $0x0  }
0x238: {  	[sflag:s18] =	ssyncadd.s32 $0xFFFF8000  }
0x239: {  	_ =	swait.ge [sflag:s18], $0x8000  }
0x23a: {  	[sflag:s18] =	ssyncset.done $0x0  }
0x23b: {  	[sflag:s18] =	ssyncadd.s32 $0xFFFF8000  }
0x23c: {  	_ =	swait.ge [sflag:s18], $0x4000  }
0x23d: {  	[sflag:s18] =	ssyncset.done $0x0  }
0x23e: {  	[sflag:s18] =	ssyncadd.s32 $0xFFFFC000  }
0x23f: {  	_ =	swait.ge [sflag:s18], $0x4000  }
0x240: {  	[sflag:s18] =	ssyncset.done $0x0  }
0x241: {  	[sflag:s18] =	ssyncadd.s32 $0xFFFFC000  }
0x242: {  	_ =	swait.ge [sflag:s18], $0x4000  }
0x243: {  	[sflag:s18] =	ssyncset.done $0x0  }
0x244: {  	[sflag:s18] =	ssyncadd.s32 $0xFFFFC000  }
0x245: {  	_ =	swait.ge [sflag:s18], $0x4000  }
0x246: {  	[sflag:s18] =	ssyncset.done $0x0  }
0x247: {  	[sflag:s18] =	ssyncadd.s32 $0xFFFFC000  }
0x248: {  	_ =	swait.ge [sflag:s18], $0x4000  }
0x249: {  	[sflag:s18] =	ssyncset.done $0x0  }
0x24a: {  	[sflag:s18] =	ssyncadd.s32 $0xFFFFC000  }
0x24b: {  	_ =	swait.ge [sflag:s18], $0x4000  }
0x24c: {  	[sflag:s18] =	ssyncset.done $0x0  }
0x24d: {  	[sflag:s18] =	ssyncadd.s32 $0xFFFFC000  }
0x24e: {  	_ =	swait.ge [sflag:s18], $0x4000  }
0x24f: {  	[sflag:s18] =	ssyncset.done $0x0  }
0x250: {  	[sflag:s18] =	ssyncadd.s32 $0xFFFFC000  }
0x251: {  	_ =	swait.ge [sflag:s18], $0x4000  }
0x252: {  	[sflag:s18] =	ssyncset.done $0x0  }
0x253: {  	[sflag:s18] =	ssyncadd.s32 $0xFFFFC000  }
0x254: {  	_ =	swait.ge [sflag:s18], $0x4000  }
0x255: {  	[sflag:s18] =	ssyncset.done $0x0  }
0x256: {  	[sflag:s18] =	ssyncadd.s32 $0xFFFFC000  }
0x257: {  	_ =	swait.ge [sflag:s18], $0x4000  }
0x258: {  	[sflag:s18] =	ssyncset.done $0x0  }
0x259: {  	[sflag:s18] =	ssyncadd.s32 $0xFFFFC000  }
0x25a: {  	_ =	swait.ge [sflag:s18], $0x4000  }
0x25b: {  	[sflag:s18] =	ssyncset.done $0x0  }
0x25c: {  	[sflag:s18] =	ssyncadd.s32 $0xFFFFC000  }
0x25d: {  	_ =	swait.ge [sflag:s18], $0x4000  }
0x25e: {  	[sflag:s18] =	ssyncset.done $0x0  }
0x25f: {  	[sflag:s18] =	ssyncadd.s32 $0xFFFFC000  }
0x260: {  	_ =	swait.ge [sflag:s18], $0x4000  }
0x261: {  	[sflag:s18] =	ssyncset.done $0x0  }
0x262: {  	[sflag:s18] =	ssyncadd.s32 $0xFFFFC000  }
0x263: {  	_ =	swait.ge [sflag:s18], $0x4000  }
0x264: {  	[sflag:s18] =	ssyncset.done $0x0  }
0x265: {  	[sflag:s18] =	ssyncadd.s32 $0xFFFFC000  }
0x266: {  	_ =	swait.ge [sflag:s18], $0x4000  }
0x267: {  	[sflag:s18] =	ssyncset.done $0x0  }
0x268: {  	[sflag:s18] =	ssyncadd.s32 $0xFFFFC000  }
0x269: {  	_ =	swait.ge [sflag:s18], $0x4000  }
0x26a: {  	[sflag:s18] =	ssyncset.done $0x0  }
0x26b: {  	[sflag:s18] =	ssyncadd.s32 $0xFFFFC000  }
0x26c: {  	_ =	swait.ge [sflag:s18], $0x8000  }
0x26d: {  	[sflag:s18] =	ssyncset.done $0x0  }
0x26e: {  	[sflag:s18] =	ssyncadd.s32 $0xFFFF8000  }
0x26f: {  	_ =	swait.ge [sflag:s18], $0x8000  }
0x270: {  	[sflag:s18] =	ssyncset.done $0x0  }
0x271: {  	[sflag:s18] =	ssyncadd.s32 $0xFFFF8000  }
0x272: {  	_ =	swait.ge [sflag:s18], $0x8000  }
0x273: {  	[sflag:s18] =	ssyncset.done $0x0  }
0x274: {  	[sflag:s18] =	ssyncadd.s32 $0xFFFF8000  }
0x275: {  	_ =	swait.ge [sflag:s18], $0x8000  }
0x276: {  	[sflag:s18] =	ssyncset.done $0x0  }
0x277: {  	[sflag:s18] =	ssyncadd.s32 $0xFFFF8000  }
0x278: {  	_ =	swait.ge [sflag:s18], $0x8000  }
0x279: {  	[sflag:s18] =	ssyncset.done $0x0  }
0x27a: {  	[sflag:s18] =	ssyncadd.s32 $0xFFFF8000  }
0x27b: {  	_ =	swait.ge [sflag:s18], $0x8000  }
0x27c: {  	[sflag:s18] =	ssyncset.done $0x0  }
0x27d: {  	[sflag:s18] =	ssyncadd.s32 $0xFFFF8000  }
0x27e: {  	_ =	swait.ge [sflag:s18], $0x8000  }
0x27f: {  	[sflag:s18] =	ssyncset.done $0x0  }
0x280: {  	[sflag:s18] =	ssyncadd.s32 $0xFFFF8000  }
0x281: {  	_ =	swait.ge [sflag:s18], $0x8000  }
0x282: {  	[sflag:s18] =	ssyncset.done $0x0  }
0x283: {  	[sflag:s18] =	ssyncadd.s32 $0xFFFF8000  }
0x284: {  	_ =	swait.ge [sflag:s18], $0x8000  }
0x285: {  	[sflag:s18] =	ssyncset.done $0x0  }
0x286: {  	[sflag:s18] =	ssyncadd.s32 $0xFFFF8000  }
0x287: {  	_ =	swait.ge [sflag:s18], $0x8000  }
0x288: {  	[sflag:s18] =	ssyncset.done $0x0  }
0x289: {  	[sflag:s18] =	ssyncadd.s32 $0xFFFF8000  }
0x28a: {  	_ =	swait.ge [sflag:s18], $0x8000  }
0x28b: {  	[sflag:s18] =	ssyncset.done $0x0  }
0x28c: {  	[sflag:s18] =	ssyncadd.s32 $0xFFFF8000  }
0x28d: {  	_ =	swait.ge [sflag:s18], $0x8000  }
0x28e: {  	[sflag:s18] =	ssyncset.done $0x0  }
0x28f: {  	[sflag:s18] =	ssyncadd.s32 $0xFFFF8000  }
0x290: {  	_ =	swait.ge [sflag:s18], $0x8000  }
0x291: {  	[sflag:s18] =	ssyncset.done $0x0  }
0x292: {  	[sflag:s18] =	ssyncadd.s32 $0xFFFF8000  }
0x293: {  	_ =	swait.ge [sflag:s18], $0x8000  }
0x294: {  	[sflag:s18] =	ssyncset.done $0x0  }
0x295: {  	[sflag:s18] =	ssyncadd.s32 $0xFFFF8000  }
0x296: {  	_ =	swait.ge [sflag:s18], $0x8000  }
0x297: {  	[sflag:s18] =	ssyncset.done $0x0  }
0x298: {  	[sflag:s18] =	ssyncadd.s32 $0xFFFF8000  }
0x299: {  	_ =	swait.ge [sflag:s18], $0x8000  }
0x29a: {  	[sflag:s18] =	ssyncset.done $0x0  }
0x29b: {  	[sflag:s18] =	ssyncadd.s32 $0xFFFF8000  }
0x29c: {  	_ =	swait.ge [sflag:s18], $0x4000  }
0x29d: {  	[sflag:s18] =	ssyncset.done $0x0  }
0x29e: {  	[sflag:s18] =	ssyncadd.s32 $0xFFFFC000  }
0x29f: {  	_ =	swait.ge [sflag:s18], $0x4000  }
0x2a0: {  	[sflag:s18] =	ssyncset.done $0x0  }
0x2a1: {  	[sflag:s18] =	ssyncadd.s32 $0xFFFFC000  }
0x2a2: {  	_ =	swait.ge [sflag:s18], $0x4000  }
0x2a3: {  	[sflag:s18] =	ssyncset.done $0x0  }
0x2a4: {  	[sflag:s18] =	ssyncadd.s32 $0xFFFFC000  }
0x2a5: {  	_ =	swait.ge [sflag:s18], $0x4000  }
0x2a6: {  	[sflag:s18] =	ssyncset.done $0x0  }
0x2a7: {  	[sflag:s18] =	ssyncadd.s32 $0xFFFFC000  }
0x2a8: {  	_ =	swait.ge [sflag:s18], $0x4000  }
0x2a9: {  	[sflag:s18] =	ssyncset.done $0x0  }
0x2aa: {  	[sflag:s18] =	ssyncadd.s32 $0xFFFFC000  }
0x2ab: {  	_ =	swait.ge [sflag:s18], $0x4000  }
0x2ac: {  	[sflag:s18] =	ssyncset.done $0x0  }
0x2ad: {  	[sflag:s18] =	ssyncadd.s32 $0xFFFFC000  }
0x2ae: {  	_ =	swait.ge [sflag:s18], $0x4000  }
0x2af: {  	[sflag:s18] =	ssyncset.done $0x0  }
0x2b0: {  	[sflag:s18] =	ssyncadd.s32 $0xFFFFC000  }
0x2b1: {  	_ =	swait.ge [sflag:s18], $0x4000  }
0x2b2: {  	[sflag:s18] =	ssyncset.done $0x0  }
0x2b3: {  	[sflag:s18] =	ssyncadd.s32 $0xFFFFC000  }
0x2b4: {  	_ =	swait.ge [sflag:s18], $0x4000  }
0x2b5: {  	[sflag:s18] =	ssyncset.done $0x0  }
0x2b6: {  	[sflag:s18] =	ssyncadd.s32 $0xFFFFC000  }
0x2b7: {  	_ =	swait.ge [sflag:s18], $0x4000  }
0x2b8: {  	[sflag:s18] =	ssyncset.done $0x0  }
0x2b9: {  	[sflag:s18] =	ssyncadd.s32 $0xFFFFC000  }
0x2ba: {  	_ =	swait.ge [sflag:s18], $0x4000  }
0x2bb: {  	[sflag:s18] =	ssyncset.done $0x0  }
0x2bc: {  	[sflag:s18] =	ssyncadd.s32 $0xFFFFC000  }
0x2bd: {  	_ =	swait.ge [sflag:s18], $0x4000  }
0x2be: {  	[sflag:s18] =	ssyncset.done $0x0  }
0x2bf: {  	[sflag:s18] =	ssyncadd.s32 $0xFFFFC000  }
0x2c0: {  	_ =	swait.ge [sflag:s18], $0x4000  }
0x2c1: {  	[sflag:s18] =	ssyncset.done $0x0  }
0x2c2: {  	[sflag:s18] =	ssyncadd.s32 $0xFFFFC000  }
0x2c3: {  	_ =	swait.ge [sflag:s18], $0x4000  }
0x2c4: {  	[sflag:s18] =	ssyncset.done $0x0  }
0x2c5: {  	s19 =	sadd.s32 $0x1, s19;
	[sflag:s18] =	ssyncadd.s32 $0xFFFFC000  }
0x2c6: {  	p0 =	sne.s32 s19, s8;
	_ =	swait.ge [sflag:s18], $0x4000  }
.Ltmp2:
0x2c7: {  	[sflag:s18] =	ssyncset.done $0x0;
	(pc) =	sbr.rel @p0 .LBB2_1-.Ltmp2, $4  }
0x2c8: {  	[sflag:s18] =	ssyncadd.s32 $0xFFFFC000  }
0x2c9: {  	_ =	swait.ge [sflag:s18], $0x4000  }
0x2ca: {  	[sflag:s18] =	ssyncset.done $0x0  }
0x2cb: {  	[sflag:s18] =	ssyncadd.s32 $0xFFFFC000  }
0x2cc: {  	_ =	sfence.sel $0x180000  }
0x2cd: {  	[bflag:$0x0] =	sbarrier.arrive $0xFFFF  }
0x2ce: {  	_ =	strace $0x90000047  }
0x2cf: {  	s0 =	stileid.u32;
	[bflag:$0x2] =	sbarrier.arrive $0xFFFF  }
0x2d0: {  	p0 =	sne.s32 s0, $0x0;
	s0 =	rddreg [dreg:$0x2]  }
0x2d1: {  	s0 =	sadd.s32 @!p0 $0x100000, s0  }
0x2d2: {  	[sflag:s0] =	ssyncadd.tile.s32 @!p0 $0x1;
	_ =	shalt  }
.Lfunc_end2:
_tile_overlayer_lowered:
.L_overlay_start_2:
0x2d3: {  	(tag) =	ssettag $0x2  }
0x2d4: {  	s0 =	rddreg [dreg:$0x0];
	s2 =	stileid.u32  }
0x2d5: {  	s1 =	rddreg [dreg:$0x1];
	p0 =	sne.s32 s2, $0x0  }
0x2d6: {  	s3 =	rddreg [dreg:$0x2];
	[bflag:$0x3] =	sbarrier.arrive $0xFFFF;
	s2 =	simm.s32 @!p0 $0x1C06  }
0x2d7: {  	[timem:s3], [sflag:s2] =	dma.local @!p0 [hbm:s0], s1  }
0x2d8: {  	s0 =	simm.s32 @!p0 $0x6  }
0x2d9: {  	_ =	swait.ge @!p0 [sflag:s0], s1  }
0x2da: {  	s1 =	ssub.s32 @!p0 $0x0, s1;
	[sflag:s0] =	ssyncset.done @!p0 $0x0  }
0x2db: {  	[sflag:s0] =	ssyncadd.s32 @!p0 s1  }
0x2dc: {  	[bflag:$0x3] =	sbarrier.arrive $0xFFFF  }
0x2dd: {  	_ =	shalt  }

</sc_bundles>
